<compile_context>
chip_gen: v7x
topology: tpu7x:2x2x1
jax: 0.10.2.dev20260603
libtpu: 0.0.44.dev20260713+nightly
codegen_flags: <defaults>
</compile_context>

<pallas_src>
import dataclasses
import functools

import jax
import jax.numpy as jnp
from jax import lax
from jax.experimental import pallas as pl
from jax.experimental.pallas import tpu as pltpu
from jax.experimental.pallas import tpu_sc as plsc

D = 128
H = 8
DH = D // H

NC = 2
NS = 16
NW = NC * NS
C = 32
SG = 16
ACC_W = D + 16



def _qkv_body(x_ref, w_ref, b_ref, q_ref, kv_ref):
    acc = jnp.dot(x_ref[...], w_ref[...], preferred_element_type=jnp.float32)
    acc = acc + b_ref[...]
    q_ref[...] = acc[:, :D] * (1.0 / float(DH) ** 0.5)
    kv_ref[...] = acc[:, D:]


@functools.lru_cache(maxsize=None)
def _qkv_call(n, blk):
    grid = n // blk
    return pl.pallas_call(
        _qkv_body,
        grid=(grid,),
        in_specs=[
            pl.BlockSpec((blk, D), lambda i: (i, 0)),
            pl.BlockSpec((D, 3 * D), lambda i: (0, 0)),
            pl.BlockSpec((1, 3 * D), lambda i: (0, 0)),
        ],
        out_specs=[
            pl.BlockSpec((blk, D), lambda i: (i, 0)),
            pl.BlockSpec((blk, 2 * D), lambda i: (i, 0)),
        ],
        out_shape=[
            jax.ShapeDtypeStruct((n, D), jnp.float32),
            jax.ShapeDtypeStruct((n, 2 * D), jnp.float32),
        ],
    )



@functools.lru_cache(maxsize=None)
def _sc_edge_call(nch, acc_n):
    rows_per_tile = acc_n // NS
    inv_sqrt_dh = 1.0 / float(DH) ** 0.5
    nblocks = nch // SG

    def body(q_hbm, kv_hbm, e2d_hbm, out_hbm,
             kv_a, kv_b, q_a, q_b, msg_a, msg_b, sb, dsts_a, dsts_b, acc,
             sem_sb, sem_ga, sem_gb, sem_sa, sem_sb2):
        cc = lax.axis_index("c")
        ss = lax.axis_index("s")
        wid = cc * NS + ss
        row0 = wid * nch
        iota = lax.iota(jnp.int32, 16)
        zero16 = jnp.zeros((16,), jnp.float32)
        masks = [iota == h for h in range(H)]

        @pl.loop(0, C)
        def _(e):
            @pl.loop(0, ACC_W, step=16)
            def _(j):
                msg_a[e, pl.ds(j, 16)] = zero16

        @pl.loop(0, rows_per_tile, step=C)
        def _(r):
            pltpu.sync_copy(msg_a, acc.at[pl.ds(ss * rows_per_tile + r, C)])

        plsc.subcore_barrier()

        def sb_fetch(b, half):
            return pltpu.make_async_copy(
                e2d_hbm.at[pl.ds(row0 + b * SG, SG)], sb.at[half], sem_sb)

        def gathers(ci, kv_t, q_t, sem_t):
            h = (ci // SG) % 2
            srow = ci % SG
            gk = pltpu.make_async_copy(
                kv_hbm.at[sb.at[h, srow, 0]], kv_t, sem_t)
            gq = pltpu.make_async_copy(
                q_hbm.at[sb.at[h, srow, 1]], q_t, sem_t)
            return gk, gq

        def scatter(msg_t, dsts_t, sem_t):
            return pltpu.make_async_copy(msg_t, acc.at[dsts_t], sem_t)

        lane15 = jnp.full((16, 1), 15, jnp.int32)
        gd = lax.GatherDimensionNumbers(
            offset_dims=(), collapsed_slice_dims=(0,), start_index_map=(0,))

        def bcast_last(ps):
            return lax.gather(ps, lane15, gd, slice_sizes=(1,),
                              mode=lax.GatherScatterMode.PROMISE_IN_BOUNDS)

        def compute(kv_t, q_t, msg_t):
            @plsc.parallel_loop(0, C, step=1, unroll=2)
            def _(e):
                zvec = zero16
                for h in range(H):
                    kh = kv_t[e, pl.ds(h * DH, DH)]
                    qh = q_t[e, pl.ds(h * DH, DH)]
                    ps = jnp.cumsum(kh * qh)
                    sv = bcast_last(ps)
                    sv = jnp.minimum(jnp.maximum(sv, -5.0), 5.0)
                    ev = jnp.exp(sv)
                    vh = kv_t[e, pl.ds(D + h * DH, DH)]
                    msg_t[e, pl.ds(h * DH, DH)] = vh * ev
                    zvec = jnp.where(masks[h], ev, zvec)
                msg_t[e, pl.ds(D, 16)] = zvec

        def phase(ci, kv_t, q_t, msg_t, dsts_t, sem_gt, sem_st,
                  kv_n, q_n, sem_gn):
            nxt = ci + 1
            h = (ci // SG) % 2
            srow = ci % SG

            @pl.when(jnp.logical_and(nxt % SG == 0, nxt < nch))
            def _():
                sb_fetch(nxt // SG, (nxt // SG) % 2).wait()

            @pl.when(nxt < nch)
            def _():
                gk, gq = gathers(nxt, kv_n, q_n, sem_gn)
                gk.start()
                gq.start()

            gk, gq = gathers(ci, kv_t, q_t, sem_gt)
            gk.wait()
            gq.wait()

            @pl.when(ci >= 2)
            def _():
                scatter(msg_t, dsts_t, sem_st).wait()

            compute(kv_t, q_t, msg_t)

            for j in range(0, C, 16):
                dsts_t[pl.ds(j, 16)] = sb[h, srow, 1, pl.ds(j, 16)]
            scatter(msg_t, dsts_t, sem_st).start(add=True)

            @pl.when(jnp.logical_and(nxt % SG == 0,
                                     nxt // SG + 1 < nblocks))
            def _():
                bb = nxt // SG + 1
                sb_fetch(bb, bb % 2).start()

        sb_fetch(0, 0).start()
        sb_fetch(1, 1).start()
        sb_fetch(0, 0).wait()
        gk, gq = gathers(0, kv_a, q_a, sem_ga)
        gk.start()
        gq.start()

        @pl.loop(0, nch, step=2)
        def _(ci):
            phase(ci, kv_a, q_a, msg_a, dsts_a, sem_ga, sem_sa,
                  kv_b, q_b, sem_gb)
            phase(ci + 1, kv_b, q_b, msg_b, dsts_b, sem_gb, sem_sb2,
                  kv_a, q_a, sem_ga)

        scatter(msg_a, dsts_a, sem_sa).wait()
        scatter(msg_b, dsts_b, sem_sb2).wait()

        plsc.subcore_barrier()

        @pl.loop(0, rows_per_tile, step=C)
        def _(r):
            rr = ss * rows_per_tile + r
            pltpu.sync_copy(acc.at[pl.ds(rr, C)],
                            out_hbm.at[cc, pl.ds(rr, C)])

    cp = pltpu.CompilerParams()
    for f, v in (("needs_layout_passes", False),
                 ("use_tc_tiling_on_sc", False)):
        if f in pltpu.CompilerParams.__dataclass_fields__:
            cp = dataclasses.replace(cp, **{f: v})

    return pl.kernel(
        body,
        out_type=jax.ShapeDtypeStruct((NC, acc_n, ACC_W), jnp.float32),
        mesh=plsc.VectorSubcoreMesh(core_axis_name="c", subcore_axis_name="s"),
        compiler_params=cp,
        scratch_types=[
            pltpu.VMEM((C, 2 * D), jnp.float32),
            pltpu.VMEM((C, 2 * D), jnp.float32),
            pltpu.VMEM((C, D), jnp.float32),
            pltpu.VMEM((C, D), jnp.float32),
            pltpu.VMEM((C, ACC_W), jnp.float32),
            pltpu.VMEM((C, ACC_W), jnp.float32),
            pltpu.VMEM((2, SG, 2, C), jnp.int32),
            pltpu.VMEM((C,), jnp.int32),
            pltpu.VMEM((C,), jnp.int32),
            pltpu.VMEM_SHARED((acc_n, ACC_W), jnp.float32),
            pltpu.SemaphoreType.DMA,
            pltpu.SemaphoreType.DMA,
            pltpu.SemaphoreType.DMA,
            pltpu.SemaphoreType.DMA,
            pltpu.SemaphoreType.DMA,
        ],
    )



def _combine_body(x_ref, p0_ref, p1_ref, o_ref):
    x = x_ref[...]
    wv = p0_ref[0, :, :D] + p1_ref[0, :, :D]
    z = p0_ref[0, :, D:D + H] + p1_ref[0, :, D:D + H]
    r = 1.0 / z
    for h in range(H):
        sl = slice(h * DH, (h + 1) * DH)
        o_ref[:, sl] = x[:, sl] + wv[:, sl] * r[:, h:h + 1]


@functools.lru_cache(maxsize=None)
def _combine_call(n, blk, acc_n):
    grid = n // blk
    return pl.pallas_call(
        _combine_body,
        grid=(grid,),
        in_specs=[
            pl.BlockSpec((blk, D), lambda i: (i, 0)),
            pl.BlockSpec((1, blk, ACC_W), lambda i: (0, i, 0)),
            pl.BlockSpec((1, blk, ACC_W), lambda i: (1, i, 0)),
        ],
        out_specs=pl.BlockSpec((blk, D), lambda i: (i, 0)),
        out_shape=jax.ShapeDtypeStruct((n, D), jnp.float32),
    )



def kernel(x, edge_index, Wq, bq, Wk, bk, Wv, bv):
    n = x.shape[0]
    e = edge_index.shape[1]

    acc_n = -(-(n + 1) // (NS * C)) * (NS * C)
    w_cat = jnp.concatenate([Wq, Wk, Wv], axis=1)
    b_cat = jnp.concatenate([bq, bk, bv]).reshape(1, 3 * D)
    x_pad = jnp.pad(x, ((0, acc_n - n), (0, 0)))
    q, kv = _qkv_call(acc_n, 2048)(x_pad, w_cat, b_cat)

    nch = -(-e // (NW * C))
    nch = -(-nch // SG) * SG
    e_pad = nch * C * NW
    npad = e_pad - e
    src = jnp.concatenate(
        [edge_index[0], jnp.zeros((npad,), jnp.int32)])
    dst = jnp.concatenate(
        [edge_index[1], n + (jnp.arange(npad, dtype=jnp.int32)
                             % (acc_n - n))])
    e2d = jnp.stack([src.reshape(-1, C), dst.reshape(-1, C)], axis=1)

    partials = _sc_edge_call(nch, acc_n)(q, kv, e2d)

    return _combine_call(n, 2000, acc_n)(x, partials, partials)

# --- scband reference (transcript-rebuilt; emitter-appended) ---
"""Pipeline reference for scband-graph-transformer-layer-38491496907216 (READ-ONLY COPY).

The authoritative reference and input builder live on the scoring server;
editing this copy changes nothing except your own understanding.
"""

import jax, jax.numpy as jnp
import numpy as np

N = 10000
E = 320000
D = 128
H = 8
DH = D // H


def setup_inputs(seed: int = 0) -> dict:
    key = jax.random.key(seed)
    ks = jax.random.split(key, 8)
    x = jax.random.normal(ks[0], (N, D), dtype=jnp.float32)
    edge_index = jax.random.randint(ks[1], (2, E), 0, N, dtype=jnp.int32)
    s = 1.0 / np.sqrt(D)
    Wq = jax.random.uniform(ks[2], (D, H * DH), jnp.float32, -s, s)
    bq = jax.random.uniform(ks[3], (H * DH,), jnp.float32, -s, s)
    Wk = jax.random.uniform(ks[4], (D, H * DH), jnp.float32, -s, s)
    bk = jax.random.uniform(ks[5], (H * DH,), jnp.float32, -s, s)
    Wv = jax.random.uniform(ks[6], (D, H * DH), jnp.float32, -s, s)
    bv = jax.random.uniform(ks[7], (H * DH,), jnp.float32, -s, s)
    return {"x": x, "edge_index": edge_index, "Wq": Wq, "bq": bq,
            "Wk": Wk, "bk": bk, "Wv": Wv, "bv": bv}


def reference(x, edge_index, Wq, bq, Wk, bk, Wv, bv):
    # MultiHeadAttention projections (nn.Linear equivalents)
    Q_h = (x @ Wq + bq).reshape(-1, H, DH)
    K_h = (x @ Wk + bk).reshape(-1, H, DH)
    V_h = (x @ Wv + bv).reshape(-1, H, DH)
    src = edge_index[0]
    dst = edge_index[1]
    # src_dot_dst('K_h', 'Q_h', 'score')
    score = jnp.sum(K_h[src] * Q_h[dst], axis=-1, keepdims=True)  # [E, H, 1]
    # scaled_exp('score', sqrt(out_dim)) with clamp(-5, 5)
    score = jnp.exp(jnp.clip(score / np.sqrt(DH), -5.0, 5.0))
    # send_and_recv: wV = sum_dst(V_h[src] * score); z = sum_dst(score)
    msg = V_h[src] * score  # [E, H, DH]
    wV = jnp.zeros((N, H, DH), dtype=jnp.float32).at[dst].add(msg)
    z = jnp.zeros((N, H, 1), dtype=jnp.float32).at[dst].add(score)
    attn_out = wV / z  # [N, H, DH]
    h = attn_out.reshape(-1, H * DH)
    # dropout p=0.0 -> identity; residual
    h = x + h
    return h

if __name__ == "__main__":
    import jax
    _d = setup_inputs()
    print(jax.jit(kernel)(*tuple(_d.values())))

</pallas_src>

<mosaic_0001>
#map = affine_map<(d0, d1) -> (0, 0)>
#map1 = affine_map<(d0, d1) -> (0, 0, 0)>
module attributes {stable_mosaic.version = 14 : i64} {
  func.func @body(%arg0: i32, %arg1: i32, %arg2: memref<10240x128xf32, #tpu.memory_space<hbm>>, %arg3: memref<10240x256xf32, #tpu.memory_space<hbm>>, %arg4: memref<10240x2x32xi32, #tpu.memory_space<hbm>>, %arg5: memref<2x10240x144xf32, #tpu.memory_space<hbm>>, %arg6: memref<32x256xf32, #tpu.memory_space<vmem>>, %arg7: memref<32x256xf32, #tpu.memory_space<vmem>>, %arg8: memref<32x128xf32, #tpu.memory_space<vmem>>, %arg9: memref<32x128xf32, #tpu.memory_space<vmem>>, %arg10: memref<32x144xf32, #tpu.memory_space<vmem>>, %arg11: memref<32x144xf32, #tpu.memory_space<vmem>>, %arg12: memref<2x16x2x32xi32, #tpu.memory_space<vmem>>, %arg13: memref<32xi32, #tpu.memory_space<vmem>>, %arg14: memref<32xi32, #tpu.memory_space<vmem>>, %arg15: memref<10240x144xf32, #tpu.memory_space<vmem_shared>>, %arg16: memref<!tpu.dma_semaphore, #tpu.memory_space<semaphore_mem>>, %arg17: memref<!tpu.dma_semaphore, #tpu.memory_space<semaphore_mem>>, %arg18: memref<!tpu.dma_semaphore, #tpu.memory_space<semaphore_mem>>, %arg19: memref<!tpu.dma_semaphore, #tpu.memory_space<semaphore_mem>>, %arg20: memref<!tpu.dma_semaphore, #tpu.memory_space<semaphore_mem>>) attributes {dimension_semantics = [#tpu.dimension_semantics<core_parallel>, #tpu.dimension_semantics<subcore_parallel>], iteration_bounds = array<i64: 2, 16>, scalar_prefetch = 0 : i64, scratch_operands = 15 : i64, tpu.core_type = #tpu.core_type<sc_vector_subcore>, window_params = [{transform_indices = #map}, {transform_indices = #map}, {transform_indices = #map1}, {transform_indices = #map1}]} {
    %mul3A = arith.constant 16 : i32
    %mul3A_0 = arith.muli %arg0, %mul3A : i32
    %add3A = arith.addi %mul3A_0, %arg1 : i32
    %mul3A_1 = arith.constant 320 : i32
    %mul3A_2 = arith.muli %add3A, %mul3A_1 : i32
    %iota3A = tpu.iota {dimensions = array<i32: 0>} : vector<16xi32>
    %broadcast_in_dim3A = arith.constant 0.000000e+00 : f32
    %broadcast_in_dim3A_3 = vector.broadcast %broadcast_in_dim3A : f32 to vector<16xf32>
    %eq3A = arith.constant 0 : i32
    %eq3A_4 = vector.broadcast %eq3A : i32 to vector<16xi32>
    %eq3A_5 = arith.cmpi eq, %iota3A, %eq3A_4 : vector<16xi32>
    %eq3A_6 = arith.constant 1 : i32
    %eq3A_7 = vector.broadcast %eq3A_6 : i32 to vector<16xi32>
    %eq3A_8 = arith.cmpi eq, %iota3A, %eq3A_7 : vector<16xi32>
    %eq3A_9 = arith.constant 2 : i32
    %eq3A_10 = vector.broadcast %eq3A_9 : i32 to vector<16xi32>
    %eq3A_11 = arith.cmpi eq, %iota3A, %eq3A_10 : vector<16xi32>
    %eq3A_12 = arith.constant 3 : i32
    %eq3A_13 = vector.broadcast %eq3A_12 : i32 to vector<16xi32>
    %eq3A_14 = arith.cmpi eq, %iota3A, %eq3A_13 : vector<16xi32>
    %eq3A_15 = arith.constant 4 : i32
    %eq3A_16 = vector.broadcast %eq3A_15 : i32 to vector<16xi32>
    %eq3A_17 = arith.cmpi eq, %iota3A, %eq3A_16 : vector<16xi32>
    %eq3A_18 = arith.constant 5 : i32
    %eq3A_19 = vector.broadcast %eq3A_18 : i32 to vector<16xi32>
    %eq3A_20 = arith.cmpi eq, %iota3A, %eq3A_19 : vector<16xi32>
    %eq3A_21 = arith.constant 6 : i32
    %eq3A_22 = vector.broadcast %eq3A_21 : i32 to vector<16xi32>
    %eq3A_23 = arith.cmpi eq, %iota3A, %eq3A_22 : vector<16xi32>
    %eq3A_24 = arith.constant 7 : i32
    %eq3A_25 = vector.broadcast %eq3A_24 : i32 to vector<16xi32>
    %eq3A_26 = arith.cmpi eq, %iota3A, %eq3A_25 : vector<16xi32>
    %scan3A = arith.constant 0 : i32
    %scan3A_27 = arith.constant 32 : i32
    %scan3A_28 = arith.addi %scan3A, %scan3A_27 : i32
    %scan3A_29 = arith.constant 1 : i32
    scf.for %scan3A_128 = %scan3A to %scan3A_28 step %scan3A_29  : i32 {
      %mul3A_129 = arith.constant 1 : i32
      %mul3A_130 = arith.muli %scan3A_128, %mul3A_129 : i32
      %add3A_131 = arith.constant 0 : i32
      %add3A_132 = arith.addi %add3A_131, %mul3A_130 : i32
      %scan3A_133 = arith.constant 0 : i32
      %scan3A_134 = arith.constant 9 : i32
      %scan3A_135 = arith.addi %scan3A_133, %scan3A_134 : i32
      %scan3A_136 = arith.constant 1 : i32
      scf.for %scan3A_138 = %scan3A_133 to %scan3A_135 step %scan3A_136  : i32 {
        %mul3A_139 = arith.constant 16 : i32
        %mul3A_140 = arith.muli %scan3A_138, %mul3A_139 : i32
        %add3A_141 = arith.constant 0 : i32
        %add3A_142 = arith.addi %add3A_141, %mul3A_140 : i32
        %swap3A = arith.index_cast %add3A_132 : i32 to index
        %swap3A_143 = arith.index_cast %add3A_142 : i32 to index
        %swap3A_144 = tpu.vector_load %arg10[%swap3A, %swap3A_143] {strides = array<i32>} : memref<32x144xf32, #tpu.memory_space<vmem>>, vector<16xf32>,
        tpu.vector_store %arg10[%swap3A, %swap3A_143], %broadcast_in_dim3A_3 {strides = array<i32>} : memref<32x144xf32, #tpu.memory_space<vmem>>, vector<16xf32>,
      }
      %scan3A_137 = arith.constant 9 : i32
    }
    %scan3A_30 = arith.constant 32 : i32
    %scan3A_31 = arith.constant 0 : i32
    %scan3A_32 = arith.constant 20 : i32
    %scan3A_33 = arith.addi %scan3A_31, %scan3A_32 : i32
    %scan3A_34 = arith.constant 1 : i32
    scf.for %scan3A_128 = %scan3A_31 to %scan3A_33 step %scan3A_34  : i32 {
      %mul3A_129 = arith.constant 32 : i32
      %mul3A_130 = arith.muli %scan3A_128, %mul3A_129 : i32
      %add3A_131 = arith.constant 0 : i32
      %add3A_132 = arith.addi %add3A_131, %mul3A_130 : i32
      %mul3A_133 = arith.constant 640 : i32
      %mul3A_134 = arith.muli %arg1, %mul3A_133 : i32
      %add3A_135 = arith.addi %mul3A_134, %add3A_132 : i32
      "tpu.region"() ({
        %run_scoped3A = tpu.sem_alloc : memref<!tpu.dma_semaphore, #tpu.memory_space<semaphore_mem>>
        %dma_start3A_136 = arith.constant 0 : i32
        %dma_start3A_137 = tpu.memref_slice %arg15[%add3A_135, %dma_start3A_136] : memref<10240x144xf32, #tpu.memory_space<vmem_shared>> -> memref<32x144xf32, #tpu.memory_space<vmem_shared>>
        %dma_start3A_138 = arith.constant 0 : i32
        %dma_start3A_139 = tpu.memref_slice %arg15[%add3A_135, %dma_start3A_138] : memref<10240x144xf32, #tpu.memory_space<vmem_shared>> -> memref<32x144xf32, #tpu.memory_space<vmem_shared>>
        tpu.enqueue_dma source(%arg10 : memref<32x144xf32, #tpu.memory_space<vmem>>) target(%dma_start3A_139 : memref<32x144xf32, #tpu.memory_space<vmem_shared>>) target_semaphore(%run_scoped3A : memref<!tpu.dma_semaphore, #tpu.memory_space<semaphore_mem>>)
        %dma_wait3A_140 = arith.constant 0 : i32
        %dma_wait3A_141 = tpu.memref_slice %arg15[%add3A_135, %dma_wait3A_140] : memref<10240x144xf32, #tpu.memory_space<vmem_shared>> -> memref<32x144xf32, #tpu.memory_space<vmem_shared>>
        %dma_wait3A_142 = arith.constant 0 : i32
        %dma_wait3A_143 = tpu.memref_slice %arg15[%add3A_135, %dma_wait3A_142] : memref<10240x144xf32, #tpu.memory_space<vmem_shared>> -> memref<32x144xf32, #tpu.memory_space<vmem_shared>>
        tpu.wait_dma2 semaphore(%run_scoped3A : memref<!tpu.dma_semaphore, #tpu.memory_space<semaphore_mem>>) src(%arg10 : memref<32x144xf32, #tpu.memory_space<vmem>>) dst(%dma_wait3A_143 : memref<32x144xf32, #tpu.memory_space<vmem_shared>>)
        tpu.yield
      }) : () -> ()
    }
    %scan3A_35 = arith.constant 20 : i32
    %barrier3A = arith.constant 0 : index
    tpu.barrier barrier_id(%barrier3A)
    %broadcast_in_dim3A_36 = arith.constant 15 : i32
    %broadcast_in_dim3A_37 = vector.broadcast %broadcast_in_dim3A_36 : i32 to vector<16x1xi32>
    %add3A_38 = arith.constant 0 : i32
    %add3A_39 = arith.addi %mul3A_2, %add3A_38 : i32
    %dma_start3A = arith.constant 0 : i32
    %dma_start3A_40 = arith.constant 0 : i32
    %dma_start3A_41 = arith.constant 0 : i32
    %dma_start3A_42 = arith.constant 0 : i32
    %dma_start3A_43 = tpu.memref_slice %arg12[%dma_start3A, %dma_start3A_40, %dma_start3A_41, %dma_start3A_42] : memref<2x16x2x32xi32, #tpu.memory_space<vmem>> -> memref<1x16x2x32xi32, #tpu.memory_space<vmem>>
    %dma_start3A_44 = tpu.memref_squeeze %dma_start3A_43 : memref<1x16x2x32xi32, #tpu.memory_space<vmem>> -> memref<16x2x32xi32, #tpu.memory_space<vmem>>
    %dma_start3A_45 = arith.constant 0 : i32
    %dma_start3A_46 = arith.constant 0 : i32
    %dma_start3A_47 = tpu.memref_slice %arg4[%add3A_39, %dma_start3A_45, %dma_start3A_46] : memref<10240x2x32xi32, #tpu.memory_space<hbm>> -> memref<16x2x32xi32, #tpu.memory_space<hbm>>
    %dma_start3A_48 = arith.constant 0 : i32
    %dma_start3A_49 = arith.constant 0 : i32
    %dma_start3A_50 = arith.constant 0 : i32
    %dma_start3A_51 = tpu.memref_slice %arg12[%dma_start3A, %dma_start3A_48, %dma_start3A_49, %dma_start3A_50] : memref<2x16x2x32xi32, #tpu.memory_space<vmem>> -> memref<1x16x2x32xi32, #tpu.memory_space<vmem>>
    %dma_start3A_52 = tpu.memref_squeeze %dma_start3A_51 : memref<1x16x2x32xi32, #tpu.memory_space<vmem>> -> memref<16x2x32xi32, #tpu.memory_space<vmem>>
    %dma_start3A_53 = arith.constant 0 : i32
    %dma_start3A_54 = arith.constant 0 : i32
    %dma_start3A_55 = tpu.memref_slice %arg4[%add3A_39, %dma_start3A_53, %dma_start3A_54] : memref<10240x2x32xi32, #tpu.memory_space<hbm>> -> memref<16x2x32xi32, #tpu.memory_space<hbm>>
    tpu.enqueue_dma source(%dma_start3A_55 : memref<16x2x32xi32, #tpu.memory_space<hbm>>) target(%dma_start3A_52 : memref<16x2x32xi32, #tpu.memory_space<vmem>>) target_semaphore(%arg16 : memref<!tpu.dma_semaphore, #tpu.memory_space<semaphore_mem>>)
    %add3A_56 = arith.constant 16 : i32
    %add3A_57 = arith.addi %mul3A_2, %add3A_56 : i32
    %dma_start3A_58 = arith.constant 1 : i32
    %dma_start3A_59 = arith.constant 0 : i32
    %dma_start3A_60 = arith.constant 0 : i32
    %dma_start3A_61 = arith.constant 0 : i32
    %dma_start3A_62 = tpu.memref_slice %arg12[%dma_start3A_58, %dma_start3A_59, %dma_start3A_60, %dma_start3A_61] : memref<2x16x2x32xi32, #tpu.memory_space<vmem>> -> memref<1x16x2x32xi32, #tpu.memory_space<vmem>>
    %dma_start3A_63 = tpu.memref_squeeze %dma_start3A_62 : memref<1x16x2x32xi32, #tpu.memory_space<vmem>> -> memref<16x2x32xi32, #tpu.memory_space<vmem>>
    %dma_start3A_64 = arith.constant 0 : i32
    %dma_start3A_65 = arith.constant 0 : i32
    %dma_start3A_66 = tpu.memref_slice %arg4[%add3A_57, %dma_start3A_64, %dma_start3A_65] : memref<10240x2x32xi32, #tpu.memory_space<hbm>> -> memref<16x2x32xi32, #tpu.memory_space<hbm>>
    %dma_start3A_67 = arith.constant 0 : i32
    %dma_start3A_68 = arith.constant 0 : i32
    %dma_start3A_69 = arith.constant 0 : i32
    %dma_start3A_70 = tpu.memref_slice %arg12[%dma_start3A_58, %dma_start3A_67, %dma_start3A_68, %dma_start3A_69] : memref<2x16x2x32xi32, #tpu.memory_space<vmem>> -> memref<1x16x2x32xi32, #tpu.memory_space<vmem>>
    %dma_start3A_71 = tpu.memref_squeeze %dma_start3A_70 : memref<1x16x2x32xi32, #tpu.memory_space<vmem>> -> memref<16x2x32xi32, #tpu.memory_space<vmem>>
    %dma_start3A_72 = arith.constant 0 : i32
    %dma_start3A_73 = arith.constant 0 : i32
    %dma_start3A_74 = tpu.memref_slice %arg4[%add3A_57, %dma_start3A_72, %dma_start3A_73] : memref<10240x2x32xi32, #tpu.memory_space<hbm>> -> memref<16x2x32xi32, #tpu.memory_space<hbm>>
    tpu.enqueue_dma source(%dma_start3A_74 : memref<16x2x32xi32, #tpu.memory_space<hbm>>) target(%dma_start3A_71 : memref<16x2x32xi32, #tpu.memory_space<vmem>>) target_semaphore(%arg16 : memref<!tpu.dma_semaphore, #tpu.memory_space<semaphore_mem>>)
    %add3A_75 = arith.constant 0 : i32
    %add3A_76 = arith.addi %mul3A_2, %add3A_75 : i32
    %dma_wait3A = arith.constant 0 : i32
    %dma_wait3A_77 = arith.constant 0 : i32
    %dma_wait3A_78 = arith.constant 0 : i32
    %dma_wait3A_79 = arith.constant 0 : i32
    %dma_wait3A_80 = tpu.memref_slice %arg12[%dma_wait3A, %dma_wait3A_77, %dma_wait3A_78, %dma_wait3A_79] : memref<2x16x2x32xi32, #tpu.memory_space<vmem>> -> memref<1x16x2x32xi32, #tpu.memory_space<vmem>>
    %dma_wait3A_81 = tpu.memref_squeeze %dma_wait3A_80 : memref<1x16x2x32xi32, #tpu.memory_space<vmem>> -> memref<16x2x32xi32, #tpu.memory_space<vmem>>
    %dma_wait3A_82 = arith.constant 0 : i32
    %dma_wait3A_83 = arith.constant 0 : i32
    %dma_wait3A_84 = tpu.memref_slice %arg4[%add3A_76, %dma_wait3A_82, %dma_wait3A_83] : memref<10240x2x32xi32, #tpu.memory_space<hbm>> -> memref<16x2x32xi32, #tpu.memory_space<hbm>>
    %dma_wait3A_85 = arith.constant 0 : i32
    %dma_wait3A_86 = arith.constant 0 : i32
    %dma_wait3A_87 = arith.constant 0 : i32
    %dma_wait3A_88 = tpu.memref_slice %arg12[%dma_wait3A, %dma_wait3A_85, %dma_wait3A_86, %dma_wait3A_87] : memref<2x16x2x32xi32, #tpu.memory_space<vmem>> -> memref<1x16x2x32xi32, #tpu.memory_space<vmem>>
    %dma_wait3A_89 = tpu.memref_squeeze %dma_wait3A_88 : memref<1x16x2x32xi32, #tpu.memory_space<vmem>> -> memref<16x2x32xi32, #tpu.memory_space<vmem>>
    %dma_wait3A_90 = arith.constant 0 : i32
    %dma_wait3A_91 = arith.constant 0 : i32
    %dma_wait3A_92 = tpu.memref_slice %arg4[%add3A_76, %dma_wait3A_90, %dma_wait3A_91] : memref<10240x2x32xi32, #tpu.memory_space<hbm>> -> memref<16x2x32xi32, #tpu.memory_space<hbm>>
    tpu.wait_dma2 semaphore(%arg16 : memref<!tpu.dma_semaphore, #tpu.memory_space<semaphore_mem>>) src(%dma_wait3A_92 : memref<16x2x32xi32, #tpu.memory_space<hbm>>) dst(%dma_wait3A_89 : memref<16x2x32xi32, #tpu.memory_space<vmem>>)
    %dma_start3A_93 = arith.constant 0 : i32
    %dma_start3A_94 = arith.constant 0 : i32
    %dma_start3A_95 = arith.constant 0 : i32
    %dma_start3A_96 = arith.constant 0 : i32
    %dma_start3A_97 = tpu.memref_slice %arg12[%dma_start3A_93, %dma_start3A_94, %dma_start3A_95, %dma_start3A_96] : memref<2x16x2x32xi32, #tpu.memory_space<vmem>> -> memref<1x1x1x32xi32, #tpu.memory_space<vmem>>
    %dma_start3A_98 = tpu.memref_squeeze %dma_start3A_97 : memref<1x1x1x32xi32, #tpu.memory_space<vmem>> -> memref<32xi32, #tpu.memory_space<vmem>>
    %dma_start3A_99 = arith.constant 0 : i32
    %dma_start3A_100 = arith.constant 0 : i32
    %dma_start3A_101 = tpu.memref_slice %arg3[%dma_start3A_99, %dma_start3A_100] : memref<10240x256xf32, #tpu.memory_space<hbm>> -> memref<10240x256xf32, #tpu.memory_space<hbm>>
    tpu.enqueue_indirect_dma source(%dma_start3A_101 : memref<10240x256xf32, #tpu.memory_space<hbm>>) target(%arg6 : memref<32x256xf32, #tpu.memory_space<vmem>>) offsets(%dma_start3A_98 : memref<32xi32, #tpu.memory_space<vmem>>) semaphore(%arg17 : memref<!tpu.dma_semaphore, #tpu.memory_space<semaphore_mem>>)
    %dma_start3A_102 = arith.constant 0 : i32
    %dma_start3A_103 = arith.constant 0 : i32
    %dma_start3A_104 = arith.constant 1 : i32
    %dma_start3A_105 = arith.constant 0 : i32
    %dma_start3A_106 = tpu.memref_slice %arg12[%dma_start3A_102, %dma_start3A_103, %dma_start3A_104, %dma_start3A_105] : memref<2x16x2x32xi32, #tpu.memory_space<vmem>> -> memref<1x1x1x32xi32, #tpu.memory_space<vmem>>
    %dma_start3A_107 = tpu.memref_squeeze %dma_start3A_106 : memref<1x1x1x32xi32, #tpu.memory_space<vmem>> -> memref<32xi32, #tpu.memory_space<vmem>>
    %dma_start3A_108 = arith.constant 0 : i32
    %dma_start3A_109 = arith.constant 0 : i32
    %dma_start3A_110 = tpu.memref_slice %arg2[%dma_start3A_108, %dma_start3A_109] : memref<10240x128xf32, #tpu.memory_space<hbm>> -> memref<10240x128xf32, #tpu.memory_space<hbm>>
    tpu.enqueue_indirect_dma source(%dma_start3A_110 : memref<10240x128xf32, #tpu.memory_space<hbm>>) target(%arg8 : memref<32x128xf32, #tpu.memory_space<vmem>>) offsets(%dma_start3A_107 : memref<32xi32, #tpu.memory_space<vmem>>) semaphore(%arg17 : memref<!tpu.dma_semaphore, #tpu.memory_space<semaphore_mem>>)
    %scan3A_111 = arith.constant 0 : i32
    %scan3A_112 = arith.constant 160 : i32
    %scan3A_113 = arith.addi %scan3A_111, %scan3A_112 : i32
    %scan3A_114 = arith.constant 1 : i32
    scf.for %scan3A_128 = %scan3A_111 to %scan3A_113 step %scan3A_114  : i32 {
      %mul3A_129 = arith.constant 2 : i32
      %mul3A_130 = arith.muli %scan3A_128, %mul3A_129 : i32
      %add3A_131 = arith.constant 0 : i32
      %add3A_132 = arith.addi %add3A_131, %mul3A_130 : i32
      %add3A_133 = arith.constant 1 : i32
      %add3A_134 = arith.addi %add3A_132, %add3A_133 : i32
      %jit3A = arith.constant 16 : i32
      %div3A = arith.divsi %add3A_132, %jit3A : i32
      %sign3A = arith.constant 0 : i32
      %sign3A_135 = arith.cmpi sgt, %add3A_132, %sign3A : i32
      %sign3A_136 = arith.extui %sign3A_135 : i1 to i32
      %sign3A_137 = arith.constant 0 : i32
      %sign3A_138 = arith.cmpi slt, %add3A_132, %sign3A_137 : i32
      %sign3A_139 = arith.extui %sign3A_138 : i1 to i32
      %sign3A_140 = arith.subi %sign3A_136, %sign3A_139 : i32
      %sign3A_141 = arith.constant 0 : i32
      %sign3A_142 = arith.cmpi sgt, %jit3A, %sign3A_141 : i32
      %sign3A_143 = arith.extui %sign3A_142 : i1 to i32
      %sign3A_144 = arith.constant 0 : i32
      %sign3A_145 = arith.cmpi slt, %jit3A, %sign3A_144 : i32
      %sign3A_146 = arith.extui %sign3A_145 : i1 to i32
      %sign3A_147 = arith.subi %sign3A_143, %sign3A_146 : i32
      %ne3A = arith.cmpi ne, %sign3A_140, %sign3A_147 : i32
      %rem3A = arith.remsi %add3A_132, %jit3A : i32
      %ne3A_148 = arith.constant 0 : i32
      %ne3A_149 = arith.cmpi ne, %rem3A, %ne3A_148 : i32
      %and3A = arith.andi %ne3A, %ne3A_149 : i1
      %sub3A = arith.constant 1 : i32
      %sub3A_150 = arith.subi %div3A, %sub3A : i32
      %select_n3A = arith.select %and3A, %sub3A_150, %div3A : i32
      %jit3A_151 = arith.constant 2 : i32
      %eq3A_152 = arith.constant 0 : i32
      %eq3A_153 = arith.cmpi eq, %jit3A_151, %eq3A_152 : i32
      %jit3A_154 = arith.constant 1 : i32
      %select_n3A_155 = arith.select %eq3A_153, %jit3A_154, %jit3A_151 : i32
      %rem3A_156 = arith.remsi %select_n3A, %select_n3A_155 : i32
      %ne3A_157 = arith.constant 0 : i32
      %ne3A_158 = arith.cmpi ne, %rem3A_156, %ne3A_157 : i32
      %lt3A = arith.constant 0 : i32
      %lt3A_159 = arith.cmpi slt, %rem3A_156, %lt3A : i32
      %lt3A_160 = arith.constant 0 : i32
      %lt3A_161 = arith.cmpi slt, %select_n3A_155, %lt3A_160 : i32
      %ne3A_162 = arith.xori %lt3A_159, %lt3A_161 : i1
      %and3A_163 = arith.andi %ne3A_162, %ne3A_158 : i1
      %add3A_164 = arith.addi %rem3A_156, %select_n3A_155 : i32
      %select_n3A_165 = arith.select %and3A_163, %add3A_164, %rem3A_156 : i32
      %jit3A_166 = arith.constant 16 : i32
      %eq3A_167 = arith.constant 0 : i32
      %eq3A_168 = arith.cmpi eq, %jit3A_166, %eq3A_167 : i32
      %jit3A_169 = arith.constant 1 : i32
      %select_n3A_170 = arith.select %eq3A_168, %jit3A_169, %jit3A_166 : i32
      %rem3A_171 = arith.remsi %add3A_132, %select_n3A_170 : i32
      %ne3A_172 = arith.constant 0 : i32
      %ne3A_173 = arith.cmpi ne, %rem3A_171, %ne3A_172 : i32
      %lt3A_174 = arith.constant 0 : i32
      %lt3A_175 = arith.cmpi slt, %rem3A_171, %lt3A_174 : i32
      %lt3A_176 = arith.constant 0 : i32
      %lt3A_177 = arith.cmpi slt, %select_n3A_170, %lt3A_176 : i32
      %ne3A_178 = arith.xori %lt3A_175, %lt3A_177 : i1
      %and3A_179 = arith.andi %ne3A_178, %ne3A_173 : i1
      %add3A_180 = arith.addi %rem3A_171, %select_n3A_170 : i32
      %select_n3A_181 = arith.select %and3A_179, %add3A_180, %rem3A_171 : i32
      %jit3A_182 = arith.constant 16 : i32
      %eq3A_183 = arith.constant 0 : i32
      %eq3A_184 = arith.cmpi eq, %jit3A_182, %eq3A_183 : i32
      %jit3A_185 = arith.constant 1 : i32
      %select_n3A_186 = arith.select %eq3A_184, %jit3A_185, %jit3A_182 : i32
      %rem3A_187 = arith.remsi %add3A_134, %select_n3A_186 : i32
      %ne3A_188 = arith.constant 0 : i32
      %ne3A_189 = arith.cmpi ne, %rem3A_187, %ne3A_188 : i32
      %lt3A_190 = arith.constant 0 : i32
      %lt3A_191 = arith.cmpi slt, %rem3A_187, %lt3A_190 : i32
      %lt3A_192 = arith.constant 0 : i32
      %lt3A_193 = arith.cmpi slt, %select_n3A_186, %lt3A_192 : i32
      %ne3A_194 = arith.xori %lt3A_191, %lt3A_193 : i1
      %and3A_195 = arith.andi %ne3A_194, %ne3A_189 : i1
      %add3A_196 = arith.addi %rem3A_187, %select_n3A_186 : i32
      %select_n3A_197 = arith.select %and3A_195, %add3A_196, %rem3A_187 : i32
      %eq3A_198 = arith.constant 0 : i32
      %eq3A_199 = arith.cmpi eq, %select_n3A_197, %eq3A_198 : i32
      %lt3A_200 = arith.constant 320 : i32
      %lt3A_201 = arith.cmpi slt, %add3A_134, %lt3A_200 : i32
      %and3A_202 = arith.andi %eq3A_199, %lt3A_201 : i1
      %convert_element_type3A = arith.extui %and3A_202 : i1 to i32
      %cond3A = arith.constant 0 : i32
      %cond3A_203 = arith.cmpi ne, %convert_element_type3A, %cond3A : i32
      scf.if %cond3A_203 {
        %jit3A_588 = arith.constant 16 : i32
        %div3A_589 = arith.divsi %add3A_134, %jit3A_588 : i32
        %sign3A_590 = arith.constant 0 : i32
        %sign3A_591 = arith.cmpi sgt, %add3A_134, %sign3A_590 : i32
        %sign3A_592 = arith.extui %sign3A_591 : i1 to i32
        %sign3A_593 = arith.constant 0 : i32
        %sign3A_594 = arith.cmpi slt, %add3A_134, %sign3A_593 : i32
        %sign3A_595 = arith.extui %sign3A_594 : i1 to i32
        %sign3A_596 = arith.subi %sign3A_592, %sign3A_595 : i32
        %sign3A_597 = arith.constant 0 : i32
        %sign3A_598 = arith.cmpi sgt, %jit3A_588, %sign3A_597 : i32
        %sign3A_599 = arith.extui %sign3A_598 : i1 to i32
        %sign3A_600 = arith.constant 0 : i32
        %sign3A_601 = arith.cmpi slt, %jit3A_588, %sign3A_600 : i32
        %sign3A_602 = arith.extui %sign3A_601 : i1 to i32
        %sign3A_603 = arith.subi %sign3A_599, %sign3A_602 : i32
        %ne3A_604 = arith.cmpi ne, %sign3A_596, %sign3A_603 : i32
        %rem3A_605 = arith.remsi %add3A_134, %jit3A_588 : i32
        %ne3A_606 = arith.constant 0 : i32
        %ne3A_607 = arith.cmpi ne, %rem3A_605, %ne3A_606 : i32
        %and3A_608 = arith.andi %ne3A_604, %ne3A_607 : i1
        %sub3A_609 = arith.constant 1 : i32
        %sub3A_610 = arith.subi %div3A_589, %sub3A_609 : i32
        %select_n3A_611 = arith.select %and3A_608, %sub3A_610, %div3A_589 : i32
        %jit3A_612 = arith.constant 16 : i32
        %div3A_613 = arith.divsi %add3A_134, %jit3A_612 : i32
        %sign3A_614 = arith.constant 0 : i32
        %sign3A_615 = arith.cmpi sgt, %add3A_134, %sign3A_614 : i32
        %sign3A_616 = arith.extui %sign3A_615 : i1 to i32
        %sign3A_617 = arith.constant 0 : i32
        %sign3A_618 = arith.cmpi slt, %add3A_134, %sign3A_617 : i32
        %sign3A_619 = arith.extui %sign3A_618 : i1 to i32
        %sign3A_620 = arith.subi %sign3A_616, %sign3A_619 : i32
        %sign3A_621 = arith.constant 0 : i32
        %sign3A_622 = arith.cmpi sgt, %jit3A_612, %sign3A_621 : i32
        %sign3A_623 = arith.extui %sign3A_622 : i1 to i32
        %sign3A_624 = arith.constant 0 : i32
        %sign3A_625 = arith.cmpi slt, %jit3A_612, %sign3A_624 : i32
        %sign3A_626 = arith.extui %sign3A_625 : i1 to i32
        %sign3A_627 = arith.subi %sign3A_623, %sign3A_626 : i32
        %ne3A_628 = arith.cmpi ne, %sign3A_620, %sign3A_627 : i32
        %rem3A_629 = arith.remsi %add3A_134, %jit3A_612 : i32
        %ne3A_630 = arith.constant 0 : i32
        %ne3A_631 = arith.cmpi ne, %rem3A_629, %ne3A_630 : i32
        %and3A_632 = arith.andi %ne3A_628, %ne3A_631 : i1
        %sub3A_633 = arith.constant 1 : i32
        %sub3A_634 = arith.subi %div3A_613, %sub3A_633 : i32
        %select_n3A_635 = arith.select %and3A_632, %sub3A_634, %div3A_613 : i32
        %jit3A_636 = arith.constant 2 : i32
        %eq3A_637 = arith.constant 0 : i32
        %eq3A_638 = arith.cmpi eq, %jit3A_636, %eq3A_637 : i32
        %jit3A_639 = arith.constant 1 : i32
        %select_n3A_640 = arith.select %eq3A_638, %jit3A_639, %jit3A_636 : i32
        %rem3A_641 = arith.remsi %select_n3A_635, %select_n3A_640 : i32
        %ne3A_642 = arith.constant 0 : i32
        %ne3A_643 = arith.cmpi ne, %rem3A_641, %ne3A_642 : i32
        %lt3A_644 = arith.constant 0 : i32
        %lt3A_645 = arith.cmpi slt, %rem3A_641, %lt3A_644 : i32
        %lt3A_646 = arith.constant 0 : i32
        %lt3A_647 = arith.cmpi slt, %select_n3A_640, %lt3A_646 : i32
        %ne3A_648 = arith.xori %lt3A_645, %lt3A_647 : i1
        %and3A_649 = arith.andi %ne3A_648, %ne3A_643 : i1
        %add3A_650 = arith.addi %rem3A_641, %select_n3A_640 : i32
        %select_n3A_651 = arith.select %and3A_649, %add3A_650, %rem3A_641 : i32
        %mul3A_652 = arith.constant 16 : i32
        %mul3A_653 = arith.muli %select_n3A_611, %mul3A_652 : i32
        %add3A_654 = arith.addi %mul3A_2, %mul3A_653 : i32
        %dma_wait3A_655 = arith.constant 0 : i32
        %dma_wait3A_656 = arith.constant 0 : i32
        %dma_wait3A_657 = arith.constant 0 : i32
        %dma_wait3A_658 = tpu.memref_slice %arg12[%select_n3A_651, %dma_wait3A_655, %dma_wait3A_656, %dma_wait3A_657] : memref<2x16x2x32xi32, #tpu.memory_space<vmem>> -> memref<1x16x2x32xi32, #tpu.memory_space<vmem>>
        %dma_wait3A_659 = tpu.memref_squeeze %dma_wait3A_658 : memref<1x16x2x32xi32, #tpu.memory_space<vmem>> -> memref<16x2x32xi32, #tpu.memory_space<vmem>>
        %dma_wait3A_660 = arith.constant 0 : i32
        %dma_wait3A_661 = arith.constant 0 : i32
        %dma_wait3A_662 = tpu.memref_slice %arg4[%add3A_654, %dma_wait3A_660, %dma_wait3A_661] : memref<10240x2x32xi32, #tpu.memory_space<hbm>> -> memref<16x2x32xi32, #tpu.memory_space<hbm>>
        %dma_wait3A_663 = arith.constant 0 : i32
        %dma_wait3A_664 = arith.constant 0 : i32
        %dma_wait3A_665 = arith.constant 0 : i32
        %dma_wait3A_666 = tpu.memref_slice %arg12[%select_n3A_651, %dma_wait3A_663, %dma_wait3A_664, %dma_wait3A_665] : memref<2x16x2x32xi32, #tpu.memory_space<vmem>> -> memref<1x16x2x32xi32, #tpu.memory_space<vmem>>
        %dma_wait3A_667 = tpu.memref_squeeze %dma_wait3A_666 : memref<1x16x2x32xi32, #tpu.memory_space<vmem>> -> memref<16x2x32xi32, #tpu.memory_space<vmem>>
        %dma_wait3A_668 = arith.constant 0 : i32
        %dma_wait3A_669 = arith.constant 0 : i32
        %dma_wait3A_670 = tpu.memref_slice %arg4[%add3A_654, %dma_wait3A_668, %dma_wait3A_669] : memref<10240x2x32xi32, #tpu.memory_space<hbm>> -> memref<16x2x32xi32, #tpu.memory_space<hbm>>
        tpu.wait_dma2 semaphore(%arg16 : memref<!tpu.dma_semaphore, #tpu.memory_space<semaphore_mem>>) src(%dma_wait3A_670 : memref<16x2x32xi32, #tpu.memory_space<hbm>>) dst(%dma_wait3A_667 : memref<16x2x32xi32, #tpu.memory_space<vmem>>)
      } else {
      }
      %lt3A_204 = arith.constant 320 : i32
      %lt3A_205 = arith.cmpi slt, %add3A_134, %lt3A_204 : i32
      %convert_element_type3A_206 = arith.extui %lt3A_205 : i1 to i32
      %cond3A_207 = arith.constant 0 : i32
      %cond3A_208 = arith.cmpi ne, %convert_element_type3A_206, %cond3A_207 : i32
      scf.if %cond3A_208 {
        %jit3A_588 = arith.constant 16 : i32
        %div3A_589 = arith.divsi %add3A_134, %jit3A_588 : i32
        %sign3A_590 = arith.constant 0 : i32
        %sign3A_591 = arith.cmpi sgt, %add3A_134, %sign3A_590 : i32
        %sign3A_592 = arith.extui %sign3A_591 : i1 to i32
        %sign3A_593 = arith.constant 0 : i32
        %sign3A_594 = arith.cmpi slt, %add3A_134, %sign3A_593 : i32
        %sign3A_595 = arith.extui %sign3A_594 : i1 to i32
        %sign3A_596 = arith.subi %sign3A_592, %sign3A_595 : i32
        %sign3A_597 = arith.constant 0 : i32
        %sign3A_598 = arith.cmpi sgt, %jit3A_588, %sign3A_597 : i32
        %sign3A_599 = arith.extui %sign3A_598 : i1 to i32
        %sign3A_600 = arith.constant 0 : i32
        %sign3A_601 = arith.cmpi slt, %jit3A_588, %sign3A_600 : i32
        %sign3A_602 = arith.extui %sign3A_601 : i1 to i32
        %sign3A_603 = arith.subi %sign3A_599, %sign3A_602 : i32
        %ne3A_604 = arith.cmpi ne, %sign3A_596, %sign3A_603 : i32
        %rem3A_605 = arith.remsi %add3A_134, %jit3A_588 : i32
        %ne3A_606 = arith.constant 0 : i32
        %ne3A_607 = arith.cmpi ne, %rem3A_605, %ne3A_606 : i32
        %and3A_608 = arith.andi %ne3A_604, %ne3A_607 : i1
        %sub3A_609 = arith.constant 1 : i32
        %sub3A_610 = arith.subi %div3A_589, %sub3A_609 : i32
        %select_n3A_611 = arith.select %and3A_608, %sub3A_610, %div3A_589 : i32
        %jit3A_612 = arith.constant 2 : i32
        %eq3A_613 = arith.constant 0 : i32
        %eq3A_614 = arith.cmpi eq, %jit3A_612, %eq3A_613 : i32
        %jit3A_615 = arith.constant 1 : i32
        %select_n3A_616 = arith.select %eq3A_614, %jit3A_615, %jit3A_612 : i32
        %rem3A_617 = arith.remsi %select_n3A_611, %select_n3A_616 : i32
        %ne3A_618 = arith.constant 0 : i32
        %ne3A_619 = arith.cmpi ne, %rem3A_617, %ne3A_618 : i32
        %lt3A_620 = arith.constant 0 : i32
        %lt3A_621 = arith.cmpi slt, %rem3A_617, %lt3A_620 : i32
        %lt3A_622 = arith.constant 0 : i32
        %lt3A_623 = arith.cmpi slt, %select_n3A_616, %lt3A_622 : i32
        %ne3A_624 = arith.xori %lt3A_621, %lt3A_623 : i1
        %and3A_625 = arith.andi %ne3A_624, %ne3A_619 : i1
        %add3A_626 = arith.addi %rem3A_617, %select_n3A_616 : i32
        %select_n3A_627 = arith.select %and3A_625, %add3A_626, %rem3A_617 : i32
        %jit3A_628 = arith.constant 16 : i32
        %eq3A_629 = arith.constant 0 : i32
        %eq3A_630 = arith.cmpi eq, %jit3A_628, %eq3A_629 : i32
        %jit3A_631 = arith.constant 1 : i32
        %select_n3A_632 = arith.select %eq3A_630, %jit3A_631, %jit3A_628 : i32
        %rem3A_633 = arith.remsi %add3A_134, %select_n3A_632 : i32
        %ne3A_634 = arith.constant 0 : i32
        %ne3A_635 = arith.cmpi ne, %rem3A_633, %ne3A_634 : i32
        %lt3A_636 = arith.constant 0 : i32
        %lt3A_637 = arith.cmpi slt, %rem3A_633, %lt3A_636 : i32
        %lt3A_638 = arith.constant 0 : i32
        %lt3A_639 = arith.cmpi slt, %select_n3A_632, %lt3A_638 : i32
        %ne3A_640 = arith.xori %lt3A_637, %lt3A_639 : i1
        %and3A_641 = arith.andi %ne3A_640, %ne3A_635 : i1
        %add3A_642 = arith.addi %rem3A_633, %select_n3A_632 : i32
        %select_n3A_643 = arith.select %and3A_641, %add3A_642, %rem3A_633 : i32
        %dma_start3A_644 = arith.constant 0 : i32
        %dma_start3A_645 = arith.constant 0 : i32
        %dma_start3A_646 = tpu.memref_slice %arg12[%select_n3A_627, %select_n3A_643, %dma_start3A_644, %dma_start3A_645] : memref<2x16x2x32xi32, #tpu.memory_space<vmem>> -> memref<1x1x1x32xi32, #tpu.memory_space<vmem>>
        %dma_start3A_647 = tpu.memref_squeeze %dma_start3A_646 : memref<1x1x1x32xi32, #tpu.memory_space<vmem>> -> memref<32xi32, #tpu.memory_space<vmem>>
        %dma_start3A_648 = arith.constant 0 : i32
        %dma_start3A_649 = arith.constant 0 : i32
        %dma_start3A_650 = tpu.memref_slice %arg3[%dma_start3A_648, %dma_start3A_649] : memref<10240x256xf32, #tpu.memory_space<hbm>> -> memref<10240x256xf32, #tpu.memory_space<hbm>>
        tpu.enqueue_indirect_dma source(%dma_start3A_650 : memref<10240x256xf32, #tpu.memory_space<hbm>>) target(%arg7 : memref<32x256xf32, #tpu.memory_space<vmem>>) offsets(%dma_start3A_647 : memref<32xi32, #tpu.memory_space<vmem>>) semaphore(%arg18 : memref<!tpu.dma_semaphore, #tpu.memory_space<semaphore_mem>>)
        %dma_start3A_651 = arith.constant 1 : i32
        %dma_start3A_652 = arith.constant 0 : i32
        %dma_start3A_653 = tpu.memref_slice %arg12[%select_n3A_627, %select_n3A_643, %dma_start3A_651, %dma_start3A_652] : memref<2x16x2x32xi32, #tpu.memory_space<vmem>> -> memref<1x1x1x32xi32, #tpu.memory_space<vmem>>
        %dma_start3A_654 = tpu.memref_squeeze %dma_start3A_653 : memref<1x1x1x32xi32, #tpu.memory_space<vmem>> -> memref<32xi32, #tpu.memory_space<vmem>>
        %dma_start3A_655 = arith.constant 0 : i32
        %dma_start3A_656 = arith.constant 0 : i32
        %dma_start3A_657 = tpu.memref_slice %arg2[%dma_start3A_655, %dma_start3A_656] : memref<10240x128xf32, #tpu.memory_space<hbm>> -> memref<10240x128xf32, #tpu.memory_space<hbm>>
        tpu.enqueue_indirect_dma source(%dma_start3A_657 : memref<10240x128xf32, #tpu.memory_space<hbm>>) target(%arg9 : memref<32x128xf32, #tpu.memory_space<vmem>>) offsets(%dma_start3A_654 : memref<32xi32, #tpu.memory_space<vmem>>) semaphore(%arg18 : memref<!tpu.dma_semaphore, #tpu.memory_space<semaphore_mem>>)
      } else {
      }
      %jit3A_209 = arith.constant 16 : i32
      %div3A_210 = arith.divsi %add3A_132, %jit3A_209 : i32
      %sign3A_211 = arith.constant 0 : i32
      %sign3A_212 = arith.cmpi sgt, %add3A_132, %sign3A_211 : i32
      %sign3A_213 = arith.extui %sign3A_212 : i1 to i32
      %sign3A_214 = arith.constant 0 : i32
      %sign3A_215 = arith.cmpi slt, %add3A_132, %sign3A_214 : i32
      %sign3A_216 = arith.extui %sign3A_215 : i1 to i32
      %sign3A_217 = arith.subi %sign3A_213, %sign3A_216 : i32
      %sign3A_218 = arith.constant 0 : i32
      %sign3A_219 = arith.cmpi sgt, %jit3A_209, %sign3A_218 : i32
      %sign3A_220 = arith.extui %sign3A_219 : i1 to i32
      %sign3A_221 = arith.constant 0 : i32
      %sign3A_222 = arith.cmpi slt, %jit3A_209, %sign3A_221 : i32
      %sign3A_223 = arith.extui %sign3A_222 : i1 to i32
      %sign3A_224 = arith.subi %sign3A_220, %sign3A_223 : i32
      %ne3A_225 = arith.cmpi ne, %sign3A_217, %sign3A_224 : i32
      %rem3A_226 = arith.remsi %add3A_132, %jit3A_209 : i32
      %ne3A_227 = arith.constant 0 : i32
      %ne3A_228 = arith.cmpi ne, %rem3A_226, %ne3A_227 : i32
      %and3A_229 = arith.andi %ne3A_225, %ne3A_228 : i1
      %sub3A_230 = arith.constant 1 : i32
      %sub3A_231 = arith.subi %div3A_210, %sub3A_230 : i32
      %select_n3A_232 = arith.select %and3A_229, %sub3A_231, %div3A_210 : i32
      %jit3A_233 = arith.constant 2 : i32
      %eq3A_234 = arith.constant 0 : i32
      %eq3A_235 = arith.cmpi eq, %jit3A_233, %eq3A_234 : i32
      %jit3A_236 = arith.constant 1 : i32
      %select_n3A_237 = arith.select %eq3A_235, %jit3A_236, %jit3A_233 : i32
      %rem3A_238 = arith.remsi %select_n3A_232, %select_n3A_237 : i32
      %ne3A_239 = arith.constant 0 : i32
      %ne3A_240 = arith.cmpi ne, %rem3A_238, %ne3A_239 : i32
      %lt3A_241 = arith.constant 0 : i32
      %lt3A_242 = arith.cmpi slt, %rem3A_238, %lt3A_241 : i32
      %lt3A_243 = arith.constant 0 : i32
      %lt3A_244 = arith.cmpi slt, %select_n3A_237, %lt3A_243 : i32
      %ne3A_245 = arith.xori %lt3A_242, %lt3A_244 : i1
      %and3A_246 = arith.andi %ne3A_245, %ne3A_240 : i1
      %add3A_247 = arith.addi %rem3A_238, %select_n3A_237 : i32
      %select_n3A_248 = arith.select %and3A_246, %add3A_247, %rem3A_238 : i32
      %jit3A_249 = arith.constant 16 : i32
      %eq3A_250 = arith.constant 0 : i32
      %eq3A_251 = arith.cmpi eq, %jit3A_249, %eq3A_250 : i32
      %jit3A_252 = arith.constant 1 : i32
      %select_n3A_253 = arith.select %eq3A_251, %jit3A_252, %jit3A_249 : i32
      %rem3A_254 = arith.remsi %add3A_132, %select_n3A_253 : i32
      %ne3A_255 = arith.constant 0 : i32
      %ne3A_256 = arith.cmpi ne, %rem3A_254, %ne3A_255 : i32
      %lt3A_257 = arith.constant 0 : i32
      %lt3A_258 = arith.cmpi slt, %rem3A_254, %lt3A_257 : i32
      %lt3A_259 = arith.constant 0 : i32
      %lt3A_260 = arith.cmpi slt, %select_n3A_253, %lt3A_259 : i32
      %ne3A_261 = arith.xori %lt3A_258, %lt3A_260 : i1
      %and3A_262 = arith.andi %ne3A_261, %ne3A_256 : i1
      %add3A_263 = arith.addi %rem3A_254, %select_n3A_253 : i32
      %select_n3A_264 = arith.select %and3A_262, %add3A_263, %rem3A_254 : i32
      %dma_wait3A_265 = arith.constant 0 : i32
      %dma_wait3A_266 = arith.constant 0 : i32
      %dma_wait3A_267 = tpu.memref_slice %arg12[%select_n3A_248, %select_n3A_264, %dma_wait3A_265, %dma_wait3A_266] : memref<2x16x2x32xi32, #tpu.memory_space<vmem>> -> memref<1x1x1x32xi32, #tpu.memory_space<vmem>>
      %dma_wait3A_268 = tpu.memref_squeeze %dma_wait3A_267 : memref<1x1x1x32xi32, #tpu.memory_space<vmem>> -> memref<32xi32, #tpu.memory_space<vmem>>
      %dma_wait3A_269 = arith.constant 0 : i32
      %dma_wait3A_270 = arith.constant 0 : i32
      %dma_wait3A_271 = tpu.memref_slice %arg3[%dma_wait3A_269, %dma_wait3A_270] : memref<10240x256xf32, #tpu.memory_space<hbm>> -> memref<10240x256xf32, #tpu.memory_space<hbm>>
      tpu.wait_indirect_dma semaphore(%arg17 : memref<!tpu.dma_semaphore, #tpu.memory_space<semaphore_mem>>) src(%dma_wait3A_271 : memref<10240x256xf32, #tpu.memory_space<hbm>>) dst(%arg6 : memref<32x256xf32, #tpu.memory_space<vmem>>)
      %dma_wait3A_272 = arith.constant 1 : i32
      %dma_wait3A_273 = arith.constant 0 : i32
      %dma_wait3A_274 = tpu.memref_slice %arg12[%select_n3A_248, %select_n3A_264, %dma_wait3A_272, %dma_wait3A_273] : memref<2x16x2x32xi32, #tpu.memory_space<vmem>> -> memref<1x1x1x32xi32, #tpu.memory_space<vmem>>
      %dma_wait3A_275 = tpu.memref_squeeze %dma_wait3A_274 : memref<1x1x1x32xi32, #tpu.memory_space<vmem>> -> memref<32xi32, #tpu.memory_space<vmem>>
      %dma_wait3A_276 = arith.constant 0 : i32
      %dma_wait3A_277 = arith.constant 0 : i32
      %dma_wait3A_278 = tpu.memref_slice %arg2[%dma_wait3A_276, %dma_wait3A_277] : memref<10240x128xf32, #tpu.memory_space<hbm>> -> memref<10240x128xf32, #tpu.memory_space<hbm>>
      tpu.wait_indirect_dma semaphore(%arg17 : memref<!tpu.dma_semaphore, #tpu.memory_space<semaphore_mem>>) src(%dma_wait3A_278 : memref<10240x128xf32, #tpu.memory_space<hbm>>) dst(%arg8 : memref<32x128xf32, #tpu.memory_space<vmem>>)
      %ge3A = arith.constant 2 : i32
      %ge3A_279 = arith.cmpi sge, %add3A_132, %ge3A : i32
      %convert_element_type3A_280 = arith.extui %ge3A_279 : i1 to i32
      %cond3A_281 = arith.constant 0 : i32
      %cond3A_282 = arith.cmpi ne, %convert_element_type3A_280, %cond3A_281 : i32
      scf.if %cond3A_282 {
        %dma_wait3A_588 = arith.constant 0 : i32
        %dma_wait3A_589 = arith.constant 0 : i32
        %dma_wait3A_590 = tpu.memref_slice %arg15[%dma_wait3A_588, %dma_wait3A_589] : memref<10240x144xf32, #tpu.memory_space<vmem_shared>> -> memref<10240x144xf32, #tpu.memory_space<vmem_shared>>
        tpu.wait_indirect_dma semaphore(%arg19 : memref<!tpu.dma_semaphore, #tpu.memory_space<semaphore_mem>>) src(%arg10 : memref<32x144xf32, #tpu.memory_space<vmem>>) dst(%dma_wait3A_590 : memref<10240x144xf32, #tpu.memory_space<vmem_shared>>)
      } else {
      }
      %parallel_loop3A = arith.constant 0 : i32
      %parallel_loop3A_283 = arith.constant 32 : i32
      %parallel_loop3A_284 = arith.constant 1 : i32
      scf.for %parallel_loop3A_588 = %parallel_loop3A to %parallel_loop3A_283 step %parallel_loop3A_284  : i32 {
        %parallel_loop3A_589 = arith.index_cast %parallel_loop3A_588 : i32 to index
        %parallel_loop3A_590 = arith.constant 0 : index
        %parallel_loop3A_591 = tpu.vector_load %arg6[%parallel_loop3A_589, %parallel_loop3A_590] {strides = array<i32>} : memref<32x256xf32, #tpu.memory_space<vmem>>, vector<16xf32>,
        %parallel_loop3A_592 = arith.index_cast %parallel_loop3A_588 : i32 to index
        %parallel_loop3A_593 = arith.constant 0 : index
        %parallel_loop3A_594 = tpu.vector_load %arg8[%parallel_loop3A_592, %parallel_loop3A_593] {strides = array<i32>} : memref<32x128xf32, #tpu.memory_space<vmem>>, vector<16xf32>,
        %parallel_loop3A_595 = arith.mulf %parallel_loop3A_591, %parallel_loop3A_594 : vector<16xf32>
        %parallel_loop3A_596 = arith.constant true
        %parallel_loop3A_597 = vector.broadcast %parallel_loop3A_596 : i1 to vector<16xi1>
        %parallel_loop3A_598 = tpu.scan <sum>, %parallel_loop3A_595 masked %parallel_loop3A_597 : vector<16xf32>, vector<16xi1> -> vector<16xf32>
        %parallel_loop3A_599 = vector.shape_cast %broadcast_in_dim3A_37 : vector<16x1xi32> to vector<16xi32>
        %parallel_loop3A_600 = tpu.dynamic_gather %parallel_loop3A_598[%parallel_loop3A_599] in [0] : vector<16xf32>, vector<16xi32> -> vector<16xf32>
        %parallel_loop3A_601 = arith.constant -5.000000e+00 : f32
        %parallel_loop3A_602 = vector.broadcast %parallel_loop3A_601 : f32 to vector<16xf32>
        %parallel_loop3A_603 = arith.maximumf %parallel_loop3A_600, %parallel_loop3A_602 : vector<16xf32>
        %parallel_loop3A_604 = arith.constant 5.000000e+00 : f32
        %parallel_loop3A_605 = vector.broadcast %parallel_loop3A_604 : f32 to vector<16xf32>
        %parallel_loop3A_606 = arith.minimumf %parallel_loop3A_603, %parallel_loop3A_605 : vector<16xf32>
        %parallel_loop3A_607 = math.exp %parallel_loop3A_606 : vector<16xf32>
        %parallel_loop3A_608 = arith.index_cast %parallel_loop3A_588 : i32 to index
        %parallel_loop3A_609 = arith.constant 128 : index
        %parallel_loop3A_610 = tpu.vector_load %arg6[%parallel_loop3A_608, %parallel_loop3A_609] {strides = array<i32>} : memref<32x256xf32, #tpu.memory_space<vmem>>, vector<16xf32>,
        %parallel_loop3A_611 = arith.mulf %parallel_loop3A_610, %parallel_loop3A_607 : vector<16xf32>
        %parallel_loop3A_612 = arith.index_cast %parallel_loop3A_588 : i32 to index
        %parallel_loop3A_613 = arith.constant 0 : index
        %parallel_loop3A_614 = tpu.vector_load %arg10[%parallel_loop3A_612, %parallel_loop3A_613] {strides = array<i32>} : memref<32x144xf32, #tpu.memory_space<vmem>>, vector<16xf32>,
        tpu.vector_store %arg10[%parallel_loop3A_612, %parallel_loop3A_613], %parallel_loop3A_611 {strides = array<i32>} : memref<32x144xf32, #tpu.memory_space<vmem>>, vector<16xf32>,
        %parallel_loop3A_615 = arith.select %eq3A_5, %parallel_loop3A_607, %broadcast_in_dim3A_3 : vector<16xi1>, vector<16xf32>
        %parallel_loop3A_616 = arith.index_cast %parallel_loop3A_588 : i32 to index
        %parallel_loop3A_617 = arith.constant 16 : index
        %parallel_loop3A_618 = tpu.vector_load %arg6[%parallel_loop3A_616, %parallel_loop3A_617] {strides = array<i32>} : memref<32x256xf32, #tpu.memory_space<vmem>>, vector<16xf32>,
        %parallel_loop3A_619 = arith.index_cast %parallel_loop3A_588 : i32 to index
        %parallel_loop3A_620 = arith.constant 16 : index
        %parallel_loop3A_621 = tpu.vector_load %arg8[%parallel_loop3A_619, %parallel_loop3A_620] {strides = array<i32>} : memref<32x128xf32, #tpu.memory_space<vmem>>, vector<16xf32>,
        %parallel_loop3A_622 = arith.mulf %parallel_loop3A_618, %parallel_loop3A_621 : vector<16xf32>
        %parallel_loop3A_623 = arith.constant true
        %parallel_loop3A_624 = vector.broadcast %parallel_loop3A_623 : i1 to vector<16xi1>
        %parallel_loop3A_625 = tpu.scan <sum>, %parallel_loop3A_622 masked %parallel_loop3A_624 : vector<16xf32>, vector<16xi1> -> vector<16xf32>
        %parallel_loop3A_626 = vector.shape_cast %broadcast_in_dim3A_37 : vector<16x1xi32> to vector<16xi32>
        %parallel_loop3A_627 = tpu.dynamic_gather %parallel_loop3A_625[%parallel_loop3A_626] in [0] : vector<16xf32>, vector<16xi32> -> vector<16xf32>
        %parallel_loop3A_628 = arith.constant -5.000000e+00 : f32
        %parallel_loop3A_629 = vector.broadcast %parallel_loop3A_628 : f32 to vector<16xf32>
        %parallel_loop3A_630 = arith.maximumf %parallel_loop3A_627, %parallel_loop3A_629 : vector<16xf32>
        %parallel_loop3A_631 = arith.constant 5.000000e+00 : f32
        %parallel_loop3A_632 = vector.broadcast %parallel_loop3A_631 : f32 to vector<16xf32>
        %parallel_loop3A_633 = arith.minimumf %parallel_loop3A_630, %parallel_loop3A_632 : vector<16xf32>
        %parallel_loop3A_634 = math.exp %parallel_loop3A_633 : vector<16xf32>
        %parallel_loop3A_635 = arith.index_cast %parallel_loop3A_588 : i32 to index
        %parallel_loop3A_636 = arith.constant 144 : index
        %parallel_loop3A_637 = tpu.vector_load %arg6[%parallel_loop3A_635, %parallel_loop3A_636] {strides = array<i32>} : memref<32x256xf32, #tpu.memory_space<vmem>>, vector<16xf32>,
        %parallel_loop3A_638 = arith.mulf %parallel_loop3A_637, %parallel_loop3A_634 : vector<16xf32>
        %parallel_loop3A_639 = arith.index_cast %parallel_loop3A_588 : i32 to index
        %parallel_loop3A_640 = arith.constant 16 : index
        %parallel_loop3A_641 = tpu.vector_load %arg10[%parallel_loop3A_639, %parallel_loop3A_640] {strides = array<i32>} : memref<32x144xf32, #tpu.memory_space<vmem>>, vector<16xf32>,
        tpu.vector_store %arg10[%parallel_loop3A_639, %parallel_loop3A_640], %parallel_loop3A_638 {strides = array<i32>} : memref<32x144xf32, #tpu.memory_space<vmem>>, vector<16xf32>,
        %parallel_loop3A_642 = arith.select %eq3A_8, %parallel_loop3A_634, %parallel_loop3A_615 : vector<16xi1>, vector<16xf32>
        %parallel_loop3A_643 = arith.index_cast %parallel_loop3A_588 : i32 to index
        %parallel_loop3A_644 = arith.constant 32 : index
        %parallel_loop3A_645 = tpu.vector_load %arg6[%parallel_loop3A_643, %parallel_loop3A_644] {strides = array<i32>} : memref<32x256xf32, #tpu.memory_space<vmem>>, vector<16xf32>,
        %parallel_loop3A_646 = arith.index_cast %parallel_loop3A_588 : i32 to index
        %parallel_loop3A_647 = arith.constant 32 : index
        %parallel_loop3A_648 = tpu.vector_load %arg8[%parallel_loop3A_646, %parallel_loop3A_647] {strides = array<i32>} : memref<32x128xf32, #tpu.memory_space<vmem>>, vector<16xf32>,
        %parallel_loop3A_649 = arith.mulf %parallel_loop3A_645, %parallel_loop3A_648 : vector<16xf32>
        %parallel_loop3A_650 = arith.constant true
        %parallel_loop3A_651 = vector.broadcast %parallel_loop3A_650 : i1 to vector<16xi1>
        %parallel_loop3A_652 = tpu.scan <sum>, %parallel_loop3A_649 masked %parallel_loop3A_651 : vector<16xf32>, vector<16xi1> -> vector<16xf32>
        %parallel_loop3A_653 = vector.shape_cast %broadcast_in_dim3A_37 : vector<16x1xi32> to vector<16xi32>
        %parallel_loop3A_654 = tpu.dynamic_gather %parallel_loop3A_652[%parallel_loop3A_653] in [0] : vector<16xf32>, vector<16xi32> -> vector<16xf32>
        %parallel_loop3A_655 = arith.constant -5.000000e+00 : f32
        %parallel_loop3A_656 = vector.broadcast %parallel_loop3A_655 : f32 to vector<16xf32>
        %parallel_loop3A_657 = arith.maximumf %parallel_loop3A_654, %parallel_loop3A_656 : vector<16xf32>
        %parallel_loop3A_658 = arith.constant 5.000000e+00 : f32
        %parallel_loop3A_659 = vector.broadcast %parallel_loop3A_658 : f32 to vector<16xf32>
        %parallel_loop3A_660 = arith.minimumf %parallel_loop3A_657, %parallel_loop3A_659 : vector<16xf32>
        %parallel_loop3A_661 = math.exp %parallel_loop3A_660 : vector<16xf32>
        %parallel_loop3A_662 = arith.index_cast %parallel_loop3A_588 : i32 to index
        %parallel_loop3A_663 = arith.constant 160 : index
        %parallel_loop3A_664 = tpu.vector_load %arg6[%parallel_loop3A_662, %parallel_loop3A_663] {strides = array<i32>} : memref<32x256xf32, #tpu.memory_space<vmem>>, vector<16xf32>,
        %parallel_loop3A_665 = arith.mulf %parallel_loop3A_664, %parallel_loop3A_661 : vector<16xf32>
        %parallel_loop3A_666 = arith.index_cast %parallel_loop3A_588 : i32 to index
        %parallel_loop3A_667 = arith.constant 32 : index
        %parallel_loop3A_668 = tpu.vector_load %arg10[%parallel_loop3A_666, %parallel_loop3A_667] {strides = array<i32>} : memref<32x144xf32, #tpu.memory_space<vmem>>, vector<16xf32>,
        tpu.vector_store %arg10[%parallel_loop3A_666, %parallel_loop3A_667], %parallel_loop3A_665 {strides = array<i32>} : memref<32x144xf32, #tpu.memory_space<vmem>>, vector<16xf32>,
        %parallel_loop3A_669 = arith.select %eq3A_11, %parallel_loop3A_661, %parallel_loop3A_642 : vector<16xi1>, vector<16xf32>
        %parallel_loop3A_670 = arith.index_cast %parallel_loop3A_588 : i32 to index
        %parallel_loop3A_671 = arith.constant 48 : index
        %parallel_loop3A_672 = tpu.vector_load %arg6[%parallel_loop3A_670, %parallel_loop3A_671] {strides = array<i32>} : memref<32x256xf32, #tpu.memory_space<vmem>>, vector<16xf32>,
        %parallel_loop3A_673 = arith.index_cast %parallel_loop3A_588 : i32 to index
        %parallel_loop3A_674 = arith.constant 48 : index
        %parallel_loop3A_675 = tpu.vector_load %arg8[%parallel_loop3A_673, %parallel_loop3A_674] {strides = array<i32>} : memref<32x128xf32, #tpu.memory_space<vmem>>, vector<16xf32>,
        %parallel_loop3A_676 = arith.mulf %parallel_loop3A_672, %parallel_loop3A_675 : vector<16xf32>
        %parallel_loop3A_677 = arith.constant true
        %parallel_loop3A_678 = vector.broadcast %parallel_loop3A_677 : i1 to vector<16xi1>
        %parallel_loop3A_679 = tpu.scan <sum>, %parallel_loop3A_676 masked %parallel_loop3A_678 : vector<16xf32>, vector<16xi1> -> vector<16xf32>
        %parallel_loop3A_680 = vector.shape_cast %broadcast_in_dim3A_37 : vector<16x1xi32> to vector<16xi32>
        %parallel_loop3A_681 = tpu.dynamic_gather %parallel_loop3A_679[%parallel_loop3A_680] in [0] : vector<16xf32>, vector<16xi32> -> vector<16xf32>
        %parallel_loop3A_682 = arith.constant -5.000000e+00 : f32
        %parallel_loop3A_683 = vector.broadcast %parallel_loop3A_682 : f32 to vector<16xf32>
        %parallel_loop3A_684 = arith.maximumf %parallel_loop3A_681, %parallel_loop3A_683 : vector<16xf32>
        %parallel_loop3A_685 = arith.constant 5.000000e+00 : f32
        %parallel_loop3A_686 = vector.broadcast %parallel_loop3A_685 : f32 to vector<16xf32>
        %parallel_loop3A_687 = arith.minimumf %parallel_loop3A_684, %parallel_loop3A_686 : vector<16xf32>
        %parallel_loop3A_688 = math.exp %parallel_loop3A_687 : vector<16xf32>
        %parallel_loop3A_689 = arith.index_cast %parallel_loop3A_588 : i32 to index
        %parallel_loop3A_690 = arith.constant 176 : index
        %parallel_loop3A_691 = tpu.vector_load %arg6[%parallel_loop3A_689, %parallel_loop3A_690] {strides = array<i32>} : memref<32x256xf32, #tpu.memory_space<vmem>>, vector<16xf32>,
        %parallel_loop3A_692 = arith.mulf %parallel_loop3A_691, %parallel_loop3A_688 : vector<16xf32>
        %parallel_loop3A_693 = arith.index_cast %parallel_loop3A_588 : i32 to index
        %parallel_loop3A_694 = arith.constant 48 : index
        %parallel_loop3A_695 = tpu.vector_load %arg10[%parallel_loop3A_693, %parallel_loop3A_694] {strides = array<i32>} : memref<32x144xf32, #tpu.memory_space<vmem>>, vector<16xf32>,
        tpu.vector_store %arg10[%parallel_loop3A_693, %parallel_loop3A_694], %parallel_loop3A_692 {strides = array<i32>} : memref<32x144xf32, #tpu.memory_space<vmem>>, vector<16xf32>,
        %parallel_loop3A_696 = arith.select %eq3A_14, %parallel_loop3A_688, %parallel_loop3A_669 : vector<16xi1>, vector<16xf32>
        %parallel_loop3A_697 = arith.index_cast %parallel_loop3A_588 : i32 to index
        %parallel_loop3A_698 = arith.constant 64 : index
        %parallel_loop3A_699 = tpu.vector_load %arg6[%parallel_loop3A_697, %parallel_loop3A_698] {strides = array<i32>} : memref<32x256xf32, #tpu.memory_space<vmem>>, vector<16xf32>,
        %parallel_loop3A_700 = arith.index_cast %parallel_loop3A_588 : i32 to index
        %parallel_loop3A_701 = arith.constant 64 : index
        %parallel_loop3A_702 = tpu.vector_load %arg8[%parallel_loop3A_700, %parallel_loop3A_701] {strides = array<i32>} : memref<32x128xf32, #tpu.memory_space<vmem>>, vector<16xf32>,
        %parallel_loop3A_703 = arith.mulf %parallel_loop3A_699, %parallel_loop3A_702 : vector<16xf32>
        %parallel_loop3A_704 = arith.constant true
        %parallel_loop3A_705 = vector.broadcast %parallel_loop3A_704 : i1 to vector<16xi1>
        %parallel_loop3A_706 = tpu.scan <sum>, %parallel_loop3A_703 masked %parallel_loop3A_705 : vector<16xf32>, vector<16xi1> -> vector<16xf32>
        %parallel_loop3A_707 = vector.shape_cast %broadcast_in_dim3A_37 : vector<16x1xi32> to vector<16xi32>
        %parallel_loop3A_708 = tpu.dynamic_gather %parallel_loop3A_706[%parallel_loop3A_707] in [0] : vector<16xf32>, vector<16xi32> -> vector<16xf32>
        %parallel_loop3A_709 = arith.constant -5.000000e+00 : f32
        %parallel_loop3A_710 = vector.broadcast %parallel_loop3A_709 : f32 to vector<16xf32>
        %parallel_loop3A_711 = arith.maximumf %parallel_loop3A_708, %parallel_loop3A_710 : vector<16xf32>
        %parallel_loop3A_712 = arith.constant 5.000000e+00 : f32
        %parallel_loop3A_713 = vector.broadcast %parallel_loop3A_712 : f32 to vector<16xf32>
        %parallel_loop3A_714 = arith.minimumf %parallel_loop3A_711, %parallel_loop3A_713 : vector<16xf32>
        %parallel_loop3A_715 = math.exp %parallel_loop3A_714 : vector<16xf32>
        %parallel_loop3A_716 = arith.index_cast %parallel_loop3A_588 : i32 to index
        %parallel_loop3A_717 = arith.constant 192 : index
        %parallel_loop3A_718 = tpu.vector_load %arg6[%parallel_loop3A_716, %parallel_loop3A_717] {strides = array<i32>} : memref<32x256xf32, #tpu.memory_space<vmem>>, vector<16xf32>,
        %parallel_loop3A_719 = arith.mulf %parallel_loop3A_718, %parallel_loop3A_715 : vector<16xf32>
        %parallel_loop3A_720 = arith.index_cast %parallel_loop3A_588 : i32 to index
        %parallel_loop3A_721 = arith.constant 64 : index
        %parallel_loop3A_722 = tpu.vector_load %arg10[%parallel_loop3A_720, %parallel_loop3A_721] {strides = array<i32>} : memref<32x144xf32, #tpu.memory_space<vmem>>, vector<16xf32>,
        tpu.vector_store %arg10[%parallel_loop3A_720, %parallel_loop3A_721], %parallel_loop3A_719 {strides = array<i32>} : memref<32x144xf32, #tpu.memory_space<vmem>>, vector<16xf32>,
        %parallel_loop3A_723 = arith.select %eq3A_17, %parallel_loop3A_715, %parallel_loop3A_696 : vector<16xi1>, vector<16xf32>
        %parallel_loop3A_724 = arith.index_cast %parallel_loop3A_588 : i32 to index
        %parallel_loop3A_725 = arith.constant 80 : index
        %parallel_loop3A_726 = tpu.vector_load %arg6[%parallel_loop3A_724, %parallel_loop3A_725] {strides = array<i32>} : memref<32x256xf32, #tpu.memory_space<vmem>>, vector<16xf32>,
        %parallel_loop3A_727 = arith.index_cast %parallel_loop3A_588 : i32 to index
        %parallel_loop3A_728 = arith.constant 80 : index
        %parallel_loop3A_729 = tpu.vector_load %arg8[%parallel_loop3A_727, %parallel_loop3A_728] {strides = array<i32>} : memref<32x128xf32, #tpu.memory_space<vmem>>, vector<16xf32>,
        %parallel_loop3A_730 = arith.mulf %parallel_loop3A_726, %parallel_loop3A_729 : vector<16xf32>
        %parallel_loop3A_731 = arith.constant true
        %parallel_loop3A_732 = vector.broadcast %parallel_loop3A_731 : i1 to vector<16xi1>
        %parallel_loop3A_733 = tpu.scan <sum>, %parallel_loop3A_730 masked %parallel_loop3A_732 : vector<16xf32>, vector<16xi1> -> vector<16xf32>
        %parallel_loop3A_734 = vector.shape_cast %broadcast_in_dim3A_37 : vector<16x1xi32> to vector<16xi32>
        %parallel_loop3A_735 = tpu.dynamic_gather %parallel_loop3A_733[%parallel_loop3A_734] in [0] : vector<16xf32>, vector<16xi32> -> vector<16xf32>
        %parallel_loop3A_736 = arith.constant -5.000000e+00 : f32
        %parallel_loop3A_737 = vector.broadcast %parallel_loop3A_736 : f32 to vector<16xf32>
        %parallel_loop3A_738 = arith.maximumf %parallel_loop3A_735, %parallel_loop3A_737 : vector<16xf32>
        %parallel_loop3A_739 = arith.constant 5.000000e+00 : f32
        %parallel_loop3A_740 = vector.broadcast %parallel_loop3A_739 : f32 to vector<16xf32>
        %parallel_loop3A_741 = arith.minimumf %parallel_loop3A_738, %parallel_loop3A_740 : vector<16xf32>
        %parallel_loop3A_742 = math.exp %parallel_loop3A_741 : vector<16xf32>
        %parallel_loop3A_743 = arith.index_cast %parallel_loop3A_588 : i32 to index
        %parallel_loop3A_744 = arith.constant 208 : index
        %parallel_loop3A_745 = tpu.vector_load %arg6[%parallel_loop3A_743, %parallel_loop3A_744] {strides = array<i32>} : memref<32x256xf32, #tpu.memory_space<vmem>>, vector<16xf32>,
        %parallel_loop3A_746 = arith.mulf %parallel_loop3A_745, %parallel_loop3A_742 : vector<16xf32>
        %parallel_loop3A_747 = arith.index_cast %parallel_loop3A_588 : i32 to index
        %parallel_loop3A_748 = arith.constant 80 : index
        %parallel_loop3A_749 = tpu.vector_load %arg10[%parallel_loop3A_747, %parallel_loop3A_748] {strides = array<i32>} : memref<32x144xf32, #tpu.memory_space<vmem>>, vector<16xf32>,
        tpu.vector_store %arg10[%parallel_loop3A_747, %parallel_loop3A_748], %parallel_loop3A_746 {strides = array<i32>} : memref<32x144xf32, #tpu.memory_space<vmem>>, vector<16xf32>,
        %parallel_loop3A_750 = arith.select %eq3A_20, %parallel_loop3A_742, %parallel_loop3A_723 : vector<16xi1>, vector<16xf32>
        %parallel_loop3A_751 = arith.index_cast %parallel_loop3A_588 : i32 to index
        %parallel_loop3A_752 = arith.constant 96 : index
        %parallel_loop3A_753 = tpu.vector_load %arg6[%parallel_loop3A_751, %parallel_loop3A_752] {strides = array<i32>} : memref<32x256xf32, #tpu.memory_space<vmem>>, vector<16xf32>,
        %parallel_loop3A_754 = arith.index_cast %parallel_loop3A_588 : i32 to index
        %parallel_loop3A_755 = arith.constant 96 : index
        %parallel_loop3A_756 = tpu.vector_load %arg8[%parallel_loop3A_754, %parallel_loop3A_755] {strides = array<i32>} : memref<32x128xf32, #tpu.memory_space<vmem>>, vector<16xf32>,
        %parallel_loop3A_757 = arith.mulf %parallel_loop3A_753, %parallel_loop3A_756 : vector<16xf32>
        %parallel_loop3A_758 = arith.constant true
        %parallel_loop3A_759 = vector.broadcast %parallel_loop3A_758 : i1 to vector<16xi1>
        %parallel_loop3A_760 = tpu.scan <sum>, %parallel_loop3A_757 masked %parallel_loop3A_759 : vector<16xf32>, vector<16xi1> -> vector<16xf32>
        %parallel_loop3A_761 = vector.shape_cast %broadcast_in_dim3A_37 : vector<16x1xi32> to vector<16xi32>
        %parallel_loop3A_762 = tpu.dynamic_gather %parallel_loop3A_760[%parallel_loop3A_761] in [0] : vector<16xf32>, vector<16xi32> -> vector<16xf32>
        %parallel_loop3A_763 = arith.constant -5.000000e+00 : f32
        %parallel_loop3A_764 = vector.broadcast %parallel_loop3A_763 : f32 to vector<16xf32>
        %parallel_loop3A_765 = arith.maximumf %parallel_loop3A_762, %parallel_loop3A_764 : vector<16xf32>
        %parallel_loop3A_766 = arith.constant 5.000000e+00 : f32
        %parallel_loop3A_767 = vector.broadcast %parallel_loop3A_766 : f32 to vector<16xf32>
        %parallel_loop3A_768 = arith.minimumf %parallel_loop3A_765, %parallel_loop3A_767 : vector<16xf32>
        %parallel_loop3A_769 = math.exp %parallel_loop3A_768 : vector<16xf32>
        %parallel_loop3A_770 = arith.index_cast %parallel_loop3A_588 : i32 to index
        %parallel_loop3A_771 = arith.constant 224 : index
        %parallel_loop3A_772 = tpu.vector_load %arg6[%parallel_loop3A_770, %parallel_loop3A_771] {strides = array<i32>} : memref<32x256xf32, #tpu.memory_space<vmem>>, vector<16xf32>,
        %parallel_loop3A_773 = arith.mulf %parallel_loop3A_772, %parallel_loop3A_769 : vector<16xf32>
        %parallel_loop3A_774 = arith.index_cast %parallel_loop3A_588 : i32 to index
        %parallel_loop3A_775 = arith.constant 96 : index
        %parallel_loop3A_776 = tpu.vector_load %arg10[%parallel_loop3A_774, %parallel_loop3A_775] {strides = array<i32>} : memref<32x144xf32, #tpu.memory_space<vmem>>, vector<16xf32>,
        tpu.vector_store %arg10[%parallel_loop3A_774, %parallel_loop3A_775], %parallel_loop3A_773 {strides = array<i32>} : memref<32x144xf32, #tpu.memory_space<vmem>>, vector<16xf32>,
        %parallel_loop3A_777 = arith.select %eq3A_23, %parallel_loop3A_769, %parallel_loop3A_750 : vector<16xi1>, vector<16xf32>
        %parallel_loop3A_778 = arith.index_cast %parallel_loop3A_588 : i32 to index
        %parallel_loop3A_779 = arith.constant 112 : index
        %parallel_loop3A_780 = tpu.vector_load %arg6[%parallel_loop3A_778, %parallel_loop3A_779] {strides = array<i32>} : memref<32x256xf32, #tpu.memory_space<vmem>>, vector<16xf32>,
        %parallel_loop3A_781 = arith.index_cast %parallel_loop3A_588 : i32 to index
        %parallel_loop3A_782 = arith.constant 112 : index
        %parallel_loop3A_783 = tpu.vector_load %arg8[%parallel_loop3A_781, %parallel_loop3A_782] {strides = array<i32>} : memref<32x128xf32, #tpu.memory_space<vmem>>, vector<16xf32>,
        %parallel_loop3A_784 = arith.mulf %parallel_loop3A_780, %parallel_loop3A_783 : vector<16xf32>
        %parallel_loop3A_785 = arith.constant true
        %parallel_loop3A_786 = vector.broadcast %parallel_loop3A_785 : i1 to vector<16xi1>
        %parallel_loop3A_787 = tpu.scan <sum>, %parallel_loop3A_784 masked %parallel_loop3A_786 : vector<16xf32>, vector<16xi1> -> vector<16xf32>
        %parallel_loop3A_788 = vector.shape_cast %broadcast_in_dim3A_37 : vector<16x1xi32> to vector<16xi32>
        %parallel_loop3A_789 = tpu.dynamic_gather %parallel_loop3A_787[%parallel_loop3A_788] in [0] : vector<16xf32>, vector<16xi32> -> vector<16xf32>
        %parallel_loop3A_790 = arith.constant -5.000000e+00 : f32
        %parallel_loop3A_791 = vector.broadcast %parallel_loop3A_790 : f32 to vector<16xf32>
        %parallel_loop3A_792 = arith.maximumf %parallel_loop3A_789, %parallel_loop3A_791 : vector<16xf32>
        %parallel_loop3A_793 = arith.constant 5.000000e+00 : f32
        %parallel_loop3A_794 = vector.broadcast %parallel_loop3A_793 : f32 to vector<16xf32>
        %parallel_loop3A_795 = arith.minimumf %parallel_loop3A_792, %parallel_loop3A_794 : vector<16xf32>
        %parallel_loop3A_796 = math.exp %parallel_loop3A_795 : vector<16xf32>
        %parallel_loop3A_797 = arith.index_cast %parallel_loop3A_588 : i32 to index
        %parallel_loop3A_798 = arith.constant 240 : index
        %parallel_loop3A_799 = tpu.vector_load %arg6[%parallel_loop3A_797, %parallel_loop3A_798] {strides = array<i32>} : memref<32x256xf32, #tpu.memory_space<vmem>>, vector<16xf32>,
        %parallel_loop3A_800 = arith.mulf %parallel_loop3A_799, %parallel_loop3A_796 : vector<16xf32>
        %parallel_loop3A_801 = arith.index_cast %parallel_loop3A_588 : i32 to index
        %parallel_loop3A_802 = arith.constant 112 : index
        %parallel_loop3A_803 = tpu.vector_load %arg10[%parallel_loop3A_801, %parallel_loop3A_802] {strides = array<i32>} : memref<32x144xf32, #tpu.memory_space<vmem>>, vector<16xf32>,
        tpu.vector_store %arg10[%parallel_loop3A_801, %parallel_loop3A_802], %parallel_loop3A_800 {strides = array<i32>} : memref<32x144xf32, #tpu.memory_space<vmem>>, vector<16xf32>,
        %parallel_loop3A_804 = arith.select %eq3A_26, %parallel_loop3A_796, %parallel_loop3A_777 : vector<16xi1>, vector<16xf32>
        %parallel_loop3A_805 = arith.index_cast %parallel_loop3A_588 : i32 to index
        %parallel_loop3A_806 = arith.constant 128 : index
        %parallel_loop3A_807 = tpu.vector_load %arg10[%parallel_loop3A_805, %parallel_loop3A_806] {strides = array<i32>} : memref<32x144xf32, #tpu.memory_space<vmem>>, vector<16xf32>,
        tpu.vector_store %arg10[%parallel_loop3A_805, %parallel_loop3A_806], %parallel_loop3A_804 {strides = array<i32>} : memref<32x144xf32, #tpu.memory_space<vmem>>, vector<16xf32>,
      } {sc.loop_unroll_factor = 2 : i64, sc.parallel_access}
      %get3A = arith.constant 1 : i32
      %get3A_285 = arith.index_cast %select_n3A_165 : i32 to index
      %get3A_286 = arith.index_cast %select_n3A_181 : i32 to index
      %get3A_287 = arith.index_cast %get3A : i32 to index
      %get3A_288 = arith.constant 0 : index
      %get3A_289 = tpu.vector_load %arg12[%get3A_285, %get3A_286, %get3A_287, %get3A_288] {strides = array<i32>} : memref<2x16x2x32xi32, #tpu.memory_space<vmem>>, vector<16xi32>,
      %swap3A = arith.constant 0 : index
      %swap3A_290 = tpu.vector_load %arg13[%swap3A] {strides = array<i32>} : memref<32xi32, #tpu.memory_space<vmem>>, vector<16xi32>,
      tpu.vector_store %arg13[%swap3A], %get3A_289 {strides = array<i32>} : memref<32xi32, #tpu.memory_space<vmem>>, vector<16xi32>,
      %get3A_291 = arith.constant 1 : i32
      %get3A_292 = arith.index_cast %select_n3A_165 : i32 to index
      %get3A_293 = arith.index_cast %select_n3A_181 : i32 to index
      %get3A_294 = arith.index_cast %get3A_291 : i32 to index
      %get3A_295 = arith.constant 16 : index
      %get3A_296 = tpu.vector_load %arg12[%get3A_292, %get3A_293, %get3A_294, %get3A_295] {strides = array<i32>} : memref<2x16x2x32xi32, #tpu.memory_space<vmem>>, vector<16xi32>,
      %swap3A_297 = arith.constant 16 : index
      %swap3A_298 = tpu.vector_load %arg13[%swap3A_297] {strides = array<i32>} : memref<32xi32, #tpu.memory_space<vmem>>, vector<16xi32>,
      tpu.vector_store %arg13[%swap3A_297], %get3A_296 {strides = array<i32>} : memref<32xi32, #tpu.memory_space<vmem>>, vector<16xi32>,
      %dma_start3A_299 = arith.constant 0 : i32
      %dma_start3A_300 = arith.constant 0 : i32
      %dma_start3A_301 = tpu.memref_slice %arg15[%dma_start3A_299, %dma_start3A_300] : memref<10240x144xf32, #tpu.memory_space<vmem_shared>> -> memref<10240x144xf32, #tpu.memory_space<vmem_shared>>
      tpu.enqueue_indirect_dma source(%arg10 : memref<32x144xf32, #tpu.memory_space<vmem>>) target(%dma_start3A_301 : memref<10240x144xf32, #tpu.memory_space<vmem_shared>>) offsets(%arg13 : memref<32xi32, #tpu.memory_space<vmem>>) semaphore(%arg19 : memref<!tpu.dma_semaphore, #tpu.memory_space<semaphore_mem>>) {add = true}
      %jit3A_302 = arith.constant 16 : i32
      %eq3A_303 = arith.constant 0 : i32
      %eq3A_304 = arith.cmpi eq, %jit3A_302, %eq3A_303 : i32
      %jit3A_305 = arith.constant 1 : i32
      %select_n3A_306 = arith.select %eq3A_304, %jit3A_305, %jit3A_302 : i32
      %rem3A_307 = arith.remsi %add3A_134, %select_n3A_306 : i32
      %ne3A_308 = arith.constant 0 : i32
      %ne3A_309 = arith.cmpi ne, %rem3A_307, %ne3A_308 : i32
      %lt3A_310 = arith.constant 0 : i32
      %lt3A_311 = arith.cmpi slt, %rem3A_307, %lt3A_310 : i32
      %lt3A_312 = arith.constant 0 : i32
      %lt3A_313 = arith.cmpi slt, %select_n3A_306, %lt3A_312 : i32
      %ne3A_314 = arith.xori %lt3A_311, %lt3A_313 : i1
      %and3A_315 = arith.andi %ne3A_314, %ne3A_309 : i1
      %add3A_316 = arith.addi %rem3A_307, %select_n3A_306 : i32
      %select_n3A_317 = arith.select %and3A_315, %add3A_316, %rem3A_307 : i32
      %eq3A_318 = arith.constant 0 : i32
      %eq3A_319 = arith.cmpi eq, %select_n3A_317, %eq3A_318 : i32
      %jit3A_320 = arith.constant 16 : i32
      %div3A_321 = arith.divsi %add3A_134, %jit3A_320 : i32
      %sign3A_322 = arith.constant 0 : i32
      %sign3A_323 = arith.cmpi sgt, %add3A_134, %sign3A_322 : i32
      %sign3A_324 = arith.extui %sign3A_323 : i1 to i32
      %sign3A_325 = arith.constant 0 : i32
      %sign3A_326 = arith.cmpi slt, %add3A_134, %sign3A_325 : i32
      %sign3A_327 = arith.extui %sign3A_326 : i1 to i32
      %sign3A_328 = arith.subi %sign3A_324, %sign3A_327 : i32
      %sign3A_329 = arith.constant 0 : i32
      %sign3A_330 = arith.cmpi sgt, %jit3A_320, %sign3A_329 : i32
      %sign3A_331 = arith.extui %sign3A_330 : i1 to i32
      %sign3A_332 = arith.constant 0 : i32
      %sign3A_333 = arith.cmpi slt, %jit3A_320, %sign3A_332 : i32
      %sign3A_334 = arith.extui %sign3A_333 : i1 to i32
      %sign3A_335 = arith.subi %sign3A_331, %sign3A_334 : i32
      %ne3A_336 = arith.cmpi ne, %sign3A_328, %sign3A_335 : i32
      %rem3A_337 = arith.remsi %add3A_134, %jit3A_320 : i32
      %ne3A_338 = arith.constant 0 : i32
      %ne3A_339 = arith.cmpi ne, %rem3A_337, %ne3A_338 : i32
      %and3A_340 = arith.andi %ne3A_336, %ne3A_339 : i1
      %sub3A_341 = arith.constant 1 : i32
      %sub3A_342 = arith.subi %div3A_321, %sub3A_341 : i32
      %select_n3A_343 = arith.select %and3A_340, %sub3A_342, %div3A_321 : i32
      %add3A_344 = arith.constant 1 : i32
      %add3A_345 = arith.addi %select_n3A_343, %add3A_344 : i32
      %lt3A_346 = arith.constant 20 : i32
      %lt3A_347 = arith.cmpi slt, %add3A_345, %lt3A_346 : i32
      %and3A_348 = arith.andi %eq3A_319, %lt3A_347 : i1
      %convert_element_type3A_349 = arith.extui %and3A_348 : i1 to i32
      %cond3A_350 = arith.constant 0 : i32
      %cond3A_351 = arith.cmpi ne, %convert_element_type3A_349, %cond3A_350 : i32
      scf.if %cond3A_351 {
        %jit3A_588 = arith.constant 16 : i32
        %div3A_589 = arith.divsi %add3A_134, %jit3A_588 : i32
        %sign3A_590 = arith.constant 0 : i32
        %sign3A_591 = arith.cmpi sgt, %add3A_134, %sign3A_590 : i32
        %sign3A_592 = arith.extui %sign3A_591 : i1 to i32
        %sign3A_593 = arith.constant 0 : i32
        %sign3A_594 = arith.cmpi slt, %add3A_134, %sign3A_593 : i32
        %sign3A_595 = arith.extui %sign3A_594 : i1 to i32
        %sign3A_596 = arith.subi %sign3A_592, %sign3A_595 : i32
        %sign3A_597 = arith.constant 0 : i32
        %sign3A_598 = arith.cmpi sgt, %jit3A_588, %sign3A_597 : i32
        %sign3A_599 = arith.extui %sign3A_598 : i1 to i32
        %sign3A_600 = arith.constant 0 : i32
        %sign3A_601 = arith.cmpi slt, %jit3A_588, %sign3A_600 : i32
        %sign3A_602 = arith.extui %sign3A_601 : i1 to i32
        %sign3A_603 = arith.subi %sign3A_599, %sign3A_602 : i32
        %ne3A_604 = arith.cmpi ne, %sign3A_596, %sign3A_603 : i32
        %rem3A_605 = arith.remsi %add3A_134, %jit3A_588 : i32
        %ne3A_606 = arith.constant 0 : i32
        %ne3A_607 = arith.cmpi ne, %rem3A_605, %ne3A_606 : i32
        %and3A_608 = arith.andi %ne3A_604, %ne3A_607 : i1
        %sub3A_609 = arith.constant 1 : i32
        %sub3A_610 = arith.subi %div3A_589, %sub3A_609 : i32
        %select_n3A_611 = arith.select %and3A_608, %sub3A_610, %div3A_589 : i32
        %add3A_612 = arith.constant 1 : i32
        %add3A_613 = arith.addi %select_n3A_611, %add3A_612 : i32
        %jit3A_614 = arith.constant 2 : i32
        %eq3A_615 = arith.constant 0 : i32
        %eq3A_616 = arith.cmpi eq, %jit3A_614, %eq3A_615 : i32
        %jit3A_617 = arith.constant 1 : i32
        %select_n3A_618 = arith.select %eq3A_616, %jit3A_617, %jit3A_614 : i32
        %rem3A_619 = arith.remsi %add3A_613, %select_n3A_618 : i32
        %ne3A_620 = arith.constant 0 : i32
        %ne3A_621 = arith.cmpi ne, %rem3A_619, %ne3A_620 : i32
        %lt3A_622 = arith.constant 0 : i32
        %lt3A_623 = arith.cmpi slt, %rem3A_619, %lt3A_622 : i32
        %lt3A_624 = arith.constant 0 : i32
        %lt3A_625 = arith.cmpi slt, %select_n3A_618, %lt3A_624 : i32
        %ne3A_626 = arith.xori %lt3A_623, %lt3A_625 : i1
        %and3A_627 = arith.andi %ne3A_626, %ne3A_621 : i1
        %add3A_628 = arith.addi %rem3A_619, %select_n3A_618 : i32
        %select_n3A_629 = arith.select %and3A_627, %add3A_628, %rem3A_619 : i32
        %mul3A_630 = arith.constant 16 : i32
        %mul3A_631 = arith.muli %add3A_613, %mul3A_630 : i32
        %add3A_632 = arith.addi %mul3A_2, %mul3A_631 : i32
        %dma_start3A_633 = arith.constant 0 : i32
        %dma_start3A_634 = arith.constant 0 : i32
        %dma_start3A_635 = arith.constant 0 : i32
        %dma_start3A_636 = tpu.memref_slice %arg12[%select_n3A_629, %dma_start3A_633, %dma_start3A_634, %dma_start3A_635] : memref<2x16x2x32xi32, #tpu.memory_space<vmem>> -> memref<1x16x2x32xi32, #tpu.memory_space<vmem>>
        %dma_start3A_637 = tpu.memref_squeeze %dma_start3A_636 : memref<1x16x2x32xi32, #tpu.memory_space<vmem>> -> memref<16x2x32xi32, #tpu.memory_space<vmem>>
        %dma_start3A_638 = arith.constant 0 : i32
        %dma_start3A_639 = arith.constant 0 : i32
        %dma_start3A_640 = tpu.memref_slice %arg4[%add3A_632, %dma_start3A_638, %dma_start3A_639] : memref<10240x2x32xi32, #tpu.memory_space<hbm>> -> memref<16x2x32xi32, #tpu.memory_space<hbm>>
        %dma_start3A_641 = arith.constant 0 : i32
        %dma_start3A_642 = arith.constant 0 : i32
        %dma_start3A_643 = arith.constant 0 : i32
        %dma_start3A_644 = tpu.memref_slice %arg12[%select_n3A_629, %dma_start3A_641, %dma_start3A_642, %dma_start3A_643] : memref<2x16x2x32xi32, #tpu.memory_space<vmem>> -> memref<1x16x2x32xi32, #tpu.memory_space<vmem>>
        %dma_start3A_645 = tpu.memref_squeeze %dma_start3A_644 : memref<1x16x2x32xi32, #tpu.memory_space<vmem>> -> memref<16x2x32xi32, #tpu.memory_space<vmem>>
        %dma_start3A_646 = arith.constant 0 : i32
        %dma_start3A_647 = arith.constant 0 : i32
        %dma_start3A_648 = tpu.memref_slice %arg4[%add3A_632, %dma_start3A_646, %dma_start3A_647] : memref<10240x2x32xi32, #tpu.memory_space<hbm>> -> memref<16x2x32xi32, #tpu.memory_space<hbm>>
        tpu.enqueue_dma source(%dma_start3A_648 : memref<16x2x32xi32, #tpu.memory_space<hbm>>) target(%dma_start3A_645 : memref<16x2x32xi32, #tpu.memory_space<vmem>>) target_semaphore(%arg16 : memref<!tpu.dma_semaphore, #tpu.memory_space<semaphore_mem>>)
      } else {
      }
      %add3A_352 = arith.constant 1 : i32
      %add3A_353 = arith.addi %add3A_132, %add3A_352 : i32
      %add3A_354 = arith.constant 1 : i32
      %add3A_355 = arith.addi %add3A_353, %add3A_354 : i32
      %jit3A_356 = arith.constant 16 : i32
      %div3A_357 = arith.divsi %add3A_353, %jit3A_356 : i32
      %sign3A_358 = arith.constant 0 : i32
      %sign3A_359 = arith.cmpi sgt, %add3A_353, %sign3A_358 : i32
      %sign3A_360 = arith.extui %sign3A_359 : i1 to i32
      %sign3A_361 = arith.constant 0 : i32
      %sign3A_362 = arith.cmpi slt, %add3A_353, %sign3A_361 : i32
      %sign3A_363 = arith.extui %sign3A_362 : i1 to i32
      %sign3A_364 = arith.subi %sign3A_360, %sign3A_363 : i32
      %sign3A_365 = arith.constant 0 : i32
      %sign3A_366 = arith.cmpi sgt, %jit3A_356, %sign3A_365 : i32
      %sign3A_367 = arith.extui %sign3A_366 : i1 to i32
      %sign3A_368 = arith.constant 0 : i32
      %sign3A_369 = arith.cmpi slt, %jit3A_356, %sign3A_368 : i32
      %sign3A_370 = arith.extui %sign3A_369 : i1 to i32
      %sign3A_371 = arith.subi %sign3A_367, %sign3A_370 : i32
      %ne3A_372 = arith.cmpi ne, %sign3A_364, %sign3A_371 : i32
      %rem3A_373 = arith.remsi %add3A_353, %jit3A_356 : i32
      %ne3A_374 = arith.constant 0 : i32
      %ne3A_375 = arith.cmpi ne, %rem3A_373, %ne3A_374 : i32
      %and3A_376 = arith.andi %ne3A_372, %ne3A_375 : i1
      %sub3A_377 = arith.constant 1 : i32
      %sub3A_378 = arith.subi %div3A_357, %sub3A_377 : i32
      %select_n3A_379 = arith.select %and3A_376, %sub3A_378, %div3A_357 : i32
      %jit3A_380 = arith.constant 2 : i32
      %eq3A_381 = arith.constant 0 : i32
      %eq3A_382 = arith.cmpi eq, %jit3A_380, %eq3A_381 : i32
      %jit3A_383 = arith.constant 1 : i32
      %select_n3A_384 = arith.select %eq3A_382, %jit3A_383, %jit3A_380 : i32
      %rem3A_385 = arith.remsi %select_n3A_379, %select_n3A_384 : i32
      %ne3A_386 = arith.constant 0 : i32
      %ne3A_387 = arith.cmpi ne, %rem3A_385, %ne3A_386 : i32
      %lt3A_388 = arith.constant 0 : i32
      %lt3A_389 = arith.cmpi slt, %rem3A_385, %lt3A_388 : i32
      %lt3A_390 = arith.constant 0 : i32
      %lt3A_391 = arith.cmpi slt, %select_n3A_384, %lt3A_390 : i32
      %ne3A_392 = arith.xori %lt3A_389, %lt3A_391 : i1
      %and3A_393 = arith.andi %ne3A_392, %ne3A_387 : i1
      %add3A_394 = arith.addi %rem3A_385, %select_n3A_384 : i32
      %select_n3A_395 = arith.select %and3A_393, %add3A_394, %rem3A_385 : i32
      %jit3A_396 = arith.constant 16 : i32
      %eq3A_397 = arith.constant 0 : i32
      %eq3A_398 = arith.cmpi eq, %jit3A_396, %eq3A_397 : i32
      %jit3A_399 = arith.constant 1 : i32
      %select_n3A_400 = arith.select %eq3A_398, %jit3A_399, %jit3A_396 : i32
      %rem3A_401 = arith.remsi %add3A_353, %select_n3A_400 : i32
      %ne3A_402 = arith.constant 0 : i32
      %ne3A_403 = arith.cmpi ne, %rem3A_401, %ne3A_402 : i32
      %lt3A_404 = arith.constant 0 : i32
      %lt3A_405 = arith.cmpi slt, %rem3A_401, %lt3A_404 : i32
      %lt3A_406 = arith.constant 0 : i32
      %lt3A_407 = arith.cmpi slt, %select_n3A_400, %lt3A_406 : i32
      %ne3A_408 = arith.xori %lt3A_405, %lt3A_407 : i1
      %and3A_409 = arith.andi %ne3A_408, %ne3A_403 : i1
      %add3A_410 = arith.addi %rem3A_401, %select_n3A_400 : i32
      %select_n3A_411 = arith.select %and3A_409, %add3A_410, %rem3A_401 : i32
      %jit3A_412 = arith.constant 16 : i32
      %eq3A_413 = arith.constant 0 : i32
      %eq3A_414 = arith.cmpi eq, %jit3A_412, %eq3A_413 : i32
      %jit3A_415 = arith.constant 1 : i32
      %select_n3A_416 = arith.select %eq3A_414, %jit3A_415, %jit3A_412 : i32
      %rem3A_417 = arith.remsi %add3A_355, %select_n3A_416 : i32
      %ne3A_418 = arith.constant 0 : i32
      %ne3A_419 = arith.cmpi ne, %rem3A_417, %ne3A_418 : i32
      %lt3A_420 = arith.constant 0 : i32
      %lt3A_421 = arith.cmpi slt, %rem3A_417, %lt3A_420 : i32
      %lt3A_422 = arith.constant 0 : i32
      %lt3A_423 = arith.cmpi slt, %select_n3A_416, %lt3A_422 : i32
      %ne3A_424 = arith.xori %lt3A_421, %lt3A_423 : i1
      %and3A_425 = arith.andi %ne3A_424, %ne3A_419 : i1
      %add3A_426 = arith.addi %rem3A_417, %select_n3A_416 : i32
      %select_n3A_427 = arith.select %and3A_425, %add3A_426, %rem3A_417 : i32
      %eq3A_428 = arith.constant 0 : i32
      %eq3A_429 = arith.cmpi eq, %select_n3A_427, %eq3A_428 : i32
      %lt3A_430 = arith.constant 320 : i32
      %lt3A_431 = arith.cmpi slt, %add3A_355, %lt3A_430 : i32
      %and3A_432 = arith.andi %eq3A_429, %lt3A_431 : i1
      %convert_element_type3A_433 = arith.extui %and3A_432 : i1 to i32
      %cond3A_434 = arith.constant 0 : i32
      %cond3A_435 = arith.cmpi ne, %convert_element_type3A_433, %cond3A_434 : i32
      scf.if %cond3A_435 {
        %jit3A_588 = arith.constant 16 : i32
        %div3A_589 = arith.divsi %add3A_355, %jit3A_588 : i32
        %sign3A_590 = arith.constant 0 : i32
        %sign3A_591 = arith.cmpi sgt, %add3A_355, %sign3A_590 : i32
        %sign3A_592 = arith.extui %sign3A_591 : i1 to i32
        %sign3A_593 = arith.constant 0 : i32
        %sign3A_594 = arith.cmpi slt, %add3A_355, %sign3A_593 : i32
        %sign3A_595 = arith.extui %sign3A_594 : i1 to i32
        %sign3A_596 = arith.subi %sign3A_592, %sign3A_595 : i32
        %sign3A_597 = arith.constant 0 : i32
        %sign3A_598 = arith.cmpi sgt, %jit3A_588, %sign3A_597 : i32
        %sign3A_599 = arith.extui %sign3A_598 : i1 to i32
        %sign3A_600 = arith.constant 0 : i32
        %sign3A_601 = arith.cmpi slt, %jit3A_588, %sign3A_600 : i32
        %sign3A_602 = arith.extui %sign3A_601 : i1 to i32
        %sign3A_603 = arith.subi %sign3A_599, %sign3A_602 : i32
        %ne3A_604 = arith.cmpi ne, %sign3A_596, %sign3A_603 : i32
        %rem3A_605 = arith.remsi %add3A_355, %jit3A_588 : i32
        %ne3A_606 = arith.constant 0 : i32
        %ne3A_607 = arith.cmpi ne, %rem3A_605, %ne3A_606 : i32
        %and3A_608 = arith.andi %ne3A_604, %ne3A_607 : i1
        %sub3A_609 = arith.constant 1 : i32
        %sub3A_610 = arith.subi %div3A_589, %sub3A_609 : i32
        %select_n3A_611 = arith.select %and3A_608, %sub3A_610, %div3A_589 : i32
        %jit3A_612 = arith.constant 16 : i32
        %div3A_613 = arith.divsi %add3A_355, %jit3A_612 : i32
        %sign3A_614 = arith.constant 0 : i32
        %sign3A_615 = arith.cmpi sgt, %add3A_355, %sign3A_614 : i32
        %sign3A_616 = arith.extui %sign3A_615 : i1 to i32
        %sign3A_617 = arith.constant 0 : i32
        %sign3A_618 = arith.cmpi slt, %add3A_355, %sign3A_617 : i32
        %sign3A_619 = arith.extui %sign3A_618 : i1 to i32
        %sign3A_620 = arith.subi %sign3A_616, %sign3A_619 : i32
        %sign3A_621 = arith.constant 0 : i32
        %sign3A_622 = arith.cmpi sgt, %jit3A_612, %sign3A_621 : i32
        %sign3A_623 = arith.extui %sign3A_622 : i1 to i32
        %sign3A_624 = arith.constant 0 : i32
        %sign3A_625 = arith.cmpi slt, %jit3A_612, %sign3A_624 : i32
        %sign3A_626 = arith.extui %sign3A_625 : i1 to i32
        %sign3A_627 = arith.subi %sign3A_623, %sign3A_626 : i32
        %ne3A_628 = arith.cmpi ne, %sign3A_620, %sign3A_627 : i32
        %rem3A_629 = arith.remsi %add3A_355, %jit3A_612 : i32
        %ne3A_630 = arith.constant 0 : i32
        %ne3A_631 = arith.cmpi ne, %rem3A_629, %ne3A_630 : i32
        %and3A_632 = arith.andi %ne3A_628, %ne3A_631 : i1
        %sub3A_633 = arith.constant 1 : i32
        %sub3A_634 = arith.subi %div3A_613, %sub3A_633 : i32
        %select_n3A_635 = arith.select %and3A_632, %sub3A_634, %div3A_613 : i32
        %jit3A_636 = arith.constant 2 : i32
        %eq3A_637 = arith.constant 0 : i32
        %eq3A_638 = arith.cmpi eq, %jit3A_636, %eq3A_637 : i32
        %jit3A_639 = arith.constant 1 : i32
        %select_n3A_640 = arith.select %eq3A_638, %jit3A_639, %jit3A_636 : i32
        %rem3A_641 = arith.remsi %select_n3A_635, %select_n3A_640 : i32
        %ne3A_642 = arith.constant 0 : i32
        %ne3A_643 = arith.cmpi ne, %rem3A_641, %ne3A_642 : i32
        %lt3A_644 = arith.constant 0 : i32
        %lt3A_645 = arith.cmpi slt, %rem3A_641, %lt3A_644 : i32
        %lt3A_646 = arith.constant 0 : i32
        %lt3A_647 = arith.cmpi slt, %select_n3A_640, %lt3A_646 : i32
        %ne3A_648 = arith.xori %lt3A_645, %lt3A_647 : i1
        %and3A_649 = arith.andi %ne3A_648, %ne3A_643 : i1
        %add3A_650 = arith.addi %rem3A_641, %select_n3A_640 : i32
        %select_n3A_651 = arith.select %and3A_649, %add3A_650, %rem3A_641 : i32
        %mul3A_652 = arith.constant 16 : i32
        %mul3A_653 = arith.muli %select_n3A_611, %mul3A_652 : i32
        %add3A_654 = arith.addi %mul3A_2, %mul3A_653 : i32
        %dma_wait3A_655 = arith.constant 0 : i32
        %dma_wait3A_656 = arith.constant 0 : i32
        %dma_wait3A_657 = arith.constant 0 : i32
        %dma_wait3A_658 = tpu.memref_slice %arg12[%select_n3A_651, %dma_wait3A_655, %dma_wait3A_656, %dma_wait3A_657] : memref<2x16x2x32xi32, #tpu.memory_space<vmem>> -> memref<1x16x2x32xi32, #tpu.memory_space<vmem>>
        %dma_wait3A_659 = tpu.memref_squeeze %dma_wait3A_658 : memref<1x16x2x32xi32, #tpu.memory_space<vmem>> -> memref<16x2x32xi32, #tpu.memory_space<vmem>>
        %dma_wait3A_660 = arith.constant 0 : i32
        %dma_wait3A_661 = arith.constant 0 : i32
        %dma_wait3A_662 = tpu.memref_slice %arg4[%add3A_654, %dma_wait3A_660, %dma_wait3A_661] : memref<10240x2x32xi32, #tpu.memory_space<hbm>> -> memref<16x2x32xi32, #tpu.memory_space<hbm>>
        %dma_wait3A_663 = arith.constant 0 : i32
        %dma_wait3A_664 = arith.constant 0 : i32
        %dma_wait3A_665 = arith.constant 0 : i32
        %dma_wait3A_666 = tpu.memref_slice %arg12[%select_n3A_651, %dma_wait3A_663, %dma_wait3A_664, %dma_wait3A_665] : memref<2x16x2x32xi32, #tpu.memory_space<vmem>> -> memref<1x16x2x32xi32, #tpu.memory_space<vmem>>
        %dma_wait3A_667 = tpu.memref_squeeze %dma_wait3A_666 : memref<1x16x2x32xi32, #tpu.memory_space<vmem>> -> memref<16x2x32xi32, #tpu.memory_space<vmem>>
        %dma_wait3A_668 = arith.constant 0 : i32
        %dma_wait3A_669 = arith.constant 0 : i32
        %dma_wait3A_670 = tpu.memref_slice %arg4[%add3A_654, %dma_wait3A_668, %dma_wait3A_669] : memref<10240x2x32xi32, #tpu.memory_space<hbm>> -> memref<16x2x32xi32, #tpu.memory_space<hbm>>
        tpu.wait_dma2 semaphore(%arg16 : memref<!tpu.dma_semaphore, #tpu.memory_space<semaphore_mem>>) src(%dma_wait3A_670 : memref<16x2x32xi32, #tpu.memory_space<hbm>>) dst(%dma_wait3A_667 : memref<16x2x32xi32, #tpu.memory_space<vmem>>)
      } else {
      }
      %lt3A_436 = arith.constant 320 : i32
      %lt3A_437 = arith.cmpi slt, %add3A_355, %lt3A_436 : i32
      %convert_element_type3A_438 = arith.extui %lt3A_437 : i1 to i32
      %cond3A_439 = arith.constant 0 : i32
      %cond3A_440 = arith.cmpi ne, %convert_element_type3A_438, %cond3A_439 : i32
      scf.if %cond3A_440 {
        %jit3A_588 = arith.constant 16 : i32
        %div3A_589 = arith.divsi %add3A_355, %jit3A_588 : i32
        %sign3A_590 = arith.constant 0 : i32
        %sign3A_591 = arith.cmpi sgt, %add3A_355, %sign3A_590 : i32
        %sign3A_592 = arith.extui %sign3A_591 : i1 to i32
        %sign3A_593 = arith.constant 0 : i32
        %sign3A_594 = arith.cmpi slt, %add3A_355, %sign3A_593 : i32
        %sign3A_595 = arith.extui %sign3A_594 : i1 to i32
        %sign3A_596 = arith.subi %sign3A_592, %sign3A_595 : i32
        %sign3A_597 = arith.constant 0 : i32
        %sign3A_598 = arith.cmpi sgt, %jit3A_588, %sign3A_597 : i32
        %sign3A_599 = arith.extui %sign3A_598 : i1 to i32
        %sign3A_600 = arith.constant 0 : i32
        %sign3A_601 = arith.cmpi slt, %jit3A_588, %sign3A_600 : i32
        %sign3A_602 = arith.extui %sign3A_601 : i1 to i32
        %sign3A_603 = arith.subi %sign3A_599, %sign3A_602 : i32
        %ne3A_604 = arith.cmpi ne, %sign3A_596, %sign3A_603 : i32
        %rem3A_605 = arith.remsi %add3A_355, %jit3A_588 : i32
        %ne3A_606 = arith.constant 0 : i32
        %ne3A_607 = arith.cmpi ne, %rem3A_605, %ne3A_606 : i32
        %and3A_608 = arith.andi %ne3A_604, %ne3A_607 : i1
        %sub3A_609 = arith.constant 1 : i32
        %sub3A_610 = arith.subi %div3A_589, %sub3A_609 : i32
        %select_n3A_611 = arith.select %and3A_608, %sub3A_610, %div3A_589 : i32
        %jit3A_612 = arith.constant 2 : i32
        %eq3A_613 = arith.constant 0 : i32
        %eq3A_614 = arith.cmpi eq, %jit3A_612, %eq3A_613 : i32
        %jit3A_615 = arith.constant 1 : i32
        %select_n3A_616 = arith.select %eq3A_614, %jit3A_615, %jit3A_612 : i32
        %rem3A_617 = arith.remsi %select_n3A_611, %select_n3A_616 : i32
        %ne3A_618 = arith.constant 0 : i32
        %ne3A_619 = arith.cmpi ne, %rem3A_617, %ne3A_618 : i32
        %lt3A_620 = arith.constant 0 : i32
        %lt3A_621 = arith.cmpi slt, %rem3A_617, %lt3A_620 : i32
        %lt3A_622 = arith.constant 0 : i32
        %lt3A_623 = arith.cmpi slt, %select_n3A_616, %lt3A_622 : i32
        %ne3A_624 = arith.xori %lt3A_621, %lt3A_623 : i1
        %and3A_625 = arith.andi %ne3A_624, %ne3A_619 : i1
        %add3A_626 = arith.addi %rem3A_617, %select_n3A_616 : i32
        %select_n3A_627 = arith.select %and3A_625, %add3A_626, %rem3A_617 : i32
        %jit3A_628 = arith.constant 16 : i32
        %eq3A_629 = arith.constant 0 : i32
        %eq3A_630 = arith.cmpi eq, %jit3A_628, %eq3A_629 : i32
        %jit3A_631 = arith.constant 1 : i32
        %select_n3A_632 = arith.select %eq3A_630, %jit3A_631, %jit3A_628 : i32
        %rem3A_633 = arith.remsi %add3A_355, %select_n3A_632 : i32
        %ne3A_634 = arith.constant 0 : i32
        %ne3A_635 = arith.cmpi ne, %rem3A_633, %ne3A_634 : i32
        %lt3A_636 = arith.constant 0 : i32
        %lt3A_637 = arith.cmpi slt, %rem3A_633, %lt3A_636 : i32
        %lt3A_638 = arith.constant 0 : i32
        %lt3A_639 = arith.cmpi slt, %select_n3A_632, %lt3A_638 : i32
        %ne3A_640 = arith.xori %lt3A_637, %lt3A_639 : i1
        %and3A_641 = arith.andi %ne3A_640, %ne3A_635 : i1
        %add3A_642 = arith.addi %rem3A_633, %select_n3A_632 : i32
        %select_n3A_643 = arith.select %and3A_641, %add3A_642, %rem3A_633 : i32
        %dma_start3A_644 = arith.constant 0 : i32
        %dma_start3A_645 = arith.constant 0 : i32
        %dma_start3A_646 = tpu.memref_slice %arg12[%select_n3A_627, %select_n3A_643, %dma_start3A_644, %dma_start3A_645] : memref<2x16x2x32xi32, #tpu.memory_space<vmem>> -> memref<1x1x1x32xi32, #tpu.memory_space<vmem>>
        %dma_start3A_647 = tpu.memref_squeeze %dma_start3A_646 : memref<1x1x1x32xi32, #tpu.memory_space<vmem>> -> memref<32xi32, #tpu.memory_space<vmem>>
        %dma_start3A_648 = arith.constant 0 : i32
        %dma_start3A_649 = arith.constant 0 : i32
        %dma_start3A_650 = tpu.memref_slice %arg3[%dma_start3A_648, %dma_start3A_649] : memref<10240x256xf32, #tpu.memory_space<hbm>> -> memref<10240x256xf32, #tpu.memory_space<hbm>>
        tpu.enqueue_indirect_dma source(%dma_start3A_650 : memref<10240x256xf32, #tpu.memory_space<hbm>>) target(%arg6 : memref<32x256xf32, #tpu.memory_space<vmem>>) offsets(%dma_start3A_647 : memref<32xi32, #tpu.memory_space<vmem>>) semaphore(%arg17 : memref<!tpu.dma_semaphore, #tpu.memory_space<semaphore_mem>>)
        %dma_start3A_651 = arith.constant 1 : i32
        %dma_start3A_652 = arith.constant 0 : i32
        %dma_start3A_653 = tpu.memref_slice %arg12[%select_n3A_627, %select_n3A_643, %dma_start3A_651, %dma_start3A_652] : memref<2x16x2x32xi32, #tpu.memory_space<vmem>> -> memref<1x1x1x32xi32, #tpu.memory_space<vmem>>
        %dma_start3A_654 = tpu.memref_squeeze %dma_start3A_653 : memref<1x1x1x32xi32, #tpu.memory_space<vmem>> -> memref<32xi32, #tpu.memory_space<vmem>>
        %dma_start3A_655 = arith.constant 0 : i32
        %dma_start3A_656 = arith.constant 0 : i32
        %dma_start3A_657 = tpu.memref_slice %arg2[%dma_start3A_655, %dma_start3A_656] : memref<10240x128xf32, #tpu.memory_space<hbm>> -> memref<10240x128xf32, #tpu.memory_space<hbm>>
        tpu.enqueue_indirect_dma source(%dma_start3A_657 : memref<10240x128xf32, #tpu.memory_space<hbm>>) target(%arg8 : memref<32x128xf32, #tpu.memory_space<vmem>>) offsets(%dma_start3A_654 : memref<32xi32, #tpu.memory_space<vmem>>) semaphore(%arg17 : memref<!tpu.dma_semaphore, #tpu.memory_space<semaphore_mem>>)
      } else {
      }
      %jit3A_441 = arith.constant 16 : i32
      %div3A_442 = arith.divsi %add3A_353, %jit3A_441 : i32
      %sign3A_443 = arith.constant 0 : i32
      %sign3A_444 = arith.cmpi sgt, %add3A_353, %sign3A_443 : i32
      %sign3A_445 = arith.extui %sign3A_444 : i1 to i32
      %sign3A_446 = arith.constant 0 : i32
      %sign3A_447 = arith.cmpi slt, %add3A_353, %sign3A_446 : i32
      %sign3A_448 = arith.extui %sign3A_447 : i1 to i32
      %sign3A_449 = arith.subi %sign3A_445, %sign3A_448 : i32
      %sign3A_450 = arith.constant 0 : i32
      %sign3A_451 = arith.cmpi sgt, %jit3A_441, %sign3A_450 : i32
      %sign3A_452 = arith.extui %sign3A_451 : i1 to i32
      %sign3A_453 = arith.constant 0 : i32
      %sign3A_454 = arith.cmpi slt, %jit3A_441, %sign3A_453 : i32
      %sign3A_455 = arith.extui %sign3A_454 : i1 to i32
      %sign3A_456 = arith.subi %sign3A_452, %sign3A_455 : i32
      %ne3A_457 = arith.cmpi ne, %sign3A_449, %sign3A_456 : i32
      %rem3A_458 = arith.remsi %add3A_353, %jit3A_441 : i32
      %ne3A_459 = arith.constant 0 : i32
      %ne3A_460 = arith.cmpi ne, %rem3A_458, %ne3A_459 : i32
      %and3A_461 = arith.andi %ne3A_457, %ne3A_460 : i1
      %sub3A_462 = arith.constant 1 : i32
      %sub3A_463 = arith.subi %div3A_442, %sub3A_462 : i32
      %select_n3A_464 = arith.select %and3A_461, %sub3A_463, %div3A_442 : i32
      %jit3A_465 = arith.constant 2 : i32
      %eq3A_466 = arith.constant 0 : i32
      %eq3A_467 = arith.cmpi eq, %jit3A_465, %eq3A_466 : i32
      %jit3A_468 = arith.constant 1 : i32
      %select_n3A_469 = arith.select %eq3A_467, %jit3A_468, %jit3A_465 : i32
      %rem3A_470 = arith.remsi %select_n3A_464, %select_n3A_469 : i32
      %ne3A_471 = arith.constant 0 : i32
      %ne3A_472 = arith.cmpi ne, %rem3A_470, %ne3A_471 : i32
      %lt3A_473 = arith.constant 0 : i32
      %lt3A_474 = arith.cmpi slt, %rem3A_470, %lt3A_473 : i32
      %lt3A_475 = arith.constant 0 : i32
      %lt3A_476 = arith.cmpi slt, %select_n3A_469, %lt3A_475 : i32
      %ne3A_477 = arith.xori %lt3A_474, %lt3A_476 : i1
      %and3A_478 = arith.andi %ne3A_477, %ne3A_472 : i1
      %add3A_479 = arith.addi %rem3A_470, %select_n3A_469 : i32
      %select_n3A_480 = arith.select %and3A_478, %add3A_479, %rem3A_470 : i32
      %jit3A_481 = arith.constant 16 : i32
      %eq3A_482 = arith.constant 0 : i32
      %eq3A_483 = arith.cmpi eq, %jit3A_481, %eq3A_482 : i32
      %jit3A_484 = arith.constant 1 : i32
      %select_n3A_485 = arith.select %eq3A_483, %jit3A_484, %jit3A_481 : i32
      %rem3A_486 = arith.remsi %add3A_353, %select_n3A_485 : i32
      %ne3A_487 = arith.constant 0 : i32
      %ne3A_488 = arith.cmpi ne, %rem3A_486, %ne3A_487 : i32
      %lt3A_489 = arith.constant 0 : i32
      %lt3A_490 = arith.cmpi slt, %rem3A_486, %lt3A_489 : i32
      %lt3A_491 = arith.constant 0 : i32
      %lt3A_492 = arith.cmpi slt, %select_n3A_485, %lt3A_491 : i32
      %ne3A_493 = arith.xori %lt3A_490, %lt3A_492 : i1
      %and3A_494 = arith.andi %ne3A_493, %ne3A_488 : i1
      %add3A_495 = arith.addi %rem3A_486, %select_n3A_485 : i32
      %select_n3A_496 = arith.select %and3A_494, %add3A_495, %rem3A_486 : i32
      %dma_wait3A_497 = arith.constant 0 : i32
      %dma_wait3A_498 = arith.constant 0 : i32
      %dma_wait3A_499 = tpu.memref_slice %arg12[%select_n3A_480, %select_n3A_496, %dma_wait3A_497, %dma_wait3A_498] : memref<2x16x2x32xi32, #tpu.memory_space<vmem>> -> memref<1x1x1x32xi32, #tpu.memory_space<vmem>>
      %dma_wait3A_500 = tpu.memref_squeeze %dma_wait3A_499 : memref<1x1x1x32xi32, #tpu.memory_space<vmem>> -> memref<32xi32, #tpu.memory_space<vmem>>
      %dma_wait3A_501 = arith.constant 0 : i32
      %dma_wait3A_502 = arith.constant 0 : i32
      %dma_wait3A_503 = tpu.memref_slice %arg3[%dma_wait3A_501, %dma_wait3A_502] : memref<10240x256xf32, #tpu.memory_space<hbm>> -> memref<10240x256xf32, #tpu.memory_space<hbm>>
      tpu.wait_indirect_dma semaphore(%arg18 : memref<!tpu.dma_semaphore, #tpu.memory_space<semaphore_mem>>) src(%dma_wait3A_503 : memref<10240x256xf32, #tpu.memory_space<hbm>>) dst(%arg7 : memref<32x256xf32, #tpu.memory_space<vmem>>)
      %dma_wait3A_504 = arith.constant 1 : i32
      %dma_wait3A_505 = arith.constant 0 : i32
      %dma_wait3A_506 = tpu.memref_slice %arg12[%select_n3A_480, %select_n3A_496, %dma_wait3A_504, %dma_wait3A_505] : memref<2x16x2x32xi32, #tpu.memory_space<vmem>> -> memref<1x1x1x32xi32, #tpu.memory_space<vmem>>
      %dma_wait3A_507 = tpu.memref_squeeze %dma_wait3A_506 : memref<1x1x1x32xi32, #tpu.memory_space<vmem>> -> memref<32xi32, #tpu.memory_space<vmem>>
      %dma_wait3A_508 = arith.constant 0 : i32
      %dma_wait3A_509 = arith.constant 0 : i32
      %dma_wait3A_510 = tpu.memref_slice %arg2[%dma_wait3A_508, %dma_wait3A_509] : memref<10240x128xf32, #tpu.memory_space<hbm>> -> memref<10240x128xf32, #tpu.memory_space<hbm>>
      tpu.wait_indirect_dma semaphore(%arg18 : memref<!tpu.dma_semaphore, #tpu.memory_space<semaphore_mem>>) src(%dma_wait3A_510 : memref<10240x128xf32, #tpu.memory_space<hbm>>) dst(%arg9 : memref<32x128xf32, #tpu.memory_space<vmem>>)
      %ge3A_511 = arith.constant 2 : i32
      %ge3A_512 = arith.cmpi sge, %add3A_353, %ge3A_511 : i32
      %convert_element_type3A_513 = arith.extui %ge3A_512 : i1 to i32
      %cond3A_514 = arith.constant 0 : i32
      %cond3A_515 = arith.cmpi ne, %convert_element_type3A_513, %cond3A_514 : i32
      scf.if %cond3A_515 {
        %dma_wait3A_588 = arith.constant 0 : i32
        %dma_wait3A_589 = arith.constant 0 : i32
        %dma_wait3A_590 = tpu.memref_slice %arg15[%dma_wait3A_588, %dma_wait3A_589] : memref<10240x144xf32, #tpu.memory_space<vmem_shared>> -> memref<10240x144xf32, #tpu.memory_space<vmem_shared>>
        tpu.wait_indirect_dma semaphore(%arg20 : memref<!tpu.dma_semaphore, #tpu.memory_space<semaphore_mem>>) src(%arg11 : memref<32x144xf32, #tpu.memory_space<vmem>>) dst(%dma_wait3A_590 : memref<10240x144xf32, #tpu.memory_space<vmem_shared>>)
      } else {
      }
      %parallel_loop3A_516 = arith.constant 0 : i32
      %parallel_loop3A_517 = arith.constant 32 : i32
      %parallel_loop3A_518 = arith.constant 1 : i32
      scf.for %parallel_loop3A_588 = %parallel_loop3A_516 to %parallel_loop3A_517 step %parallel_loop3A_518  : i32 {
        %parallel_loop3A_589 = arith.index_cast %parallel_loop3A_588 : i32 to index
        %parallel_loop3A_590 = arith.constant 0 : index
        %parallel_loop3A_591 = tpu.vector_load %arg7[%parallel_loop3A_589, %parallel_loop3A_590] {strides = array<i32>} : memref<32x256xf32, #tpu.memory_space<vmem>>, vector<16xf32>,
        %parallel_loop3A_592 = arith.index_cast %parallel_loop3A_588 : i32 to index
        %parallel_loop3A_593 = arith.constant 0 : index
        %parallel_loop3A_594 = tpu.vector_load %arg9[%parallel_loop3A_592, %parallel_loop3A_593] {strides = array<i32>} : memref<32x128xf32, #tpu.memory_space<vmem>>, vector<16xf32>,
        %parallel_loop3A_595 = arith.mulf %parallel_loop3A_591, %parallel_loop3A_594 : vector<16xf32>
        %parallel_loop3A_596 = arith.constant true
        %parallel_loop3A_597 = vector.broadcast %parallel_loop3A_596 : i1 to vector<16xi1>
        %parallel_loop3A_598 = tpu.scan <sum>, %parallel_loop3A_595 masked %parallel_loop3A_597 : vector<16xf32>, vector<16xi1> -> vector<16xf32>
        %parallel_loop3A_599 = vector.shape_cast %broadcast_in_dim3A_37 : vector<16x1xi32> to vector<16xi32>
        %parallel_loop3A_600 = tpu.dynamic_gather %parallel_loop3A_598[%parallel_loop3A_599] in [0] : vector<16xf32>, vector<16xi32> -> vector<16xf32>
        %parallel_loop3A_601 = arith.constant -5.000000e+00 : f32
        %parallel_loop3A_602 = vector.broadcast %parallel_loop3A_601 : f32 to vector<16xf32>
        %parallel_loop3A_603 = arith.maximumf %parallel_loop3A_600, %parallel_loop3A_602 : vector<16xf32>
        %parallel_loop3A_604 = arith.constant 5.000000e+00 : f32
        %parallel_loop3A_605 = vector.broadcast %parallel_loop3A_604 : f32 to vector<16xf32>
        %parallel_loop3A_606 = arith.minimumf %parallel_loop3A_603, %parallel_loop3A_605 : vector<16xf32>
        %parallel_loop3A_607 = math.exp %parallel_loop3A_606 : vector<16xf32>
        %parallel_loop3A_608 = arith.index_cast %parallel_loop3A_588 : i32 to index
        %parallel_loop3A_609 = arith.constant 128 : index
        %parallel_loop3A_610 = tpu.vector_load %arg7[%parallel_loop3A_608, %parallel_loop3A_609] {strides = array<i32>} : memref<32x256xf32, #tpu.memory_space<vmem>>, vector<16xf32>,
        %parallel_loop3A_611 = arith.mulf %parallel_loop3A_610, %parallel_loop3A_607 : vector<16xf32>
        %parallel_loop3A_612 = arith.index_cast %parallel_loop3A_588 : i32 to index
        %parallel_loop3A_613 = arith.constant 0 : index
        %parallel_loop3A_614 = tpu.vector_load %arg11[%parallel_loop3A_612, %parallel_loop3A_613] {strides = array<i32>} : memref<32x144xf32, #tpu.memory_space<vmem>>, vector<16xf32>,
        tpu.vector_store %arg11[%parallel_loop3A_612, %parallel_loop3A_613], %parallel_loop3A_611 {strides = array<i32>} : memref<32x144xf32, #tpu.memory_space<vmem>>, vector<16xf32>,
        %parallel_loop3A_615 = arith.select %eq3A_5, %parallel_loop3A_607, %broadcast_in_dim3A_3 : vector<16xi1>, vector<16xf32>
        %parallel_loop3A_616 = arith.index_cast %parallel_loop3A_588 : i32 to index
        %parallel_loop3A_617 = arith.constant 16 : index
        %parallel_loop3A_618 = tpu.vector_load %arg7[%parallel_loop3A_616, %parallel_loop3A_617] {strides = array<i32>} : memref<32x256xf32, #tpu.memory_space<vmem>>, vector<16xf32>,
        %parallel_loop3A_619 = arith.index_cast %parallel_loop3A_588 : i32 to index
        %parallel_loop3A_620 = arith.constant 16 : index
        %parallel_loop3A_621 = tpu.vector_load %arg9[%parallel_loop3A_619, %parallel_loop3A_620] {strides = array<i32>} : memref<32x128xf32, #tpu.memory_space<vmem>>, vector<16xf32>,
        %parallel_loop3A_622 = arith.mulf %parallel_loop3A_618, %parallel_loop3A_621 : vector<16xf32>
        %parallel_loop3A_623 = arith.constant true
        %parallel_loop3A_624 = vector.broadcast %parallel_loop3A_623 : i1 to vector<16xi1>
        %parallel_loop3A_625 = tpu.scan <sum>, %parallel_loop3A_622 masked %parallel_loop3A_624 : vector<16xf32>, vector<16xi1> -> vector<16xf32>
        %parallel_loop3A_626 = vector.shape_cast %broadcast_in_dim3A_37 : vector<16x1xi32> to vector<16xi32>
        %parallel_loop3A_627 = tpu.dynamic_gather %parallel_loop3A_625[%parallel_loop3A_626] in [0] : vector<16xf32>, vector<16xi32> -> vector<16xf32>
        %parallel_loop3A_628 = arith.constant -5.000000e+00 : f32
        %parallel_loop3A_629 = vector.broadcast %parallel_loop3A_628 : f32 to vector<16xf32>
        %parallel_loop3A_630 = arith.maximumf %parallel_loop3A_627, %parallel_loop3A_629 : vector<16xf32>
        %parallel_loop3A_631 = arith.constant 5.000000e+00 : f32
        %parallel_loop3A_632 = vector.broadcast %parallel_loop3A_631 : f32 to vector<16xf32>
        %parallel_loop3A_633 = arith.minimumf %parallel_loop3A_630, %parallel_loop3A_632 : vector<16xf32>
        %parallel_loop3A_634 = math.exp %parallel_loop3A_633 : vector<16xf32>
        %parallel_loop3A_635 = arith.index_cast %parallel_loop3A_588 : i32 to index
        %parallel_loop3A_636 = arith.constant 144 : index
        %parallel_loop3A_637 = tpu.vector_load %arg7[%parallel_loop3A_635, %parallel_loop3A_636] {strides = array<i32>} : memref<32x256xf32, #tpu.memory_space<vmem>>, vector<16xf32>,
        %parallel_loop3A_638 = arith.mulf %parallel_loop3A_637, %parallel_loop3A_634 : vector<16xf32>
        %parallel_loop3A_639 = arith.index_cast %parallel_loop3A_588 : i32 to index
        %parallel_loop3A_640 = arith.constant 16 : index
        %parallel_loop3A_641 = tpu.vector_load %arg11[%parallel_loop3A_639, %parallel_loop3A_640] {strides = array<i32>} : memref<32x144xf32, #tpu.memory_space<vmem>>, vector<16xf32>,
        tpu.vector_store %arg11[%parallel_loop3A_639, %parallel_loop3A_640], %parallel_loop3A_638 {strides = array<i32>} : memref<32x144xf32, #tpu.memory_space<vmem>>, vector<16xf32>,
        %parallel_loop3A_642 = arith.select %eq3A_8, %parallel_loop3A_634, %parallel_loop3A_615 : vector<16xi1>, vector<16xf32>
        %parallel_loop3A_643 = arith.index_cast %parallel_loop3A_588 : i32 to index
        %parallel_loop3A_644 = arith.constant 32 : index
        %parallel_loop3A_645 = tpu.vector_load %arg7[%parallel_loop3A_643, %parallel_loop3A_644] {strides = array<i32>} : memref<32x256xf32, #tpu.memory_space<vmem>>, vector<16xf32>,
        %parallel_loop3A_646 = arith.index_cast %parallel_loop3A_588 : i32 to index
        %parallel_loop3A_647 = arith.constant 32 : index
        %parallel_loop3A_648 = tpu.vector_load %arg9[%parallel_loop3A_646, %parallel_loop3A_647] {strides = array<i32>} : memref<32x128xf32, #tpu.memory_space<vmem>>, vector<16xf32>,
        %parallel_loop3A_649 = arith.mulf %parallel_loop3A_645, %parallel_loop3A_648 : vector<16xf32>
        %parallel_loop3A_650 = arith.constant true
        %parallel_loop3A_651 = vector.broadcast %parallel_loop3A_650 : i1 to vector<16xi1>
        %parallel_loop3A_652 = tpu.scan <sum>, %parallel_loop3A_649 masked %parallel_loop3A_651 : vector<16xf32>, vector<16xi1> -> vector<16xf32>
        %parallel_loop3A_653 = vector.shape_cast %broadcast_in_dim3A_37 : vector<16x1xi32> to vector<16xi32>
        %parallel_loop3A_654 = tpu.dynamic_gather %parallel_loop3A_652[%parallel_loop3A_653] in [0] : vector<16xf32>, vector<16xi32> -> vector<16xf32>
        %parallel_loop3A_655 = arith.constant -5.000000e+00 : f32
        %parallel_loop3A_656 = vector.broadcast %parallel_loop3A_655 : f32 to vector<16xf32>
        %parallel_loop3A_657 = arith.maximumf %parallel_loop3A_654, %parallel_loop3A_656 : vector<16xf32>
        %parallel_loop3A_658 = arith.constant 5.000000e+00 : f32
        %parallel_loop3A_659 = vector.broadcast %parallel_loop3A_658 : f32 to vector<16xf32>
        %parallel_loop3A_660 = arith.minimumf %parallel_loop3A_657, %parallel_loop3A_659 : vector<16xf32>
        %parallel_loop3A_661 = math.exp %parallel_loop3A_660 : vector<16xf32>
        %parallel_loop3A_662 = arith.index_cast %parallel_loop3A_588 : i32 to index
        %parallel_loop3A_663 = arith.constant 160 : index
        %parallel_loop3A_664 = tpu.vector_load %arg7[%parallel_loop3A_662, %parallel_loop3A_663] {strides = array<i32>} : memref<32x256xf32, #tpu.memory_space<vmem>>, vector<16xf32>,
        %parallel_loop3A_665 = arith.mulf %parallel_loop3A_664, %parallel_loop3A_661 : vector<16xf32>
        %parallel_loop3A_666 = arith.index_cast %parallel_loop3A_588 : i32 to index
        %parallel_loop3A_667 = arith.constant 32 : index
        %parallel_loop3A_668 = tpu.vector_load %arg11[%parallel_loop3A_666, %parallel_loop3A_667] {strides = array<i32>} : memref<32x144xf32, #tpu.memory_space<vmem>>, vector<16xf32>,
        tpu.vector_store %arg11[%parallel_loop3A_666, %parallel_loop3A_667], %parallel_loop3A_665 {strides = array<i32>} : memref<32x144xf32, #tpu.memory_space<vmem>>, vector<16xf32>,
        %parallel_loop3A_669 = arith.select %eq3A_11, %parallel_loop3A_661, %parallel_loop3A_642 : vector<16xi1>, vector<16xf32>
        %parallel_loop3A_670 = arith.index_cast %parallel_loop3A_588 : i32 to index
        %parallel_loop3A_671 = arith.constant 48 : index
        %parallel_loop3A_672 = tpu.vector_load %arg7[%parallel_loop3A_670, %parallel_loop3A_671] {strides = array<i32>} : memref<32x256xf32, #tpu.memory_space<vmem>>, vector<16xf32>,
        %parallel_loop3A_673 = arith.index_cast %parallel_loop3A_588 : i32 to index
        %parallel_loop3A_674 = arith.constant 48 : index
        %parallel_loop3A_675 = tpu.vector_load %arg9[%parallel_loop3A_673, %parallel_loop3A_674] {strides = array<i32>} : memref<32x128xf32, #tpu.memory_space<vmem>>, vector<16xf32>,
        %parallel_loop3A_676 = arith.mulf %parallel_loop3A_672, %parallel_loop3A_675 : vector<16xf32>
        %parallel_loop3A_677 = arith.constant true
        %parallel_loop3A_678 = vector.broadcast %parallel_loop3A_677 : i1 to vector<16xi1>
        %parallel_loop3A_679 = tpu.scan <sum>, %parallel_loop3A_676 masked %parallel_loop3A_678 : vector<16xf32>, vector<16xi1> -> vector<16xf32>
        %parallel_loop3A_680 = vector.shape_cast %broadcast_in_dim3A_37 : vector<16x1xi32> to vector<16xi32>
        %parallel_loop3A_681 = tpu.dynamic_gather %parallel_loop3A_679[%parallel_loop3A_680] in [0] : vector<16xf32>, vector<16xi32> -> vector<16xf32>
        %parallel_loop3A_682 = arith.constant -5.000000e+00 : f32
        %parallel_loop3A_683 = vector.broadcast %parallel_loop3A_682 : f32 to vector<16xf32>
        %parallel_loop3A_684 = arith.maximumf %parallel_loop3A_681, %parallel_loop3A_683 : vector<16xf32>
        %parallel_loop3A_685 = arith.constant 5.000000e+00 : f32
        %parallel_loop3A_686 = vector.broadcast %parallel_loop3A_685 : f32 to vector<16xf32>
        %parallel_loop3A_687 = arith.minimumf %parallel_loop3A_684, %parallel_loop3A_686 : vector<16xf32>
        %parallel_loop3A_688 = math.exp %parallel_loop3A_687 : vector<16xf32>
        %parallel_loop3A_689 = arith.index_cast %parallel_loop3A_588 : i32 to index
        %parallel_loop3A_690 = arith.constant 176 : index
        %parallel_loop3A_691 = tpu.vector_load %arg7[%parallel_loop3A_689, %parallel_loop3A_690] {strides = array<i32>} : memref<32x256xf32, #tpu.memory_space<vmem>>, vector<16xf32>,
        %parallel_loop3A_692 = arith.mulf %parallel_loop3A_691, %parallel_loop3A_688 : vector<16xf32>
        %parallel_loop3A_693 = arith.index_cast %parallel_loop3A_588 : i32 to index
        %parallel_loop3A_694 = arith.constant 48 : index
        %parallel_loop3A_695 = tpu.vector_load %arg11[%parallel_loop3A_693, %parallel_loop3A_694] {strides = array<i32>} : memref<32x144xf32, #tpu.memory_space<vmem>>, vector<16xf32>,
        tpu.vector_store %arg11[%parallel_loop3A_693, %parallel_loop3A_694], %parallel_loop3A_692 {strides = array<i32>} : memref<32x144xf32, #tpu.memory_space<vmem>>, vector<16xf32>,
        %parallel_loop3A_696 = arith.select %eq3A_14, %parallel_loop3A_688, %parallel_loop3A_669 : vector<16xi1>, vector<16xf32>
        %parallel_loop3A_697 = arith.index_cast %parallel_loop3A_588 : i32 to index
        %parallel_loop3A_698 = arith.constant 64 : index
        %parallel_loop3A_699 = tpu.vector_load %arg7[%parallel_loop3A_697, %parallel_loop3A_698] {strides = array<i32>} : memref<32x256xf32, #tpu.memory_space<vmem>>, vector<16xf32>,
        %parallel_loop3A_700 = arith.index_cast %parallel_loop3A_588 : i32 to index
        %parallel_loop3A_701 = arith.constant 64 : index
        %parallel_loop3A_702 = tpu.vector_load %arg9[%parallel_loop3A_700, %parallel_loop3A_701] {strides = array<i32>} : memref<32x128xf32, #tpu.memory_space<vmem>>, vector<16xf32>,
        %parallel_loop3A_703 = arith.mulf %parallel_loop3A_699, %parallel_loop3A_702 : vector<16xf32>
        %parallel_loop3A_704 = arith.constant true
        %parallel_loop3A_705 = vector.broadcast %parallel_loop3A_704 : i1 to vector<16xi1>
        %parallel_loop3A_706 = tpu.scan <sum>, %parallel_loop3A_703 masked %parallel_loop3A_705 : vector<16xf32>, vector<16xi1> -> vector<16xf32>
        %parallel_loop3A_707 = vector.shape_cast %broadcast_in_dim3A_37 : vector<16x1xi32> to vector<16xi32>
        %parallel_loop3A_708 = tpu.dynamic_gather %parallel_loop3A_706[%parallel_loop3A_707] in [0] : vector<16xf32>, vector<16xi32> -> vector<16xf32>
        %parallel_loop3A_709 = arith.constant -5.000000e+00 : f32
        %parallel_loop3A_710 = vector.broadcast %parallel_loop3A_709 : f32 to vector<16xf32>
        %parallel_loop3A_711 = arith.maximumf %parallel_loop3A_708, %parallel_loop3A_710 : vector<16xf32>
        %parallel_loop3A_712 = arith.constant 5.000000e+00 : f32
        %parallel_loop3A_713 = vector.broadcast %parallel_loop3A_712 : f32 to vector<16xf32>
        %parallel_loop3A_714 = arith.minimumf %parallel_loop3A_711, %parallel_loop3A_713 : vector<16xf32>
        %parallel_loop3A_715 = math.exp %parallel_loop3A_714 : vector<16xf32>
        %parallel_loop3A_716 = arith.index_cast %parallel_loop3A_588 : i32 to index
        %parallel_loop3A_717 = arith.constant 192 : index
        %parallel_loop3A_718 = tpu.vector_load %arg7[%parallel_loop3A_716, %parallel_loop3A_717] {strides = array<i32>} : memref<32x256xf32, #tpu.memory_space<vmem>>, vector<16xf32>,
        %parallel_loop3A_719 = arith.mulf %parallel_loop3A_718, %parallel_loop3A_715 : vector<16xf32>
        %parallel_loop3A_720 = arith.index_cast %parallel_loop3A_588 : i32 to index
        %parallel_loop3A_721 = arith.constant 64 : index
        %parallel_loop3A_722 = tpu.vector_load %arg11[%parallel_loop3A_720, %parallel_loop3A_721] {strides = array<i32>} : memref<32x144xf32, #tpu.memory_space<vmem>>, vector<16xf32>,
        tpu.vector_store %arg11[%parallel_loop3A_720, %parallel_loop3A_721], %parallel_loop3A_719 {strides = array<i32>} : memref<32x144xf32, #tpu.memory_space<vmem>>, vector<16xf32>,
        %parallel_loop3A_723 = arith.select %eq3A_17, %parallel_loop3A_715, %parallel_loop3A_696 : vector<16xi1>, vector<16xf32>
        %parallel_loop3A_724 = arith.index_cast %parallel_loop3A_588 : i32 to index
        %parallel_loop3A_725 = arith.constant 80 : index
        %parallel_loop3A_726 = tpu.vector_load %arg7[%parallel_loop3A_724, %parallel_loop3A_725] {strides = array<i32>} : memref<32x256xf32, #tpu.memory_space<vmem>>, vector<16xf32>,
        %parallel_loop3A_727 = arith.index_cast %parallel_loop3A_588 : i32 to index
        %parallel_loop3A_728 = arith.constant 80 : index
        %parallel_loop3A_729 = tpu.vector_load %arg9[%parallel_loop3A_727, %parallel_loop3A_728] {strides = array<i32>} : memref<32x128xf32, #tpu.memory_space<vmem>>, vector<16xf32>,
        %parallel_loop3A_730 = arith.mulf %parallel_loop3A_726, %parallel_loop3A_729 : vector<16xf32>
        %parallel_loop3A_731 = arith.constant true
        %parallel_loop3A_732 = vector.broadcast %parallel_loop3A_731 : i1 to vector<16xi1>
        %parallel_loop3A_733 = tpu.scan <sum>, %parallel_loop3A_730 masked %parallel_loop3A_732 : vector<16xf32>, vector<16xi1> -> vector<16xf32>
        %parallel_loop3A_734 = vector.shape_cast %broadcast_in_dim3A_37 : vector<16x1xi32> to vector<16xi32>
        %parallel_loop3A_735 = tpu.dynamic_gather %parallel_loop3A_733[%parallel_loop3A_734] in [0] : vector<16xf32>, vector<16xi32> -> vector<16xf32>
        %parallel_loop3A_736 = arith.constant -5.000000e+00 : f32
        %parallel_loop3A_737 = vector.broadcast %parallel_loop3A_736 : f32 to vector<16xf32>
        %parallel_loop3A_738 = arith.maximumf %parallel_loop3A_735, %parallel_loop3A_737 : vector<16xf32>
        %parallel_loop3A_739 = arith.constant 5.000000e+00 : f32
        %parallel_loop3A_740 = vector.broadcast %parallel_loop3A_739 : f32 to vector<16xf32>
        %parallel_loop3A_741 = arith.minimumf %parallel_loop3A_738, %parallel_loop3A_740 : vector<16xf32>
        %parallel_loop3A_742 = math.exp %parallel_loop3A_741 : vector<16xf32>
        %parallel_loop3A_743 = arith.index_cast %parallel_loop3A_588 : i32 to index
        %parallel_loop3A_744 = arith.constant 208 : index
        %parallel_loop3A_745 = tpu.vector_load %arg7[%parallel_loop3A_743, %parallel_loop3A_744] {strides = array<i32>} : memref<32x256xf32, #tpu.memory_space<vmem>>, vector<16xf32>,
        %parallel_loop3A_746 = arith.mulf %parallel_loop3A_745, %parallel_loop3A_742 : vector<16xf32>
        %parallel_loop3A_747 = arith.index_cast %parallel_loop3A_588 : i32 to index
        %parallel_loop3A_748 = arith.constant 80 : index
        %parallel_loop3A_749 = tpu.vector_load %arg11[%parallel_loop3A_747, %parallel_loop3A_748] {strides = array<i32>} : memref<32x144xf32, #tpu.memory_space<vmem>>, vector<16xf32>,
        tpu.vector_store %arg11[%parallel_loop3A_747, %parallel_loop3A_748], %parallel_loop3A_746 {strides = array<i32>} : memref<32x144xf32, #tpu.memory_space<vmem>>, vector<16xf32>,
        %parallel_loop3A_750 = arith.select %eq3A_20, %parallel_loop3A_742, %parallel_loop3A_723 : vector<16xi1>, vector<16xf32>
        %parallel_loop3A_751 = arith.index_cast %parallel_loop3A_588 : i32 to index
        %parallel_loop3A_752 = arith.constant 96 : index
        %parallel_loop3A_753 = tpu.vector_load %arg7[%parallel_loop3A_751, %parallel_loop3A_752] {strides = array<i32>} : memref<32x256xf32, #tpu.memory_space<vmem>>, vector<16xf32>,
        %parallel_loop3A_754 = arith.index_cast %parallel_loop3A_588 : i32 to index
        %parallel_loop3A_755 = arith.constant 96 : index
        %parallel_loop3A_756 = tpu.vector_load %arg9[%parallel_loop3A_754, %parallel_loop3A_755] {strides = array<i32>} : memref<32x128xf32, #tpu.memory_space<vmem>>, vector<16xf32>,
        %parallel_loop3A_757 = arith.mulf %parallel_loop3A_753, %parallel_loop3A_756 : vector<16xf32>
        %parallel_loop3A_758 = arith.constant true
        %parallel_loop3A_759 = vector.broadcast %parallel_loop3A_758 : i1 to vector<16xi1>
        %parallel_loop3A_760 = tpu.scan <sum>, %parallel_loop3A_757 masked %parallel_loop3A_759 : vector<16xf32>, vector<16xi1> -> vector<16xf32>
        %parallel_loop3A_761 = vector.shape_cast %broadcast_in_dim3A_37 : vector<16x1xi32> to vector<16xi32>
        %parallel_loop3A_762 = tpu.dynamic_gather %parallel_loop3A_760[%parallel_loop3A_761] in [0] : vector<16xf32>, vector<16xi32> -> vector<16xf32>
        %parallel_loop3A_763 = arith.constant -5.000000e+00 : f32
        %parallel_loop3A_764 = vector.broadcast %parallel_loop3A_763 : f32 to vector<16xf32>
        %parallel_loop3A_765 = arith.maximumf %parallel_loop3A_762, %parallel_loop3A_764 : vector<16xf32>
        %parallel_loop3A_766 = arith.constant 5.000000e+00 : f32
        %parallel_loop3A_767 = vector.broadcast %parallel_loop3A_766 : f32 to vector<16xf32>
        %parallel_loop3A_768 = arith.minimumf %parallel_loop3A_765, %parallel_loop3A_767 : vector<16xf32>
        %parallel_loop3A_769 = math.exp %parallel_loop3A_768 : vector<16xf32>
        %parallel_loop3A_770 = arith.index_cast %parallel_loop3A_588 : i32 to index
        %parallel_loop3A_771 = arith.constant 224 : index
        %parallel_loop3A_772 = tpu.vector_load %arg7[%parallel_loop3A_770, %parallel_loop3A_771] {strides = array<i32>} : memref<32x256xf32, #tpu.memory_space<vmem>>, vector<16xf32>,
        %parallel_loop3A_773 = arith.mulf %parallel_loop3A_772, %parallel_loop3A_769 : vector<16xf32>
        %parallel_loop3A_774 = arith.index_cast %parallel_loop3A_588 : i32 to index
        %parallel_loop3A_775 = arith.constant 96 : index
        %parallel_loop3A_776 = tpu.vector_load %arg11[%parallel_loop3A_774, %parallel_loop3A_775] {strides = array<i32>} : memref<32x144xf32, #tpu.memory_space<vmem>>, vector<16xf32>,
        tpu.vector_store %arg11[%parallel_loop3A_774, %parallel_loop3A_775], %parallel_loop3A_773 {strides = array<i32>} : memref<32x144xf32, #tpu.memory_space<vmem>>, vector<16xf32>,
        %parallel_loop3A_777 = arith.select %eq3A_23, %parallel_loop3A_769, %parallel_loop3A_750 : vector<16xi1>, vector<16xf32>
        %parallel_loop3A_778 = arith.index_cast %parallel_loop3A_588 : i32 to index
        %parallel_loop3A_779 = arith.constant 112 : index
        %parallel_loop3A_780 = tpu.vector_load %arg7[%parallel_loop3A_778, %parallel_loop3A_779] {strides = array<i32>} : memref<32x256xf32, #tpu.memory_space<vmem>>, vector<16xf32>,
        %parallel_loop3A_781 = arith.index_cast %parallel_loop3A_588 : i32 to index
        %parallel_loop3A_782 = arith.constant 112 : index
        %parallel_loop3A_783 = tpu.vector_load %arg9[%parallel_loop3A_781, %parallel_loop3A_782] {strides = array<i32>} : memref<32x128xf32, #tpu.memory_space<vmem>>, vector<16xf32>,
        %parallel_loop3A_784 = arith.mulf %parallel_loop3A_780, %parallel_loop3A_783 : vector<16xf32>
        %parallel_loop3A_785 = arith.constant true
        %parallel_loop3A_786 = vector.broadcast %parallel_loop3A_785 : i1 to vector<16xi1>
        %parallel_loop3A_787 = tpu.scan <sum>, %parallel_loop3A_784 masked %parallel_loop3A_786 : vector<16xf32>, vector<16xi1> -> vector<16xf32>
        %parallel_loop3A_788 = vector.shape_cast %broadcast_in_dim3A_37 : vector<16x1xi32> to vector<16xi32>
        %parallel_loop3A_789 = tpu.dynamic_gather %parallel_loop3A_787[%parallel_loop3A_788] in [0] : vector<16xf32>, vector<16xi32> -> vector<16xf32>
        %parallel_loop3A_790 = arith.constant -5.000000e+00 : f32
        %parallel_loop3A_791 = vector.broadcast %parallel_loop3A_790 : f32 to vector<16xf32>
        %parallel_loop3A_792 = arith.maximumf %parallel_loop3A_789, %parallel_loop3A_791 : vector<16xf32>
        %parallel_loop3A_793 = arith.constant 5.000000e+00 : f32
        %parallel_loop3A_794 = vector.broadcast %parallel_loop3A_793 : f32 to vector<16xf32>
        %parallel_loop3A_795 = arith.minimumf %parallel_loop3A_792, %parallel_loop3A_794 : vector<16xf32>
        %parallel_loop3A_796 = math.exp %parallel_loop3A_795 : vector<16xf32>
        %parallel_loop3A_797 = arith.index_cast %parallel_loop3A_588 : i32 to index
        %parallel_loop3A_798 = arith.constant 240 : index
        %parallel_loop3A_799 = tpu.vector_load %arg7[%parallel_loop3A_797, %parallel_loop3A_798] {strides = array<i32>} : memref<32x256xf32, #tpu.memory_space<vmem>>, vector<16xf32>,
        %parallel_loop3A_800 = arith.mulf %parallel_loop3A_799, %parallel_loop3A_796 : vector<16xf32>
        %parallel_loop3A_801 = arith.index_cast %parallel_loop3A_588 : i32 to index
        %parallel_loop3A_802 = arith.constant 112 : index
        %parallel_loop3A_803 = tpu.vector_load %arg11[%parallel_loop3A_801, %parallel_loop3A_802] {strides = array<i32>} : memref<32x144xf32, #tpu.memory_space<vmem>>, vector<16xf32>,
        tpu.vector_store %arg11[%parallel_loop3A_801, %parallel_loop3A_802], %parallel_loop3A_800 {strides = array<i32>} : memref<32x144xf32, #tpu.memory_space<vmem>>, vector<16xf32>,
        %parallel_loop3A_804 = arith.select %eq3A_26, %parallel_loop3A_796, %parallel_loop3A_777 : vector<16xi1>, vector<16xf32>
        %parallel_loop3A_805 = arith.index_cast %parallel_loop3A_588 : i32 to index
        %parallel_loop3A_806 = arith.constant 128 : index
        %parallel_loop3A_807 = tpu.vector_load %arg11[%parallel_loop3A_805, %parallel_loop3A_806] {strides = array<i32>} : memref<32x144xf32, #tpu.memory_space<vmem>>, vector<16xf32>,
        tpu.vector_store %arg11[%parallel_loop3A_805, %parallel_loop3A_806], %parallel_loop3A_804 {strides = array<i32>} : memref<32x144xf32, #tpu.memory_space<vmem>>, vector<16xf32>,
      } {sc.loop_unroll_factor = 2 : i64, sc.parallel_access}
      %get3A_519 = arith.constant 1 : i32
      %get3A_520 = arith.index_cast %select_n3A_395 : i32 to index
      %get3A_521 = arith.index_cast %select_n3A_411 : i32 to index
      %get3A_522 = arith.index_cast %get3A_519 : i32 to index
      %get3A_523 = arith.constant 0 : index
      %get3A_524 = tpu.vector_load %arg12[%get3A_520, %get3A_521, %get3A_522, %get3A_523] {strides = array<i32>} : memref<2x16x2x32xi32, #tpu.memory_space<vmem>>, vector<16xi32>,
      %swap3A_525 = arith.constant 0 : index
      %swap3A_526 = tpu.vector_load %arg14[%swap3A_525] {strides = array<i32>} : memref<32xi32, #tpu.memory_space<vmem>>, vector<16xi32>,
      tpu.vector_store %arg14[%swap3A_525], %get3A_524 {strides = array<i32>} : memref<32xi32, #tpu.memory_space<vmem>>, vector<16xi32>,
      %get3A_527 = arith.constant 1 : i32
      %get3A_528 = arith.index_cast %select_n3A_395 : i32 to index
      %get3A_529 = arith.index_cast %select_n3A_411 : i32 to index
      %get3A_530 = arith.index_cast %get3A_527 : i32 to index
      %get3A_531 = arith.constant 16 : index
      %get3A_532 = tpu.vector_load %arg12[%get3A_528, %get3A_529, %get3A_530, %get3A_531] {strides = array<i32>} : memref<2x16x2x32xi32, #tpu.memory_space<vmem>>, vector<16xi32>,
      %swap3A_533 = arith.constant 16 : index
      %swap3A_534 = tpu.vector_load %arg14[%swap3A_533] {strides = array<i32>} : memref<32xi32, #tpu.memory_space<vmem>>, vector<16xi32>,
      tpu.vector_store %arg14[%swap3A_533], %get3A_532 {strides = array<i32>} : memref<32xi32, #tpu.memory_space<vmem>>, vector<16xi32>,
      %dma_start3A_535 = arith.constant 0 : i32
      %dma_start3A_536 = arith.constant 0 : i32
      %dma_start3A_537 = tpu.memref_slice %arg15[%dma_start3A_535, %dma_start3A_536] : memref<10240x144xf32, #tpu.memory_space<vmem_shared>> -> memref<10240x144xf32, #tpu.memory_space<vmem_shared>>
      tpu.enqueue_indirect_dma source(%arg11 : memref<32x144xf32, #tpu.memory_space<vmem>>) target(%dma_start3A_537 : memref<10240x144xf32, #tpu.memory_space<vmem_shared>>) offsets(%arg14 : memref<32xi32, #tpu.memory_space<vmem>>) semaphore(%arg20 : memref<!tpu.dma_semaphore, #tpu.memory_space<semaphore_mem>>) {add = true}
      %jit3A_538 = arith.constant 16 : i32
      %eq3A_539 = arith.constant 0 : i32
      %eq3A_540 = arith.cmpi eq, %jit3A_538, %eq3A_539 : i32
      %jit3A_541 = arith.constant 1 : i32
      %select_n3A_542 = arith.select %eq3A_540, %jit3A_541, %jit3A_538 : i32
      %rem3A_543 = arith.remsi %add3A_355, %select_n3A_542 : i32
      %ne3A_544 = arith.constant 0 : i32
      %ne3A_545 = arith.cmpi ne, %rem3A_543, %ne3A_544 : i32
      %lt3A_546 = arith.constant 0 : i32
      %lt3A_547 = arith.cmpi slt, %rem3A_543, %lt3A_546 : i32
      %lt3A_548 = arith.constant 0 : i32
      %lt3A_549 = arith.cmpi slt, %select_n3A_542, %lt3A_548 : i32
      %ne3A_550 = arith.xori %lt3A_547, %lt3A_549 : i1
      %and3A_551 = arith.andi %ne3A_550, %ne3A_545 : i1
      %add3A_552 = arith.addi %rem3A_543, %select_n3A_542 : i32
      %select_n3A_553 = arith.select %and3A_551, %add3A_552, %rem3A_543 : i32
      %eq3A_554 = arith.constant 0 : i32
      %eq3A_555 = arith.cmpi eq, %select_n3A_553, %eq3A_554 : i32
      %jit3A_556 = arith.constant 16 : i32
      %div3A_557 = arith.divsi %add3A_355, %jit3A_556 : i32
      %sign3A_558 = arith.constant 0 : i32
      %sign3A_559 = arith.cmpi sgt, %add3A_355, %sign3A_558 : i32
      %sign3A_560 = arith.extui %sign3A_559 : i1 to i32
      %sign3A_561 = arith.constant 0 : i32
      %sign3A_562 = arith.cmpi slt, %add3A_355, %sign3A_561 : i32
      %sign3A_563 = arith.extui %sign3A_562 : i1 to i32
      %sign3A_564 = arith.subi %sign3A_560, %sign3A_563 : i32
      %sign3A_565 = arith.constant 0 : i32
      %sign3A_566 = arith.cmpi sgt, %jit3A_556, %sign3A_565 : i32
      %sign3A_567 = arith.extui %sign3A_566 : i1 to i32
      %sign3A_568 = arith.constant 0 : i32
      %sign3A_569 = arith.cmpi slt, %jit3A_556, %sign3A_568 : i32
      %sign3A_570 = arith.extui %sign3A_569 : i1 to i32
      %sign3A_571 = arith.subi %sign3A_567, %sign3A_570 : i32
      %ne3A_572 = arith.cmpi ne, %sign3A_564, %sign3A_571 : i32
      %rem3A_573 = arith.remsi %add3A_355, %jit3A_556 : i32
      %ne3A_574 = arith.constant 0 : i32
      %ne3A_575 = arith.cmpi ne, %rem3A_573, %ne3A_574 : i32
      %and3A_576 = arith.andi %ne3A_572, %ne3A_575 : i1
      %sub3A_577 = arith.constant 1 : i32
      %sub3A_578 = arith.subi %div3A_557, %sub3A_577 : i32
      %select_n3A_579 = arith.select %and3A_576, %sub3A_578, %div3A_557 : i32
      %add3A_580 = arith.constant 1 : i32
      %add3A_581 = arith.addi %select_n3A_579, %add3A_580 : i32
      %lt3A_582 = arith.constant 20 : i32
      %lt3A_583 = arith.cmpi slt, %add3A_581, %lt3A_582 : i32
      %and3A_584 = arith.andi %eq3A_555, %lt3A_583 : i1
      %convert_element_type3A_585 = arith.extui %and3A_584 : i1 to i32
      %cond3A_586 = arith.constant 0 : i32
      %cond3A_587 = arith.cmpi ne, %convert_element_type3A_585, %cond3A_586 : i32
      scf.if %cond3A_587 {
        %jit3A_588 = arith.constant 16 : i32
        %div3A_589 = arith.divsi %add3A_355, %jit3A_588 : i32
        %sign3A_590 = arith.constant 0 : i32
        %sign3A_591 = arith.cmpi sgt, %add3A_355, %sign3A_590 : i32
        %sign3A_592 = arith.extui %sign3A_591 : i1 to i32
        %sign3A_593 = arith.constant 0 : i32
        %sign3A_594 = arith.cmpi slt, %add3A_355, %sign3A_593 : i32
        %sign3A_595 = arith.extui %sign3A_594 : i1 to i32
        %sign3A_596 = arith.subi %sign3A_592, %sign3A_595 : i32
        %sign3A_597 = arith.constant 0 : i32
        %sign3A_598 = arith.cmpi sgt, %jit3A_588, %sign3A_597 : i32
        %sign3A_599 = arith.extui %sign3A_598 : i1 to i32
        %sign3A_600 = arith.constant 0 : i32
        %sign3A_601 = arith.cmpi slt, %jit3A_588, %sign3A_600 : i32
        %sign3A_602 = arith.extui %sign3A_601 : i1 to i32
        %sign3A_603 = arith.subi %sign3A_599, %sign3A_602 : i32
        %ne3A_604 = arith.cmpi ne, %sign3A_596, %sign3A_603 : i32
        %rem3A_605 = arith.remsi %add3A_355, %jit3A_588 : i32
        %ne3A_606 = arith.constant 0 : i32
        %ne3A_607 = arith.cmpi ne, %rem3A_605, %ne3A_606 : i32
        %and3A_608 = arith.andi %ne3A_604, %ne3A_607 : i1
        %sub3A_609 = arith.constant 1 : i32
        %sub3A_610 = arith.subi %div3A_589, %sub3A_609 : i32
        %select_n3A_611 = arith.select %and3A_608, %sub3A_610, %div3A_589 : i32
        %add3A_612 = arith.constant 1 : i32
        %add3A_613 = arith.addi %select_n3A_611, %add3A_612 : i32
        %jit3A_614 = arith.constant 2 : i32
        %eq3A_615 = arith.constant 0 : i32
        %eq3A_616 = arith.cmpi eq, %jit3A_614, %eq3A_615 : i32
        %jit3A_617 = arith.constant 1 : i32
        %select_n3A_618 = arith.select %eq3A_616, %jit3A_617, %jit3A_614 : i32
        %rem3A_619 = arith.remsi %add3A_613, %select_n3A_618 : i32
        %ne3A_620 = arith.constant 0 : i32
        %ne3A_621 = arith.cmpi ne, %rem3A_619, %ne3A_620 : i32
        %lt3A_622 = arith.constant 0 : i32
        %lt3A_623 = arith.cmpi slt, %rem3A_619, %lt3A_622 : i32
        %lt3A_624 = arith.constant 0 : i32
        %lt3A_625 = arith.cmpi slt, %select_n3A_618, %lt3A_624 : i32
        %ne3A_626 = arith.xori %lt3A_623, %lt3A_625 : i1
        %and3A_627 = arith.andi %ne3A_626, %ne3A_621 : i1
        %add3A_628 = arith.addi %rem3A_619, %select_n3A_618 : i32
        %select_n3A_629 = arith.select %and3A_627, %add3A_628, %rem3A_619 : i32
        %mul3A_630 = arith.constant 16 : i32
        %mul3A_631 = arith.muli %add3A_613, %mul3A_630 : i32
        %add3A_632 = arith.addi %mul3A_2, %mul3A_631 : i32
        %dma_start3A_633 = arith.constant 0 : i32
        %dma_start3A_634 = arith.constant 0 : i32
        %dma_start3A_635 = arith.constant 0 : i32
        %dma_start3A_636 = tpu.memref_slice %arg12[%select_n3A_629, %dma_start3A_633, %dma_start3A_634, %dma_start3A_635] : memref<2x16x2x32xi32, #tpu.memory_space<vmem>> -> memref<1x16x2x32xi32, #tpu.memory_space<vmem>>
        %dma_start3A_637 = tpu.memref_squeeze %dma_start3A_636 : memref<1x16x2x32xi32, #tpu.memory_space<vmem>> -> memref<16x2x32xi32, #tpu.memory_space<vmem>>
        %dma_start3A_638 = arith.constant 0 : i32
        %dma_start3A_639 = arith.constant 0 : i32
        %dma_start3A_640 = tpu.memref_slice %arg4[%add3A_632, %dma_start3A_638, %dma_start3A_639] : memref<10240x2x32xi32, #tpu.memory_space<hbm>> -> memref<16x2x32xi32, #tpu.memory_space<hbm>>
        %dma_start3A_641 = arith.constant 0 : i32
        %dma_start3A_642 = arith.constant 0 : i32
        %dma_start3A_643 = arith.constant 0 : i32
        %dma_start3A_644 = tpu.memref_slice %arg12[%select_n3A_629, %dma_start3A_641, %dma_start3A_642, %dma_start3A_643] : memref<2x16x2x32xi32, #tpu.memory_space<vmem>> -> memref<1x16x2x32xi32, #tpu.memory_space<vmem>>
        %dma_start3A_645 = tpu.memref_squeeze %dma_start3A_644 : memref<1x16x2x32xi32, #tpu.memory_space<vmem>> -> memref<16x2x32xi32, #tpu.memory_space<vmem>>
        %dma_start3A_646 = arith.constant 0 : i32
        %dma_start3A_647 = arith.constant 0 : i32
        %dma_start3A_648 = tpu.memref_slice %arg4[%add3A_632, %dma_start3A_646, %dma_start3A_647] : memref<10240x2x32xi32, #tpu.memory_space<hbm>> -> memref<16x2x32xi32, #tpu.memory_space<hbm>>
        tpu.enqueue_dma source(%dma_start3A_648 : memref<16x2x32xi32, #tpu.memory_space<hbm>>) target(%dma_start3A_645 : memref<16x2x32xi32, #tpu.memory_space<vmem>>) target_semaphore(%arg16 : memref<!tpu.dma_semaphore, #tpu.memory_space<semaphore_mem>>)
      } else {
      }
    }
    %scan3A_115 = arith.constant 160 : i32
    %dma_wait3A_116 = arith.constant 0 : i32
    %dma_wait3A_117 = arith.constant 0 : i32
    %dma_wait3A_118 = tpu.memref_slice %arg15[%dma_wait3A_116, %dma_wait3A_117] : memref<10240x144xf32, #tpu.memory_space<vmem_shared>> -> memref<10240x144xf32, #tpu.memory_space<vmem_shared>>
    tpu.wait_indirect_dma semaphore(%arg19 : memref<!tpu.dma_semaphore, #tpu.memory_space<semaphore_mem>>) src(%arg10 : memref<32x144xf32, #tpu.memory_space<vmem>>) dst(%dma_wait3A_118 : memref<10240x144xf32, #tpu.memory_space<vmem_shared>>)
    %dma_wait3A_119 = arith.constant 0 : i32
    %dma_wait3A_120 = arith.constant 0 : i32
    %dma_wait3A_121 = tpu.memref_slice %arg15[%dma_wait3A_119, %dma_wait3A_120] : memref<10240x144xf32, #tpu.memory_space<vmem_shared>> -> memref<10240x144xf32, #tpu.memory_space<vmem_shared>>
    tpu.wait_indirect_dma semaphore(%arg20 : memref<!tpu.dma_semaphore, #tpu.memory_space<semaphore_mem>>) src(%arg11 : memref<32x144xf32, #tpu.memory_space<vmem>>) dst(%dma_wait3A_121 : memref<10240x144xf32, #tpu.memory_space<vmem_shared>>)
    %barrier3A_122 = arith.constant 0 : index
    tpu.barrier barrier_id(%barrier3A_122)
    %scan3A_123 = arith.constant 0 : i32
    %scan3A_124 = arith.constant 20 : i32
    %scan3A_125 = arith.addi %scan3A_123, %scan3A_124 : i32
    %scan3A_126 = arith.constant 1 : i32
    scf.for %scan3A_128 = %scan3A_123 to %scan3A_125 step %scan3A_126  : i32 {
      %mul3A_129 = arith.constant 32 : i32
      %mul3A_130 = arith.muli %scan3A_128, %mul3A_129 : i32
      %add3A_131 = arith.constant 0 : i32
      %add3A_132 = arith.addi %add3A_131, %mul3A_130 : i32
      %mul3A_133 = arith.constant 640 : i32
      %mul3A_134 = arith.muli %arg1, %mul3A_133 : i32
      %add3A_135 = arith.addi %mul3A_134, %add3A_132 : i32
      "tpu.region"() ({
        %run_scoped3A = tpu.sem_alloc : memref<!tpu.dma_semaphore, #tpu.memory_space<semaphore_mem>>
        %dma_start3A_136 = arith.constant 0 : i32
        %dma_start3A_137 = tpu.memref_slice %arg5[%arg0, %add3A_135, %dma_start3A_136] : memref<2x10240x144xf32, #tpu.memory_space<hbm>> -> memref<1x32x144xf32, #tpu.memory_space<hbm>>
        %dma_start3A_138 = tpu.memref_squeeze %dma_start3A_137 : memref<1x32x144xf32, #tpu.memory_space<hbm>> -> memref<32x144xf32, #tpu.memory_space<hbm>>
        %dma_start3A_139 = arith.constant 0 : i32
        %dma_start3A_140 = tpu.memref_slice %arg15[%add3A_135, %dma_start3A_139] : memref<10240x144xf32, #tpu.memory_space<vmem_shared>> -> memref<32x144xf32, #tpu.memory_space<vmem_shared>>
        tpu.enqueue_dma source(%dma_start3A_140 : memref<32x144xf32, #tpu.memory_space<vmem_shared>>) target(%dma_start3A_138 : memref<32x144xf32, #tpu.memory_space<hbm>>) target_semaphore(%run_scoped3A : memref<!tpu.dma_semaphore, #tpu.memory_space<semaphore_mem>>)
        %dma_wait3A_141 = arith.constant 0 : i32
        %dma_wait3A_142 = tpu.memref_slice %arg5[%arg0, %add3A_135, %dma_wait3A_141] : memref<2x10240x144xf32, #tpu.memory_space<hbm>> -> memref<1x32x144xf32, #tpu.memory_space<hbm>>
        %dma_wait3A_143 = tpu.memref_squeeze %dma_wait3A_142 : memref<1x32x144xf32, #tpu.memory_space<hbm>> -> memref<32x144xf32, #tpu.memory_space<hbm>>
        %dma_wait3A_144 = arith.constant 0 : i32
        %dma_wait3A_145 = tpu.memref_slice %arg15[%add3A_135, %dma_wait3A_144] : memref<10240x144xf32, #tpu.memory_space<vmem_shared>> -> memref<32x144xf32, #tpu.memory_space<vmem_shared>>
        tpu.wait_dma2 semaphore(%run_scoped3A : memref<!tpu.dma_semaphore, #tpu.memory_space<semaphore_mem>>) src(%dma_wait3A_145 : memref<32x144xf32, #tpu.memory_space<vmem_shared>>) dst(%dma_wait3A_143 : memref<32x144xf32, #tpu.memory_space<hbm>>)
        tpu.yield
      }) : () -> ()
    }
    %scan3A_127 = arith.constant 20 : i32
    return
  }
}

module attributes {stable_mosaic.version = 14 : i64} {
  func.func @_qkv_body(%arg0: i32, %arg1: memref<2048x128xf32, #tpu.memory_space<vmem>>, %arg2: memref<128x384xf32, #tpu.memory_space<vmem>>, %arg3: memref<1x384xf32, #tpu.memory_space<vmem>>, %arg4: memref<2048x128xf32, #tpu.memory_space<vmem>>, %arg5: memref<2048x256xf32, #tpu.memory_space<vmem>>) attributes {dimension_semantics = [#tpu.dimension_semantics<arbitrary>], iteration_bounds = array<i64: 5>, scalar_prefetch = 0 : i64, scratch_operands = 0 : i64, tpu.core_type = #tpu.core_type<tc>, window_params = [{transform_indices = @transform_0, window_bounds = array<i64: 2048, 128>}, {pipeline_mode = #tpu.pipeline_mode<synchronous>, transform_indices = @transform_1, window_bounds = array<i64: 128, 384>}, {pipeline_mode = #tpu.pipeline_mode<synchronous>, transform_indices = @transform_2, window_bounds = array<i64: 1, 384>}, {transform_indices = @transform_3, window_bounds = array<i64: 2048, 128>}, {transform_indices = @transform_4, window_bounds = array<i64: 2048, 256>}]} {
    %get3A = arith.constant 0 : index
    %get3A_0 = arith.constant 0 : index
    %get3A_1 = vector.load %arg1[%get3A, %get3A_0] : memref<2048x128xf32, #tpu.memory_space<vmem>>, vector<2048x128xf32>
    %get3A_2 = arith.constant 0 : index
    %get3A_3 = arith.constant 0 : index
    %get3A_4 = vector.load %arg2[%get3A_2, %get3A_3] : memref<128x384xf32, #tpu.memory_space<vmem>>, vector<128x384xf32>
    %dot_general3A = arith.constant dense<0.000000e+00> : vector<2048x384xf32>
    %dot_general3A_5 = tpu.matmul %get3A_1, %get3A_4, %dot_general3A {dimension_numbers = #tpu.dot_dimension_numbers<[1], [0], [0], [1], [0, 0, 1, 1], [], []>, transpose_lhs_hint = false} : vector<2048x128xf32>, vector<128x384xf32>, vector<2048x384xf32> -> vector<2048x384xf32>
    %get3A_6 = arith.constant 0 : index
    %get3A_7 = arith.constant 0 : index
    %get3A_8 = vector.load %arg3[%get3A_6, %get3A_7] : memref<1x384xf32, #tpu.memory_space<vmem>>, vector<1x384xf32>
    %add3A = vector.broadcast %get3A_8 : vector<1x384xf32> to vector<2048x384xf32>
    %add3A_9 = arith.addf %dot_general3A_5, %add3A : vector<2048x384xf32>
    %slice3A = vector.extract_strided_slice %add3A_9 {offsets = [0, 0], sizes = [2048, 128], strides = [1, 1]} : vector<2048x384xf32> to vector<2048x128xf32>
    %mul3A = arith.constant 2.500000e-01 : f32
    %mul3A_10 = vector.broadcast %mul3A : f32 to vector<2048x128xf32>
    %mul3A_11 = arith.mulf %slice3A, %mul3A_10 : vector<2048x128xf32>
    %swap3A = arith.constant 0 : index
    %swap3A_12 = arith.constant 0 : index
    %swap3A_13 = vector.load %arg4[%swap3A, %swap3A_12] : memref<2048x128xf32, #tpu.memory_space<vmem>>, vector<2048x128xf32>
    tpu.vector_store %arg4[%swap3A, %swap3A_12], %mul3A_11 {strides = array<i32>} : memref<2048x128xf32, #tpu.memory_space<vmem>>, vector<2048x128xf32>,
    %slice3A_14 = vector.extract_strided_slice %add3A_9 {offsets = [0, 128], sizes = [2048, 256], strides = [1, 1]} : vector<2048x384xf32> to vector<2048x256xf32>
    %swap3A_15 = arith.constant 0 : index
    %swap3A_16 = arith.constant 0 : index
    %swap3A_17 = vector.load %arg5[%swap3A_15, %swap3A_16] : memref<2048x256xf32, #tpu.memory_space<vmem>>, vector<2048x256xf32>
    tpu.vector_store %arg5[%swap3A_15, %swap3A_16], %slice3A_14 {strides = array<i32>} : memref<2048x256xf32, #tpu.memory_space<vmem>>, vector<2048x256xf32>,
    return
  }
  func.func @transform_0(%arg0: i32) -> (i32, i32) {
    %c0_i32 = arith.constant 0 : i32
    %c0_i32_0 = arith.constant 0 : i32
    return %arg0, %c0_i32 : i32, i32
  }
  func.func @transform_1(%arg0: i32) -> (i32, i32) {
    %c0_i32 = arith.constant 0 : i32
    %c0_i32_0 = arith.constant 0 : i32
    %c0_i32_1 = arith.constant 0 : i32
    return %c0_i32, %c0_i32_0 : i32, i32
  }
  func.func @transform_2(%arg0: i32) -> (i32, i32) {
    %c0_i32 = arith.constant 0 : i32
    %c0_i32_0 = arith.constant 0 : i32
    %c0_i32_1 = arith.constant 0 : i32
    return %c0_i32, %c0_i32_0 : i32, i32
  }
  func.func @transform_3(%arg0: i32) -> (i32, i32) {
    %c0_i32 = arith.constant 0 : i32
    %c0_i32_0 = arith.constant 0 : i32
    return %arg0, %c0_i32 : i32, i32
  }
  func.func @transform_4(%arg0: i32) -> (i32, i32) {
    %c0_i32 = arith.constant 0 : i32
    %c0_i32_0 = arith.constant 0 : i32
    return %arg0, %c0_i32 : i32, i32
  }
}

module attributes {stable_mosaic.version = 14 : i64} {
  func.func @_combine_body(%arg0: i32, %arg1: memref<2000x128xf32, #tpu.memory_space<vmem>>, %arg2: memref<1x2000x144xf32, #tpu.memory_space<vmem>>, %arg3: memref<1x2000x144xf32, #tpu.memory_space<vmem>>, %arg4: memref<2000x128xf32, #tpu.memory_space<vmem>>) attributes {dimension_semantics = [#tpu.dimension_semantics<arbitrary>], iteration_bounds = array<i64: 5>, scalar_prefetch = 0 : i64, scratch_operands = 0 : i64, tpu.core_type = #tpu.core_type<tc>, window_params = [{transform_indices = @transform_0, window_bounds = array<i64: 2000, 128>}, {transform_indices = @transform_1, window_bounds = array<i64: 1, 2000, 144>}, {transform_indices = @transform_2, window_bounds = array<i64: 1, 2000, 144>}, {transform_indices = @transform_3, window_bounds = array<i64: 2000, 128>}]} {
    %get3A = arith.constant 0 : index
    %get3A_0 = arith.constant 0 : index
    %get3A_1 = vector.load %arg1[%get3A, %get3A_0] : memref<2000x128xf32, #tpu.memory_space<vmem>>, vector<2000x128xf32>
    %get3A_2 = arith.constant 0 : index
    %get3A_3 = arith.constant 0 : index
    %get3A_4 = arith.constant 0 : index
    %get3A_5 = vector.load %arg2[%get3A_2, %get3A_3, %get3A_4] : memref<1x2000x144xf32, #tpu.memory_space<vmem>>, vector<1x2000x128xf32>
    %get3A_6 = vector.shape_cast %get3A_5 : vector<1x2000x128xf32> to vector<2000x128xf32>
    %get3A_7 = arith.constant 0 : index
    %get3A_8 = arith.constant 0 : index
    %get3A_9 = arith.constant 0 : index
    %get3A_10 = vector.load %arg3[%get3A_7, %get3A_8, %get3A_9] : memref<1x2000x144xf32, #tpu.memory_space<vmem>>, vector<1x2000x128xf32>
    %get3A_11 = vector.shape_cast %get3A_10 : vector<1x2000x128xf32> to vector<2000x128xf32>
    %add3A = arith.addf %get3A_6, %get3A_11 : vector<2000x128xf32>
    %get3A_12 = arith.constant 0 : index
    %get3A_13 = arith.constant 0 : index
    %get3A_14 = arith.constant 128 : index
    %get3A_15 = vector.load %arg2[%get3A_12, %get3A_13, %get3A_14] : memref<1x2000x144xf32, #tpu.memory_space<vmem>>, vector<1x2000x8xf32>
    %get3A_16 = vector.shape_cast %get3A_15 : vector<1x2000x8xf32> to vector<2000x8xf32>
    %get3A_17 = arith.constant 0 : index
    %get3A_18 = arith.constant 0 : index
    %get3A_19 = arith.constant 128 : index
    %get3A_20 = vector.load %arg3[%get3A_17, %get3A_18, %get3A_19] : memref<1x2000x144xf32, #tpu.memory_space<vmem>>, vector<1x2000x8xf32>
    %get3A_21 = vector.shape_cast %get3A_20 : vector<1x2000x8xf32> to vector<2000x8xf32>
    %add3A_22 = arith.addf %get3A_16, %get3A_21 : vector<2000x8xf32>
    %div3A = arith.constant 1.000000e+00 : f32
    %div3A_23 = vector.broadcast %div3A : f32 to vector<2000x8xf32>
    %div3A_24 = arith.divf %div3A_23, %add3A_22 : vector<2000x8xf32>
    %slice3A = vector.extract_strided_slice %get3A_1 {offsets = [0, 0], sizes = [2000, 16], strides = [1, 1]} : vector<2000x128xf32> to vector<2000x16xf32>
    %slice3A_25 = vector.extract_strided_slice %add3A {offsets = [0, 0], sizes = [2000, 16], strides = [1, 1]} : vector<2000x128xf32> to vector<2000x16xf32>
    %slice3A_26 = vector.extract_strided_slice %div3A_24 {offsets = [0, 0], sizes = [2000, 1], strides = [1, 1]} : vector<2000x8xf32> to vector<2000x1xf32>
    %mul3A = vector.broadcast %slice3A_26 : vector<2000x1xf32> to vector<2000x16xf32>
    %mul3A_27 = arith.mulf %slice3A_25, %mul3A : vector<2000x16xf32>
    %add3A_28 = arith.addf %slice3A, %mul3A_27 : vector<2000x16xf32>
    %swap3A = arith.constant 0 : index
    %swap3A_29 = arith.constant 0 : index
    %swap3A_30 = vector.load %arg4[%swap3A, %swap3A_29] : memref<2000x128xf32, #tpu.memory_space<vmem>>, vector<2000x16xf32>
    tpu.vector_store %arg4[%swap3A, %swap3A_29], %add3A_28 {strides = array<i32>} : memref<2000x128xf32, #tpu.memory_space<vmem>>, vector<2000x16xf32>,
    %slice3A_31 = vector.extract_strided_slice %get3A_1 {offsets = [0, 16], sizes = [2000, 16], strides = [1, 1]} : vector<2000x128xf32> to vector<2000x16xf32>
    %slice3A_32 = vector.extract_strided_slice %add3A {offsets = [0, 16], sizes = [2000, 16], strides = [1, 1]} : vector<2000x128xf32> to vector<2000x16xf32>
    %slice3A_33 = vector.extract_strided_slice %div3A_24 {offsets = [0, 1], sizes = [2000, 1], strides = [1, 1]} : vector<2000x8xf32> to vector<2000x1xf32>
    %mul3A_34 = vector.broadcast %slice3A_33 : vector<2000x1xf32> to vector<2000x16xf32>
    %mul3A_35 = arith.mulf %slice3A_32, %mul3A_34 : vector<2000x16xf32>
    %add3A_36 = arith.addf %slice3A_31, %mul3A_35 : vector<2000x16xf32>
    %swap3A_37 = arith.constant 0 : index
    %swap3A_38 = arith.constant 16 : index
    %swap3A_39 = vector.load %arg4[%swap3A_37, %swap3A_38] : memref<2000x128xf32, #tpu.memory_space<vmem>>, vector<2000x16xf32>
    tpu.vector_store %arg4[%swap3A_37, %swap3A_38], %add3A_36 {strides = array<i32>} : memref<2000x128xf32, #tpu.memory_space<vmem>>, vector<2000x16xf32>,
    %slice3A_40 = vector.extract_strided_slice %get3A_1 {offsets = [0, 32], sizes = [2000, 16], strides = [1, 1]} : vector<2000x128xf32> to vector<2000x16xf32>
    %slice3A_41 = vector.extract_strided_slice %add3A {offsets = [0, 32], sizes = [2000, 16], strides = [1, 1]} : vector<2000x128xf32> to vector<2000x16xf32>
    %slice3A_42 = vector.extract_strided_slice %div3A_24 {offsets = [0, 2], sizes = [2000, 1], strides = [1, 1]} : vector<2000x8xf32> to vector<2000x1xf32>
    %mul3A_43 = vector.broadcast %slice3A_42 : vector<2000x1xf32> to vector<2000x16xf32>
    %mul3A_44 = arith.mulf %slice3A_41, %mul3A_43 : vector<2000x16xf32>
    %add3A_45 = arith.addf %slice3A_40, %mul3A_44 : vector<2000x16xf32>
    %swap3A_46 = arith.constant 0 : index
    %swap3A_47 = arith.constant 32 : index
    %swap3A_48 = vector.load %arg4[%swap3A_46, %swap3A_47] : memref<2000x128xf32, #tpu.memory_space<vmem>>, vector<2000x16xf32>
    tpu.vector_store %arg4[%swap3A_46, %swap3A_47], %add3A_45 {strides = array<i32>} : memref<2000x128xf32, #tpu.memory_space<vmem>>, vector<2000x16xf32>,
    %slice3A_49 = vector.extract_strided_slice %get3A_1 {offsets = [0, 48], sizes = [2000, 16], strides = [1, 1]} : vector<2000x128xf32> to vector<2000x16xf32>
    %slice3A_50 = vector.extract_strided_slice %add3A {offsets = [0, 48], sizes = [2000, 16], strides = [1, 1]} : vector<2000x128xf32> to vector<2000x16xf32>
    %slice3A_51 = vector.extract_strided_slice %div3A_24 {offsets = [0, 3], sizes = [2000, 1], strides = [1, 1]} : vector<2000x8xf32> to vector<2000x1xf32>
    %mul3A_52 = vector.broadcast %slice3A_51 : vector<2000x1xf32> to vector<2000x16xf32>
    %mul3A_53 = arith.mulf %slice3A_50, %mul3A_52 : vector<2000x16xf32>
    %add3A_54 = arith.addf %slice3A_49, %mul3A_53 : vector<2000x16xf32>
    %swap3A_55 = arith.constant 0 : index
    %swap3A_56 = arith.constant 48 : index
    %swap3A_57 = vector.load %arg4[%swap3A_55, %swap3A_56] : memref<2000x128xf32, #tpu.memory_space<vmem>>, vector<2000x16xf32>
    tpu.vector_store %arg4[%swap3A_55, %swap3A_56], %add3A_54 {strides = array<i32>} : memref<2000x128xf32, #tpu.memory_space<vmem>>, vector<2000x16xf32>,
    %slice3A_58 = vector.extract_strided_slice %get3A_1 {offsets = [0, 64], sizes = [2000, 16], strides = [1, 1]} : vector<2000x128xf32> to vector<2000x16xf32>
    %slice3A_59 = vector.extract_strided_slice %add3A {offsets = [0, 64], sizes = [2000, 16], strides = [1, 1]} : vector<2000x128xf32> to vector<2000x16xf32>
    %slice3A_60 = vector.extract_strided_slice %div3A_24 {offsets = [0, 4], sizes = [2000, 1], strides = [1, 1]} : vector<2000x8xf32> to vector<2000x1xf32>
    %mul3A_61 = vector.broadcast %slice3A_60 : vector<2000x1xf32> to vector<2000x16xf32>
    %mul3A_62 = arith.mulf %slice3A_59, %mul3A_61 : vector<2000x16xf32>
    %add3A_63 = arith.addf %slice3A_58, %mul3A_62 : vector<2000x16xf32>
    %swap3A_64 = arith.constant 0 : index
    %swap3A_65 = arith.constant 64 : index
    %swap3A_66 = vector.load %arg4[%swap3A_64, %swap3A_65] : memref<2000x128xf32, #tpu.memory_space<vmem>>, vector<2000x16xf32>
    tpu.vector_store %arg4[%swap3A_64, %swap3A_65], %add3A_63 {strides = array<i32>} : memref<2000x128xf32, #tpu.memory_space<vmem>>, vector<2000x16xf32>,
    %slice3A_67 = vector.extract_strided_slice %get3A_1 {offsets = [0, 80], sizes = [2000, 16], strides = [1, 1]} : vector<2000x128xf32> to vector<2000x16xf32>
    %slice3A_68 = vector.extract_strided_slice %add3A {offsets = [0, 80], sizes = [2000, 16], strides = [1, 1]} : vector<2000x128xf32> to vector<2000x16xf32>
    %slice3A_69 = vector.extract_strided_slice %div3A_24 {offsets = [0, 5], sizes = [2000, 1], strides = [1, 1]} : vector<2000x8xf32> to vector<2000x1xf32>
    %mul3A_70 = vector.broadcast %slice3A_69 : vector<2000x1xf32> to vector<2000x16xf32>
    %mul3A_71 = arith.mulf %slice3A_68, %mul3A_70 : vector<2000x16xf32>
    %add3A_72 = arith.addf %slice3A_67, %mul3A_71 : vector<2000x16xf32>
    %swap3A_73 = arith.constant 0 : index
    %swap3A_74 = arith.constant 80 : index
    %swap3A_75 = vector.load %arg4[%swap3A_73, %swap3A_74] : memref<2000x128xf32, #tpu.memory_space<vmem>>, vector<2000x16xf32>
    tpu.vector_store %arg4[%swap3A_73, %swap3A_74], %add3A_72 {strides = array<i32>} : memref<2000x128xf32, #tpu.memory_space<vmem>>, vector<2000x16xf32>,
    %slice3A_76 = vector.extract_strided_slice %get3A_1 {offsets = [0, 96], sizes = [2000, 16], strides = [1, 1]} : vector<2000x128xf32> to vector<2000x16xf32>
    %slice3A_77 = vector.extract_strided_slice %add3A {offsets = [0, 96], sizes = [2000, 16], strides = [1, 1]} : vector<2000x128xf32> to vector<2000x16xf32>
    %slice3A_78 = vector.extract_strided_slice %div3A_24 {offsets = [0, 6], sizes = [2000, 1], strides = [1, 1]} : vector<2000x8xf32> to vector<2000x1xf32>
    %mul3A_79 = vector.broadcast %slice3A_78 : vector<2000x1xf32> to vector<2000x16xf32>
    %mul3A_80 = arith.mulf %slice3A_77, %mul3A_79 : vector<2000x16xf32>
    %add3A_81 = arith.addf %slice3A_76, %mul3A_80 : vector<2000x16xf32>
    %swap3A_82 = arith.constant 0 : index
    %swap3A_83 = arith.constant 96 : index
    %swap3A_84 = vector.load %arg4[%swap3A_82, %swap3A_83] : memref<2000x128xf32, #tpu.memory_space<vmem>>, vector<2000x16xf32>
    tpu.vector_store %arg4[%swap3A_82, %swap3A_83], %add3A_81 {strides = array<i32>} : memref<2000x128xf32, #tpu.memory_space<vmem>>, vector<2000x16xf32>,
    %slice3A_85 = vector.extract_strided_slice %get3A_1 {offsets = [0, 112], sizes = [2000, 16], strides = [1, 1]} : vector<2000x128xf32> to vector<2000x16xf32>
    %slice3A_86 = vector.extract_strided_slice %add3A {offsets = [0, 112], sizes = [2000, 16], strides = [1, 1]} : vector<2000x128xf32> to vector<2000x16xf32>
    %slice3A_87 = vector.extract_strided_slice %div3A_24 {offsets = [0, 7], sizes = [2000, 1], strides = [1, 1]} : vector<2000x8xf32> to vector<2000x1xf32>
    %mul3A_88 = vector.broadcast %slice3A_87 : vector<2000x1xf32> to vector<2000x16xf32>
    %mul3A_89 = arith.mulf %slice3A_86, %mul3A_88 : vector<2000x16xf32>
    %add3A_90 = arith.addf %slice3A_85, %mul3A_89 : vector<2000x16xf32>
    %swap3A_91 = arith.constant 0 : index
    %swap3A_92 = arith.constant 112 : index
    %swap3A_93 = vector.load %arg4[%swap3A_91, %swap3A_92] : memref<2000x128xf32, #tpu.memory_space<vmem>>, vector<2000x16xf32>
    tpu.vector_store %arg4[%swap3A_91, %swap3A_92], %add3A_90 {strides = array<i32>} : memref<2000x128xf32, #tpu.memory_space<vmem>>, vector<2000x16xf32>,
    return
  }
  func.func @transform_0(%arg0: i32) -> (i32, i32) {
    %c0_i32 = arith.constant 0 : i32
    %c0_i32_0 = arith.constant 0 : i32
    return %arg0, %c0_i32 : i32, i32
  }
  func.func @transform_1(%arg0: i32) -> (i32, i32, i32) {
    %c0_i32 = arith.constant 0 : i32
    %c0_i32_0 = arith.constant 0 : i32
    %c0_i32_1 = arith.constant 0 : i32
    return %c0_i32, %arg0, %c0_i32_0 : i32, i32, i32
  }
  func.func @transform_2(%arg0: i32) -> (i32, i32, i32) {
    %c1_i32 = arith.constant 1 : i32
    %c0_i32 = arith.constant 0 : i32
    %c0_i32_0 = arith.constant 0 : i32
    return %c1_i32, %arg0, %c0_i32 : i32, i32, i32
  }
  func.func @transform_3(%arg0: i32) -> (i32, i32) {
    %c0_i32 = arith.constant 0 : i32
    %c0_i32_0 = arith.constant 0 : i32
    return %arg0, %c0_i32 : i32, i32
  }
}

</mosaic_0001>

<sc_bundles>
// kernel: kernel.5.cloned.1.call-start
scs
__scs_entry_jumppad:
0x0: {  	(pc) =	sbr.rel $0x88, $3  }
0x1: {  	(tag) =	ssettag $0x0;
	lr =	simm.s32 $0x1  }
0x2: {  	[smem:$0x3F99] =	sst lr;
	_ =	strace $0xD0000000  }
0x3: {  	_ = 	snop  }
0x4: {  	_ = 	snop  }
0x5: {  	_ = 	snop  }
0x6: {  	_ = 	snop  }
0x7: {  	_ = 	snop  }
__scs_overlays_trampoline_lowered:
0x8: {  	[smem:$0x3FA8] =	sst s0  }
0x9: {  	[smem:$0x3FA9] =	sst s1  }
0xa: {  	[smem:$0x3FAA] =	sst s2  }
0xb: {  	[smem:$0x3FAB] =	sst s3  }
0xc: {  	[smem:$0x3FAC] =	sst s4  }
0xd: {  	[smem:$0x3FAD] =	sst s5  }
0xe: {  	[smem:$0x3FAE] =	sst s6  }
0xf: {  	[smem:$0x3FAF] =	sst s7  }
0x10: {  	[smem:$0x3FB0] =	sst s8  }
0x11: {  	[smem:$0x3FB1] =	sst s9;
	s0 =	simm.s32 @!p0 $0x0  }
0x12: {  	s1 =	sld [smem:$0x3F97];
	s0 =	simm.s32 @p0 $0x1  }
0x13: {  	[smem:$0x3FB2] =	sst s0;
	s0 =	simm.s32 @!p1 $0x0  }
0x14: {  	s2 =	sld [smem:$0x3F96];
	s0 =	simm.s32 @p1 $0x1  }
0x15: {  	[smem:$0x3FB3] =	sst s0;
	s0 =	simm.s32 @!p2 $0x0  }
0x16: {  	s3 =	sld [smem:$0x3FDB];
	s0 =	simm.s32 @p2 $0x1  }
0x17: {  	s4 =	simm.s32 $0x1BF5;
	[smem:$0x3FB5] =	sst s0  }
0x18: {  	s0 =	sld [smem:$0x3F98];
	_ =	swait.ge [sflag:s4], $0x0  }
0x19: {  	s7 =	sld [smem:$0x3F99]  }
0x1a: {  	s8 =	sadd.s32 $0xFFFFE003, lr  }
0x1b: {  	s9 =	sadd.s32 $0xFFFFFEF7, lr;
	s5 =	simm.s32 $0xFFFFFFFF;
	p2 =	slt.u32 s8, $0xFFFFF086  }
0x1c: {  	p1 =	slt.u32 s9, $0xF7A;
	s5 =	simm.s32 @!p2 $0x0  }
0x1d: {  	s5 =	simm.s32 @p1 $0x1;
	p0 =	seq.s32 s7, s2  }
0x1e: {  	s7 =	smul.u32 @!p0 $0xF7A, s2;
	p2 =	seq.s32 @!p0 s5, $0x0  }
0x1f: {  	s9 =	smul.u32 $0xF7A, s1;
	s8 =	simm.s32 @!p0 $0x1BF5;
	p2 =	por !p2, p0  }
0x20: {  	[sflag:s8] =	ssyncset.s32 @!p0 $0xFFFFF086;
	s6 =	sadd.s32 @!p0 s3, s7;
	s7 =	simm.s32 @!p0 $0x108  }
0x21: {  	s3 =	sadd.s32 s3, s9;
	s6 =	sadd.s32 @!p0 $0x88, s6;
	s7 =	simm.s32 @p2 $0x1082  }
0x22: {  	[simem:s7], [sflag:s8] =	dma.local @!p0 [hbm:s6], $0xF7A  }
0x23: {  	s9 =	sor.u32 $0xD0000000, s2;
	s6 =	simm.s32 $0x108;
	_ =	swait.ge @!p0 [sflag:s8], $0x0  }
0x24: {  	s3 =	sadd.s32 $0x88, s3;
	s6 =	simm.s32 @!p1 $0x1082;
	[sflag:s4] =	ssyncset.s32 $0xFFFFF086  }
0x25: {  	[simem:s6], [sflag:s4] =	dma.local [hbm:s3], $0xF7A  }
0x26: {  	[smem:$0x3F99] =	sst s1;
	(tag) =	ssettag s2;
	_ =	strace s9  }
0x27: {  	s1 =	sld [smem:$0x3FA9]  }
0x28: {  	s2 =	sld [smem:$0x3FAA]  }
0x29: {  	s4 =	sld [smem:$0x3FAC]  }
0x2a: {  	p0 =	seq.s32 s5, $0x0;
	s5 =	sld [smem:$0x3FAD]  }
0x2b: {  	s6 =	sld [smem:$0x3FAE]  }
0x2c: {  	s7 =	sld [smem:$0x3FAF]  }
0x2d: {  	s3 =	simm.s32 $0x108;
	s8 =	sld [smem:$0x3FB0]  }
0x2e: {  	s3 =	simm.s32 @!p0 $0x1082;
	s9 =	sld [smem:$0x3FB1]  }
0x2f: {  	lr =	sadd.s32 s0, s3;
	s0 =	sld [smem:$0x3FA8]  }
0x30: {  	s3 =	sld [smem:$0x3FAB]  }
0x31: {  	[smem:$0x3FB4] =	sst s10  }
0x32: {  	s10 =	sld [smem:$0x3FB2];
	_ =	sdelay $0x3  }
0x33: {  	p0 =	seq.s32 s10, $0x1;
	s10 =	sld [smem:$0x3FB4];
	_ =	sdelay $0x3  }
0x34: {  	[smem:$0x3FB4] =	sst s10  }
0x35: {  	s10 =	sld [smem:$0x3FB3];
	_ =	sdelay $0x3  }
0x36: {  	p1 =	seq.s32 s10, $0x1;
	s10 =	sld [smem:$0x3FB4];
	_ =	sdelay $0x3  }
0x37: {  	[smem:$0x3FB4] =	sst s10  }
0x38: {  	s10 =	sld [smem:$0x3FB5]  }
0x39: {  	_ = 	snop;
	(pc) =	sbr.ind lr, $3  }
0x3a: {  	_ = 	snop  }
0x3b: {  	_ = 	snop  }
0x3c: {  	p2 =	seq.s32 s10, $0x1;
	s10 =	sld [smem:$0x3FB4]  }
0x3d: {  	_ =	shalt  }
0x3e: {  	_ =	shalt  }
0x3f: {  	_ =	shalt  }
0x40: {  	_ =	shalt  }
0x41: {  	_ =	shalt  }
0x42: {  	_ =	shalt  }
0x43: {  	_ =	shalt  }
0x44: {  	_ =	shalt  }
0x45: {  	_ =	shalt  }
0x46: {  	_ =	shalt  }
0x47: {  	_ =	shalt  }
0x48: {  	_ =	shalt  }
0x49: {  	_ =	shalt  }
0x4a: {  	_ =	shalt  }
0x4b: {  	_ =	shalt  }
0x4c: {  	_ =	shalt  }
0x4d: {  	_ =	shalt  }
0x4e: {  	_ =	shalt  }
0x4f: {  	_ =	shalt  }
0x50: {  	_ =	shalt  }
0x51: {  	_ =	shalt  }
0x52: {  	_ =	shalt  }
0x53: {  	_ =	shalt  }
0x54: {  	_ =	shalt  }
0x55: {  	_ =	shalt  }
0x56: {  	_ =	shalt  }
0x57: {  	_ =	shalt  }
0x58: {  	_ =	shalt  }
0x59: {  	_ =	shalt  }
0x5a: {  	_ =	shalt  }
0x5b: {  	_ =	shalt  }
0x5c: {  	_ =	shalt  }
0x5d: {  	_ =	shalt  }
0x5e: {  	_ =	shalt  }
0x5f: {  	_ =	shalt  }
0x60: {  	_ =	shalt  }
0x61: {  	_ =	shalt  }
0x62: {  	_ =	shalt  }
0x63: {  	_ =	shalt  }
0x64: {  	_ =	shalt  }
0x65: {  	_ =	shalt  }
0x66: {  	_ =	shalt  }
0x67: {  	_ =	shalt  }
0x68: {  	_ =	shalt  }
0x69: {  	_ =	shalt  }
0x6a: {  	_ =	shalt  }
0x6b: {  	_ =	shalt  }
0x6c: {  	_ =	shalt  }
0x6d: {  	_ =	shalt  }
0x6e: {  	_ =	shalt  }
0x6f: {  	_ =	shalt  }
0x70: {  	_ =	shalt  }
0x71: {  	_ =	shalt  }
0x72: {  	_ =	shalt  }
0x73: {  	_ =	shalt  }
0x74: {  	_ =	shalt  }
0x75: {  	_ =	shalt  }
0x76: {  	_ =	shalt  }
0x77: {  	_ =	shalt  }
0x78: {  	_ =	shalt  }
0x79: {  	_ =	shalt  }
0x7a: {  	_ =	shalt  }
0x7b: {  	_ =	shalt  }
0x7c: {  	_ =	shalt  }
0x7d: {  	_ =	shalt  }
0x7e: {  	_ =	shalt  }
0x7f: {  	_ =	shalt  }
0x80: {  	_ =	shalt  }
0x81: {  	_ =	shalt  }
0x82: {  	_ =	shalt  }
0x83: {  	_ =	shalt  }
0x84: {  	_ =	shalt  }
0x85: {  	_ =	shalt  }
0x86: {  	_ =	shalt  }
0x87: {  	_ =	shalt  }
.Lfunc_end0:
.L_simem_size_0:
called_computation_lowered:
.L_overlay_start_0:
0x88: {  	s2 =	sld [smem:$0x3FD9]  }
0x89: {  	s3 =	sld [smem:$0x3FFE];
	_ =	sdelay $0x1  }
0x8a: {  	s1 =	srdreg.scid  }
0x8b: {  	s0 =	sand.u32 $0x1, s1  }
0x8c: {  	s17 =	sshll.u32 s0, $0xA;
	s2 =	sadd.s32 s3, s2  }
0x8d: {  	s2 =	sadd.s32 s2, s17  }
0x8e: {  	[smem:$0x3FC0] =	sst s2  }
0x8f: {  	_ = 	snop  }
0x90: {  	s2 =	sld [smem:$0x3FD0];
	(tm) =	ssettm $0x1  }
0x91: {  	s18 =	sld [smem:$0x3FFB];
	_ =	sdelay $0x3  }
0x92: {  	_ =	strace s18  }
0x93: {  	s3 =	sld [smem:$0x3FFC];
	_ =	sdelay $0x3  }
0x94: {  	_ =	strace s3  }
0x95: {  	s3 =	sld [smem:$0x3FFD];
	_ =	sdelay $0x3  }
0x96: {  	_ =	strace s3  }
0x97: {  	_ =	strace $0x8FFFFFFF  }
0x98: {  	s19 =	sld [smem:$0x3FDB];
	_ =	sdelay $0x1  }
0x99: {  	s4 =	simm.s32 $_scs_section_size  }
0x9a: {  	s5 =	simm.s32 $_size__tile_overlayer_lowered;
	s6 =	simm.s32 $_tile_overlayer_lowered  }
0x9b: {  	s22 =	simm.s32 $0x1BFF;
	s21 =	sshll.u32 s6, $0x1;
	s3 =	sadd.s32 s4, s19  }
0x9c: {  	s7 =	simm.s32 $0x0;
	s20 =	sshll.u32 s5, $0x1;
	s5 =	sadd.s32 s21, s3  }
0x9d: {  	[timem:s7], [sflag:s22] =	dma.local [hbm:s5], s20  }
0x9e: {  	_ =	swait.ge [sflag:s22], s20  }
0x9f: {  	s4 =	ssub.s32 $0x0, s20;
	[sflag:s22] =	ssyncset.done $0x0  }
0xa0: {  	[sflag:s22] =	ssyncadd.s32 s4;
	_ =	sdelay $0x1  }
0xa1: {  	s23 =	simm.s32 $0x1B8B  }
0xa2: {  	_ =	swait.ge [sflag:s23], $0x1  }
0xa3: {  	[sflag:s23] =	ssyncset.done $0x0  }
0xa4: {  	s25 =	simm.s32 $0x1B8E;
	s24 =	sld [smem:$0x3FFE];
	[sflag:s23] =	ssyncadd.s32 $0xFFFFFFFF  }
0xa5: {  	s26 =	simm.s32 $execute0_lowered;
	[smem:$0x3FD2] =	sst s25  }
0xa6: {  	s5 =	sshll.u32 s26, $0x1;
	_ =	strace $0x80000046;
	[dreg:$0x1] =	wrdreg $0xFFFFFFFF  }
0xa7: {  	s28 =	simm.s32 $_size_execute0_lowered;
	s3 =	sadd.s32 s3, s5;
	[dreg:$0x0] =	wrdreg $0x0  }
0xa8: {  	s5 =	sshll.u32 s28, $0x1;
	[dreg:$0x2] =	wrdreg s3  }
0xa9: {  	[dreg:$0x3] =	wrdreg s5  }
0xaa: {  	[dreg:$0x4] =	wrdreg $0xC0  }
0xab: {  	_ =	task [dreg:s7], $0x5FFFF  }
0xac: {  	[dreg:$0x1] =	wrdreg $0xFFFFFFFF  }
0xad: {  	[dreg:$0x0] =	wrdreg $0x60  }
0xae: {  	[dreg:$0x2] =	wrdreg s24  }
0xaf: {  	[dreg:$0x3] =	wrdreg s2  }
0xb0: {  	[dreg:$0x4] =	wrdreg $0x8C400  }
0xb1: {  	[dreg:$0x5] =	wrdreg $0x9  }
0xb2: {  	_ =	task.clear_ibuf [dreg:s7], $0x6FFFF;
	_ =	strace $0x90000046  }
0xb3: {  	s29 =	simm.s32 $0x9;
	_ =	strace $0x80000048  }
0xb4: {  	_ =	swait.ge [sflag:s29], $0x1  }
0xb5: {  	[sflag:s29] =	ssyncadd.s32 $0xFFFFFFFF  }
0xb6: {  	_ =	strace $0x90000048  }
0xb7: {  	_ =	sfence  }
0xb8: {  	s30 =	sld [smem:$0x0];
	_ =	sdelay $0x2  }
0xb9: {  	s31 =	sshll.u32 s1, $0xD;
	s1 =	sshrl.u32 s1, $0x2  }
0xba: {  	s3 =	sand.u32 $0x4000, s31;
	s1 =	sadd.s32 s1, s30  }
0xbb: {  	s0 =	sor.u32 s3, s0;
	s1 =	sshll.u32 s1, $0x11  }
0xbc: {  	s0 =	sor.u32 s1, s0  }
0xbd: {  	s0 =	sadd.s32 $0x8F2B, s0  }
0xbe: {  	[sflag:s0] =	ssyncadd.remote.s32 $0x1  }
0xbf: {  	_ =	sfence.sel $0xFFFF  }
0xc0: {  	[dreg:$0x0] =	wrdreg $0xFFFFFFFF;
	(pc) =	sbr.abs _section_cstart, $3  }
0xc1: {  	[dreg:$0x1] =	wrdreg $0xFFFFFFFF  }
0xc2: {  	_ =	task.clear_ibuf [dreg:s7], $0x2FFFF;
	_ =	strace $0x9FFFFFFF  }
0xc3: {  	(tm) =	ssettm $0x7FFFFFFF  }
tec
execute0_lowered:
.L_overlay_start_1:
0x0: {  	(tag) =	ssettag $0x1  }
0x1: {  	s0 =	rddreg [dreg:$0x0]  }
0x2: {  	s7 =	rddreg [dreg:$0x1]  }
0x3: {  	s8 =	rddreg [dreg:$0x2];
	s2 =	simm.s32 $0x0;
	s1 =	srdreg.scid  }
0x4: {  	s6 =	stileid.u32;
	s13 =	simm.s32 $0x6000;
	s14 =	simm.s32 $0x6  }
0x5: {  	[smem:$0x7FF] =	sst s2;
	s1 =	sand.u32 $0x1, s1;
	s3 =	smul.u32 $0x16800, s6  }
0x6: {  	s5 =	sadd.s32 $0xE00, s0;
	s25 =	sadd.s32 $0x28E00, s0;
	s24 =	smul.u32 $0x168000, s1  }
0x7: {  	_ =	strace $0x80000047;
	s4 =	sshll.u32 s1, $0x4;
	[dreg:$0x4] =	wrdreg s5  }
0x8: {  	[dreg:$0x5] =	wrdreg s25;
	s1 =	ssub.s32 $0x2, s1;
	s5 =	simm.s32 $0x20  }
0x9: {  	s25 =	simm.s32 $0x3;
	s4 =	sor.u32 s6, s4;
	s6 =	smul.u32 $0x5A000, s6  }
0xa: {  	s28 =	sshrl.u32 s1, $0x1;
	s2 =	sadd.s32 s3, s24;
	s30 =	smul.u32 $0x5000, s4  }
0xb: {  	s26 =	smul.u32 $0xA00, s4;
	s1 =	ssub.s32 s1, s28;
	s2 =	sshrl.u32 s2, $0x3  }
0xc: {  	v0 =	vimm.f32 $0.0e+00;
	s31 =	sshrl.u32 s6, $0x2;
	s1 =	smax.u32 s1, $0x1;
	[dreg:$0x8] =	wrdreg s30  }
0xd: {  	v1 =	vimm.s32 $0xF;
	vm0 =	vmmov $0x1;
	vm1 =	vcmask $0x320;
	s0 =	sadd.s32 s2, s0;
	s29 =	sadd.s32 s7, s26;
	[dreg:$0x9] =	wrdreg s1  }
0xe: {  	vm2 =	vcmask $0x720;
	vm3 =	vcmask $0xB20;
	vm4 =	vcmask $0xF20;
	s11 =	sadd.s32 s31, s8;
	[dreg:$0x6] =	wrdreg s29;
	s2 =	sadd.s32 $0x80, s29  }
0xf: {  	vm5 =	vcmask $0x1320;
	vm6 =	vcmask $0x1720;
	vm7 =	vcmask $0x1B20;
	s1 =	simm.s32 $0x0;
	s12 =	sadd.s32 $0x78E00, s0;
	[dreg:$0x7] =	wrdreg s2  }
.LBB2_1:
0x10: {  	[dreg:$0xa] =	wrdreg s1;
	s0 =	simm.s32 $0x80;
	s1 =	simm.s32 $0x440  }
.LBB2_2:
0x11: {  	p0 =	sne.s32 s1, $0x47C0;
	[tilespmem:s0+$0x6000] =	vst v0  }
0x12: {  	[tilespmem:s0+$0x5F80] =	vst v0  }
0x13: {  	[tilespmem:s0+$0x5F90] =	vst v0  }
0x14: {  	[tilespmem:s0+$0x5FA0] =	vst v0  }
.Ltmp0:
0x15: {  	[tilespmem:s0+$0x5FB0] =	vst v0;
	(pc) =	sbr.rel @p0 .LBB2_2-.Ltmp0, $4  }
0x16: {  	[tilespmem:s0+$0x5FC0] =	vst v0  }
0x17: {  	[tilespmem:s0+$0x5FD0] =	vst v0  }
0x18: {  	[tilespmem:s0+$0x5FE0] =	vst v0  }
0x19: {  	[tilespmem:s0+$0x5FF0] =	vst v0;
	s0 =	sshra.s32 s1, $0x2;
	s1 =	sadd.s32 $0x240, s1  }
0x1a: {  	[tilespmem:s0+$0x6000] =	vst v0  }
0x1b: {  	[tilespmem:s0+$0x5F80] =	vst v0  }
0x1c: {  	[tilespmem:s0+$0x5F90] =	vst v0  }
0x1d: {  	[tilespmem:s0+$0x5FA0] =	vst v0  }
0x1e: {  	[tilespmem:s0+$0x5FB0] =	vst v0  }
0x1f: {  	[tilespmem:s0+$0x5FC0] =	vst v0  }
0x20: {  	[tilespmem:s0+$0x5FD0] =	vst v0  }
0x21: {  	[tilespmem:s0+$0x5FE0] =	vst v0  }
0x22: {  	[tilespmem:s0+$0x5FF0] =	vst v0;
	s31 =	sadd.s32 $0x0, s11  }
0x23: {  	[spmem:s31] =	stream.linear.scatter [tilespmem:s13], [sflag:$0x6], $0x1200, $0x38;
	[tilespmem:$0x1F440] =	vst v63  }
0x24: {  	s0 =	simm.s32 $0x4800;
	_ =	swait.ge [sflag:s14], $0x1200  }
.LBB2_4:
0x25: {  	s1 =	sshra.s32 s0, $0x2;
	[sflag:s14] =	ssyncset.done $0x0;
	p0 =	sne.s32 s0, $0x55800  }
.Ltmp1:
0x26: {  	s1 =	sadd.s32 s1, s11;
	[sflag:s14] =	ssyncadd.s32 $0xFFFFEE00;
	(pc) =	sbr.rel @p0 .LBB2_4-.Ltmp1, $3  }
0x27: {  	[spmem:s1] =	stream.linear.scatter [tilespmem:s13], [sflag:$0x6], $0x1200, $0x38;
	[tilespmem:$0x1F440] =	vst v63  }
0x28: {  	s0 =	sadd.s32 $0x4800, s0;
	_ =	sdelay $0x1  }
0x29: {  	_ =	swait.ge [sflag:s14], $0x1200  }
0x2a: {  	[sflag:s14] =	ssyncset.done $0x0  }
0x2b: {  	[sflag:s14] =	ssyncadd.s32 $0xFFFFEE00  }
0x2c: {  	[bflag:$0x0] =	sbarrier.arrive $0xFFFF  }
0x2d: {  	s0 =	simm.s32 $0x0;
	s2 =	simm.s32 $0x8400;
	s1 =	rddreg [dreg:$0x6]  }
0x2e: {  	[tilespmem:s2], [sflag:$0x1] =	stream.linear.gather [hbm4b:s1+s0], $0x400, $0x38;
	[tilespmem:$0x1F440] =	vst v63  }
0x2f: {  	s3 =	simm.s32 $0x8800;
	s26 =	simm.s32 $0x1;
	s24 =	rddreg [dreg:$0x7]  }
0x30: {  	[tilespmem:s3], [sflag:$0x1] =	stream.linear.gather [hbm4b:s24+s0], $0x400, $0x38;
	[tilespmem:$0x1F440] =	vst v63  }
0x31: {  	_ =	swait.ge [sflag:s26], $0x400  }
0x32: {  	[sflag:s26] =	ssyncset.done $0x0  }
0x33: {  	s28 =	rddreg [dreg:$0x5];
	[sflag:s26] =	ssyncadd.s32 $0xFFFFFC00  }
0x34: {  	[tilespmem:s0], [sflag:$0x2] =	stream.indirect.gather [hbm4b:s28+s5], $0x100, s2, s5, $0xb8;
	[tilespmem:$0x1F440] =	vst v63  }
0x35: {  	s30 =	simm.s32 $0x8420;
	s31 =	simm.s32 $0x4000;
	s29 =	rddreg [dreg:$0x4]  }
0x36: {  	[tilespmem:s31], [sflag:$0x2] =	stream.indirect.gather [hbm4b:s29+s5], $0x80, s30, s5, $0xb8;
	[tilespmem:$0x1F440] =	vst v63  }
.LBB2_6:
0x37: {  	s1 =	sshll.u32 s0, $0x7  }
0x38: {  	s2 =	rddreg [dreg:$0x5];
	s3 =	sand.u32 $0x780, s1  }
0x39: {  	s4 =	simm.s32 $0x2000;
	s23 =	rddreg [dreg:$0x4];
	s1 =	sadd.s32 $0x8440, s3  }
0x3a: {  	[tilespmem:s4], [sflag:$0x3] =	stream.indirect.gather [hbm4b:s2+s5], $0x100, s1, s5, $0xb8;
	[tilespmem:$0x1F440] =	vst v63  }
0x3b: {  	s24 =	simm.s32 $0x5000;
	s26 =	simm.s32 $0x2;
	s22 =	sadd.s32 $0x8460, s3  }
0x3c: {  	[tilespmem:s24], [sflag:$0x3] =	stream.indirect.gather [hbm4b:s23+s5], $0x80, s22, s5, $0xb8;
	[tilespmem:$0x1F440] =	vst v63  }
0x3d: {  	_ =	swait.ge [sflag:s26], $0x2000  }
0x3e: {  	[sflag:s26] =	ssyncset.done $0x0  }
0x3f: {  	[sflag:s26] =	ssyncadd.s32 $0xFFFFE000  }
0x40: {  	_ =	swait.ge [sflag:s26], $0x1000  }
0x41: {  	p0 =	seq.s32 s0, $0x0;
	[sflag:s26] =	ssyncset.done $0x0  }
0x42: {  	s1 =	simm.s32 @!p0 $0x4;
	[sflag:s26] =	ssyncadd.s32 $0xFFFFF000  }
0x43: {  	_ =	swait.ge @!p0 [sflag:s1], $0x1200  }
0x44: {  	[sflag:s1] =	ssyncset.done @!p0 $0x0  }
0x45: {  	s9 =	simm.s32 $0x100;
	[sflag:s1] =	ssyncadd.s32 @!p0 $0xFFFFEE00  }
0x46: {  	s16 =	simm.s32 $0x4080;
	v2 =	vld [tilespmem:s9+$0x0]  }
0x47: {  	v3 =	vld [tilespmem:s16+$0x0];
	_ =	sdelay $0x4  }
0x48: {  	v2 =	vmul.f32 v3, v2;
	_ =	sdelay $0x1  }
0x49: {  	(xrf2) =	vadd.scan.msk.f32 $0xffff, v2  }
0x4a: {  	v3 =	vld [tilespmem:s9+$0xFFFFFF00]  }
0x4b: {  	v2 =	vld [tilespmem:s16+$0xFFFFFF80];
	_ =	sdelay $0x4  }
0x4c: {  	v2 =	vmul.f32 v2, v3;
	_ =	sdelay $0x1  }
0x4d: {  	(xrf2) =	vadd.scan.msk.f32 $0xffff, v2  }
0x4e: {  	v3, _, _ =	vpop (xrf2)  }
0x4f: {  	v2 =	vperm.xlane v3, v1;
	_ =	sdelay $0x1  }
0x50: {  	v2 =	vmax.f32 v2, $-5.000000000e+00  }
0x51: {  	v2 =	vmin.f32 v2, $5.000000000e+00  }
0x52: {  	v2 =	vmul.f32 $1.442695020e+00, v2;
	_ =	sdelay $0x1  }
0x53: {  	(erf) = vpow2.f32 v2;
	_ =	sdelay $0x1  }
0x54: {  	v2, _, _ =	vpop (xrf2)  }
0x55: {  	v2 =	vperm.xlane v2, v1;
	_ =	sdelay $0x1  }
0x56: {  	v3 =	vld [tilespmem:s9+$0x80];
	v2 =	vmax.f32 v2, $-5.000000000e+00  }
0x57: {  	v2 =	vmin.f32 v2, $5.000000000e+00;
	_ =	sdelay $0x1  }
0x58: {  	v4 =	vmul.f32 $1.442695020e+00, v2  }
0x59: {  	v2 =	vpop (erf)  }
0x5a: {  	(erf) = vpow2.f32 v4;
	v3 =	vmul.f32 v2, v3  }
0x5b: {  	s19 =	simm.s32 $0x6090  }
0x5c: {  	[tilespmem:s19+$0x0] =	vst v3  }
0x5d: {  	v3 =	vld [tilespmem:s9+$0x10]  }
0x5e: {  	v4 =	vld [tilespmem:s16+$0x10]  }
0x5f: {  	v5 =	vld [tilespmem:s9+$0xFFFFFF80];
	_ =	sdelay $0x3  }
0x60: {  	v4 =	vmul.f32 v4, v3;
	v3 =	vpop (erf)  }
0x61: {  	v5 =	vmul.f32 v3, v5  }
0x62: {  	(xrf2) =	vadd.scan.msk.f32 $0xffff, v4  }
0x63: {  	[tilespmem:s19+$0xFFFFFF70] =	vst v5  }
0x64: {  	v4 =	vld [tilespmem:s9+$0xFFFFFF10]  }
0x65: {  	v5 =	vld [tilespmem:s16+$0xFFFFFF90];
	_ =	sdelay $0x4  }
0x66: {  	s15 =	simm.s32 $0x300;
	v4 =	vmul.f32 v5, v4  }
0x67: {  	s21 =	simm.s32 $0x4180;
	v5 =	vld [tilespmem:s15+$0x0]  }
0x68: {  	(xrf2) =	vadd.scan.msk.f32 $0xffff, v4;
	v4 =	vld [tilespmem:s21+$0x0];
	v6, _, _ =	vpop (xrf2)  }
0x69: {  	v6 =	vperm.xlane v6, v1;
	_ =	sdelay $0x1  }
0x6a: {  	v6 =	vmax.f32 v6, $-5.000000000e+00  }
0x6b: {  	v6 =	vmin.f32 v6, $5.000000000e+00  }
0x6c: {  	v4 =	vmul.f32 v4, v5;
	v6 =	vmul.f32 $1.442695020e+00, v6  }
0x6d: {  	v5 =	vld [tilespmem:s21+$0xFFFFFF80]  }
0x6e: {  	(xrf2) =	vadd.scan.msk.f32 $0xffff, v4;
	v4 =	vld [tilespmem:s15+$0xFFFFFF00];
	(erf) = vpow2.f32 v6;
	_ =	sdelay $0x3  }
0x6f: {  	v6, _, _ =	vpop (xrf2)  }
0x70: {  	v7 =	vld [tilespmem:s9+$0x90];
	v6 =	vperm.xlane v6, v1;
	v4 =	vmul.f32 v5, v4;
	_ =	sdelay $0x1  }
0x71: {  	v5 =	vmax.f32 v6, $-5.000000000e+00  }
0x72: {  	v5 =	vmin.f32 v5, $5.000000000e+00  }
0x73: {  	(xrf2) =	vadd.scan.msk.f32 $0xffff, v4;
	v5 =	vmul.f32 $1.442695020e+00, v5;
	v4 =	vpop (erf)  }
0x74: {  	v6 =	vmul.f32 v4, v7;
	v7, _, _ =	vpop (xrf2)  }
0x75: {  	(erf) = vpow2.f32 v5;
	v5 =	vperm.xlane v7, v1;
	_ =	sdelay $0x1  }
0x76: {  	[tilespmem:s19+$0x10] =	vst v6;
	v5 =	vmax.f32 v5, $-5.000000000e+00  }
0x77: {  	v6 =	vld [tilespmem:s9+$0x20];
	v5 =	vmin.f32 v5, $5.000000000e+00  }
0x78: {  	v7 =	vld [tilespmem:s16+$0x20];
	v5 =	vmul.f32 $1.442695020e+00, v5;
	_ =	sdelay $0x1  }
0x79: {  	v8 =	vld [tilespmem:s9+$0xFFFFFF90];
	_ =	sdelay $0x1  }
0x7a: {  	(erf) = vpow2.f32 v5;
	v5, _, _ =	vpop (xrf2)  }
0x7b: {  	v6 =	vmul.f32 v7, v6;
	v7 =	vperm.xlane v5, v1  }
0x7c: {  	v5 =	vpop (erf)  }
0x7d: {  	(xrf2) =	vadd.scan.msk.f32 $0xffff, v6;
	v8 =	vmul.f32 v5, v8;
	v6 =	vmax.f32 v7, $-5.000000000e+00  }
0x7e: {  	v6 =	vmin.f32 v6, $5.000000000e+00  }
0x7f: {  	v7 =	vld [tilespmem:s15+$0x80];
	[tilespmem:s19+$0xFFFFFF80] =	vst v8;
	v6 =	vmul.f32 $1.442695020e+00, v6  }
0x80: {  	v8 =	vld [tilespmem:s9+$0xFFFFFF20]  }
0x81: {  	v9 =	vld [tilespmem:s16+$0xFFFFFFA0]  }
0x82: {  	(erf) = vpow2.f32 v6  }
0x83: {  	v6 =	vpop (erf)  }
0x84: {  	v7 =	vmul.f32 v6, v7  }
0x85: {  	s8 =	simm.s32 $0x61B0  }
0x86: {  	v10 =	vld [tilespmem:s15+$0xFFFFFF80];
	[tilespmem:s8+$0x0] =	vst v7;
	v7 =	vmul.f32 v9, v8  }
0x87: {  	v8 =	vld [tilespmem:s15+$0x10]  }
0x88: {  	v9, _, _ =	vpop (xrf2);
	v11 =	vld [tilespmem:s21+$0x10];
	(xrf2) =	vadd.scan.msk.f32 $0xffff, v7  }
0x89: {  	v9 =	vperm.xlane v9, v1;
	_ =	sdelay $0x1  }
0x8a: {  	v9 =	vmax.f32 v9, $-5.000000000e+00;
	v7 =	vpop (erf)  }
0x8b: {  	v9 =	vmin.f32 v9, $5.000000000e+00;
	v10 =	vmul.f32 v7, v10  }
0x8c: {  	v9 =	vmul.f32 $1.442695020e+00, v9;
	v8 =	vmul.f32 v11, v8  }
0x8d: {  	[tilespmem:s8+$0xFFFFFF70] =	vst v10  }
0x8e: {  	(erf) = vpow2.f32 v9;
	(xrf2) =	vadd.scan.msk.f32 $0xffff, v8;
	v8 =	vld [tilespmem:s15+$0xFFFFFF10]  }
0x8f: {  	v9 =	vld [tilespmem:s21+$0xFFFFFF90];
	_ =	sdelay $0x1  }
0x90: {  	v10, _, _ =	vpop (xrf2)  }
0x91: {  	v10 =	vperm.xlane v10, v1  }
0x92: {  	v11 =	vld [tilespmem:s9+$0xA0]  }
0x93: {  	s10 =	simm.s32 $0x500;
	v9 =	vmul.f32 v9, v8;
	v8 =	vmax.f32 v10, $-5.000000000e+00  }
0x94: {  	s20 =	simm.s32 $0x4280;
	v12 =	vld [tilespmem:s10+$0x0];
	v10 =	vmin.f32 v8, $5.000000000e+00  }
0x95: {  	(xrf2) =	vadd.scan.msk.f32 $0xffff, v9;
	v9 =	vmul.f32 $1.442695020e+00, v10;
	v10 =	vld [tilespmem:s20+$0x0]  }
0x96: {  	v8 =	vpop (erf)  }
0x97: {  	v13, _, _ =	vpop (xrf2);
	v11 =	vmul.f32 v8, v11  }
0x98: {  	(erf) = vpow2.f32 v9;
	v9 =	vperm.xlane v13, v1  }
0x99: {  	[tilespmem:s19+$0x20] =	vst v11  }
0x9a: {  	v9 =	vmax.f32 v9, $-5.000000000e+00;
	v11 =	vld [tilespmem:s9+$0x30];
	v10 =	vmul.f32 v10, v12  }
0x9b: {  	v13 =	vld [tilespmem:s16+$0x30];
	v9 =	vmin.f32 v9, $5.000000000e+00  }
0x9c: {  	v9 =	vmul.f32 $1.442695020e+00, v9;
	(xrf2) =	vadd.scan.msk.f32 $0xffff, v10  }
0x9d: {  	v15 =	vld [tilespmem:s10+$0xFFFFFF00]  }
0x9e: {  	v16 =	vld [tilespmem:s10+$0xFFFFFF80];
	(erf) = vpow2.f32 v9  }
0x9f: {  	v14 =	vld [tilespmem:s15+$0xFFFFFF90]  }
0xa0: {  	v12 =	vld [tilespmem:s9+$0xFFFFFFA0];
	v11 =	vmul.f32 v13, v11;
	v13, _, _ =	vpop (xrf2)  }
0xa1: {  	v10 =	vld [tilespmem:s20+$0xFFFFFF80];
	v9 =	vpop (erf)  }
0xa2: {  	(xrf2) =	vadd.scan.msk.f32 $0xffff, v11  }
0xa3: {  	v13 =	vperm.xlane v13, v1;
	v11 =	vld [tilespmem:s15+$0x90];
	_ =	sdelay $0x1  }
0xa4: {  	v13 =	vmax.f32 v13, $-5.000000000e+00  }
0xa5: {  	v12 =	vmul.f32 v9, v12;
	v15 =	vmul.f32 v10, v15;
	v13 =	vmin.f32 v13, $5.000000000e+00;
	v17, _, _ =	vpop (xrf2)  }
0xa6: {  	v13 =	vmul.f32 $1.442695020e+00, v13;
	v10 =	vpop (erf)  }
0xa7: {  	[tilespmem:s19+$0xFFFFFF90] =	vst v12;
	(xrf2) =	vadd.scan.msk.f32 $0xffff, v15;
	v12 =	vperm.xlane v17, v1;
	v11 =	vmul.f32 v10, v11  }
0xa8: {  	v15 =	vld [tilespmem:s16+$0xFFFFFFB0]  }
0xa9: {  	v17 =	vld [tilespmem:s9+$0xFFFFFF30];
	v12 =	vmax.f32 v12, $-5.000000000e+00;
	[tilespmem:s8+$0x10] =	vst v11  }
0xaa: {  	v11 =	vmin.f32 v12, $5.000000000e+00;
	v12 =	vld [tilespmem:s15+$0x20]  }
0xab: {  	(erf) = vpow2.f32 v13;
	v18 =	vld [tilespmem:s21+$0x20];
	v13, _, _ =	vpop (xrf2);
	v11 =	vmul.f32 $1.442695020e+00, v11  }
0xac: {  	v13 =	vperm.xlane v13, v1  }
0xad: {  	(erf) = vpow2.f32 v11  }
0xae: {  	v11 =	vmul.f32 v15, v17;
	v13 =	vmax.f32 v13, $-5.000000000e+00  }
0xaf: {  	v13 =	vmin.f32 v13, $5.000000000e+00  }
0xb0: {  	(xrf2) =	vadd.scan.msk.f32 $0xffff, v11;
	v11 =	vmul.f32 v18, v12;
	v13 =	vmul.f32 $1.442695020e+00, v13  }
0xb1: {  	v12, _, _ =	vpop (xrf2)  }
0xb2: {  	(xrf2) =	vadd.scan.msk.f32 $0xffff, v11;
	v11 =	vperm.xlane v12, v1;
	(erf) = vpow2.f32 v13;
	v13 =	vld [tilespmem:s10+$0x80];
	_ =	sdelay $0x1  }
0xb3: {  	v12 =	vpop (erf);
	v15 =	vmax.f32 v11, $-5.000000000e+00  }
0xb4: {  	v14 =	vmul.f32 v12, v14;
	v15 =	vmin.f32 v15, $5.000000000e+00  }
0xb5: {  	v15 =	vmul.f32 $1.442695020e+00, v15;
	v11 =	vpop (erf)  }
0xb6: {  	[tilespmem:s8+$0xFFFFFF80] =	vst v14;
	v14 =	vld [tilespmem:s9+$0xB0];
	v13 =	vmul.f32 v11, v13  }
0xb7: {  	s7 =	simm.s32 $0x62D0;
	v17 =	vld [tilespmem:s15+$0xFFFFFF20]  }
0xb8: {  	v18 =	vld [tilespmem:s21+$0xFFFFFFA0];
	[tilespmem:s7+$0x0] =	vst v13  }
0xb9: {  	(erf) = vpow2.f32 v15;
	v15, _, _ =	vpop (xrf2);
	v19 =	vld [tilespmem:s10+$0x10]  }
0xba: {  	v20 =	vld [tilespmem:s20+$0x10];
	v15 =	vperm.xlane v15, v1;
	v13 =	vpop (erf)  }
0xbb: {  	v14 =	vmul.f32 v13, v14  }
0xbc: {  	v15 =	vmax.f32 v15, $-5.000000000e+00  }
0xbd: {  	v17 =	vmul.f32 v18, v17;
	v21, _, _ =	vpop (xrf2);
	[tilespmem:s19+$0x30] =	vst v14;
	v14 =	vmin.f32 v15, $5.000000000e+00  }
0xbe: {  	v18 =	vperm.xlane v21, v1;
	v14 =	vmul.f32 $1.442695020e+00, v14  }
0xbf: {  	(xrf2) =	vadd.scan.msk.f32 $0xffff, v17;
	v15 =	vld [tilespmem:s9+$0x40];
	v19 =	vmul.f32 v20, v19  }
0xc0: {  	v17 =	vmax.f32 v18, $-5.000000000e+00;
	v18 =	vld [tilespmem:s16+$0x40]  }
0xc1: {  	(xrf2) =	vadd.scan.msk.f32 $0xffff, v19  }
0xc2: {  	v17 =	vmin.f32 v17, $5.000000000e+00;
	(erf) = vpow2.f32 v14;
	v14 =	vpop (erf)  }
0xc3: {  	v17 =	vmul.f32 $1.442695020e+00, v17;
	v16 =	vmul.f32 v14, v16;
	_ =	sdelay $0x1  }
0xc4: {  	(erf) = vpow2.f32 v17;
	v15 =	vmul.f32 v18, v15;
	[tilespmem:s7+$0xFFFFFF70] =	vst v16  }
0xc5: {  	v16 =	vld [tilespmem:s10+$0xFFFFFF10]  }
0xc6: {  	(xrf2) =	vadd.scan.msk.f32 $0xffff, v15;
	v17 =	vld [tilespmem:s20+$0xFFFFFF90];
	_ =	sdelay $0x1  }
0xc7: {  	v15, _, _ =	vpop (xrf2)  }
0xc8: {  	v18 =	vld [tilespmem:s15+$0xA0];
	v19 =	vperm.xlane v15, v1  }
0xc9: {  	v21, _, _ =	vpop (xrf2)  }
0xca: {  	v19 =	vmax.f32 v19, $-5.000000000e+00;
	v17 =	vmul.f32 v17, v16;
	v21 =	vperm.xlane v21, v1  }
0xcb: {  	s4 =	simm.s32 $0x4380;
	v15 =	vpop (erf);
	v19 =	vmin.f32 v19, $5.000000000e+00  }
0xcc: {  	s29 =	simm.s32 $0x700;
	v22 =	vld [tilespmem:s4+$0x0];
	v16 =	vpop (erf);
	(xrf2) =	vadd.scan.msk.f32 $0xffff, v17;
	v17 =	vmul.f32 $1.442695020e+00, v19;
	v19 =	vmax.f32 v21, $-5.000000000e+00  }
0xcd: {  	v20 =	vld [tilespmem:s29+$0x0];
	v18 =	vmul.f32 v16, v18;
	_ =	sdelay $0x1  }
0xce: {  	[tilespmem:s8+$0x20] =	vst v18;
	v18 =	vmin.f32 v19, $5.000000000e+00;
	v19, _, _ =	vpop (xrf2)  }
0xcf: {  	v18 =	vmul.f32 $1.442695020e+00, v18;
	v19 =	vperm.xlane v19, v1  }
0xd0: {  	(erf) = vpow2.f32 v17;
	v17 =	vld [tilespmem:s15+$0x30]  }
0xd1: {  	v20 =	vmul.f32 v22, v20;
	v23 =	vld [tilespmem:s21+$0x30];
	(erf) = vpow2.f32 v18;
	v18 =	vmax.f32 v19, $-5.000000000e+00  }
0xd2: {  	v21 =	vld [tilespmem:s9+$0xFFFFFFB0];
	v18 =	vmin.f32 v18, $5.000000000e+00  }
0xd3: {  	v22 =	vld [tilespmem:s29+$0xFFFFFF00];
	(xrf2) =	vadd.scan.msk.f32 $0xffff, v20;
	v18 =	vmul.f32 $1.442695020e+00, v18  }
0xd4: {  	v20 =	vld [tilespmem:s4+$0xFFFFFF80];
	_ =	sdelay $0x1  }
0xd5: {  	v19 =	vld [tilespmem:s15+$0xFFFFFFA0];
	v17 =	vmul.f32 v23, v17  }
0xd6: {  	v21 =	vmul.f32 v15, v21;
	(erf) = vpow2.f32 v18;
	v18, _, _ =	vpop (xrf2)  }
0xd7: {  	v23 =	vld [tilespmem:s10+$0x90];
	v18 =	vperm.xlane v18, v1  }
0xd8: {  	v20 =	vmul.f32 v20, v22;
	[tilespmem:s19+$0xFFFFFFA0] =	vst v21;
	(xrf2) =	vadd.scan.msk.f32 $0xffff, v17  }
0xd9: {  	v21 =	vld [tilespmem:s9+$0xFFFFFF40];
	v17 =	vpop (erf)  }
0xda: {  	v24 =	vld [tilespmem:s16+$0xFFFFFFC0];
	v19 =	vmul.f32 v17, v19  }
0xdb: {  	v22 =	vmax.f32 v18, $-5.000000000e+00;
	v18 =	vpop (erf)  }
0xdc: {  	(xrf2) =	vadd.scan.msk.f32 $0xffff, v20;
	v20, _, _ =	vpop (xrf2);
	[tilespmem:s8+$0xFFFFFF90] =	vst v19;
	v19 =	vld [tilespmem:s9+$0xC0];
	v22 =	vmin.f32 v22, $5.000000000e+00;
	v23 =	vmul.f32 v18, v23  }
0xdd: {  	v26 =	vperm.xlane v20, v1;
	v25 =	vld [tilespmem:s15+$0xFFFFFF30];
	v22 =	vmul.f32 $1.442695020e+00, v22  }
0xde: {  	v27 =	vld [tilespmem:s21+$0xFFFFFFB0];
	[tilespmem:s7+$0x10] =	vst v23  }
0xdf: {  	v21 =	vmul.f32 v24, v21;
	(erf) = vpow2.f32 v22;
	v23 =	vmax.f32 v26, $-5.000000000e+00;
	v22 =	vld [tilespmem:s10+$0x20]  }
0xe0: {  	v20 =	vpop (erf);
	v24 =	vld [tilespmem:s20+$0x20]  }
0xe1: {  	(xrf2) =	vadd.scan.msk.f32 $0xffff, v21;
	v19 =	vmul.f32 v20, v19;
	v21 =	vmin.f32 v23, $5.000000000e+00  }
0xe2: {  	v21 =	vmul.f32 $1.442695020e+00, v21;
	v23, _, _ =	vpop (xrf2)  }
0xe3: {  	[tilespmem:s19+$0x40] =	vst v19;
	v19 =	vmul.f32 v27, v25;
	v23 =	vperm.xlane v23, v1  }
0xe4: {  	v25 =	vld [tilespmem:s9+$0x50]  }
0xe5: {  	(erf) = vpow2.f32 v21;
	(xrf2) =	vadd.scan.msk.f32 $0xffff, v19;
	v21 =	vmax.f32 v23, $-5.000000000e+00;
	v23 =	vld [tilespmem:s16+$0x50];
	v19 =	vmul.f32 v24, v22  }
0xe6: {  	v26 =	vld [tilespmem:s10+$0xFFFFFF90]  }
0xe7: {  	v22, _, _ =	vpop (xrf2);
	v21 =	vmin.f32 v21, $5.000000000e+00;
	(xrf2) =	vadd.scan.msk.f32 $0xffff, v19  }
0xe8: {  	v21 =	vmul.f32 $1.442695020e+00, v21;
	v19 =	vperm.xlane v22, v1;
	_ =	sdelay $0x1  }
0xe9: {  	v24 =	vld [tilespmem:s29+$0x80];
	v22 =	vpop (erf);
	(erf) = vpow2.f32 v21;
	v19 =	vmax.f32 v19, $-5.000000000e+00;
	v23 =	vmul.f32 v23, v25  }
0xea: {  	v21 =	vmul.f32 v22, v26;
	v19 =	vmin.f32 v19, $5.000000000e+00  }
0xeb: {  	v25, _, _ =	vpop (xrf2);
	(xrf2) =	vadd.scan.msk.f32 $0xffff, v23;
	v23 =	vmul.f32 $1.442695020e+00, v19  }
0xec: {  	[tilespmem:s7+$0xFFFFFF80] =	vst v21;
	v21 =	vperm.xlane v25, v1  }
0xed: {  	v26 =	vld [tilespmem:s15+$0xB0];
	v19 =	vpop (erf)  }
0xee: {  	v25 =	vld [tilespmem:s10+$0xFFFFFF20];
	v21 =	vmax.f32 v21, $-5.000000000e+00;
	v24 =	vmul.f32 v19, v24  }
0xef: {  	s30 =	simm.s32 $0x63F0;
	v27 =	vld [tilespmem:s20+$0xFFFFFFA0];
	(erf) = vpow2.f32 v23;
	v21 =	vmin.f32 v21, $5.000000000e+00;
	v23, _, _ =	vpop (xrf2)  }
0xf0: {  	v21 =	vmul.f32 $1.442695020e+00, v21;
	[tilespmem:s30+$0x0] =	vst v24;
	v24 =	vperm.xlane v23, v1;
	v29, _, _ =	vpop (xrf2)  }
0xf1: {  	v29 =	vperm.xlane v29, v1  }
0xf2: {  	(erf) = vpow2.f32 v21;
	v23 =	vpop (erf);
	v24 =	vmax.f32 v24, $-5.000000000e+00  }
0xf3: {  	v28 =	vld [tilespmem:s29+$0x10];
	v26 =	vmul.f32 v23, v26;
	v24 =	vmin.f32 v24, $5.000000000e+00;
	v29 =	vmax.f32 v29, $-5.000000000e+00  }
0xf4: {  	v21 =	vld [tilespmem:s4+$0x10];
	v25 =	vmul.f32 v27, v25;
	v24 =	vmul.f32 $1.442695020e+00, v24  }
0xf5: {  	v27 =	vld [tilespmem:s29+$0xFFFFFF80];
	[tilespmem:s8+$0x30] =	vst v26  }
0xf6: {  	(xrf2) =	vadd.scan.msk.f32 $0xffff, v25;
	v25 =	vmin.f32 v29, $5.000000000e+00;
	v26 =	vld [tilespmem:s15+$0x40];
	v29, _, _ =	vpop (xrf2);
	(erf) = vpow2.f32 v24  }
0xf7: {  	v24 =	vmul.f32 $1.442695020e+00, v25;
	v25 =	vld [tilespmem:s21+$0x40];
	v29 =	vperm.xlane v29, v1  }
0xf8: {  	v30 =	vld [tilespmem:s9+$0xFFFFFFC0]  }
0xf9: {  	v28 =	vmul.f32 v21, v28;
	v21 =	vpop (erf);
	(erf) = vpow2.f32 v24;
	v24 =	vmax.f32 v29, $-5.000000000e+00  }
0xfa: {  	v27 =	vmul.f32 v21, v27  }
0xfb: {  	(xrf2) =	vadd.scan.msk.f32 $0xffff, v28;
	v28 =	vmin.f32 v24, $5.000000000e+00  }
0xfc: {  	s31 =	simm.s32 $0x900;
	[tilespmem:s30+$0xFFFFFF70] =	vst v27;
	v27 =	vmul.f32 $1.442695020e+00, v28;
	v25 =	vmul.f32 v25, v26;
	v24 =	vpop (erf)  }
0xfd: {  	v34 =	vld [tilespmem:s31+$0x0];
	v26 =	vmul.f32 v24, v30  }
0xfe: {  	(erf) = vpow2.f32 v27;
	v27 =	vld [tilespmem:s10+$0xA0];
	(xrf2) =	vadd.scan.msk.f32 $0xffff, v25  }
0xff: {  	v29 =	vld [tilespmem:s4+$0xFFFFFF90]  }
0x100: {  	v28 =	vld [tilespmem:s29+$0xFFFFFF10];
	[tilespmem:s19+$0xFFFFFFB0] =	vst v26;
	v25 =	vpop (erf)  }
0x101: {  	v30 =	vld [tilespmem:s9+$0xFFFFFF50];
	v26, _, _ =	vpop (xrf2)  }
0x102: {  	v31 =	vld [tilespmem:s16+$0xFFFFFFD0];
	v32 =	vperm.xlane v26, v1;
	v26 =	vpop (erf)  }
0x103: {  	s22 =	simm.s32 $0x4480;
	v33 =	vld [tilespmem:s9+$0xD0];
	v27 =	vmul.f32 v26, v27  }
0x104: {  	v36 =	vld [tilespmem:s22+$0x0];
	v32 =	vmax.f32 v32, $-5.000000000e+00  }
0x105: {  	v28 =	vmul.f32 v29, v28;
	v35, _, _ =	vpop (xrf2);
	v29 =	vmin.f32 v32, $5.000000000e+00  }
0x106: {  	v52 =	vperm.xlane v35, v1;
	v29 =	vmul.f32 $1.442695020e+00, v29  }
0x107: {  	(xrf2) =	vadd.scan.msk.f32 $0xffff, v28;
	[tilespmem:s7+$0x20] =	vst v27;
	v28 =	vmul.f32 v31, v30;
	v27 =	vpop (erf)  }
0x108: {  	v30 =	vmax.f32 v52, $-5.000000000e+00;
	v53 =	vld [tilespmem:s10+$0x30];
	v55, _, _ =	vpop (xrf2);
	(erf) = vpow2.f32 v29;
	v29 =	vmul.f32 v27, v33  }
0x109: {  	v31 =	vld [tilespmem:s20+$0x30];
	v30 =	vmin.f32 v30, $5.000000000e+00;
	(xrf2) =	vadd.scan.msk.f32 $0xffff, v28;
	v28 =	vmul.f32 v36, v34;
	v33 =	vperm.xlane v55, v1  }
0x10a: {  	v30 =	vmul.f32 $1.442695020e+00, v30;
	[tilespmem:s19+$0x50] =	vst v29  }
0x10b: {  	(xrf2) =	vadd.scan.msk.f32 $0xffff, v28;
	v28 =	vmax.f32 v33, $-5.000000000e+00;
	v29 =	vld [tilespmem:s9+$0x60]  }
0x10c: {  	(erf) = vpow2.f32 v30;
	v30 =	vld [tilespmem:s16+$0x60];
	v28 =	vmin.f32 v28, $5.000000000e+00  }
0x10d: {  	v28 =	vmul.f32 $1.442695020e+00, v28  }
0x10e: {  	v57 =	vld [tilespmem:s22+$0xFFFFFF80];
	v31 =	vmul.f32 v31, v53  }
0x10f: {  	v54 =	vld [tilespmem:s15+$0xFFFFFFB0]  }
0x110: {  	(xrf2) =	vadd.scan.msk.f32 $0xffff, v31;
	v31 =	vld [tilespmem:s31+$0xFFFFFF00]  }
0x111: {  	v56 =	vld [tilespmem:s10+$0xFFFFFFA0];
	(erf) = vpow2.f32 v28;
	v28, _, _ =	vpop (xrf2);
	v30 =	vmul.f32 v30, v29  }
0x112: {  	v28 =	vperm.xlane v28, v1  }
0x113: {  	v58 =	vld [tilespmem:s29+$0x90]  }
0x114: {  	v32 =	vmul.f32 v25, v54;
	v29 =	vpop (erf)  }
0x115: {  	(xrf2) =	vadd.scan.msk.f32 $0xffff, v30;
	v31 =	vmul.f32 v57, v31;
	v30, _, _ =	vpop (xrf2)  }
0x116: {  	v62 =	vld [tilespmem:s15+$0xC0];
	[tilespmem:s8+$0xFFFFFFA0] =	vst v32;
	v33 =	vmul.f32 v29, v56;
	v61 =	vmax.f32 v28, $-5.000000000e+00;
	v28 =	vpop (erf)  }
0x117: {  	v59 =	vld [tilespmem:s15+$0xFFFFFF40];
	(xrf2) =	vadd.scan.msk.f32 $0xffff, v31;
	v30 =	vperm.xlane v30, v1;
	v37, _, _ =	vpop (xrf2)  }
0x118: {  	v60 =	vld [tilespmem:s21+$0xFFFFFFC0];
	v34 =	vmin.f32 v61, $5.000000000e+00;
	[tilespmem:s7+$0xFFFFFF90] =	vst v33;
	v32 =	vmul.f32 v28, v58;
	v37 =	vperm.xlane v37, v1  }
0x119: {  	v34 =	vmul.f32 $1.442695020e+00, v34;
	v38 =	vld [tilespmem:s10+$0xFFFFFF30];
	v30 =	vmax.f32 v30, $-5.000000000e+00  }
0x11a: {  	v31 =	vld [tilespmem:s20+$0xFFFFFFB0];
	[tilespmem:s30+$0x10] =	vst v32;
	v63 =	vmin.f32 v30, $5.000000000e+00;
	v40 =	vmax.f32 v37, $-5.000000000e+00  }
0x11b: {  	(erf) = vpow2.f32 v34;
	v42, _, _ =	vpop (xrf2);
	v41 =	vld [tilespmem:s29+$0x20];
	v32 =	vmul.f32 $1.442695020e+00, v63;
	v34 =	vmin.f32 v40, $5.000000000e+00  }
0x11c: {  	v37 =	vperm.xlane v42, v1;
	v43 =	vld [tilespmem:s4+$0x20];
	v34 =	vmul.f32 $1.442695020e+00, v34  }
0x11d: {  	v35 =	vmul.f32 v60, v59;
	v30 =	vpop (erf);
	(erf) = vpow2.f32 v32  }
0x11e: {  	v44 =	vmax.f32 v37, $-5.000000000e+00;
	v33 =	vmul.f32 v30, v62;
	(erf) = vpow2.f32 v34  }
0x11f: {  	(xrf2) =	vadd.scan.msk.f32 $0xffff, v35;
	v32 =	vmin.f32 v44, $5.000000000e+00  }
0x120: {  	v45 =	vld [tilespmem:s29+$0xFFFFFF90];
	v31 =	vmul.f32 v31, v38;
	v47, _, _ =	vpop (xrf2);
	v32 =	vmul.f32 $1.442695020e+00, v32;
	[tilespmem:s8+$0x40] =	vst v33  }
0x121: {  	v33 =	vperm.xlane v47, v1;
	v46 =	vld [tilespmem:s15+$0x50];
	v35 =	vmul.f32 v43, v41;
	v49, _, _ =	vpop (xrf2)  }
0x122: {  	v48 =	vld [tilespmem:s21+$0x50];
	(erf) = vpow2.f32 v32;
	v32 =	vperm.xlane v49, v1  }
0x123: {  	v50 =	vld [tilespmem:s31+$0x80];
	(xrf2) =	vadd.scan.msk.f32 $0xffff, v31  }
0x124: {  	v31 =	vmax.f32 v33, $-5.000000000e+00;
	(xrf2) =	vadd.scan.msk.f32 $0xffff, v35;
	v32 =	vmax.f32 v32, $-5.000000000e+00  }
0x125: {  	v31 =	vmin.f32 v31, $5.000000000e+00;
	v33 =	vpop (erf)  }
0x126: {  	v31 =	vmul.f32 $1.442695020e+00, v31;
	v34 =	vpop (erf)  }
0x127: {  	v51 =	vmul.f32 v33, v45;
	v39 =	vmin.f32 v32, $5.000000000e+00;
	v52 =	vmul.f32 v48, v46;
	v32 =	vpop (erf)  }
0x128: {  	(erf) = vpow2.f32 v31;
	v31 =	vld [tilespmem:s10+$0xB0];
	v35 =	vmul.f32 v32, v50  }
0x129: {  	v53, _, _ =	vpop (xrf2);
	[tilespmem:s30+$0xFFFFFF80] =	vst v51;
	(xrf2) =	vadd.scan.msk.f32 $0xffff, v52  }
0x12a: {  	v54 =	vperm.xlane v53, v1;
	v56 =	vld [tilespmem:s29+$0xFFFFFF20]  }
0x12b: {  	s1 =	simm.s32 $0x6510;
	v55 =	vmul.f32 $1.442695020e+00, v39;
	v57 =	vld [tilespmem:s4+$0xFFFFFFA0]  }
0x12c: {  	v36 =	vmax.f32 v54, $-5.000000000e+00;
	[tilespmem:s1+$0x0] =	vst v35;
	v35 =	vpop (erf)  }
0x12d: {  	v36 =	vmin.f32 v36, $5.000000000e+00;
	(erf) = vpow2.f32 v55;
	v40, _, _ =	vpop (xrf2);
	v41 =	vld [tilespmem:s31+$0x10];
	v31 =	vmul.f32 v35, v31  }
0x12e: {  	v36 =	vmul.f32 $1.442695020e+00, v36;
	v40 =	vperm.xlane v40, v1;
	v42 =	vld [tilespmem:s22+$0x10];
	v43, _, _ =	vpop (xrf2)  }
0x12f: {  	v58 =	vld [tilespmem:s9+$0xE0];
	v43 =	vperm.xlane v43, v1;
	[tilespmem:s7+$0x30] =	vst v31  }
0x130: {  	(erf) = vpow2.f32 v36;
	v59 =	vmax.f32 v40, $-5.000000000e+00;
	v31 =	vmul.f32 v57, v56;
	v60 =	vld [tilespmem:s10+$0x40]  }
0x131: {  	v61 =	vmin.f32 v59, $5.000000000e+00;
	v62 =	vmax.f32 v43, $-5.000000000e+00;
	v63 =	vld [tilespmem:s20+$0x40]  }
0x132: {  	v44 =	vld [tilespmem:s31+$0xFFFFFF80];
	v48 =	vmin.f32 v62, $5.000000000e+00;
	(xrf2) =	vadd.scan.msk.f32 $0xffff, v31;
	v31 =	vmul.f32 $1.442695020e+00, v61  }
0x133: {  	v41 =	vmul.f32 v42, v41;
	v49, _, _ =	vpop (xrf2);
	v39 =	vmul.f32 $1.442695020e+00, v48  }
0x134: {  	v45 =	vld [tilespmem:s9+$0xFFFFFFD0];
	v36 =	vpop (erf);
	v40 =	vperm.xlane v49, v1;
	(erf) = vpow2.f32 v31  }
0x135: {  	v50 =	vld [tilespmem:s15+$0xFFFFFFC0];
	v37 =	vmul.f32 v36, v58;
	(erf) = vpow2.f32 v39  }
0x136: {  	s24 =	simm.s32 $0xB00;
	v59 =	vld [tilespmem:s29+$0xA0];
	(xrf2) =	vadd.scan.msk.f32 $0xffff, v41;
	v52 =	vmax.f32 v40, $-5.000000000e+00;
	v31 =	vpop (erf);
	v38 =	vmul.f32 v63, v60  }
0x137: {  	v62 =	vld [tilespmem:s24+$0x0];
	[tilespmem:s19+$0x60] =	vst v37;
	v54 =	vmin.f32 v52, $5.000000000e+00;
	v51 =	vmul.f32 v31, v44  }
0x138: {  	v53 =	vld [tilespmem:s9+$0x70];
	v56 =	vmul.f32 $1.442695020e+00, v54;
	(xrf2) =	vadd.scan.msk.f32 $0xffff, v38  }
0x139: {  	v55 =	vld [tilespmem:s16+$0x70];
	v37 =	vpop (erf);
	[tilespmem:s1+$0xFFFFFF70] =	vst v51  }
0x13a: {  	v58 =	vmul.f32 v37, v50;
	(erf) = vpow2.f32 v56;
	v57 =	vld [tilespmem:s31+$0xFFFFFF10]  }
0x13b: {  	v46 =	vld [tilespmem:s22+$0xFFFFFF90]  }
0x13c: {  	v41 =	vld [tilespmem:s10+$0xFFFFFFB0];
	[tilespmem:s8+$0xFFFFFFB0] =	vst v58;
	v60, _, _ =	vpop (xrf2)  }
0x13d: {  	v47 =	vld [tilespmem:s15+$0xFFFFFF50];
	v48 =	vperm.xlane v60, v1;
	v38 =	vpop (erf)  }
0x13e: {  	v40 =	vmul.f32 v55, v53;
	v49 =	vld [tilespmem:s21+$0xFFFFFFD0];
	v39 =	vpop (erf)  }
0x13f: {  	s26 =	simm.s32 $0x4580;
	v50 =	vld [tilespmem:s15+$0xD0];
	v61 =	vmax.f32 v48, $-5.000000000e+00;
	v42 =	vmul.f32 v39, v59  }
0x140: {  	v63 =	vld [tilespmem:s26+$0x0];
	(xrf2) =	vadd.scan.msk.f32 $0xffff, v40;
	v51, _, _ =	vpop (xrf2);
	v43 =	vmul.f32 v46, v57;
	v44 =	vmin.f32 v61, $5.000000000e+00  }
0x141: {  	v52 =	vld [tilespmem:s29+$0xFFFFFFA0];
	v51 =	vperm.xlane v51, v1;
	v55 =	vmul.f32 $1.442695020e+00, v44;
	[tilespmem:s30+$0x20] =	vst v42  }
0x142: {  	v45 =	vmul.f32 v34, v45;
	(xrf2) =	vadd.scan.msk.f32 $0xffff, v43;
	v42 =	vld [tilespmem:s29+$0x30];
	v56, _, _ =	vpop (xrf2)  }
0x143: {  	v57 =	vmul.f32 v49, v47;
	v58 =	vmax.f32 v51, $-5.000000000e+00;
	v40 =	vpop (erf);
	v59 =	vld [tilespmem:s4+$0x30];
	(erf) = vpow2.f32 v55  }
0x144: {  	v48 =	vld [tilespmem:s26+$0xFFFFFF80];
	v47 =	vmin.f32 v58, $5.000000000e+00;
	v43 =	vperm.xlane v56, v1;
	v50 =	vmul.f32 v40, v50  }
0x145: {  	[tilespmem:s19+$0xFFFFFFC0] =	vst v45;
	v46 =	vmul.f32 v63, v62;
	v63 =	vld [tilespmem:s24+$0xFFFFFF00];
	v60 =	vmul.f32 $1.442695020e+00, v47  }
0x146: {  	v41 =	vmul.f32 v38, v41;
	v49 =	vld [tilespmem:s9+$0xFFFFFF60];
	v43 =	vmax.f32 v43, $-5.000000000e+00;
	[tilespmem:s8+$0x50] =	vst v50  }
0x147: {  	(xrf2) =	vadd.scan.msk.f32 $0xffff, v57;
	(erf) = vpow2.f32 v60;
	v43 =	vmin.f32 v43, $5.000000000e+00;
	v61 =	vld [tilespmem:s15+$0x60]  }
0x148: {  	[tilespmem:s7+$0xFFFFFFA0] =	vst v41;
	(xrf2) =	vadd.scan.msk.f32 $0xffff, v46;
	v62 =	vld [tilespmem:s21+$0x60];
	v43 =	vmul.f32 $1.442695020e+00, v43;
	v42 =	vmul.f32 v59, v42  }
0x149: {  	v45 =	vld [tilespmem:s10+$0xFFFFFF40]  }
0x14a: {  	v53 =	vld [tilespmem:s20+$0xFFFFFFC0];
	v56, _, _ =	vpop (xrf2);
	(erf) = vpow2.f32 v43;
	(xrf2) =	vadd.scan.msk.f32 $0xffff, v42  }
0x14b: {  	v47 =	vld [tilespmem:s16+$0xFFFFFFE0];
	v58 =	vperm.xlane v56, v1  }
0x14c: {  	v57 =	vld [tilespmem:s31+$0x90];
	v59, _, _ =	vpop (xrf2)  }
0x14d: {  	v43 =	vmax.f32 v58, $-5.000000000e+00;
	v44 =	vmul.f32 v62, v61;
	v42 =	vpop (erf);
	v60 =	vperm.xlane v59, v1  }
0x14e: {  	v61 =	vmul.f32 v42, v52  }
0x14f: {  	v54 =	vld [tilespmem:s10+$0xC0];
	v41 =	vmul.f32 v48, v63;
	v45 =	vmul.f32 v53, v45;
	(xrf2) =	vadd.scan.msk.f32 $0xffff, v44;
	v55 =	vmax.f32 v60, $-5.000000000e+00  }
0x150: {  	v47 =	vmul.f32 v47, v49;
	v63 =	vmin.f32 v43, $5.000000000e+00;
	v43 =	vpop (erf);
	[tilespmem:s30+$0xFFFFFF90] =	vst v61;
	v44 =	vmin.f32 v55, $5.000000000e+00  }
0x151: {  	v48 =	vmul.f32 $1.442695020e+00, v63;
	v62, _, _ =	vpop (xrf2);
	v57 =	vmul.f32 v43, v57;
	(xrf2) =	vadd.scan.msk.f32 $0xffff, v41;
	v41 =	vld [tilespmem:s29+$0xFFFFFF30]  }
0x152: {  	v56 =	vperm.xlane v62, v1;
	v58, _, _ =	vpop (xrf2);
	v59 =	vmul.f32 $1.442695020e+00, v44;
	v60 =	vld [tilespmem:s4+$0xFFFFFFB0]  }
0x153: {  	(erf) = vpow2.f32 v48;
	v50 =	vperm.xlane v58, v1;
	[tilespmem:s1+$0x10] =	vst v57;
	v44 =	vpop (erf)  }
0x154: {  	v46 =	vmax.f32 v56, $-5.000000000e+00;
	v48 =	vld [tilespmem:s31+$0x20];
	(erf) = vpow2.f32 v59;
	v61 =	vmul.f32 v44, v54;
	v54, _, _ =	vpop (xrf2)  }
0x155: {  	(xrf2) =	vadd.scan.msk.f32 $0xffff, v45;
	v46 =	vmin.f32 v46, $5.000000000e+00;
	v63 =	vmax.f32 v50, $-5.000000000e+00;
	v55 =	vld [tilespmem:s22+$0x20];
	v50 =	vperm.xlane v54, v1  }
0x156: {  	(xrf2) =	vadd.scan.msk.f32 $0xffff, v47;
	v62 =	vmul.f32 $1.442695020e+00, v46;
	v46 =	vmin.f32 v63, $5.000000000e+00;
	[tilespmem:s7+$0x40] =	vst v61  }
0x157: {  	v56 =	vmul.f32 $1.442695020e+00, v46;
	v41 =	vmul.f32 v60, v41;
	v57 =	vld [tilespmem:s10+$0x50];
	v58 =	vmax.f32 v50, $-5.000000000e+00  }
0x158: {  	(erf) = vpow2.f32 v62;
	v49 =	vld [tilespmem:s20+$0x50];
	v59 =	vmin.f32 v58, $5.000000000e+00  }
0x159: {  	(erf) = vpow2.f32 v56;
	v60 =	vld [tilespmem:s31+$0xFFFFFF90];
	v61, _, _ =	vpop (xrf2);
	(xrf2) =	vadd.scan.msk.f32 $0xffff, v41;
	v45 =	vmul.f32 $1.442695020e+00, v59  }
0x15a: {  	v62 =	vmul.f32 v55, v48  }
0x15b: {  	v50 =	vperm.xlane v61, v1;
	v63, _, _ =	vpop (xrf2);
	(erf) = vpow2.f32 v45  }
0x15c: {  	v48 =	vpop (erf);
	(xrf2) =	vadd.scan.msk.f32 $0xffff, v62;
	v56 =	vperm.xlane v63, v1  }
0x15d: {  	v54 =	vmax.f32 v50, $-5.000000000e+00;
	v55 =	vmul.f32 v49, v57;
	v46 =	vpop (erf)  }
0x15e: {  	v41 =	vmin.f32 v54, $5.000000000e+00;
	v57 =	vld [tilespmem:s24+$0x80];
	v49 =	vmax.f32 v56, $-5.000000000e+00;
	v47 =	vmul.f32 v46, v60  }
0x15f: {  	v58, _, _ =	vpop (xrf2);
	v41 =	vmul.f32 $1.442695020e+00, v41;
	v49 =	vmin.f32 v49, $5.000000000e+00;
	(xrf2) =	vadd.scan.msk.f32 $0xffff, v55  }
0x160: {  	v59 =	vld [tilespmem:s29+$0xB0];
	v51 =	vperm.xlane v58, v1;
	v62, _, _ =	vpop (xrf2);
	v49 =	vmul.f32 $1.442695020e+00, v49;
	[tilespmem:s1+$0xFFFFFF80] =	vst v47  }
0x161: {  	v45 =	vpop (erf);
	(erf) = vpow2.f32 v41;
	v53 =	vld [tilespmem:s31+$0xFFFFFF20]  }
0x162: {  	v51 =	vmax.f32 v51, $-5.000000000e+00;
	v63 =	vld [tilespmem:s22+$0xFFFFFFA0];
	v47 =	vpop (erf)  }
0x163: {  	v52 =	vperm.xlane v62, v1;
	v51 =	vmin.f32 v51, $5.000000000e+00;
	v50 =	vmul.f32 v47, v57;
	v60, _, _ =	vpop (xrf2)  }
0x164: {  	s28 =	simm.s32 $0x6630;
	v51 =	vmul.f32 $1.442695020e+00, v51;
	(erf) = vpow2.f32 v49;
	v49 =	vpop (erf)  }
0x165: {  	v55 =	vld [tilespmem:s15+$0xE0];
	v52 =	vmax.f32 v52, $-5.000000000e+00;
	v61 =	vperm.xlane v60, v1;
	[tilespmem:s28+$0x0] =	vst v50;
	v41 =	vmul.f32 v49, v59  }
0x166: {  	v2 =	vnsel vm0, $0x0, v2;
	v62 =	vmin.f32 v52, $5.000000000e+00;
	(erf) = vpow2.f32 v51;
	v56, _, _ =	vpop (xrf2);
	v52 =	vld [tilespmem:s24+$0x10]  }
0x167: {  	v56 =	vperm.xlane v56, v1;
	v57 =	vld [tilespmem:s26+$0x10];
	v53 =	vmul.f32 v63, v53;
	v50 =	vmax.f32 v61, $-5.000000000e+00;
	[tilespmem:s30+$0x30] =	vst v41  }
0x168: {  	v3 =	vnsel vm0, $0x0, v3;
	v51 =	vmul.f32 $1.442695020e+00, v62;
	v63 =	vmin.f32 v50, $5.000000000e+00;
	v54 =	vld [tilespmem:s29+$0x40]  }
0x169: {  	v2 =	vsel vm1, v2, v4;
	v60 =	vmax.f32 v56, $-5.000000000e+00;
	v41 =	vmul.f32 $1.442695020e+00, v63;
	(xrf2) =	vadd.scan.msk.f32 $0xffff, v53;
	v61, _, _ =	vpop (xrf2);
	v59 =	vld [tilespmem:s4+$0x40]  }
0x16a: {  	v58 =	vld [tilespmem:s24+$0xFFFFFF80];
	(erf) = vpow2.f32 v51;
	v51 =	vmin.f32 v60, $5.000000000e+00;
	v50 =	vpop (erf);
	v56 =	vperm.xlane v61, v1  }
0x16b: {  	v3 =	vsel vm1, v3, v5;
	v51 =	vmul.f32 $1.442695020e+00, v51;
	v62 =	vmul.f32 v50, v55;
	v55 =	vld [tilespmem:s10+$0xFFFFFFC0]  }
0x16c: {  	(erf) = vpow2.f32 v41;
	v52 =	vmul.f32 v57, v52;
	v56 =	vmax.f32 v56, $-5.000000000e+00  }
0x16d: {  	v6 =	vnsel vm0, $0x0, v6;
	[tilespmem:s8+$0x60] =	vst v62;
	v41 =	vpop (erf);
	(erf) = vpow2.f32 v51;
	v63 =	vmin.f32 v56, $5.000000000e+00  }
0x16e: {  	v5 =	vsel vm2, v2, v8;
	(xrf2) =	vadd.scan.msk.f32 $0xffff, v52;
	v62 =	vld [tilespmem:s15+$0x70];
	v53 =	vmul.f32 $1.442695020e+00, v63;
	v4 =	vmul.f32 v59, v54  }
0x16f: {  	v3 =	vsel vm2, v3, v9;
	v6 =	vsel vm1, v6, v10;
	v61 =	vmul.f32 v41, v58;
	v2 =	vpop (erf);
	v8 =	vld [tilespmem:s21+$0x70]  }
0x170: {  	v10 =	vnsel vm0, $0x0, v11;
	v11 =	vld [tilespmem:s31+$0xA0];
	(erf) = vpow2.f32 v53;
	(xrf2) =	vadd.scan.msk.f32 $0xffff, v4;
	v4 =	vmul.f32 v2, v55  }
0x171: {  	v7 =	vnsel vm0, $0x0, v7;
	v3 =	vsel vm3, v3, v15;
	v15 =	vld [tilespmem:s10+$0xD0];
	[tilespmem:s28+$0xFFFFFF70] =	vst v61  }
0x172: {  	v7 =	vsel vm1, v7, v12;
	v6 =	vsel vm2, v6, v16;
	v63 =	vld [tilespmem:s24+$0xFFFFFF10]  }
0x173: {  	v5 =	vsel vm3, v5, v13;
	v13 =	vnsel vm0, $0x0, v14;
	v7 =	vsel vm2, v7, v17;
	v9 =	vld [tilespmem:s26+$0xFFFFFF90];
	[tilespmem:s7+$0xFFFFFFB0] =	vst v4;
	v14, _, _ =	vpop (xrf2)  }
0x174: {  	v8 =	vmul.f32 v8, v62;
	v12 =	vld [tilespmem:s10+$0xFFFFFF50];
	v14 =	vperm.xlane v14, v1;
	v4 =	vpop (erf)  }
0x175: {  	v16 =	vsel vm3, v6, v23;
	v17 =	vld [tilespmem:s20+$0xFFFFFFD0];
	v6 =	vpop (erf)  }
0x176: {  	v10 =	vsel vm1, v10, v18;
	v18 =	vsel vm3, v7, v25;
	(xrf2) =	vadd.scan.msk.f32 $0xffff, v8;
	v8 =	vmax.f32 v14, $-5.000000000e+00;
	v7 =	vpop (erf)  }
0x177: {  	v11 =	vmul.f32 v7, v11  }
0x178: {  	s6 =	simm.s32 $0x4680;
	v13 =	vsel vm1, v13, v22;
	v9 =	vmul.f32 v9, v63;
	v23 =	vmin.f32 v8, $5.000000000e+00;
	v22, _, _ =	vpop (xrf2)  }
0x179: {  	v3 =	vsel vm4, v3, v24;
	v24 =	vld [tilespmem:s6+$0x0];
	v22 =	vperm.xlane v22, v1;
	v8 =	vpop (erf);
	[tilespmem:s1+$0x20] =	vst v11;
	v11 =	vmul.f32 $1.442695020e+00, v23  }
0x17a: {  	v12 =	vmul.f32 v17, v12;
	v15 =	vmul.f32 v8, v15;
	v23 =	vld [tilespmem:s31+$0x30];
	v17, _, _ =	vpop (xrf2)  }
0x17b: {  	(xrf2) =	vadd.scan.msk.f32 $0xffff, v9;
	(erf) = vpow2.f32 v11;
	v11 =	vld [tilespmem:s22+$0x30];
	v17 =	vperm.xlane v17, v1  }
0x17c: {  	s2 =	simm.s32 $0xD00;
	v60 =	vld [tilespmem:s15+$0xFFFFFFD0];
	v22 =	vmax.f32 v22, $-5.000000000e+00  }
0x17d: {  	v14 =	vld [tilespmem:s2+$0x0];
	[tilespmem:s7+$0x50] =	vst v15;
	v15 =	vmin.f32 v22, $5.000000000e+00;
	v17 =	vmax.f32 v17, $-5.000000000e+00  }
0x17e: {  	v9 =	vld [tilespmem:s29+$0xFFFFFFB0];
	v15 =	vmul.f32 $1.442695020e+00, v15;
	v17 =	vmin.f32 v17, $5.000000000e+00  }
0x17f: {  	v5 =	vsel vm4, v5, v20;
	v19 =	vnsel vm0, $0x0, v19;
	v20 =	vld [tilespmem:s9+$0xF0];
	v17 =	vmul.f32 $1.442695020e+00, v17  }
0x180: {  	v19 =	vsel vm1, v19, v28;
	v28 =	vld [tilespmem:s29+$0xC0];
	(xrf2) =	vadd.scan.msk.f32 $0xffff, v12;
	(erf) = vpow2.f32 v15;
	v11 =	vmul.f32 v11, v23;
	v23, _, _ =	vpop (xrf2)  }
0x181: {  	v12 =	vld [tilespmem:s31+$0xFFFFFFA0];
	(erf) = vpow2.f32 v17;
	v17 =	vperm.xlane v23, v1  }
0x182: {  	v14 =	vmul.f32 v24, v14;
	v22 =	vmul.f32 v45, v60;
	v24 =	vld [tilespmem:s10+$0x60]  }
0x183: {  	v9 =	vmul.f32 v6, v9;
	v15 =	vld [tilespmem:s20+$0x60]  }
0x184: {  	v5 =	vsel vm5, v5, v27;
	(xrf2) =	vadd.scan.msk.f32 $0xffff, v14;
	[tilespmem:s8+$0xFFFFFFC0] =	vst v22;
	v22 =	vsel vm5, v3, v34;
	v3 =	vld [tilespmem:s6+$0xFFFFFF80]  }
0x185: {  	[tilespmem:s30+$0xFFFFFFA0] =	vst v9;
	v9 =	vld [tilespmem:s2+$0xFFFFFF00];
	v23 =	vsel vm6, v5, v36;
	(xrf2) =	vadd.scan.msk.f32 $0xffff, v11;
	v5 =	vmax.f32 v17, $-5.000000000e+00;
	v17, _, _ =	vpop (xrf2)  }
0x186: {  	v25 =	vld [tilespmem:s29+$0xFFFFFF40];
	v17 =	vperm.xlane v17, v1  }
0x187: {  	v21 =	vnsel vm0, $0x0, v21;
	v10 =	vsel vm2, v10, v26;
	v11 =	vsel vm2, v19, v39;
	v19 =	vld [tilespmem:s24+$0x90]  }
0x188: {  	v13 =	vsel vm2, v13, v29;
	v16 =	vsel vm4, v16, v30;
	v15 =	vmul.f32 v15, v24;
	v24 =	vld [tilespmem:s4+$0xFFFFFFC0];
	v26 =	vpop (erf)  }
0x189: {  	v21 =	vsel vm1, v21, v33;
	v27 =	vnsel vm0, $0x0, v32;
	v14 =	vld [tilespmem:s15+$0xFFFFFF60];
	v12 =	vmul.f32 v26, v12  }
0x18a: {  	v3 =	vmul.f32 v3, v9;
	v5 =	vmin.f32 v5, $5.000000000e+00;
	(xrf2) =	vadd.scan.msk.f32 $0xffff, v15;
	v15 =	vld [tilespmem:s21+$0xFFFFFFE0];
	v9 =	vmax.f32 v17, $-5.000000000e+00;
	v17, _, _ =	vpop (xrf2)  }
0x18b: {  	v51 =	vld [tilespmem:s9+$0xFFFFFFE0];
	v5 =	vmul.f32 $1.442695020e+00, v5;
	[tilespmem:s1+$0xFFFFFF90] =	vst v12;
	v9 =	vmin.f32 v9, $5.000000000e+00;
	v12 =	vperm.xlane v17, v1;
	v17 =	vpop (erf)  }
0x18c: {  	v10 =	vsel vm3, v10, v35;
	v29 =	vmul.f32 $1.442695020e+00, v9;
	(xrf2) =	vadd.scan.msk.f32 $0xffff, v3;
	v3 =	vld [tilespmem:s31+$0xFFFFFF30];
	v19 =	vmul.f32 v17, v19  }
0x18d: {  	v13 =	vsel vm3, v13, v38;
	v9 =	vmul.f32 v48, v20;
	v20 =	vmul.f32 v24, v25;
	v25 =	vld [tilespmem:s22+$0xFFFFFFB0]  }
0x18e: {  	v30 =	vsel vm4, v10, v44;
	v10 =	vsel vm7, v23, v48;
	(erf) = vpow2.f32 v5;
	v24, _, _ =	vpop (xrf2)  }
0x18f: {  	v14 =	vmul.f32 v15, v14;
	v24 =	vperm.xlane v24, v1;
	v23, _, _ =	vpop (xrf2);
	v12 =	vmax.f32 v12, $-5.000000000e+00;
	[tilespmem:s28+$0x10] =	vst v19  }
0x190: {  	(erf) = vpow2.f32 v29;
	(xrf2) =	vadd.scan.msk.f32 $0xffff, v20;
	v23 =	vperm.xlane v23, v1;
	v12 =	vmin.f32 v12, $5.000000000e+00;
	v20 =	vld [tilespmem:s24+$0x20];
	v19 =	vpop (erf)  }
0x191: {  	v15 =	vmax.f32 v24, $-5.000000000e+00;
	v12 =	vmul.f32 $1.442695020e+00, v12;
	v24 =	vld [tilespmem:s26+$0x20];
	v28 =	vmul.f32 v19, v28  }
0x192: {  	(xrf2) =	vadd.scan.msk.f32 $0xffff, v14;
	v15 =	vmin.f32 v15, $5.000000000e+00;
	v3 =	vmul.f32 v25, v3;
	v25 =	vmul.f32 v4, v51  }
0x193: {  	v29 =	vld [tilespmem:s24+$0xFFFFFF90];
	v23 =	vmax.f32 v23, $-5.000000000e+00;
	(erf) = vpow2.f32 v12;
	[tilespmem:s30+$0x40] =	vst v28;
	v28 =	vnsel vm0, $0x0, v31  }
0x194: {  	v14 =	vmul.f32 $1.442695020e+00, v15;
	v48, _, _ =	vpop (xrf2);
	v23 =	vmin.f32 v23, $5.000000000e+00;
	v15 =	vsel vm1, v28, v46;
	v28 =	vld [tilespmem:s29+$0x50]  }
0x195: {  	(xrf2) =	vadd.scan.msk.f32 $0xffff, v3;
	v3 =	vperm.xlane v48, v1;
	[tilespmem:s19+$0xFFFFFFD0] =	vst v25;
	v23 =	vmul.f32 $1.442695020e+00, v23;
	v51 =	vld [tilespmem:s4+$0x50]  }
0x196: {  	v21 =	vsel vm2, v21, v42;
	(erf) = vpow2.f32 v14;
	v52 =	vld [tilespmem:s9+$0xFFFFFF70];
	v20 =	vmul.f32 v24, v20  }
0x197: {  	v27 =	vsel vm1, v27, v43;
	v3 =	vmax.f32 v3, $-5.000000000e+00;
	(erf) = vpow2.f32 v23;
	v23 =	vld [tilespmem:s16+$0xFFFFFFF0];
	v53, _, _ =	vpop (xrf2)  }
0x198: {  	v55 =	vsel vm4, v13, v2;
	v12 =	vld [tilespmem:s10+$0xFFFFFFD0];
	v25 =	vpop (erf);
	v34 =	vperm.xlane v53, v1;
	(xrf2) =	vadd.scan.msk.f32 $0xffff, v20;
	v20 =	vmin.f32 v3, $5.000000000e+00  }
0x199: {  	v27 =	vsel vm2, v27, v7;
	v30 =	vsel vm5, v30, v8;
	v54 =	vpop (erf);
	v20 =	vmul.f32 $1.442695020e+00, v20  }
0x19a: {  	v29 =	vmul.f32 v54, v29;
	v2 =	vmax.f32 v34, $-5.000000000e+00;
	v13 =	vmul.f32 v51, v28;
	v28, _, _ =	vpop (xrf2)  }
0x19b: {  	v57 =	vmin.f32 v2, $5.000000000e+00;
	v2 =	vsel vm6, v22, v4;
	v28 =	vperm.xlane v28, v1  }
0x19c: {  	v22 =	vsel vm3, v21, v6;
	v7 =	vmul.f32 v23, v52;
	v6 =	vmul.f32 $1.442695020e+00, v57;
	v4 =	vpop (erf)  }
0x19d: {  	(erf) = vpow2.f32 v20;
	(xrf2) =	vadd.scan.msk.f32 $0xffff, v13;
	v20, _, _ =	vpop (xrf2);
	v8 =	vmul.f32 v4, v12;
	v13 =	vmax.f32 v28, $-5.000000000e+00  }
0x19e: {  	[tilespmem:s28+$0xFFFFFF80] =	vst v29;
	v29 =	vld [tilespmem:s2+$0x80];
	(erf) = vpow2.f32 v6;
	v6 =	vmin.f32 v13, $5.000000000e+00;
	v13 =	vperm.xlane v20, v1  }
0x19f: {  	v21 =	vld [tilespmem:s24+$0xFFFFFF20];
	v12, _, _ =	vpop (xrf2);
	v6 =	vmul.f32 $1.442695020e+00, v6  }
0x1a0: {  	v23 =	vld [tilespmem:s26+$0xFFFFFFA0];
	v58 =	vpop (erf);
	(xrf2) =	vadd.scan.msk.f32 $0xffff, v7;
	v12 =	vperm.xlane v12, v1;
	v7 =	vmax.f32 v13, $-5.000000000e+00  }
0x1a1: {  	v28 =	vld [tilespmem:s31+$0xB0];
	[tilespmem:s7+$0xFFFFFFC0] =	vst v8;
	v8 =	vpop (erf);
	(erf) = vpow2.f32 v6;
	v6 =	vmin.f32 v7, $5.000000000e+00  }
0x1a2: {  	v56 =	vld [tilespmem:s15+$0xF0];
	v12 =	vmax.f32 v12, $-5.000000000e+00;
	v6 =	vmul.f32 $1.442695020e+00, v6  }
0x1a3: {  	v60 =	vld [tilespmem:s10+$0xE0];
	v12 =	vmin.f32 v12, $5.000000000e+00  }
0x1a4: {  	v5 =	vld [tilespmem:s15+$0xFFFFFFE0];
	v24 =	vnsel vm0, $0x0, v47;
	v7, _, _ =	vpop (xrf2);
	(erf) = vpow2.f32 v6;
	v6 =	vmul.f32 $1.442695020e+00, v12  }
0x1a5: {  	v11 =	vsel vm3, v11, v49;
	v59 =	vld [tilespmem:s31+$0xFFFFFFB0];
	v13 =	vmul.f32 v23, v21;
	v23 =	vperm.xlane v7, v1  }
0x1a6: {  	v31 =	vld [tilespmem:s2+$0xFFFFFF80];
	v26 =	vsel vm2, v15, v26;
	v29 =	vmul.f32 v58, v29;
	v21 =	vmul.f32 v8, v28  }
0x1a7: {  	v3 =	vld [tilespmem:s9+$0xFFFFFFF0];
	s9 =	simm.s32 $0x6750;
	(xrf2) =	vadd.scan.msk.f32 $0xffff, v13;
	v13 =	vsel vm4, v11, v19;
	v7 =	vsel vm1, v24, v17;
	v24 =	vpop (erf);
	v23 =	vmax.f32 v23, $-5.000000000e+00  }
0x1a8: {  	[tilespmem:s9+$0x0] =	vst v29;
	v29 =	vld [tilespmem:s10+$0xFFFFFF60];
	v12 =	vnsel vm0, $0x0, v41;
	(erf) = vpow2.f32 v6;
	v11 =	vmin.f32 v23, $5.000000000e+00;
	v6, _, _ =	vpop (xrf2)  }
0x1a9: {  	v15 =	vld [tilespmem:s2+$0x10];
	v61 =	vmul.f32 $1.442695020e+00, v11;
	v11 =	vsel vm1, v12, v54;
	v12 =	vperm.xlane v6, v1  }
0x1aa: {  	[tilespmem:s19+$0x70] =	vst v9;
	v17 =	vld [tilespmem:s6+$0x10];
	v28 =	vmul.f32 v24, v60  }
0x1ab: {  	v16 =	vsel vm5, v16, v40;
	[tilespmem:s1+$0x30] =	vst v21;
	v21 =	vld [tilespmem:s20+$0xFFFFFFE0];
	v23 =	vmul.f32 v25, v56;
	v9 =	vmax.f32 v12, $-5.000000000e+00  }
0x1ac: {  	v16 =	vsel vm6, v16, v50;
	v19 =	vld [tilespmem:s31+$0x40];
	v9 =	vmin.f32 v9, $5.000000000e+00  }
0x1ad: {  	v18 =	vsel vm4, v18, v37;
	v16 =	vsel vm7, v16, v25;
	v25 =	vld [tilespmem:s22+$0x40];
	[tilespmem:s8+$0x70] =	vst v23;
	v23 =	vmul.f32 $1.442695020e+00, v9  }
0x1ae: {  	v14 =	vsel vm5, v18, v45;
	v18 =	vld [tilespmem:s29+$0xFFFFFFC0];
	[tilespmem:s7+$0x60] =	vst v28;
	v28 =	vpop (erf)  }
0x1af: {  	v62 =	vld [tilespmem:s10+$0x70];
	v63 =	vmul.f32 v17, v15;
	v17 =	vpop (erf)  }
0x1b0: {  	v6 =	vsel vm3, v27, v8;
	v27 =	vld [tilespmem:s20+$0x70];
	v31 =	vmul.f32 v28, v31;
	(erf) = vpow2.f32 v61;
	v12, _, _ =	vpop (xrf2)  }
0x1b1: {  	[tilespmem:s8+$0x80] =	vst v16;
	v20 =	vld [tilespmem:s24+$0xFFFFFFA0];
	v21 =	vmul.f32 v21, v29;
	(erf) = vpow2.f32 v23;
	v23, _, _ =	vpop (xrf2);
	(xrf2) =	vadd.scan.msk.f32 $0xffff, v63  }
0x1b2: {  	v15 =	vld [tilespmem:s10+$0xFFFFFFE0];
	[tilespmem:s9+$0xFFFFFF70] =	vst v31;
	v16 =	vmul.f32 v25, v19;
	v29 =	vperm.xlane v12, v1  }
0x1b3: {  	v18 =	vmul.f32 v17, v18;
	v31 =	vld [tilespmem:s2+$0xFFFFFF10]  }
0x1b4: {  	v12 =	vsel vm6, v30, v24;
	v30 =	vld [tilespmem:s6+$0xFFFFFF90];
	v24 =	vmax.f32 v29, $-5.000000000e+00;
	(xrf2) =	vadd.scan.msk.f32 $0xffff, v16  }
0x1b5: {  	v9 =	vsel vm4, v22, v17;
	v22 =	vld [tilespmem:s2+$0xFFFFFF90];
	[tilespmem:s30+$0xFFFFFFB0] =	vst v18;
	v18 =	vmul.f32 v27, v62;
	v24 =	vmin.f32 v24, $5.000000000e+00  }
0x1b6: {  	v19 =	vpop (erf);
	v17 =	vld [tilespmem:s24+$0xA0];
	v16 =	vmul.f32 $1.442695020e+00, v24  }
0x1b7: {  	v4 =	vsel vm5, v55, v4;
	v5 =	vmul.f32 v19, v5;
	v27 =	vpop (erf);
	v25 =	vperm.xlane v23, v1;
	v23 =	vld [tilespmem:s29+$0xFFFFFF50];
	(xrf2) =	vadd.scan.msk.f32 $0xffff, v18  }
0x1b8: {  	[tilespmem:s19+$0x80] =	vst v10;
	v10 =	vnsel vm0, $0x0, v28;
	v14 =	vsel vm6, v14, v19;
	v28 =	vmul.f32 v27, v59;
	v24 =	vld [tilespmem:s4+$0xFFFFFFD0]  }
0x1b9: {  	s17 =	sshll.u32 s0, $0x1;
	s18 =	simm.s32 $0xC;
	[tilespmem:s8+$0xFFFFFFD0] =	vst v5;
	v18 =	vld [tilespmem:s29+$0xD0];
	v19 =	vmax.f32 v25, $-5.000000000e+00;
	v25 =	vmul.f32 v30, v31;
	(erf) = vpow2.f32 v16  }
0x1ba: {  	s23 =	simm.s32 $0xF00;
	s5 =	simm.s32 $0x4680;
	s16 =	sadd.s32 $0x8400, s3;
	v8 =	vnsel vm0, $0x0, v58;
	v5 =	vsel vm3, v26, v27;
	[tilespmem:s1+$0xFFFFFFA0] =	vst v28;
	v31 =	vld [tilespmem:s29+$0xFFFFFFD0];
	v19 =	vmin.f32 v19, $5.000000000e+00;
	v16 =	vpop (erf)  }
.LBB2_7:
0x1bb: {  	v26 =	vld [tilespmem:s23+$0x0];
	s6 =	sadd.s32 $0x100, s6;
	(xrf2) =	vadd.scan.msk.f32 $0xffff, v25;
	v25, _, _ =	vpop (xrf2);
	v27 =	vmul.f32 $1.442695020e+00, v19;
	v29 =	vmul.f32 v16, v17;
	v19 =	vsel vm2, v7, v16  }
0x1bc: {  	v7 =	vld [tilespmem:s6+$0x0]  }
0x1bd: {  	v25 =	vperm.xlane v25, v1;
	v16 =	vld [tilespmem:s6+$0xFFFFFF80];
	[tilespmem:s28+$0x20] =	vst v29;
	(erf) = vpow2.f32 v27;
	v17 =	vpop (erf)  }
0x1be: {  	v23 =	vmul.f32 v24, v23;
	v27 =	vld [tilespmem:s24+$0x30];
	v28, _, _ =	vpop (xrf2);
	v29 =	vmul.f32 v17, v18;
	v17 =	vsel vm5, v13, v17  }
0x1bf: {  	v13 =	vmax.f32 v25, $-5.000000000e+00;
	v24 =	vld [tilespmem:s26+$0x30]  }
0x1c0: {  	v13 =	vmin.f32 v13, $5.000000000e+00;
	v28 =	vperm.xlane v28, v1;
	v25 =	vld [tilespmem:s23+$0xFFFFFF00];
	[tilespmem:s30+$0x50] =	vst v29;
	(xrf2) =	vadd.scan.msk.f32 $0xffff, v23  }
0x1c1: {  	v13 =	vmul.f32 $1.442695020e+00, v13;
	v7 =	vmul.f32 v7, v26;
	v26 =	vld [tilespmem:s29+$0x60];
	v18, _, _ =	vpop (xrf2)  }
0x1c2: {  	v23 =	vmax.f32 v28, $-5.000000000e+00;
	v28 =	vld [tilespmem:s4+$0x60];
	v29 =	vperm.xlane v18, v1;
	v30 =	vpop (erf)  }
0x1c3: {  	v18 =	vld [tilespmem:s23+$0xFFFFFF80];
	(xrf2) =	vadd.scan.msk.f32 $0xffff, v7;
	(erf) = vpow2.f32 v13;
	v7 =	vmin.f32 v23, $5.000000000e+00;
	v32 =	vmul.f32 v30, v3  }
0x1c4: {  	v13 =	vmul.f32 v24, v27;
	v24 =	vld [tilespmem:s31+$0xFFFFFF40];
	v7 =	vmul.f32 $1.442695020e+00, v7;
	v23 =	vmax.f32 v29, $-5.000000000e+00  }
0x1c5: {  	s18 =	sadd.s32 $0x2, s18;
	v30 =	vsel vm7, v2, v30;
	v25 =	vmul.f32 v16, v25;
	v16, _, _ =	vpop (xrf2);
	v27 =	vld [tilespmem:s22+$0xFFFFFFC0];
	v29 =	vmin.f32 v23, $5.000000000e+00;
	[tilespmem:s19+$0xFFFFFFE0] =	vst v32  }
0x1c6: {  	p1 =	slt.u32 s18, $0x1E;
	v3 =	vpop (erf);
	(xrf2) =	vadd.scan.msk.f32 $0xffff, v13;
	v23 =	vld [tilespmem:s31+$0xFFFFFFC0];
	(erf) = vpow2.f32 v7;
	v7 =	vmul.f32 $1.442695020e+00, v29;
	[tilespmem:s19+$0xFFFFFFF0] =	vst v30;
	s19 =	smov.u32 s8;
	s8 =	smov.u32 s7  }
0x1c7: {  	v2 =	vmovc v14;
	v13 =	vperm.xlane v16, v1;
	s7 =	smov.u32 s30;
	s30 =	smov.u32 s1;
	s1 =	smov.u32 s28;
	v16 =	vsel vm2, v11, v3;
	v11 =	vmul.f32 v28, v26;
	v26 =	vld [tilespmem:s15+$0xFFFFFF70]  }
0x1c8: {  	s28 =	smov.u32 s9;
	v3 =	vmul.f32 v3, v20;
	v14 =	vld [tilespmem:s2+$0x90];
	(erf) = vpow2.f32 v7  }
0x1c9: {  	v7 =	vmax.f32 v13, $-5.000000000e+00;
	(xrf2) =	vadd.scan.msk.f32 $0xffff, v11;
	v11 =	vld [tilespmem:s21+$0xFFFFFFF0];
	s21 =	smov.u32 s20;
	s20 =	smov.u32 s4;
	s4 =	smov.u32 s22  }
0x1ca: {  	v28 =	vmin.f32 v7, $5.000000000e+00;
	s22 =	smov.u32 s26;
	s26 =	smov.u32 s5;
	s5 =	smov.u32 s6;
	[tilespmem:s1+$0xFFFFFF90] =	vst v3;
	v13 =	vmul.f32 v27, v24;
	v20, _, _ =	vpop (xrf2);
	v3 =	vld [tilespmem:s15+$0xFFFFFFF0]  }
0x1cb: {  	v24 =	vmul.f32 $1.442695020e+00, v28;
	s15 =	smov.u32 s10;
	s10 =	smov.u32 s29;
	s29 =	smov.u32 s31;
	v27 =	vld [tilespmem:s31+$0xC0];
	v20 =	vperm.xlane v20, v1  }
0x1cc: {  	s31 =	smov.u32 s24;
	(xrf2) =	vadd.scan.msk.f32 $0xffff, v25;
	v7 =	vpop (erf);
	v25 =	vld [tilespmem:s24+$0xFFFFFF30];
	s24 =	smov.u32 s2;
	s2 =	smov.u32 s23  }
0x1cd: {  	v28, _, _ =	vpop (xrf2);
	v14 =	vmul.f32 v7, v14;
	v7 =	vsel vm1, v8, v7;
	v8 =	vmax.f32 v20, $-5.000000000e+00;
	v20 =	vld [tilespmem:s15+$0xF0]  }
0x1ce: {  	v30 =	vperm.xlane v28, v1;
	(erf) = vpow2.f32 v24;
	v29 =	vld [tilespmem:s22+$0xFFFFFFB0];
	v8 =	vmin.f32 v8, $5.000000000e+00  }
0x1cf: {  	[tilespmem:s9+$0x10] =	vst v14;
	v24 =	vld [tilespmem:s31+$0xFFFFFFB0];
	(xrf2) =	vadd.scan.msk.f32 $0xffff, v13;
	v13 =	vpop (erf);
	v32 =	vmul.f32 $1.442695020e+00, v8;
	v14 =	vmul.f32 v11, v26  }
0x1d0: {  	v11 =	vmax.f32 v30, $-5.000000000e+00;
	v26 =	vld [tilespmem:s24+$0x20];
	v28, _, _ =	vpop (xrf2);
	v27 =	vmul.f32 v13, v27;
	v13 =	vsel vm4, v6, v13  }
0x1d1: {  	v6 =	vmin.f32 v11, $5.000000000e+00;
	v11 =	vld [tilespmem:s26+$0x20];
	v30 =	vperm.xlane v28, v1;
	(erf) = vpow2.f32 v32;
	v8 =	vpop (erf)  }
0x1d2: {  	v6 =	vmul.f32 $1.442695020e+00, v6;
	[tilespmem:s30+$0x40] =	vst v27;
	v20 =	vmul.f32 v8, v20;
	(xrf2) =	vadd.scan.msk.f32 $0xffff, v21  }
0x1d3: {  	v8 =	vsel vm7, v12, v8;
	v21 =	vmul.f32 v29, v25;
	v25 =	vmax.f32 v30, $-5.000000000e+00;
	v27 =	vld [tilespmem:s29+$0x50];
	v28, _, _ =	vpop (xrf2)  }
0x1d4: {  	(erf) = vpow2.f32 v6;
	v6 =	vmin.f32 v25, $5.000000000e+00;
	v12 =	vld [tilespmem:s4+$0x50];
	v25 =	vperm.xlane v28, v1;
	[tilespmem:s8+$0x70] =	vst v20  }
0x1d5: {  	v6 =	vmul.f32 $1.442695020e+00, v6;
	(xrf2) =	vadd.scan.msk.f32 $0xffff, v21;
	[tilespmem:s8+$0x80] =	vst v8  }
0x1d6: {  	v8, _, _ =	vpop (xrf2);
	v26 =	vmul.f32 v11, v26;
	v11 =	vmax.f32 v25, $-5.000000000e+00  }
0x1d7: {  	v8 =	vperm.xlane v8, v1;
	v21 =	vpop (erf);
	(erf) = vpow2.f32 v6;
	v6 =	vmin.f32 v11, $5.000000000e+00  }
0x1d8: {  	v22 =	vmul.f32 v21, v22;
	v11 =	vsel vm1, v10, v21;
	(xrf2) =	vadd.scan.msk.f32 $0xffff, v26;
	v6 =	vmul.f32 $1.442695020e+00, v6  }
0x1d9: {  	v8 =	vmax.f32 v8, $-5.000000000e+00;
	v10 =	vld [tilespmem:s23+$0x80];
	v12 =	vmul.f32 v12, v27;
	v20, _, _ =	vpop (xrf2)  }
0x1da: {  	v8 =	vmin.f32 v8, $5.000000000e+00;
	[tilespmem:s9+$0xFFFFFF80] =	vst v22;
	v26 =	vperm.xlane v20, v1;
	v21 =	vpop (erf);
	(erf) = vpow2.f32 v6  }
0x1db: {  	v27 =	vmul.f32 $1.442695020e+00, v8;
	v22 =	vld [tilespmem:s24+$0xFFFFFF20];
	(xrf2) =	vadd.scan.msk.f32 $0xffff, v12;
	v8 =	vmul.f32 v21, v31;
	v25 =	vsel vm5, v9, v21  }
0x1dc: {  	v9 =	vld [tilespmem:s31+$0xB0];
	v12 =	vmax.f32 v26, $-5.000000000e+00;
	v20, _, _ =	vpop (xrf2)  }
0x1dd: {  	(erf) = vpow2.f32 v27;
	v6 =	vpop (erf);
	v21 =	vld [tilespmem:s26+$0xFFFFFFA0];
	v27 =	vmin.f32 v12, $5.000000000e+00;
	[tilespmem:s7+$0xFFFFFFC0] =	vst v8;
	v26 =	vperm.xlane v20, v1  }
0x1de: {  	v10 =	vmul.f32 v6, v10;
	v8 =	vnsel vm0, $0x0, v6;
	v20 =	vld [tilespmem:s24+$0xFFFFFFA0];
	v6 =	vmul.f32 $1.442695020e+00, v27;
	(xrf2) =	vadd.scan.msk.f32 $0xffff, v14  }
0x1df: {  	s9 =	sadd.s32 $0x120, s9;
	v12, _, _ =	vpop (xrf2);
	v14 =	vld [tilespmem:s10+$0xE0];
	v26 =	vmax.f32 v26, $-5.000000000e+00  }
0x1e0: {  	[tilespmem:s9+$0x0] =	vst v10;
	v10 =	vperm.xlane v12, v1;
	v12 =	vpop (erf);
	(erf) = vpow2.f32 v6;
	v27 =	vld [tilespmem:s10+$0xFFFFFF60];
	v26 =	vmin.f32 v26, $5.000000000e+00  }
0x1e1: {  	v28 =	vld [tilespmem:s23+$0x10];
	v9 =	vmul.f32 v12, v9;
	v6 =	vsel vm3, v19, v12;
	v12 =	vmul.f32 $1.442695020e+00, v26  }
0x1e2: {  	v19 =	vld [tilespmem:s6+$0x10];
	v30 =	vmul.f32 v21, v22;
	v22, _, _ =	vpop (xrf2);
	v10 =	vmax.f32 v10, $-5.000000000e+00  }
0x1e3: {  	v22 =	vperm.xlane v22, v1;
	v10 =	vmin.f32 v10, $5.000000000e+00;
	[tilespmem:s1+$0x30] =	vst v9;
	v9 =	vld [tilespmem:s20+$0xFFFFFFE0];
	v26 =	vpop (erf);
	(erf) = vpow2.f32 v12  }
0x1e4: {  	(xrf2) =	vadd.scan.msk.f32 $0xffff, v30;
	v10 =	vmul.f32 $1.442695020e+00, v10;
	v29 =	vld [tilespmem:s31+$0x40];
	v14 =	vmul.f32 v26, v14;
	v12 =	vsel vm6, v17, v26  }
0x1e5: {  	v17 =	vmax.f32 v22, $-5.000000000e+00;
	v22 =	vld [tilespmem:s22+$0x40];
	v21, _, _ =	vpop (xrf2)  }
0x1e6: {  	v26 =	vpop (erf);
	v17 =	vmin.f32 v17, $5.000000000e+00;
	(erf) = vpow2.f32 v10;
	v21 =	vperm.xlane v21, v1;
	v30 =	vld [tilespmem:s10+$0xFFFFFFE0];
	[tilespmem:s7+$0x60] =	vst v14  }
0x1e7: {  	v10 =	vnsel vm0, $0x0, v26;
	v14 =	vmul.f32 v19, v28;
	v28 =	vmul.f32 $1.442695020e+00, v17;
	v19 =	vld [tilespmem:s10+$0x70]  }
0x1e8: {  	v18 =	vmul.f32 v26, v18;
	v26 =	vmax.f32 v21, $-5.000000000e+00;
	v21 =	vmul.f32 v9, v27;
	v27 =	vld [tilespmem:s20+$0x70];
	v9, _, _ =	vpop (xrf2)  }
0x1e9: {  	(xrf2) =	vadd.scan.msk.f32 $0xffff, v14;
	(erf) = vpow2.f32 v28;
	v14 =	vmin.f32 v26, $5.000000000e+00;
	v17 =	vpop (erf);
	v26 =	vperm.xlane v9, v1  }
0x1ea: {  	[tilespmem:s9+$0xFFFFFF70] =	vst v18;
	v18 =	vmul.f32 v22, v29;
	v9 =	vsel vm4, v5, v17;
	v22 =	vmul.f32 $1.442695020e+00, v14  }
0x1eb: {  	v14 =	vmul.f32 v17, v23;
	v28 =	vld [tilespmem:s23+$0xFFFFFF10];
	v17 =	vmax.f32 v26, $-5.000000000e+00  }
0x1ec: {  	v26 =	vld [tilespmem:s6+$0xFFFFFF90];
	(xrf2) =	vadd.scan.msk.f32 $0xffff, v18;
	(erf) = vpow2.f32 v22;
	v5 =	vpop (erf);
	v18 =	vmin.f32 v17, $5.000000000e+00  }
0x1ed: {  	v22 =	vld [tilespmem:s23+$0xFFFFFF90];
	[tilespmem:s30+$0xFFFFFFB0] =	vst v14;
	v19 =	vmul.f32 v27, v19;
	v27 =	vmul.f32 v5, v15;
	v14 =	vsel vm6, v4, v5  }
.Ltmp2:
0x1ee: {  	v29 =	vmul.f32 $1.442695020e+00, v18;
	v4 =	vmov v25;
	v15 =	vmov v30;
	v17 =	vld [tilespmem:s24+$0xA0];
	v5, _, _ =	vpop (xrf2);
	(pc) =	sbr.rel @p1 .LBB2_7-.Ltmp2, $4  }
0x1ef: {  	v18 =	vperm.xlane v5, v1;
	v5 =	vpop (erf);
	v23 =	vld [tilespmem:s29+$0xFFFFFF50];
	(xrf2) =	vadd.scan.msk.f32 $0xffff, v19;
	[tilespmem:s8+$0xFFFFFFD0] =	vst v27  }
0x1f0: {  	v27 =	vmul.f32 v5, v24;
	v5 =	vsel vm3, v16, v5;
	v24 =	vld [tilespmem:s4+$0xFFFFFFD0]  }
0x1f1: {  	v25 =	vmul.f32 v26, v28;
	v26 =	vmax.f32 v18, $-5.000000000e+00;
	v18 =	vld [tilespmem:s29+$0xD0];
	(erf) = vpow2.f32 v29  }
0x1f2: {  	s23 =	sadd.s32 $0x200, s23;
	v19 =	vmin.f32 v26, $5.000000000e+00;
	v16 =	vpop (erf);
	[tilespmem:s1+$0xFFFFFFA0] =	vst v27;
	v31 =	vld [tilespmem:s29+$0xFFFFFFD0]  }
0x1f3: {  	v26, _, _ =	vpop (xrf2);
	v19 =	vmul.f32 $1.442695020e+00, v19  }
0x1f4: {  	v17 =	vmul.f32 v16, v17;
	v26 =	vperm.xlane v26, v1  }
0x1f5: {  	(erf) = vpow2.f32 v19  }
0x1f6: {  	v26 =	vmax.f32 v26, $-5.000000000e+00  }
0x1f7: {  	v26 =	vmin.f32 v26, $5.000000000e+00  }
0x1f8: {  	[tilespmem:s28+$0x20] =	vst v17;
	v17 =	vpop (erf);
	v51 =	vmul.f32 $1.442695020e+00, v26  }
0x1f9: {  	v18 =	vmul.f32 v17, v18  }
0x1fa: {  	(erf) = vpow2.f32 v51  }
0x1fb: {  	v28 =	vld [tilespmem:s2+$0x90]  }
0x1fc: {  	v53 =	vld [tilespmem:s31+$0xFFFFFF40]  }
0x1fd: {  	v52 =	vld [tilespmem:s24+$0x30];
	[tilespmem:s30+$0x50] =	vst v18;
	v18 =	vpop (erf)  }
0x1fe: {  	v27 =	vld [tilespmem:s26+$0x30];
	v19 =	vpop (erf)  }
0x1ff: {  	v29 =	vld [tilespmem:s29+$0x60];
	v32 =	vmul.f32 v19, v20  }
0x200: {  	(xrf2) =	vadd.scan.msk.f32 $0xffff, v25;
	v30 =	vld [tilespmem:s4+$0x60]  }
0x201: {  	v33 =	vld [tilespmem:s22+$0xFFFFFFC0];
	v23 =	vmul.f32 v24, v23;
	[tilespmem:s28+$0xFFFFFF90] =	vst v32  }
0x202: {  	v54, _, _ =	vpop (xrf2);
	v56 =	vld [tilespmem:s24+$0xFFFFFF30]  }
0x203: {  	(xrf2) =	vadd.scan.msk.f32 $0xffff, v23;
	v58 =	vld [tilespmem:s26+$0xFFFFFFB0];
	v20 =	vpop (erf)  }
0x204: {  	v55 =	vmul.f32 v27, v52;
	v28 =	vmul.f32 v20, v28  }
0x205: {  	v57 =	vmul.f32 v30, v29  }
0x206: {  	v25 =	vperm.xlane v54, v1;
	v24 =	vmul.f32 v33, v53;
	(xrf2) =	vadd.scan.msk.f32 $0xffff, v55;
	[tilespmem:s9+$0x10] =	vst v28  }
0x207: {  	(xrf2) =	vadd.scan.msk.f32 $0xffff, v57;
	v59 =	vld [tilespmem:s2+$0x20]  }
0x208: {  	v25 =	vmax.f32 v25, $-5.000000000e+00;
	v61, _, _ =	vpop (xrf2);
	(xrf2) =	vadd.scan.msk.f32 $0xffff, v24;
	v60 =	vld [tilespmem:s5+$0x20];
	v62 =	vmul.f32 v58, v56  }
0x209: {  	v25 =	vmin.f32 v25, $5.000000000e+00;
	(xrf2) =	vadd.scan.msk.f32 $0xffff, v21  }
0x20a: {  	v25 =	vmul.f32 $1.442695020e+00, v25;
	v63, _, _ =	vpop (xrf2);
	(xrf2) =	vadd.scan.msk.f32 $0xffff, v62;
	_ =	sdelay $0x1  }
0x20b: {  	(erf) = vpow2.f32 v25;
	v25 =	vperm.xlane v61, v1  }
0x20c: {  	v29 =	vperm.xlane v63, v1;
	v32, _, _ =	vpop (xrf2);
	v28 =	vmul.f32 v60, v59  }
0x20d: {  	v30 =	vmax.f32 v25, $-5.000000000e+00;
	v25 =	vperm.xlane v32, v1  }
0x20e: {  	v23 =	vmax.f32 v29, $-5.000000000e+00;
	v33 =	vmin.f32 v30, $5.000000000e+00;
	(xrf2) =	vadd.scan.msk.f32 $0xffff, v28  }
0x20f: {  	v23 =	vmin.f32 v23, $5.000000000e+00;
	v21 =	vmul.f32 $1.442695020e+00, v33;
	v35, _, _ =	vpop (xrf2);
	v25 =	vmax.f32 v25, $-5.000000000e+00  }
0x210: {  	v23 =	vmul.f32 $1.442695020e+00, v23;
	v26 =	vperm.xlane v35, v1;
	v25 =	vmin.f32 v25, $5.000000000e+00;
	v36, _, _ =	vpop (xrf2)  }
0x211: {  	(erf) = vpow2.f32 v21;
	v37 =	vmul.f32 $1.442695020e+00, v25;
	v42, _, _ =	vpop (xrf2)  }
0x212: {  	(erf) = vpow2.f32 v23;
	v43, _, _ =	vpop (xrf2)  }
0x213: {  	v34 =	vld [tilespmem:s31+$0xC0];
	v38 =	vmax.f32 v26, $-5.000000000e+00;
	(erf) = vpow2.f32 v37;
	v27 =	vperm.xlane v36, v1;
	v45, _, _ =	vpop (xrf2)  }
0x214: {  	v25 =	vmin.f32 v38, $5.000000000e+00;
	v26 =	vperm.xlane v42, v1;
	v47 =	vperm.xlane v45, v1  }
0x215: {  	v40 =	vmul.f32 $1.442695020e+00, v25;
	v39 =	vmax.f32 v27, $-5.000000000e+00;
	v44 =	vperm.xlane v43, v1  }
0x216: {  	v41 =	vmin.f32 v39, $5.000000000e+00;
	v46 =	vmax.f32 v26, $-5.000000000e+00;
	v26 =	vmax.f32 v47, $-5.000000000e+00  }
0x217: {  	v21 =	vpop (erf);
	(erf) = vpow2.f32 v40;
	v25 =	vmul.f32 $1.442695020e+00, v41;
	v26 =	vmin.f32 v26, $5.000000000e+00  }
0x218: {  	v24 =	vmul.f32 v21, v34;
	v23 =	vmax.f32 v44, $-5.000000000e+00;
	v48, _, _ =	vpop (xrf2)  }
0x219: {  	(erf) = vpow2.f32 v25;
	v25 =	vmin.f32 v46, $5.000000000e+00;
	v27 =	vperm.xlane v48, v1  }
0x21a: {  	v23 =	vmin.f32 v23, $5.000000000e+00;
	v25 =	vmul.f32 $1.442695020e+00, v25;
	v50 =	vmul.f32 $1.442695020e+00, v26;
	v26 =	vpop (erf)  }
0x21b: {  	v23 =	vmul.f32 $1.442695020e+00, v23;
	v27 =	vmax.f32 v27, $-5.000000000e+00;
	v28 =	vpop (erf)  }
0x21c: {  	v54 =	vld [tilespmem:s24+$0xB0];
	[tilespmem:s1+$0x40] =	vst v24;
	(erf) = vpow2.f32 v25;
	v51 =	vmin.f32 v27, $5.000000000e+00;
	v22 =	vmul.f32 v28, v22  }
0x21d: {  	v52 =	vld [tilespmem:s31+$0x50];
	(erf) = vpow2.f32 v23;
	v53 =	vmul.f32 $1.442695020e+00, v51  }
0x21e: {  	v55 =	vld [tilespmem:s22+$0x50];
	(erf) = vpow2.f32 v50  }
0x21f: {  	v56 =	vld [tilespmem:s29+$0xE0];
	v29 =	vpop (erf);
	(erf) = vpow2.f32 v53  }
0x220: {  	v49 =	vld [tilespmem:s31+$0xFFFFFFC0];
	[tilespmem:s9+$0xFFFFFF80] =	vst v22;
	v22 =	vpop (erf)  }
0x221: {  	v57 =	vld [tilespmem:s15+$0xFFFFFF70];
	v25 =	vmul.f32 v22, v54  }
0x222: {  	v34 =	vld [tilespmem:s21+$0xFFFFFFF0]  }
0x223: {  	v36 =	vld [tilespmem:s2+$0xA0];
	v24 =	vmul.f32 v55, v52;
	v27 =	vpop (erf)  }
0x224: {  	v35 =	vld [tilespmem:s2+$0xFFFFFF20];
	v23 =	vmul.f32 v27, v56  }
0x225: {  	v37 =	vld [tilespmem:s5+$0xFFFFFFA0];
	[tilespmem:s28+$0x30] =	vst v25;
	v25 =	vpop (erf)  }
0x226: {  	v38 =	vld [tilespmem:s24+$0x40];
	v30 =	vpop (erf)  }
0x227: {  	(xrf2) =	vadd.scan.msk.f32 $0xffff, v24;
	v39 =	vld [tilespmem:s26+$0x40];
	[tilespmem:s30+$0x60] =	vst v23;
	v32 =	vmul.f32 v25, v49;
	v24 =	vpop (erf)  }
0x228: {  	v40 =	vld [tilespmem:s29+$0x70];
	v23 =	vpop (erf)  }
0x229: {  	v33 =	vmul.f32 v34, v57;
	v58 =	vld [tilespmem:s4+$0x70];
	[tilespmem:s1+$0xFFFFFFB0] =	vst v32;
	v59 =	vmul.f32 v23, v36  }
0x22a: {  	v35 =	vmul.f32 v37, v35;
	v60 =	vld [tilespmem:s31+$0xFFFFFF50]  }
0x22b: {  	(xrf2) =	vadd.scan.msk.f32 $0xffff, v33;
	v61 =	vld [tilespmem:s22+$0xFFFFFFD0];
	[tilespmem:s9+$0x20] =	vst v59  }
0x22c: {  	(xrf2) =	vadd.scan.msk.f32 $0xffff, v35;
	v32 =	vld [tilespmem:s2+$0x30]  }
0x22d: {  	v62 =	vmul.f32 v39, v38;
	v63 =	vld [tilespmem:s5+$0x30];
	_ =	sdelay $0x1  }
0x22e: {  	(xrf2) =	vadd.scan.msk.f32 $0xffff, v62  }
0x22f: {  	v34 =	vmul.f32 v58, v40  }
0x230: {  	v33 =	vmul.f32 v61, v60  }
0x231: {  	v40, _, _ =	vpop (xrf2);
	(xrf2) =	vadd.scan.msk.f32 $0xffff, v34;
	v32 =	vmul.f32 v63, v32  }
0x232: {  	v35 =	vperm.xlane v40, v1;
	(xrf2) =	vadd.scan.msk.f32 $0xffff, v33  }
0x233: {  	(xrf2) =	vadd.scan.msk.f32 $0xffff, v32  }
0x234: {  	v42, _, _ =	vpop (xrf2);
	v41 =	vmax.f32 v35, $-5.000000000e+00  }
0x235: {  	v33 =	vmin.f32 v41, $5.000000000e+00;
	v43, _, _ =	vpop (xrf2);
	v32 =	vperm.xlane v42, v1  }
0x236: {  	v33 =	vmul.f32 $1.442695020e+00, v33;
	v34 =	vperm.xlane v43, v1  }
0x237: {  	v32 =	vmax.f32 v32, $-5.000000000e+00  }
0x238: {  	(erf) = vpow2.f32 v33;
	v44 =	vmax.f32 v34, $-5.000000000e+00;
	v45, _, _ =	vpop (xrf2);
	v32 =	vmin.f32 v32, $5.000000000e+00  }
0x239: {  	v33 =	vmin.f32 v44, $5.000000000e+00;
	v34 =	vperm.xlane v45, v1;
	v32 =	vmul.f32 $1.442695020e+00, v32  }
0x23a: {  	v33 =	vmul.f32 $1.442695020e+00, v33  }
0x23b: {  	v46, _, _ =	vpop (xrf2);
	v34 =	vmax.f32 v34, $-5.000000000e+00;
	(erf) = vpow2.f32 v32  }
0x23c: {  	v51 =	vld [tilespmem:s24+$0xFFFFFFB0];
	v32 =	vperm.xlane v46, v1;
	v48 =	vmin.f32 v34, $5.000000000e+00;
	(erf) = vpow2.f32 v33;
	v49, _, _ =	vpop (xrf2)  }
0x23d: {  	v33 =	vmul.f32 $1.442695020e+00, v48;
	v34 =	vperm.xlane v49, v1;
	v50, _, _ =	vpop (xrf2)  }
0x23e: {  	v31 =	vmul.f32 v29, v31;
	v32 =	vmax.f32 v32, $-5.000000000e+00;
	v36 =	vperm.xlane v50, v1  }
0x23f: {  	v47 =	vld [tilespmem:s31+$0xD0];
	v52 =	vmin.f32 v32, $5.000000000e+00;
	(erf) = vpow2.f32 v33;
	v53 =	vmax.f32 v34, $-5.000000000e+00  }
0x240: {  	v54 =	vmul.f32 $1.442695020e+00, v52;
	v33 =	vmin.f32 v53, $5.000000000e+00;
	v36 =	vmax.f32 v36, $-5.000000000e+00  }
0x241: {  	v61 =	vmul.f32 v24, v51;
	v33 =	vmul.f32 $1.442695020e+00, v33;
	v57 =	vmin.f32 v36, $5.000000000e+00  }
0x242: {  	[tilespmem:s30+$0xFFFFFFC0] =	vst v31;
	v55 =	vld [tilespmem:s2+$0xFFFFFFA0];
	(erf) = vpow2.f32 v54;
	v59 =	vmul.f32 $1.442695020e+00, v57  }
0x243: {  	v58 =	vld [tilespmem:s29+$0xFFFFFF60];
	v32 =	vpop (erf);
	(erf) = vpow2.f32 v33  }
0x244: {  	v62 =	vld [tilespmem:s24+$0xC0];
	[tilespmem:s28+$0xFFFFFFA0] =	vst v61;
	v56 =	vmul.f32 v32, v47;
	(erf) = vpow2.f32 v59  }
0x245: {  	v41 =	vld [tilespmem:s24+$0xFFFFFF40]  }
0x246: {  	v43 =	vld [tilespmem:s2+$0xB0];
	[tilespmem:s1+$0x50] =	vst v56;
	v35 =	vpop (erf)  }
0x247: {  	v63 =	vld [tilespmem:s31+$0x60];
	v31 =	vpop (erf)  }
0x248: {  	v48 =	vld [tilespmem:s22+$0x60];
	v38 =	vmul.f32 v31, v55  }
0x249: {  	v42 =	vld [tilespmem:s26+$0xFFFFFFC0];
	v33 =	vpop (erf)  }
0x24a: {  	v60 =	vld [tilespmem:s4+$0xFFFFFFE0];
	[tilespmem:s9+$0xFFFFFF90] =	vst v38;
	v49 =	vmul.f32 v33, v62  }
0x24b: {  	v44 =	vld [tilespmem:s2+$0xFFFFFF30];
	v36 =	vpop (erf)  }
0x24c: {  	v50 =	vmul.f32 v30, v15;
	v45 =	vld [tilespmem:s5+$0xFFFFFFB0];
	[tilespmem:s28+$0x40] =	vst v49;
	v34 =	vpop (erf)  }
0x24d: {  	v37 =	vmul.f32 v48, v63;
	v46 =	vld [tilespmem:s24+$0x50];
	v15 =	vpop (erf)  }
0x24e: {  	v51 =	vmul.f32 v42, v41;
	[tilespmem:s7+$0xFFFFFFD0] =	vst v50;
	v47 =	vld [tilespmem:s26+$0x50];
	v52 =	vmul.f32 v15, v43  }
0x24f: {  	v39 =	vmul.f32 v60, v58;
	v53 =	vld [tilespmem:s10+$0xFFFFFF70];
	(xrf2) =	vadd.scan.msk.f32 $0xffff, v37  }
0x250: {  	v54 =	vld [tilespmem:s20+$0xFFFFFFF0];
	(xrf2) =	vadd.scan.msk.f32 $0xffff, v51;
	[tilespmem:s9+$0x30] =	vst v52  }
0x251: {  	(xrf2) =	vadd.scan.msk.f32 $0xffff, v39;
	v55 =	vmul.f32 v45, v44;
	v38 =	vld [tilespmem:s2+$0x40]  }
0x252: {  	v57 =	vld [tilespmem:s5+$0x40]  }
0x253: {  	v56 =	vmul.f32 v47, v46;
	(xrf2) =	vadd.scan.msk.f32 $0xffff, v55;
	_ =	sdelay $0x1  }
0x254: {  	(xrf2) =	vadd.scan.msk.f32 $0xffff, v56  }
0x255: {  	v58 =	vmul.f32 v54, v53  }
0x256: {  	v38 =	vmul.f32 v57, v38  }
0x257: {  	(xrf2) =	vadd.scan.msk.f32 $0xffff, v58  }
0x258: {  	v59, _, _ =	vpop (xrf2);
	(xrf2) =	vadd.scan.msk.f32 $0xffff, v38  }
0x259: {  	v60 =	vperm.xlane v59, v1;
	v61, _, _ =	vpop (xrf2)  }
0x25a: {  	v62, _, _ =	vpop (xrf2)  }
0x25b: {  	v37 =	vmax.f32 v60, $-5.000000000e+00;
	v39 =	vperm.xlane v62, v1;
	v38 =	vperm.xlane v61, v1  }
0x25c: {  	v37 =	vmin.f32 v37, $5.000000000e+00;
	v63, _, _ =	vpop (xrf2)  }
0x25d: {  	v39 =	vmax.f32 v39, $-5.000000000e+00;
	v40 =	vperm.xlane v63, v1;
	v38 =	vmax.f32 v38, $-5.000000000e+00  }
0x25e: {  	v37 =	vmul.f32 $1.442695020e+00, v37;
	v39 =	vmin.f32 v39, $5.000000000e+00;
	v44, _, _ =	vpop (xrf2);
	v38 =	vmin.f32 v38, $5.000000000e+00  }
0x25f: {  	v41 =	vperm.xlane v44, v1;
	v46 =	vmax.f32 v40, $-5.000000000e+00;
	v38 =	vmul.f32 $1.442695020e+00, v38  }
0x260: {  	(erf) = vpow2.f32 v37;
	v45 =	vmul.f32 $1.442695020e+00, v39;
	v47 =	vmin.f32 v46, $5.000000000e+00  }
0x261: {  	v50, _, _ =	vpop (xrf2);
	v48 =	vmax.f32 v41, $-5.000000000e+00;
	v49 =	vmul.f32 $1.442695020e+00, v47;
	(erf) = vpow2.f32 v38  }
0x262: {  	v39 =	vmin.f32 v48, $5.000000000e+00;
	v38 =	vperm.xlane v50, v1;
	(erf) = vpow2.f32 v45;
	v51, _, _ =	vpop (xrf2)  }
0x263: {  	v52 =	vld [tilespmem:s31+$0xFFFFFFD0];
	v39 =	vmul.f32 $1.442695020e+00, v39;
	v53 =	vperm.xlane v51, v1  }
0x264: {  	(erf) = vpow2.f32 v49  }
0x265: {  	v38 =	vmax.f32 v38, $-5.000000000e+00;
	(erf) = vpow2.f32 v39;
	v37 =	vmax.f32 v53, $-5.000000000e+00  }
0x266: {  	v54 =	vld [tilespmem:s31+$0xE0];
	v38 =	vmin.f32 v38, $5.000000000e+00;
	v37 =	vmin.f32 v37, $5.000000000e+00  }
0x267: {  	v38 =	vmul.f32 $1.442695020e+00, v38;
	v37 =	vmul.f32 $1.442695020e+00, v37  }
0x268: {  	v55 =	vld [tilespmem:s24+$0xFFFFFFC0];
	v41 =	vmul.f32 v34, v52  }
0x269: {  	(erf) = vpow2.f32 v38  }
0x26a: {  	v57 =	vld [tilespmem:s24+$0xD0];
	v40 =	vpop (erf);
	(erf) = vpow2.f32 v37  }
0x26b: {  	v58 =	vld [tilespmem:s2+$0xFFFFFFB0];
	v56 =	vmul.f32 v40, v54;
	v37 =	vpop (erf)  }
0x26c: {  	v48 =	vld [tilespmem:s2+$0xC0];
	[tilespmem:s1+$0xFFFFFFC0] =	vst v41;
	v41 =	vpop (erf)  }
0x26d: {  	v45 =	vld [tilespmem:s31+$0xFFFFFF60];
	[tilespmem:s1+$0x60] =	vst v56;
	v39 =	vmul.f32 v37, v55;
	v38 =	vpop (erf)  }
0x26e: {  	v59 =	vld [tilespmem:s31+$0x70];
	v42 =	vpop (erf)  }
0x26f: {  	v60 =	vld [tilespmem:s22+$0x70];
	[tilespmem:s28+$0xFFFFFFB0] =	vst v39;
	v61 =	vmul.f32 v42, v57  }
0x270: {  	v49 =	vld [tilespmem:s24+$0xFFFFFF50]  }
0x271: {  	v50 =	vld [tilespmem:s26+$0xFFFFFFD0];
	[tilespmem:s28+$0x50] =	vst v61  }
0x272: {  	v44 =	vmul.f32 v38, v58;
	v43 =	vpop (erf);
	v51 =	vld [tilespmem:s24+$0x60]  }
0x273: {  	v52 =	vld [tilespmem:s26+$0x60];
	v39 =	vpop (erf)  }
0x274: {  	v53 =	vld [tilespmem:s22+$0xFFFFFFE0];
	v46 =	vmul.f32 v60, v59;
	[tilespmem:s9+$0xFFFFFFA0] =	vst v44;
	v62 =	vmul.f32 v39, v48  }
0x275: {  	v63 =	vld [tilespmem:s2+$0xFFFFFF40]  }
0x276: {  	(xrf2) =	vadd.scan.msk.f32 $0xffff, v46;
	v54 =	vld [tilespmem:s5+$0xFFFFFFC0];
	[tilespmem:s9+$0x40] =	vst v62  }
0x277: {  	v55 =	vmul.f32 v50, v49;
	v56 =	vld [tilespmem:s2+$0x50]  }
0x278: {  	v58 =	vld [tilespmem:s5+$0x50];
	v57 =	vmul.f32 v52, v51  }
0x279: {  	(xrf2) =	vadd.scan.msk.f32 $0xffff, v55  }
0x27a: {  	(xrf2) =	vadd.scan.msk.f32 $0xffff, v57  }
0x27b: {  	v59 =	vmul.f32 v54, v63  }
0x27c: {  	v45 =	vmul.f32 v53, v45  }
0x27d: {  	(xrf2) =	vadd.scan.msk.f32 $0xffff, v59;
	v60 =	vmul.f32 v58, v56  }
0x27e: {  	(xrf2) =	vadd.scan.msk.f32 $0xffff, v45  }
0x27f: {  	(xrf2) =	vadd.scan.msk.f32 $0xffff, v60  }
0x280: {  	v61, _, _ =	vpop (xrf2)  }
0x281: {  	v44 =	vperm.xlane v61, v1;
	_ =	sdelay $0x1  }
0x282: {  	v44 =	vmax.f32 v44, $-5.000000000e+00;
	v62, _, _ =	vpop (xrf2)  }
0x283: {  	v44 =	vmin.f32 v44, $5.000000000e+00;
	v45 =	vperm.xlane v62, v1;
	v63, _, _ =	vpop (xrf2)  }
0x284: {  	v44 =	vmul.f32 $1.442695020e+00, v44;
	v46 =	vperm.xlane v63, v1  }
0x285: {  	v45 =	vmax.f32 v45, $-5.000000000e+00  }
0x286: {  	(erf) = vpow2.f32 v44;
	v48 =	vmin.f32 v45, $5.000000000e+00;
	v50, _, _ =	vpop (xrf2);
	v49 =	vmax.f32 v46, $-5.000000000e+00  }
0x287: {  	v44 =	vmul.f32 $1.442695020e+00, v48;
	v51, _, _ =	vpop (xrf2);
	v46 =	vperm.xlane v50, v1;
	v45 =	vmin.f32 v49, $5.000000000e+00  }
0x288: {  	v47 =	vperm.xlane v51, v1;
	v52, _, _ =	vpop (xrf2);
	v45 =	vmul.f32 $1.442695020e+00, v45  }
0x289: {  	(erf) = vpow2.f32 v44;
	v53 =	vmax.f32 v46, $-5.000000000e+00;
	v54 =	vperm.xlane v52, v1  }
0x28a: {  	v55 =	vmax.f32 v47, $-5.000000000e+00;
	v44 =	vmin.f32 v53, $5.000000000e+00;
	(erf) = vpow2.f32 v45  }
0x28b: {  	v44 =	vmul.f32 $1.442695020e+00, v44;
	v45 =	vmin.f32 v55, $5.000000000e+00;
	v46 =	vmax.f32 v54, $-5.000000000e+00  }
0x28c: {  	v45 =	vmul.f32 $1.442695020e+00, v45;
	v46 =	vmin.f32 v46, $5.000000000e+00  }
0x28d: {  	(erf) = vpow2.f32 v44;
	v56 =	vmul.f32 $1.442695020e+00, v46  }
0x28e: {  	v57 =	vld [tilespmem:s29+$0xFFFFFFE0];
	(erf) = vpow2.f32 v45  }
0x28f: {  	(erf) = vpow2.f32 v56  }
0x290: {  	v58 =	vld [tilespmem:s24+$0xE0];
	_ =	sdelay $0x1  }
0x291: {  	v59 =	vld [tilespmem:s2+$0xFFFFFFC0];
	v49 =	vpop (erf)  }
0x292: {  	v46 =	vmul.f32 v41, v57;
	v44 =	vpop (erf)  }
0x293: {  	v60 =	vld [tilespmem:s2+$0xD0];
	v47 =	vpop (erf)  }
0x294: {  	[tilespmem:s30+$0xFFFFFFD0] =	vst v46;
	v61 =	vmul.f32 v47, v58  }
0x295: {  	v62 =	vld [tilespmem:s29+$0xFFFFFF70];
	v45 =	vpop (erf)  }
0x296: {  	v63 =	vld [tilespmem:s4+$0xFFFFFFF0];
	[tilespmem:s28+$0x60] =	vst v61;
	v57 =	vmul.f32 v45, v59;
	v48 =	vpop (erf)  }
0x297: {  	v54 =	vld [tilespmem:s24+$0x70];
	v46 =	vpop (erf)  }
0x298: {  	v55 =	vld [tilespmem:s26+$0x70];
	[tilespmem:s9+$0xFFFFFFB0] =	vst v57;
	v50 =	vmul.f32 v46, v60  }
0x299: {  	v53 =	vld [tilespmem:s2+$0xFFFFFF50]  }
0x29a: {  	v56 =	vld [tilespmem:s5+$0xFFFFFFD0];
	[tilespmem:s9+$0x50] =	vst v50  }
0x29b: {  	v50 =	vld [tilespmem:s2+$0x60]  }
0x29c: {  	v57 =	vld [tilespmem:s5+$0x60];
	_ =	sdelay $0x1  }
0x29d: {  	v51 =	vmul.f32 v63, v62  }
0x29e: {  	v58 =	vmul.f32 v55, v54  }
0x29f: {  	(xrf2) =	vadd.scan.msk.f32 $0xffff, v51;
	v59 =	vmul.f32 v56, v53  }
0x2a0: {  	(xrf2) =	vadd.scan.msk.f32 $0xffff, v58;
	v50 =	vmul.f32 v57, v50  }
0x2a1: {  	(xrf2) =	vadd.scan.msk.f32 $0xffff, v59  }
0x2a2: {  	(xrf2) =	vadd.scan.msk.f32 $0xffff, v50;
	_ =	sdelay $0x6  }
0x2a3: {  	v60, _, _ =	vpop (xrf2)  }
0x2a4: {  	v50 =	vperm.xlane v60, v1;
	v61, _, _ =	vpop (xrf2)  }
0x2a5: {  	v51 =	vperm.xlane v61, v1;
	v62, _, _ =	vpop (xrf2)  }
0x2a6: {  	v50 =	vmax.f32 v50, $-5.000000000e+00;
	v52 =	vperm.xlane v62, v1;
	v63, _, _ =	vpop (xrf2)  }
0x2a7: {  	v50 =	vmin.f32 v50, $5.000000000e+00;
	v51 =	vmax.f32 v51, $-5.000000000e+00;
	v53 =	vperm.xlane v63, v1  }
0x2a8: {  	v50 =	vmul.f32 $1.442695020e+00, v50;
	v51 =	vmin.f32 v51, $5.000000000e+00;
	v52 =	vmax.f32 v52, $-5.000000000e+00  }
0x2a9: {  	v51 =	vmul.f32 $1.442695020e+00, v51;
	v52 =	vmin.f32 v52, $5.000000000e+00;
	v53 =	vmax.f32 v53, $-5.000000000e+00  }
0x2aa: {  	(erf) = vpow2.f32 v50;
	v56 =	vmul.f32 $1.442695020e+00, v52;
	v57 =	vmin.f32 v53, $5.000000000e+00  }
0x2ab: {  	(erf) = vpow2.f32 v51;
	v58 =	vmul.f32 $1.442695020e+00, v57  }
0x2ac: {  	v59 =	vld [tilespmem:s24+$0xFFFFFFD0];
	(erf) = vpow2.f32 v56  }
0x2ad: {  	v60 =	vld [tilespmem:s31+$0xFFFFFFE0];
	(erf) = vpow2.f32 v58;
	_ =	sdelay $0x3  }
0x2ae: {  	v50 =	vmul.f32 v44, v59;
	v61 =	vld [tilespmem:s2+$0xFFFFFFD0]  }
0x2af: {  	v62 =	vld [tilespmem:s2+$0xE0];
	v51 =	vmul.f32 v48, v60  }
0x2b0: {  	v53 =	vpop (erf)  }
0x2b1: {  	[tilespmem:s28+$0xFFFFFFC0] =	vst v50;
	v52 =	vpop (erf)  }
0x2b2: {  	v56 =	vld [tilespmem:s24+$0xFFFFFF60];
	v50 =	vpop (erf)  }
0x2b3: {  	v57 =	vld [tilespmem:s26+$0xFFFFFFE0];
	[tilespmem:s1+$0xFFFFFFD0] =	vst v51;
	v54 =	vmul.f32 v50, v61;
	v51 =	vpop (erf)  }
0x2b4: {  	v59 =	vld [tilespmem:s22+$0xFFFFFFF0];
	v55 =	vmul.f32 v51, v62  }
0x2b5: {  	v58 =	vld [tilespmem:s31+$0xFFFFFF70];
	[tilespmem:s9+$0xFFFFFFC0] =	vst v54  }
0x2b6: {  	v54 =	vld [tilespmem:s2+$0xFFFFFF60];
	[tilespmem:s9+$0x60] =	vst v55  }
0x2b7: {  	v55 =	vld [tilespmem:s2+$0x70]  }
0x2b8: {  	v60 =	vld [tilespmem:s5+$0x70]  }
0x2b9: {  	v56 =	vmul.f32 v57, v56;
	v61 =	vld [tilespmem:s5+$0xFFFFFFE0];
	_ =	sdelay $0x1  }
0x2ba: {  	(xrf2) =	vadd.scan.msk.f32 $0xffff, v56  }
0x2bb: {  	v63 =	vmul.f32 v59, v58  }
0x2bc: {  	v55 =	vmul.f32 v60, v55  }
0x2bd: {  	(xrf2) =	vadd.scan.msk.f32 $0xffff, v63;
	v54 =	vmul.f32 v61, v54  }
0x2be: {  	(xrf2) =	vadd.scan.msk.f32 $0xffff, v55  }
0x2bf: {  	(xrf2) =	vadd.scan.msk.f32 $0xffff, v54;
	_ =	sdelay $0x4  }
0x2c0: {  	v59, _, _ =	vpop (xrf2)  }
0x2c1: {  	v54 =	vperm.xlane v59, v1;
	_ =	sdelay $0x1  }
0x2c2: {  	v60, _, _ =	vpop (xrf2);
	v54 =	vmax.f32 v54, $-5.000000000e+00  }
0x2c3: {  	v55 =	vperm.xlane v60, v1;
	v54 =	vmin.f32 v54, $5.000000000e+00;
	v61, _, _ =	vpop (xrf2)  }
0x2c4: {  	v54 =	vmul.f32 $1.442695020e+00, v54;
	v56 =	vperm.xlane v61, v1;
	v62, _, _ =	vpop (xrf2)  }
0x2c5: {  	v55 =	vmax.f32 v55, $-5.000000000e+00;
	v57 =	vperm.xlane v62, v1  }
0x2c6: {  	v55 =	vmin.f32 v55, $5.000000000e+00;
	(erf) = vpow2.f32 v54;
	v56 =	vmax.f32 v56, $-5.000000000e+00  }
0x2c7: {  	v55 =	vmul.f32 $1.442695020e+00, v55;
	v56 =	vmin.f32 v56, $5.000000000e+00;
	v57 =	vmax.f32 v57, $-5.000000000e+00  }
0x2c8: {  	v63 =	vmul.f32 $1.442695020e+00, v56;
	v60 =	vmin.f32 v57, $5.000000000e+00  }
0x2c9: {  	(erf) = vpow2.f32 v55;
	v61 =	vmul.f32 $1.442695020e+00, v60  }
0x2ca: {  	(erf) = vpow2.f32 v63  }
0x2cb: {  	v62 =	vld [tilespmem:s24+$0xFFFFFFE0];
	(erf) = vpow2.f32 v61;
	_ =	sdelay $0x3  }
0x2cc: {  	v56 =	vpop (erf)  }
0x2cd: {  	v63 =	vld [tilespmem:s2+$0xFFFFFFE0];
	v54 =	vmul.f32 v56, v62;
	_ =	sdelay $0x1  }
0x2ce: {  	v57 =	vpop (erf)  }
0x2cf: {  	v58 =	vpop (erf)  }
0x2d0: {  	[tilespmem:s28+$0xFFFFFFD0] =	vst v54;
	v54 =	vpop (erf)  }
0x2d1: {  	v55 =	vmul.f32 v54, v63  }
0x2d2: {  	v59 =	vld [tilespmem:s24+$0xFFFFFF70]  }
0x2d3: {  	v60 =	vld [tilespmem:s26+$0xFFFFFFF0];
	[tilespmem:s9+$0xFFFFFFD0] =	vst v55  }
0x2d4: {  	v55 =	vld [tilespmem:s2+$0xFFFFFF70]  }
0x2d5: {  	v61 =	vld [tilespmem:s5+$0xFFFFFFF0];
	_ =	sdelay $0x2  }
0x2d6: {  	v59 =	vmul.f32 v60, v59;
	_ =	sdelay $0x1  }
0x2d7: {  	(xrf2) =	vadd.scan.msk.f32 $0xffff, v59;
	v55 =	vmul.f32 v61, v55;
	_ =	sdelay $0x1  }
0x2d8: {  	(xrf2) =	vadd.scan.msk.f32 $0xffff, v55;
	_ =	sdelay $0x1  }
0x2d9: {  	v7 =	vsel vm2, v7, v16;
	v2 =	vsel vm7, v2, v18;
	v16 =	vld [tilespmem:s29+$0xF0]  }
0x2da: {  	v13 =	vsel vm5, v13, v17;
	v3 =	vmul.f32 v18, v3;
	[tilespmem:s19+$0xFFFFFFF0] =	vst v2;
	v2 =	vsel vm1, v8, v20  }
0x2db: {  	v6 =	vsel vm4, v6, v21;
	v12 =	vsel vm7, v12, v26;
	v9 =	vsel vm5, v9, v29;
	v29 =	vld [tilespmem:s29+$0xFFFFFFF0]  }
0x2dc: {  	v10 =	vsel vm1, v10, v28;
	v7 =	vsel vm3, v7, v22;
	v13 =	vsel vm6, v13, v27  }
0x2dd: {  	v2 =	vsel vm2, v2, v23;
	v6 =	vsel vm5, v6, v32;
	v7 =	vsel vm4, v7, v33  }
0x2de: {  	[tilespmem:s19+$0xFFFFFFE0] =	vst v3;
	v21 =	vmul.f32 v36, v16;
	v13 =	vsel vm7, v13, v36;
	v2 =	vsel vm3, v2, v15;
	v60 =	vld [tilespmem:s10+$0xF0]  }
0x2df: {  	[tilespmem:s30+$0x80] =	vst v13;
	v6 =	vsel vm6, v6, v40;
	v9 =	vsel vm6, v9, v41;
	v7 =	vsel vm5, v7, v42;
	v63, _, _ =	vpop (xrf2)  }
0x2e0: {  	[tilespmem:s30+$0x70] =	vst v21;
	v40 =	vmul.f32 v53, v29;
	v42 =	vsel vm7, v9, v53;
	v17 =	vperm.xlane v63, v1  }
0x2e1: {  	v4 =	vsel vm6, v4, v30;
	v2 =	vsel vm4, v2, v39;
	v7 =	vsel vm6, v7, v47;
	[tilespmem:s30+$0xFFFFFFF0] =	vst v42;
	v63, _, _ =	vpop (xrf2)  }
0x2e2: {  	v36 =	vld [tilespmem:s31+$0xFFFFFFF0];
	[tilespmem:s30+$0xFFFFFFE0] =	vst v40;
	v7 =	vsel vm7, v7, v52;
	v17 =	vmax.f32 v17, $-5.000000000e+00;
	v28 =	vperm.xlane v63, v1  }
0x2e3: {  	v32 =	vld [tilespmem:s24+$0xF0];
	v2 =	vsel vm5, v2, v46;
	[tilespmem:s28+$0x80] =	vst v7;
	v62 =	vmul.f32 v26, v60;
	v26 =	vmin.f32 v17, $5.000000000e+00  }
0x2e4: {  	v2 =	vsel vm6, v2, v51;
	[tilespmem:s7+$0x80] =	vst v12;
	v61 =	vld [tilespmem:s15+$0xFFFFFFF0];
	v16 =	vmul.f32 $1.442695020e+00, v26;
	v30 =	vmax.f32 v28, $-5.000000000e+00  }
0x2e5: {  	v3 =	vsel vm2, v11, v19;
	v2 =	vsel vm7, v2, v58;
	[tilespmem:s7+$0x70] =	vst v62;
	v62 =	vld [tilespmem:s31+$0xF0];
	v11 =	vmin.f32 v30, $5.000000000e+00  }
0x2e6: {  	v4 =	vsel vm7, v4, v43;
	v41 =	vld [tilespmem:s2+$0xF0];
	[tilespmem:s9+$0x80] =	vst v2;
	(erf) = vpow2.f32 v16;
	v11 =	vmul.f32 $1.442695020e+00, v11  }
0x2e7: {  	v6 =	vsel vm7, v6, v49;
	v55 =	vld [tilespmem:s10+$0xFFFFFFF0];
	[tilespmem:s7+$0xFFFFFFF0] =	vst v4;
	v4 =	vmul.f32 v57, v36  }
0x2e8: {  	[tilespmem:s1+$0x80] =	vst v6;
	(erf) = vpow2.f32 v11  }
0x2e9: {  	v5 =	vsel vm4, v5, v25;
	[tilespmem:s1+$0xFFFFFFE0] =	vst v4;
	v60 =	vmul.f32 v35, v61;
	v61 =	vsel vm7, v14, v35  }
0x2ea: {  	v5 =	vsel vm5, v5, v34;
	v35 =	vmul.f32 v49, v62;
	[tilespmem:s8+$0xFFFFFFF0] =	vst v61  }
0x2eb: {  	v5 =	vsel vm6, v5, v48;
	v49 =	vld [tilespmem:s24+$0xFFFFFFF0];
	[tilespmem:s8+$0xFFFFFFE0] =	vst v60  }
0x2ec: {  	v3 =	vsel vm3, v3, v24;
	v8 =	vmul.f32 v43, v55;
	[tilespmem:s1+$0x70] =	vst v35;
	v55 =	vsel vm7, v5, v57  }
0x2ed: {  	v3 =	vsel vm4, v3, v37;
	v53 =	vld [tilespmem:s2+$0xFFFFFFF0];
	v43 =	vmul.f32 v52, v32;
	v52 =	vsel vm2, v10, v31;
	[tilespmem:s1+$0xFFFFFFF0] =	vst v55  }
0x2ee: {  	v3 =	vsel vm5, v3, v44;
	v57 =	vmul.f32 v58, v41;
	v59 =	vsel vm3, v52, v38;
	[tilespmem:s7+$0xFFFFFFE0] =	vst v8  }
0x2ef: {  	v3 =	vsel vm6, v3, v56;
	[tilespmem:s28+$0x70] =	vst v43;
	v6 =	vsel vm4, v59, v45;
	v60 =	vpop (erf)  }
0x2f0: {  	[tilespmem:s9+$0x70] =	vst v57;
	v6 =	vsel vm5, v6, v50;
	v61 =	vmul.f32 v60, v49;
	v3 =	vsel vm7, v3, v60  }
0x2f1: {  	v63 =	vsel vm6, v6, v54;
	[tilespmem:s28+$0xFFFFFFF0] =	vst v3;
	v2 =	vpop (erf)  }
0x2f2: {  	[tilespmem:s28+$0xFFFFFFE0] =	vst v61;
	v62 =	vmul.f32 v2, v53;
	v2 =	vsel vm7, v63, v2  }
0x2f3: {  	[tilespmem:s9+$0xFFFFFFF0] =	vst v2  }
0x2f4: {  	[tilespmem:s9+$0xFFFFFFE0] =	vst v62  }
0x2f5: {  	v2 =	vld [tilespmem:s3+$0x8420];
	_ =	sdelay $0x4  }
0x2f6: {  	s19 =	sadd.s32 $0x2, s17;
	[tilespmem:$0x8C00] =	vst v2  }
0x2f7: {  	p1 =	seq.s32 s0, $0x9F;
	v2 =	vld [tilespmem:s3+$0x8430];
	s3 =	sand.u32 $0xE, s19  }
0x2f8: {  	p2 =	sne.s32 @!p1 s3, $0x0  }
0x2f9: {  	p2 =	por p1, p2  }
.Ltmp3:
0x2fa: {  	_ = 	snop;
	(pc) =	sbr.rel @p2 .LBB2_10-.Ltmp3, $3  }
0x2fb: {  	_ =	sdelay $0x1  }
0x2fc: {  	s6 =	simm.s32 $0x20;
	s30 =	rddreg [dreg:$0x2];
	s31 =	simm.s32 $0x8C00;
	[tilespmem:$0x8C10] =	vst v2  }
0x2fd: {  	[spmem:s30] =	stream.indirect.scatter.add.f32 [tilespmem:s13], [sflag:$0x4], $0x90, s31, s6, $0xb8;
	[tilespmem:$0x1F440] =	vst v63  }
0x2fe: {  	s1 =	simm.s32 $0x1  }
0x2ff: {  	_ =	swait.ge [sflag:s1], $0x400  }
0x300: {  	[sflag:s1] =	ssyncset.done $0x0  }
0x301: {  	[sflag:s1] =	ssyncadd.s32 $0xFFFFFC00  }
.LBB2_11:
0x302: {  	s1 =	sshll.u32 s19, $0x6  }
0x303: {  	s1 =	sand.u32 $0x780, s1  }
0x304: {  	s4 =	simm.s32 $0x0;
	s5 =	rddreg [dreg:$0x5];
	s2 =	sadd.s32 $0x8400, s1  }
0x305: {  	[tilespmem:s4], [sflag:$0x2] =	stream.indirect.gather [hbm4b:s5+s6], $0x100, s2, s6, $0xb8;
	[tilespmem:$0x1F440] =	vst v63  }
0x306: {  	s30 =	rddreg [dreg:$0x4];
	s31 =	simm.s32 $0x4000;
	s1 =	sadd.s32 $0x8420, s1  }
0x307: {  	[tilespmem:s31], [sflag:$0x2] =	stream.indirect.gather [hbm4b:s30+s6], $0x80, s1, s6, $0xb8;
	[tilespmem:$0x1F440] =	vst v63  }
.LBB2_12:
0x308: {  	_ =	swait.ge [sflag:s25], $0x2000  }
0x309: {  	[sflag:s25] =	ssyncset.done $0x0  }
0x30a: {  	[sflag:s25] =	ssyncadd.s32 $0xFFFFE000  }
0x30b: {  	_ =	swait.ge [sflag:s25], $0x1000  }
0x30c: {  	[sflag:s25] =	ssyncset.done $0x0  }
0x30d: {  	s1 =	simm.s32 @!p0 $0x5;
	[sflag:s25] =	ssyncadd.s32 $0xFFFFF000  }
0x30e: {  	_ =	swait.ge @!p0 [sflag:s1], $0x1200  }
0x30f: {  	[sflag:s1] =	ssyncset.done @!p0 $0x0  }
0x310: {  	s17 =	simm.s32 $0x2100;
	[sflag:s1] =	ssyncadd.s32 @!p0 $0xFFFFEE00  }
0x311: {  	s5 =	simm.s32 $0x5080;
	v2 =	vld [tilespmem:s17+$0x0]  }
0x312: {  	v3 =	vld [tilespmem:s5+$0x0];
	_ =	sdelay $0x4  }
0x313: {  	v2 =	vmul.f32 v3, v2;
	_ =	sdelay $0x1  }
0x314: {  	(xrf2) =	vadd.scan.msk.f32 $0xffff, v2  }
0x315: {  	v3 =	vld [tilespmem:s17+$0xFFFFFF00]  }
0x316: {  	v2 =	vld [tilespmem:s5+$0xFFFFFF80];
	_ =	sdelay $0x4  }
0x317: {  	v2 =	vmul.f32 v2, v3;
	_ =	sdelay $0x1  }
0x318: {  	(xrf2) =	vadd.scan.msk.f32 $0xffff, v2  }
0x319: {  	v3, _, _ =	vpop (xrf2)  }
0x31a: {  	v2 =	vperm.xlane v3, v1;
	_ =	sdelay $0x1  }
0x31b: {  	v2 =	vmax.f32 v2, $-5.000000000e+00  }
0x31c: {  	v2 =	vmin.f32 v2, $5.000000000e+00  }
0x31d: {  	v2 =	vmul.f32 $1.442695020e+00, v2;
	_ =	sdelay $0x1  }
0x31e: {  	(erf) = vpow2.f32 v2;
	_ =	sdelay $0x1  }
0x31f: {  	v2, _, _ =	vpop (xrf2)  }
0x320: {  	v2 =	vperm.xlane v2, v1;
	_ =	sdelay $0x1  }
0x321: {  	v3 =	vld [tilespmem:s17+$0x80];
	v2 =	vmax.f32 v2, $-5.000000000e+00  }
0x322: {  	v2 =	vmin.f32 v2, $5.000000000e+00;
	_ =	sdelay $0x1  }
0x323: {  	v4 =	vmul.f32 $1.442695020e+00, v2  }
0x324: {  	v2 =	vpop (erf)  }
0x325: {  	(erf) = vpow2.f32 v4;
	v3 =	vmul.f32 v2, v3  }
0x326: {  	s15 =	simm.s32 $0x7290  }
0x327: {  	[tilespmem:s15+$0x0] =	vst v3  }
0x328: {  	v3 =	vld [tilespmem:s17+$0x10]  }
0x329: {  	v4 =	vld [tilespmem:s5+$0x10]  }
0x32a: {  	v5 =	vld [tilespmem:s17+$0xFFFFFF80];
	_ =	sdelay $0x3  }
0x32b: {  	v4 =	vmul.f32 v4, v3;
	v3 =	vpop (erf)  }
0x32c: {  	v5 =	vmul.f32 v3, v5  }
0x32d: {  	(xrf2) =	vadd.scan.msk.f32 $0xffff, v4  }
0x32e: {  	[tilespmem:s15+$0xFFFFFF70] =	vst v5  }
0x32f: {  	v4 =	vld [tilespmem:s17+$0xFFFFFF10]  }
0x330: {  	v5 =	vld [tilespmem:s5+$0xFFFFFF90];
	_ =	sdelay $0x4  }
0x331: {  	s8 =	simm.s32 $0x2300;
	v4 =	vmul.f32 v5, v4  }
0x332: {  	s22 =	simm.s32 $0x5180;
	v5 =	vld [tilespmem:s8+$0x0]  }
0x333: {  	(xrf2) =	vadd.scan.msk.f32 $0xffff, v4;
	v4 =	vld [tilespmem:s22+$0x0];
	v6, _, _ =	vpop (xrf2)  }
0x334: {  	v6 =	vperm.xlane v6, v1;
	_ =	sdelay $0x1  }
0x335: {  	v6 =	vmax.f32 v6, $-5.000000000e+00  }
0x336: {  	v6 =	vmin.f32 v6, $5.000000000e+00  }
0x337: {  	v4 =	vmul.f32 v4, v5;
	v6 =	vmul.f32 $1.442695020e+00, v6  }
0x338: {  	v5 =	vld [tilespmem:s22+$0xFFFFFF80]  }
0x339: {  	(xrf2) =	vadd.scan.msk.f32 $0xffff, v4;
	v4 =	vld [tilespmem:s8+$0xFFFFFF00];
	(erf) = vpow2.f32 v6;
	_ =	sdelay $0x3  }
0x33a: {  	v6, _, _ =	vpop (xrf2)  }
0x33b: {  	v7 =	vld [tilespmem:s17+$0x90];
	v6 =	vperm.xlane v6, v1;
	v4 =	vmul.f32 v5, v4;
	_ =	sdelay $0x1  }
0x33c: {  	v5 =	vmax.f32 v6, $-5.000000000e+00  }
0x33d: {  	v5 =	vmin.f32 v5, $5.000000000e+00  }
0x33e: {  	(xrf2) =	vadd.scan.msk.f32 $0xffff, v4;
	v5 =	vmul.f32 $1.442695020e+00, v5;
	v4 =	vpop (erf)  }
0x33f: {  	v6 =	vmul.f32 v4, v7;
	v7, _, _ =	vpop (xrf2)  }
0x340: {  	(erf) = vpow2.f32 v5;
	v5 =	vperm.xlane v7, v1;
	_ =	sdelay $0x1  }
0x341: {  	[tilespmem:s15+$0x10] =	vst v6;
	v5 =	vmax.f32 v5, $-5.000000000e+00  }
0x342: {  	v6 =	vld [tilespmem:s17+$0x20];
	v5 =	vmin.f32 v5, $5.000000000e+00  }
0x343: {  	v7 =	vld [tilespmem:s5+$0x20];
	v5 =	vmul.f32 $1.442695020e+00, v5;
	_ =	sdelay $0x1  }
0x344: {  	v8 =	vld [tilespmem:s17+$0xFFFFFF90];
	_ =	sdelay $0x1  }
0x345: {  	(erf) = vpow2.f32 v5;
	v5, _, _ =	vpop (xrf2)  }
0x346: {  	v6 =	vmul.f32 v7, v6;
	v7 =	vperm.xlane v5, v1  }
0x347: {  	v5 =	vpop (erf)  }
0x348: {  	(xrf2) =	vadd.scan.msk.f32 $0xffff, v6;
	v8 =	vmul.f32 v5, v8;
	v6 =	vmax.f32 v7, $-5.000000000e+00  }
0x349: {  	v6 =	vmin.f32 v6, $5.000000000e+00  }
0x34a: {  	v7 =	vld [tilespmem:s8+$0x80];
	[tilespmem:s15+$0xFFFFFF80] =	vst v8;
	v6 =	vmul.f32 $1.442695020e+00, v6  }
0x34b: {  	v8 =	vld [tilespmem:s17+$0xFFFFFF20]  }
0x34c: {  	v9 =	vld [tilespmem:s5+$0xFFFFFFA0]  }
0x34d: {  	(erf) = vpow2.f32 v6  }
0x34e: {  	v6 =	vpop (erf)  }
0x34f: {  	v7 =	vmul.f32 v6, v7  }
0x350: {  	s10 =	simm.s32 $0x73B0  }
0x351: {  	v10 =	vld [tilespmem:s8+$0xFFFFFF80];
	[tilespmem:s10+$0x0] =	vst v7;
	v7 =	vmul.f32 v9, v8  }
0x352: {  	v8 =	vld [tilespmem:s8+$0x10]  }
0x353: {  	v9, _, _ =	vpop (xrf2);
	v11 =	vld [tilespmem:s22+$0x10];
	(xrf2) =	vadd.scan.msk.f32 $0xffff, v7  }
0x354: {  	v9 =	vperm.xlane v9, v1;
	_ =	sdelay $0x1  }
0x355: {  	v9 =	vmax.f32 v9, $-5.000000000e+00;
	v7 =	vpop (erf)  }
0x356: {  	v9 =	vmin.f32 v9, $5.000000000e+00;
	v10 =	vmul.f32 v7, v10  }
0x357: {  	v9 =	vmul.f32 $1.442695020e+00, v9;
	v8 =	vmul.f32 v11, v8  }
0x358: {  	[tilespmem:s10+$0xFFFFFF70] =	vst v10  }
0x359: {  	(erf) = vpow2.f32 v9;
	(xrf2) =	vadd.scan.msk.f32 $0xffff, v8;
	v8 =	vld [tilespmem:s8+$0xFFFFFF10]  }
0x35a: {  	v9 =	vld [tilespmem:s22+$0xFFFFFF90];
	_ =	sdelay $0x1  }
0x35b: {  	v10, _, _ =	vpop (xrf2)  }
0x35c: {  	v10 =	vperm.xlane v10, v1  }
0x35d: {  	v11 =	vld [tilespmem:s17+$0xA0]  }
0x35e: {  	s7 =	simm.s32 $0x2500;
	v9 =	vmul.f32 v9, v8;
	v8 =	vmax.f32 v10, $-5.000000000e+00  }
0x35f: {  	s1 =	simm.s32 $0x5280;
	v12 =	vld [tilespmem:s7+$0x0];
	v10 =	vmin.f32 v8, $5.000000000e+00  }
0x360: {  	(xrf2) =	vadd.scan.msk.f32 $0xffff, v9;
	v9 =	vmul.f32 $1.442695020e+00, v10;
	v10 =	vld [tilespmem:s1+$0x0]  }
0x361: {  	v8 =	vpop (erf)  }
0x362: {  	v13, _, _ =	vpop (xrf2);
	v11 =	vmul.f32 v8, v11  }
0x363: {  	(erf) = vpow2.f32 v9;
	v9 =	vperm.xlane v13, v1  }
0x364: {  	[tilespmem:s15+$0x20] =	vst v11  }
0x365: {  	v9 =	vmax.f32 v9, $-5.000000000e+00;
	v11 =	vld [tilespmem:s17+$0x30];
	v10 =	vmul.f32 v10, v12  }
0x366: {  	v13 =	vld [tilespmem:s5+$0x30];
	v9 =	vmin.f32 v9, $5.000000000e+00  }
0x367: {  	v9 =	vmul.f32 $1.442695020e+00, v9;
	(xrf2) =	vadd.scan.msk.f32 $0xffff, v10  }
0x368: {  	v15 =	vld [tilespmem:s7+$0xFFFFFF00]  }
0x369: {  	v16 =	vld [tilespmem:s7+$0xFFFFFF80];
	(erf) = vpow2.f32 v9  }
0x36a: {  	v14 =	vld [tilespmem:s8+$0xFFFFFF90]  }
0x36b: {  	v12 =	vld [tilespmem:s17+$0xFFFFFFA0];
	v11 =	vmul.f32 v13, v11;
	v13, _, _ =	vpop (xrf2)  }
0x36c: {  	v10 =	vld [tilespmem:s1+$0xFFFFFF80];
	v9 =	vpop (erf)  }
0x36d: {  	(xrf2) =	vadd.scan.msk.f32 $0xffff, v11  }
0x36e: {  	v13 =	vperm.xlane v13, v1;
	v11 =	vld [tilespmem:s8+$0x90];
	_ =	sdelay $0x1  }
0x36f: {  	v13 =	vmax.f32 v13, $-5.000000000e+00  }
0x370: {  	v12 =	vmul.f32 v9, v12;
	v15 =	vmul.f32 v10, v15;
	v13 =	vmin.f32 v13, $5.000000000e+00;
	v17, _, _ =	vpop (xrf2)  }
0x371: {  	v13 =	vmul.f32 $1.442695020e+00, v13;
	v10 =	vpop (erf)  }
0x372: {  	[tilespmem:s15+$0xFFFFFF90] =	vst v12;
	(xrf2) =	vadd.scan.msk.f32 $0xffff, v15;
	v12 =	vperm.xlane v17, v1;
	v11 =	vmul.f32 v10, v11  }
0x373: {  	v15 =	vld [tilespmem:s5+$0xFFFFFFB0]  }
0x374: {  	v17 =	vld [tilespmem:s17+$0xFFFFFF30];
	v12 =	vmax.f32 v12, $-5.000000000e+00;
	[tilespmem:s10+$0x10] =	vst v11  }
0x375: {  	v11 =	vmin.f32 v12, $5.000000000e+00;
	v12 =	vld [tilespmem:s8+$0x20]  }
0x376: {  	(erf) = vpow2.f32 v13;
	v18 =	vld [tilespmem:s22+$0x20];
	v13, _, _ =	vpop (xrf2);
	v11 =	vmul.f32 $1.442695020e+00, v11  }
0x377: {  	v13 =	vperm.xlane v13, v1  }
0x378: {  	(erf) = vpow2.f32 v11  }
0x379: {  	v11 =	vmul.f32 v15, v17;
	v13 =	vmax.f32 v13, $-5.000000000e+00  }
0x37a: {  	v13 =	vmin.f32 v13, $5.000000000e+00  }
0x37b: {  	(xrf2) =	vadd.scan.msk.f32 $0xffff, v11;
	v11 =	vmul.f32 v18, v12;
	v13 =	vmul.f32 $1.442695020e+00, v13  }
0x37c: {  	v12, _, _ =	vpop (xrf2)  }
0x37d: {  	(xrf2) =	vadd.scan.msk.f32 $0xffff, v11;
	v11 =	vperm.xlane v12, v1;
	(erf) = vpow2.f32 v13;
	v13 =	vld [tilespmem:s7+$0x80];
	_ =	sdelay $0x1  }
0x37e: {  	v12 =	vpop (erf);
	v15 =	vmax.f32 v11, $-5.000000000e+00  }
0x37f: {  	v14 =	vmul.f32 v12, v14;
	v15 =	vmin.f32 v15, $5.000000000e+00  }
0x380: {  	v15 =	vmul.f32 $1.442695020e+00, v15;
	v11 =	vpop (erf)  }
0x381: {  	[tilespmem:s10+$0xFFFFFF80] =	vst v14;
	v14 =	vld [tilespmem:s17+$0xB0];
	v13 =	vmul.f32 v11, v13  }
0x382: {  	s29 =	simm.s32 $0x74D0;
	v17 =	vld [tilespmem:s8+$0xFFFFFF20]  }
0x383: {  	v18 =	vld [tilespmem:s22+$0xFFFFFFA0];
	[tilespmem:s29+$0x0] =	vst v13  }
0x384: {  	(erf) = vpow2.f32 v15;
	v15, _, _ =	vpop (xrf2);
	v19 =	vld [tilespmem:s7+$0x10]  }
0x385: {  	v20 =	vld [tilespmem:s1+$0x10];
	v15 =	vperm.xlane v15, v1;
	v13 =	vpop (erf)  }
0x386: {  	v14 =	vmul.f32 v13, v14  }
0x387: {  	v15 =	vmax.f32 v15, $-5.000000000e+00  }
0x388: {  	v17 =	vmul.f32 v18, v17;
	v21, _, _ =	vpop (xrf2);
	[tilespmem:s15+$0x30] =	vst v14;
	v14 =	vmin.f32 v15, $5.000000000e+00  }
0x389: {  	v18 =	vperm.xlane v21, v1;
	v14 =	vmul.f32 $1.442695020e+00, v14  }
0x38a: {  	(xrf2) =	vadd.scan.msk.f32 $0xffff, v17;
	v15 =	vld [tilespmem:s17+$0x40];
	v19 =	vmul.f32 v20, v19  }
0x38b: {  	v17 =	vmax.f32 v18, $-5.000000000e+00;
	v18 =	vld [tilespmem:s5+$0x40]  }
0x38c: {  	(xrf2) =	vadd.scan.msk.f32 $0xffff, v19  }
0x38d: {  	v17 =	vmin.f32 v17, $5.000000000e+00;
	(erf) = vpow2.f32 v14;
	v14 =	vpop (erf)  }
0x38e: {  	v17 =	vmul.f32 $1.442695020e+00, v17;
	v16 =	vmul.f32 v14, v16;
	_ =	sdelay $0x1  }
0x38f: {  	(erf) = vpow2.f32 v17;
	v15 =	vmul.f32 v18, v15;
	[tilespmem:s29+$0xFFFFFF70] =	vst v16  }
0x390: {  	v16 =	vld [tilespmem:s7+$0xFFFFFF10]  }
0x391: {  	(xrf2) =	vadd.scan.msk.f32 $0xffff, v15;
	v17 =	vld [tilespmem:s1+$0xFFFFFF90];
	_ =	sdelay $0x1  }
0x392: {  	v15, _, _ =	vpop (xrf2)  }
0x393: {  	v18 =	vld [tilespmem:s8+$0xA0];
	v19 =	vperm.xlane v15, v1  }
0x394: {  	v21, _, _ =	vpop (xrf2)  }
0x395: {  	v19 =	vmax.f32 v19, $-5.000000000e+00;
	v17 =	vmul.f32 v17, v16;
	v21 =	vperm.xlane v21, v1  }
0x396: {  	s20 =	simm.s32 $0x5380;
	v15 =	vpop (erf);
	v19 =	vmin.f32 v19, $5.000000000e+00  }
0x397: {  	s30 =	simm.s32 $0x2700;
	v22 =	vld [tilespmem:s20+$0x0];
	v16 =	vpop (erf);
	(xrf2) =	vadd.scan.msk.f32 $0xffff, v17;
	v17 =	vmul.f32 $1.442695020e+00, v19;
	v19 =	vmax.f32 v21, $-5.000000000e+00  }
0x398: {  	v20 =	vld [tilespmem:s30+$0x0];
	v18 =	vmul.f32 v16, v18;
	_ =	sdelay $0x1  }
0x399: {  	[tilespmem:s10+$0x20] =	vst v18;
	v18 =	vmin.f32 v19, $5.000000000e+00;
	v19, _, _ =	vpop (xrf2)  }
0x39a: {  	v18 =	vmul.f32 $1.442695020e+00, v18;
	v19 =	vperm.xlane v19, v1  }
0x39b: {  	(erf) = vpow2.f32 v17;
	v17 =	vld [tilespmem:s8+$0x30]  }
0x39c: {  	v20 =	vmul.f32 v22, v20;
	v23 =	vld [tilespmem:s22+$0x30];
	(erf) = vpow2.f32 v18;
	v18 =	vmax.f32 v19, $-5.000000000e+00  }
0x39d: {  	v21 =	vld [tilespmem:s17+$0xFFFFFFB0];
	v18 =	vmin.f32 v18, $5.000000000e+00  }
0x39e: {  	v22 =	vld [tilespmem:s30+$0xFFFFFF00];
	(xrf2) =	vadd.scan.msk.f32 $0xffff, v20;
	v18 =	vmul.f32 $1.442695020e+00, v18  }
0x39f: {  	v20 =	vld [tilespmem:s20+$0xFFFFFF80];
	_ =	sdelay $0x1  }
0x3a0: {  	v19 =	vld [tilespmem:s8+$0xFFFFFFA0];
	v17 =	vmul.f32 v23, v17  }
0x3a1: {  	v21 =	vmul.f32 v15, v21;
	(erf) = vpow2.f32 v18;
	v18, _, _ =	vpop (xrf2)  }
0x3a2: {  	v23 =	vld [tilespmem:s7+$0x90];
	v18 =	vperm.xlane v18, v1  }
0x3a3: {  	v20 =	vmul.f32 v20, v22;
	[tilespmem:s15+$0xFFFFFFA0] =	vst v21;
	(xrf2) =	vadd.scan.msk.f32 $0xffff, v17  }
0x3a4: {  	v21 =	vld [tilespmem:s17+$0xFFFFFF40];
	v17 =	vpop (erf)  }
0x3a5: {  	v24 =	vld [tilespmem:s5+$0xFFFFFFC0];
	v19 =	vmul.f32 v17, v19  }
0x3a6: {  	v22 =	vmax.f32 v18, $-5.000000000e+00;
	v18 =	vpop (erf)  }
0x3a7: {  	(xrf2) =	vadd.scan.msk.f32 $0xffff, v20;
	v20, _, _ =	vpop (xrf2);
	[tilespmem:s10+$0xFFFFFF90] =	vst v19;
	v19 =	vld [tilespmem:s17+$0xC0];
	v22 =	vmin.f32 v22, $5.000000000e+00;
	v23 =	vmul.f32 v18, v23  }
0x3a8: {  	v26 =	vperm.xlane v20, v1;
	v25 =	vld [tilespmem:s8+$0xFFFFFF30];
	v22 =	vmul.f32 $1.442695020e+00, v22  }
0x3a9: {  	v27 =	vld [tilespmem:s22+$0xFFFFFFB0];
	[tilespmem:s29+$0x10] =	vst v23  }
0x3aa: {  	v21 =	vmul.f32 v24, v21;
	(erf) = vpow2.f32 v22;
	v23 =	vmax.f32 v26, $-5.000000000e+00;
	v22 =	vld [tilespmem:s7+$0x20]  }
0x3ab: {  	v20 =	vpop (erf);
	v24 =	vld [tilespmem:s1+$0x20]  }
0x3ac: {  	(xrf2) =	vadd.scan.msk.f32 $0xffff, v21;
	v19 =	vmul.f32 v20, v19;
	v21 =	vmin.f32 v23, $5.000000000e+00  }
0x3ad: {  	v21 =	vmul.f32 $1.442695020e+00, v21;
	v23, _, _ =	vpop (xrf2)  }
0x3ae: {  	[tilespmem:s15+$0x40] =	vst v19;
	v19 =	vmul.f32 v27, v25;
	v23 =	vperm.xlane v23, v1  }
0x3af: {  	v25 =	vld [tilespmem:s17+$0x50]  }
0x3b0: {  	(erf) = vpow2.f32 v21;
	(xrf2) =	vadd.scan.msk.f32 $0xffff, v19;
	v21 =	vmax.f32 v23, $-5.000000000e+00;
	v23 =	vld [tilespmem:s5+$0x50];
	v19 =	vmul.f32 v24, v22  }
0x3b1: {  	v26 =	vld [tilespmem:s7+$0xFFFFFF90]  }
0x3b2: {  	v22, _, _ =	vpop (xrf2);
	v21 =	vmin.f32 v21, $5.000000000e+00;
	(xrf2) =	vadd.scan.msk.f32 $0xffff, v19  }
0x3b3: {  	v21 =	vmul.f32 $1.442695020e+00, v21;
	v19 =	vperm.xlane v22, v1;
	_ =	sdelay $0x1  }
0x3b4: {  	v24 =	vld [tilespmem:s30+$0x80];
	v22 =	vpop (erf);
	(erf) = vpow2.f32 v21;
	v19 =	vmax.f32 v19, $-5.000000000e+00;
	v23 =	vmul.f32 v23, v25  }
0x3b5: {  	v21 =	vmul.f32 v22, v26;
	v19 =	vmin.f32 v19, $5.000000000e+00  }
0x3b6: {  	v25, _, _ =	vpop (xrf2);
	(xrf2) =	vadd.scan.msk.f32 $0xffff, v23;
	v23 =	vmul.f32 $1.442695020e+00, v19  }
0x3b7: {  	[tilespmem:s29+$0xFFFFFF80] =	vst v21;
	v21 =	vperm.xlane v25, v1  }
0x3b8: {  	v26 =	vld [tilespmem:s8+$0xB0];
	v19 =	vpop (erf)  }
0x3b9: {  	v25 =	vld [tilespmem:s7+$0xFFFFFF20];
	v21 =	vmax.f32 v21, $-5.000000000e+00;
	v24 =	vmul.f32 v19, v24  }
0x3ba: {  	s31 =	simm.s32 $0x75F0;
	v27 =	vld [tilespmem:s1+$0xFFFFFFA0];
	(erf) = vpow2.f32 v23;
	v21 =	vmin.f32 v21, $5.000000000e+00;
	v23, _, _ =	vpop (xrf2)  }
0x3bb: {  	v21 =	vmul.f32 $1.442695020e+00, v21;
	[tilespmem:s31+$0x0] =	vst v24;
	v24 =	vperm.xlane v23, v1;
	v29, _, _ =	vpop (xrf2)  }
0x3bc: {  	v29 =	vperm.xlane v29, v1  }
0x3bd: {  	(erf) = vpow2.f32 v21;
	v23 =	vpop (erf);
	v24 =	vmax.f32 v24, $-5.000000000e+00  }
0x3be: {  	v28 =	vld [tilespmem:s30+$0x10];
	v26 =	vmul.f32 v23, v26;
	v24 =	vmin.f32 v24, $5.000000000e+00;
	v29 =	vmax.f32 v29, $-5.000000000e+00  }
0x3bf: {  	v21 =	vld [tilespmem:s20+$0x10];
	v25 =	vmul.f32 v27, v25;
	v24 =	vmul.f32 $1.442695020e+00, v24  }
0x3c0: {  	v27 =	vld [tilespmem:s30+$0xFFFFFF80];
	[tilespmem:s10+$0x30] =	vst v26  }
0x3c1: {  	(xrf2) =	vadd.scan.msk.f32 $0xffff, v25;
	v25 =	vmin.f32 v29, $5.000000000e+00;
	v26 =	vld [tilespmem:s8+$0x40];
	v29, _, _ =	vpop (xrf2);
	(erf) = vpow2.f32 v24  }
0x3c2: {  	v24 =	vmul.f32 $1.442695020e+00, v25;
	v25 =	vld [tilespmem:s22+$0x40];
	v29 =	vperm.xlane v29, v1  }
0x3c3: {  	v30 =	vld [tilespmem:s17+$0xFFFFFFC0]  }
0x3c4: {  	v28 =	vmul.f32 v21, v28;
	v21 =	vpop (erf);
	(erf) = vpow2.f32 v24;
	v24 =	vmax.f32 v29, $-5.000000000e+00  }
0x3c5: {  	v27 =	vmul.f32 v21, v27  }
0x3c6: {  	(xrf2) =	vadd.scan.msk.f32 $0xffff, v28;
	v28 =	vmin.f32 v24, $5.000000000e+00  }
0x3c7: {  	s4 =	simm.s32 $0x2900;
	[tilespmem:s31+$0xFFFFFF70] =	vst v27;
	v27 =	vmul.f32 $1.442695020e+00, v28;
	v25 =	vmul.f32 v25, v26;
	v24 =	vpop (erf)  }
0x3c8: {  	v34 =	vld [tilespmem:s4+$0x0];
	v26 =	vmul.f32 v24, v30  }
0x3c9: {  	(erf) = vpow2.f32 v27;
	v27 =	vld [tilespmem:s7+$0xA0];
	(xrf2) =	vadd.scan.msk.f32 $0xffff, v25  }
0x3ca: {  	v29 =	vld [tilespmem:s20+$0xFFFFFF90]  }
0x3cb: {  	v28 =	vld [tilespmem:s30+$0xFFFFFF10];
	[tilespmem:s15+$0xFFFFFFB0] =	vst v26;
	v25 =	vpop (erf)  }
0x3cc: {  	v30 =	vld [tilespmem:s17+$0xFFFFFF50];
	v26, _, _ =	vpop (xrf2)  }
0x3cd: {  	v31 =	vld [tilespmem:s5+$0xFFFFFFD0];
	v32 =	vperm.xlane v26, v1;
	v26 =	vpop (erf)  }
0x3ce: {  	s24 =	simm.s32 $0x5480;
	v33 =	vld [tilespmem:s17+$0xD0];
	v27 =	vmul.f32 v26, v27  }
0x3cf: {  	v36 =	vld [tilespmem:s24+$0x0];
	v32 =	vmax.f32 v32, $-5.000000000e+00  }
0x3d0: {  	v28 =	vmul.f32 v29, v28;
	v35, _, _ =	vpop (xrf2);
	v29 =	vmin.f32 v32, $5.000000000e+00  }
0x3d1: {  	v52 =	vperm.xlane v35, v1;
	v29 =	vmul.f32 $1.442695020e+00, v29  }
0x3d2: {  	v54 =	vld [tilespmem:s8+$0xFFFFFFB0];
	(xrf2) =	vadd.scan.msk.f32 $0xffff, v28;
	[tilespmem:s29+$0x20] =	vst v27;
	v28 =	vmul.f32 v31, v30;
	v27 =	vpop (erf)  }
0x3d3: {  	v30 =	vmax.f32 v52, $-5.000000000e+00;
	v53 =	vld [tilespmem:s7+$0x30];
	v55, _, _ =	vpop (xrf2);
	(erf) = vpow2.f32 v29;
	v29 =	vmul.f32 v27, v33  }
0x3d4: {  	v31 =	vld [tilespmem:s1+$0x30];
	v30 =	vmin.f32 v30, $5.000000000e+00;
	(xrf2) =	vadd.scan.msk.f32 $0xffff, v28;
	v28 =	vmul.f32 v36, v34;
	v33 =	vperm.xlane v55, v1  }
0x3d5: {  	v30 =	vmul.f32 $1.442695020e+00, v30;
	[tilespmem:s15+$0x50] =	vst v29  }
0x3d6: {  	(xrf2) =	vadd.scan.msk.f32 $0xffff, v28;
	v28 =	vmax.f32 v33, $-5.000000000e+00;
	v29 =	vld [tilespmem:s17+$0x60]  }
0x3d7: {  	(erf) = vpow2.f32 v30;
	v30 =	vld [tilespmem:s5+$0x60];
	v28 =	vmin.f32 v28, $5.000000000e+00  }
0x3d8: {  	v28 =	vmul.f32 $1.442695020e+00, v28  }
0x3d9: {  	v57 =	vld [tilespmem:s24+$0xFFFFFF80];
	v32 =	vmul.f32 v25, v54;
	v31 =	vmul.f32 v31, v53  }
0x3da: {  	v56 =	vld [tilespmem:s7+$0xFFFFFFA0]  }
0x3db: {  	[tilespmem:s10+$0xFFFFFFA0] =	vst v32;
	(xrf2) =	vadd.scan.msk.f32 $0xffff, v31;
	v31 =	vld [tilespmem:s4+$0xFFFFFF00]  }
0x3dc: {  	v59 =	vld [tilespmem:s8+$0xFFFFFF40];
	(erf) = vpow2.f32 v28;
	v28, _, _ =	vpop (xrf2);
	v30 =	vmul.f32 v30, v29  }
0x3dd: {  	v60 =	vld [tilespmem:s22+$0xFFFFFFC0];
	v28 =	vperm.xlane v28, v1  }
0x3de: {  	v58 =	vld [tilespmem:s30+$0x90]  }
0x3df: {  	v29 =	vpop (erf)  }
0x3e0: {  	(xrf2) =	vadd.scan.msk.f32 $0xffff, v30;
	v31 =	vmul.f32 v57, v31;
	v30, _, _ =	vpop (xrf2)  }
0x3e1: {  	v33 =	vmul.f32 v29, v56;
	v61 =	vmax.f32 v28, $-5.000000000e+00;
	v28 =	vpop (erf)  }
0x3e2: {  	v35 =	vmul.f32 v60, v59;
	(xrf2) =	vadd.scan.msk.f32 $0xffff, v31;
	v30 =	vperm.xlane v30, v1;
	v37, _, _ =	vpop (xrf2)  }
0x3e3: {  	v62 =	vld [tilespmem:s8+$0xC0];
	v34 =	vmin.f32 v61, $5.000000000e+00;
	[tilespmem:s29+$0xFFFFFF90] =	vst v33;
	v32 =	vmul.f32 v28, v58;
	v37 =	vperm.xlane v37, v1  }
0x3e4: {  	v34 =	vmul.f32 $1.442695020e+00, v34;
	v38 =	vld [tilespmem:s7+$0xFFFFFF30];
	v30 =	vmax.f32 v30, $-5.000000000e+00  }
0x3e5: {  	v31 =	vld [tilespmem:s1+$0xFFFFFFB0];
	(xrf2) =	vadd.scan.msk.f32 $0xffff, v35;
	[tilespmem:s31+$0x10] =	vst v32;
	v63 =	vmin.f32 v30, $5.000000000e+00;
	v40 =	vmax.f32 v37, $-5.000000000e+00  }
0x3e6: {  	(erf) = vpow2.f32 v34;
	v42, _, _ =	vpop (xrf2);
	v41 =	vld [tilespmem:s30+$0x20];
	v32 =	vmul.f32 $1.442695020e+00, v63;
	v34 =	vmin.f32 v40, $5.000000000e+00  }
0x3e7: {  	v37 =	vperm.xlane v42, v1;
	v43 =	vld [tilespmem:s20+$0x20];
	v34 =	vmul.f32 $1.442695020e+00, v34  }
0x3e8: {  	v30 =	vpop (erf);
	(erf) = vpow2.f32 v32  }
0x3e9: {  	v44 =	vmax.f32 v37, $-5.000000000e+00;
	v33 =	vmul.f32 v30, v62;
	(erf) = vpow2.f32 v34  }
0x3ea: {  	v31 =	vmul.f32 v31, v38;
	v32 =	vmin.f32 v44, $5.000000000e+00  }
0x3eb: {  	v45 =	vld [tilespmem:s30+$0xFFFFFF90];
	v47, _, _ =	vpop (xrf2);
	v32 =	vmul.f32 $1.442695020e+00, v32;
	[tilespmem:s10+$0x40] =	vst v33  }
0x3ec: {  	(xrf2) =	vadd.scan.msk.f32 $0xffff, v31;
	v33 =	vperm.xlane v47, v1;
	v46 =	vld [tilespmem:s8+$0x50];
	v35 =	vmul.f32 v43, v41;
	v49, _, _ =	vpop (xrf2)  }
0x3ed: {  	v48 =	vld [tilespmem:s22+$0x50];
	(erf) = vpow2.f32 v32;
	v32 =	vperm.xlane v49, v1  }
0x3ee: {  	v50 =	vld [tilespmem:s4+$0x80]  }
0x3ef: {  	v31 =	vmax.f32 v33, $-5.000000000e+00;
	v53, _, _ =	vpop (xrf2);
	(xrf2) =	vadd.scan.msk.f32 $0xffff, v35;
	v32 =	vmax.f32 v32, $-5.000000000e+00  }
0x3f0: {  	v31 =	vmin.f32 v31, $5.000000000e+00;
	v33 =	vpop (erf)  }
0x3f1: {  	v31 =	vmul.f32 $1.442695020e+00, v31;
	v51 =	vmul.f32 v33, v45;
	v34 =	vpop (erf)  }
0x3f2: {  	v54 =	vperm.xlane v53, v1;
	v39 =	vmin.f32 v32, $5.000000000e+00;
	v52 =	vmul.f32 v48, v46;
	v32 =	vpop (erf)  }
0x3f3: {  	(erf) = vpow2.f32 v31;
	v31 =	vld [tilespmem:s7+$0xB0];
	[tilespmem:s31+$0xFFFFFF80] =	vst v51;
	v35 =	vmul.f32 v32, v50  }
0x3f4: {  	s21 =	simm.s32 $0x7710;
	(xrf2) =	vadd.scan.msk.f32 $0xffff, v52;
	v56 =	vld [tilespmem:s30+$0xFFFFFF20]  }
0x3f5: {  	v36 =	vmax.f32 v54, $-5.000000000e+00;
	v55 =	vmul.f32 $1.442695020e+00, v39;
	v57 =	vld [tilespmem:s20+$0xFFFFFFA0];
	[tilespmem:s21+$0x0] =	vst v35  }
0x3f6: {  	v36 =	vmin.f32 v36, $5.000000000e+00;
	v40, _, _ =	vpop (xrf2);
	v41 =	vld [tilespmem:s4+$0x10]  }
0x3f7: {  	v36 =	vmul.f32 $1.442695020e+00, v36;
	(erf) = vpow2.f32 v55;
	v42 =	vld [tilespmem:s24+$0x10];
	v35 =	vpop (erf)  }
0x3f8: {  	v40 =	vperm.xlane v40, v1;
	v31 =	vmul.f32 v35, v31  }
0x3f9: {  	(erf) = vpow2.f32 v36;
	v43, _, _ =	vpop (xrf2)  }
0x3fa: {  	v58 =	vld [tilespmem:s17+$0xE0];
	v59 =	vmax.f32 v40, $-5.000000000e+00;
	v43 =	vperm.xlane v43, v1;
	[tilespmem:s29+$0x30] =	vst v31;
	v31 =	vmul.f32 v57, v56  }
0x3fb: {  	v61 =	vmin.f32 v59, $5.000000000e+00;
	v60 =	vld [tilespmem:s7+$0x40]  }
0x3fc: {  	v62 =	vmax.f32 v43, $-5.000000000e+00;
	v63 =	vld [tilespmem:s1+$0x40];
	v41 =	vmul.f32 v42, v41;
	(xrf2) =	vadd.scan.msk.f32 $0xffff, v31;
	v31 =	vmul.f32 $1.442695020e+00, v61  }
0x3fd: {  	v44 =	vld [tilespmem:s4+$0xFFFFFF80];
	v36 =	vpop (erf);
	v48 =	vmin.f32 v62, $5.000000000e+00  }
0x3fe: {  	v49, _, _ =	vpop (xrf2);
	v39 =	vmul.f32 $1.442695020e+00, v48;
	(xrf2) =	vadd.scan.msk.f32 $0xffff, v41;
	(erf) = vpow2.f32 v31  }
0x3ff: {  	v50 =	vld [tilespmem:s8+$0xFFFFFFC0];
	v37 =	vmul.f32 v36, v58;
	v40 =	vperm.xlane v49, v1  }
0x400: {  	(erf) = vpow2.f32 v39  }
0x401: {  	v45 =	vld [tilespmem:s17+$0xFFFFFFD0];
	[tilespmem:s15+$0x60] =	vst v37;
	v52 =	vmax.f32 v40, $-5.000000000e+00;
	v31 =	vpop (erf);
	v38 =	vmul.f32 v63, v60  }
0x402: {  	v53 =	vld [tilespmem:s17+$0x70];
	v54 =	vmin.f32 v52, $5.000000000e+00;
	v51 =	vmul.f32 v31, v44  }
0x403: {  	v55 =	vld [tilespmem:s5+$0x70];
	v37 =	vpop (erf);
	v56 =	vmul.f32 $1.442695020e+00, v54;
	(xrf2) =	vadd.scan.msk.f32 $0xffff, v38  }
0x404: {  	v59 =	vld [tilespmem:s30+$0xA0];
	v58 =	vmul.f32 v37, v50;
	[tilespmem:s21+$0xFFFFFF70] =	vst v51  }
0x405: {  	(erf) = vpow2.f32 v56;
	v57 =	vld [tilespmem:s4+$0xFFFFFF10]  }
0x406: {  	v46 =	vld [tilespmem:s24+$0xFFFFFF90];
	[tilespmem:s10+$0xFFFFFFB0] =	vst v58;
	v60, _, _ =	vpop (xrf2)  }
0x407: {  	v47 =	vld [tilespmem:s8+$0xFFFFFF50];
	v38 =	vpop (erf)  }
0x408: {  	s26 =	simm.s32 $0x2B00;
	v40 =	vmul.f32 v55, v53;
	v49 =	vld [tilespmem:s22+$0xFFFFFFD0];
	v48 =	vperm.xlane v60, v1;
	v51, _, _ =	vpop (xrf2)  }
0x409: {  	v62 =	vld [tilespmem:s26+$0x0];
	v39 =	vpop (erf)  }
0x40a: {  	s28 =	simm.s32 $0x5580;
	v50 =	vld [tilespmem:s8+$0xD0];
	(xrf2) =	vadd.scan.msk.f32 $0xffff, v40;
	v51 =	vperm.xlane v51, v1;
	v61 =	vmax.f32 v48, $-5.000000000e+00;
	v42 =	vmul.f32 v39, v59  }
0x40b: {  	v63 =	vld [tilespmem:s28+$0x0];
	v43 =	vmul.f32 v46, v57;
	v44 =	vmin.f32 v61, $5.000000000e+00  }
0x40c: {  	v41 =	vld [tilespmem:s7+$0xFFFFFFB0];
	v58 =	vmax.f32 v51, $-5.000000000e+00;
	v55 =	vmul.f32 $1.442695020e+00, v44;
	[tilespmem:s31+$0x20] =	vst v42  }
0x40d: {  	v57 =	vmul.f32 v49, v47;
	(xrf2) =	vadd.scan.msk.f32 $0xffff, v43;
	v47 =	vmin.f32 v58, $5.000000000e+00;
	v42 =	vld [tilespmem:s30+$0x30];
	v56, _, _ =	vpop (xrf2)  }
0x40e: {  	v40 =	vpop (erf);
	v59 =	vld [tilespmem:s20+$0x30];
	v60 =	vmul.f32 $1.442695020e+00, v47;
	(erf) = vpow2.f32 v55  }
0x40f: {  	(xrf2) =	vadd.scan.msk.f32 $0xffff, v57;
	v43 =	vperm.xlane v56, v1;
	v50 =	vmul.f32 v40, v50  }
0x410: {  	v52 =	vld [tilespmem:s30+$0xFFFFFFA0];
	v46 =	vmul.f32 v63, v62  }
0x411: {  	v48 =	vld [tilespmem:s28+$0xFFFFFF80];
	(erf) = vpow2.f32 v60;
	v43 =	vmax.f32 v43, $-5.000000000e+00;
	[tilespmem:s10+$0x50] =	vst v50  }
0x412: {  	v45 =	vmul.f32 v34, v45;
	v41 =	vmul.f32 v38, v41;
	(xrf2) =	vadd.scan.msk.f32 $0xffff, v46;
	v43 =	vmin.f32 v43, $5.000000000e+00;
	v61 =	vld [tilespmem:s8+$0x60]  }
0x413: {  	v62 =	vld [tilespmem:s22+$0x60];
	v43 =	vmul.f32 $1.442695020e+00, v43;
	v42 =	vmul.f32 v59, v42  }
0x414: {  	v63 =	vld [tilespmem:s26+$0xFFFFFF00];
	[tilespmem:s29+$0xFFFFFFA0] =	vst v41;
	v56, _, _ =	vpop (xrf2)  }
0x415: {  	[tilespmem:s15+$0xFFFFFFC0] =	vst v45;
	v45 =	vld [tilespmem:s7+$0xFFFFFF40];
	v58 =	vperm.xlane v56, v1;
	(erf) = vpow2.f32 v43;
	(xrf2) =	vadd.scan.msk.f32 $0xffff, v42  }
0x416: {  	v57 =	vld [tilespmem:s4+$0x90]  }
0x417: {  	v53 =	vld [tilespmem:s1+$0xFFFFFFC0];
	v43 =	vmax.f32 v58, $-5.000000000e+00;
	v59, _, _ =	vpop (xrf2)  }
0x418: {  	v49 =	vld [tilespmem:s17+$0xFFFFFF60];
	v44 =	vmul.f32 v62, v61;
	v42 =	vpop (erf);
	v60 =	vperm.xlane v59, v1  }
0x419: {  	v47 =	vld [tilespmem:s5+$0xFFFFFFE0];
	v62, _, _ =	vpop (xrf2);
	v61 =	vmul.f32 v42, v52  }
0x41a: {  	v54 =	vld [tilespmem:s7+$0xC0];
	v41 =	vmul.f32 v48, v63;
	v63 =	vmin.f32 v43, $5.000000000e+00;
	(xrf2) =	vadd.scan.msk.f32 $0xffff, v44;
	v43 =	vpop (erf);
	v55 =	vmax.f32 v60, $-5.000000000e+00  }
0x41b: {  	v56 =	vperm.xlane v62, v1;
	v57 =	vmul.f32 v43, v57;
	[tilespmem:s31+$0xFFFFFF90] =	vst v61;
	v44 =	vmin.f32 v55, $5.000000000e+00  }
0x41c: {  	v45 =	vmul.f32 v53, v45;
	v48 =	vmul.f32 $1.442695020e+00, v63;
	v58, _, _ =	vpop (xrf2);
	(xrf2) =	vadd.scan.msk.f32 $0xffff, v41;
	v41 =	vld [tilespmem:s30+$0xFFFFFF30]  }
0x41d: {  	v50 =	vperm.xlane v58, v1;
	v46 =	vmax.f32 v56, $-5.000000000e+00;
	v59 =	vmul.f32 $1.442695020e+00, v44;
	v60 =	vld [tilespmem:s20+$0xFFFFFFB0];
	[tilespmem:s21+$0x10] =	vst v57  }
0x41e: {  	v47 =	vmul.f32 v47, v49;
	(erf) = vpow2.f32 v48;
	v46 =	vmin.f32 v46, $5.000000000e+00;
	v48 =	vld [tilespmem:s4+$0x20];
	v44 =	vpop (erf)  }
0x41f: {  	v63 =	vmax.f32 v50, $-5.000000000e+00;
	v55 =	vld [tilespmem:s24+$0x20];
	(erf) = vpow2.f32 v59;
	v61 =	vmul.f32 v44, v54;
	v54, _, _ =	vpop (xrf2)  }
0x420: {  	(xrf2) =	vadd.scan.msk.f32 $0xffff, v45;
	v62 =	vmul.f32 $1.442695020e+00, v46;
	v46 =	vmin.f32 v63, $5.000000000e+00;
	v50 =	vperm.xlane v54, v1  }
0x421: {  	(xrf2) =	vadd.scan.msk.f32 $0xffff, v47;
	v56 =	vmul.f32 $1.442695020e+00, v46;
	[tilespmem:s29+$0x40] =	vst v61  }
0x422: {  	(erf) = vpow2.f32 v62;
	v41 =	vmul.f32 v60, v41;
	v57 =	vld [tilespmem:s7+$0x50];
	v58 =	vmax.f32 v50, $-5.000000000e+00  }
0x423: {  	(erf) = vpow2.f32 v56;
	v49 =	vld [tilespmem:s1+$0x50];
	v59 =	vmin.f32 v58, $5.000000000e+00  }
0x424: {  	v60 =	vld [tilespmem:s4+$0xFFFFFF90];
	v62 =	vmul.f32 v55, v48;
	v61, _, _ =	vpop (xrf2);
	(xrf2) =	vadd.scan.msk.f32 $0xffff, v41;
	v45 =	vmul.f32 $1.442695020e+00, v59;
	_ =	sdelay $0x1  }
0x425: {  	v50 =	vperm.xlane v61, v1;
	v63, _, _ =	vpop (xrf2);
	(xrf2) =	vadd.scan.msk.f32 $0xffff, v62;
	(erf) = vpow2.f32 v45  }
0x426: {  	v48 =	vpop (erf);
	v56 =	vperm.xlane v63, v1  }
0x427: {  	v54 =	vmax.f32 v50, $-5.000000000e+00;
	v55 =	vmul.f32 v49, v57;
	v46 =	vpop (erf)  }
0x428: {  	v41 =	vmin.f32 v54, $5.000000000e+00;
	v57 =	vld [tilespmem:s26+$0x80];
	v49 =	vmax.f32 v56, $-5.000000000e+00;
	v47 =	vmul.f32 v46, v60  }
0x429: {  	v58, _, _ =	vpop (xrf2);
	v41 =	vmul.f32 $1.442695020e+00, v41;
	v49 =	vmin.f32 v49, $5.000000000e+00;
	(xrf2) =	vadd.scan.msk.f32 $0xffff, v55  }
0x42a: {  	v59 =	vld [tilespmem:s30+$0xB0];
	v51 =	vperm.xlane v58, v1;
	v62, _, _ =	vpop (xrf2);
	v49 =	vmul.f32 $1.442695020e+00, v49;
	[tilespmem:s21+$0xFFFFFF80] =	vst v47  }
0x42b: {  	v45 =	vpop (erf);
	(erf) = vpow2.f32 v41;
	v53 =	vld [tilespmem:s4+$0xFFFFFF20]  }
0x42c: {  	v51 =	vmax.f32 v51, $-5.000000000e+00;
	v63 =	vld [tilespmem:s24+$0xFFFFFFA0];
	v47 =	vpop (erf)  }
0x42d: {  	v52 =	vperm.xlane v62, v1;
	v51 =	vmin.f32 v51, $5.000000000e+00;
	v50 =	vmul.f32 v47, v57;
	v60, _, _ =	vpop (xrf2)  }
0x42e: {  	s2 =	simm.s32 $0x7830;
	v51 =	vmul.f32 $1.442695020e+00, v51;
	(erf) = vpow2.f32 v49;
	v49 =	vpop (erf)  }
0x42f: {  	v55 =	vld [tilespmem:s8+$0xE0];
	v52 =	vmax.f32 v52, $-5.000000000e+00;
	v61 =	vperm.xlane v60, v1;
	v56, _, _ =	vpop (xrf2);
	[tilespmem:s2+$0x0] =	vst v50;
	v41 =	vmul.f32 v49, v59  }
0x430: {  	v62 =	vmin.f32 v52, $5.000000000e+00;
	(erf) = vpow2.f32 v51;
	v56 =	vperm.xlane v56, v1;
	v52 =	vld [tilespmem:s26+$0x10]  }
0x431: {  	v51 =	vmul.f32 $1.442695020e+00, v62;
	v57 =	vld [tilespmem:s28+$0x10];
	v53 =	vmul.f32 v63, v53;
	v50 =	vmax.f32 v61, $-5.000000000e+00;
	[tilespmem:s31+$0x30] =	vst v41  }
0x432: {  	v63 =	vmin.f32 v50, $5.000000000e+00;
	v60 =	vmax.f32 v56, $-5.000000000e+00;
	v54 =	vld [tilespmem:s30+$0x40]  }
0x433: {  	(erf) = vpow2.f32 v51;
	v41 =	vmul.f32 $1.442695020e+00, v63;
	v51 =	vmin.f32 v60, $5.000000000e+00;
	(xrf2) =	vadd.scan.msk.f32 $0xffff, v53;
	v61, _, _ =	vpop (xrf2);
	v59 =	vld [tilespmem:s20+$0x40]  }
0x434: {  	v58 =	vld [tilespmem:s26+$0xFFFFFF80];
	v50 =	vpop (erf);
	v51 =	vmul.f32 $1.442695020e+00, v51  }
0x435: {  	v2 =	vnsel vm0, $0x0, v2;
	v56 =	vperm.xlane v61, v1;
	v62 =	vmul.f32 v50, v55;
	v55 =	vld [tilespmem:s7+$0xFFFFFFC0]  }
0x436: {  	v3 =	vnsel vm0, $0x0, v3;
	v2 =	vsel vm1, v2, v4;
	(erf) = vpow2.f32 v41  }
0x437: {  	v52 =	vmul.f32 v57, v52;
	v56 =	vmax.f32 v56, $-5.000000000e+00;
	[tilespmem:s10+$0x60] =	vst v62;
	v41 =	vpop (erf);
	(erf) = vpow2.f32 v51  }
0x438: {  	v3 =	vsel vm1, v3, v5;
	v63 =	vmin.f32 v56, $5.000000000e+00;
	v62 =	vld [tilespmem:s8+$0x70];
	v4 =	vmul.f32 v59, v54  }
0x439: {  	v6 =	vnsel vm0, $0x0, v6;
	v5 =	vsel vm2, v2, v8;
	(xrf2) =	vadd.scan.msk.f32 $0xffff, v52;
	v2 =	vpop (erf);
	v8 =	vld [tilespmem:s22+$0x70];
	v53 =	vmul.f32 $1.442695020e+00, v63  }
0x43a: {  	v7 =	vnsel vm0, $0x0, v7;
	v61 =	vmul.f32 v41, v58;
	(xrf2) =	vadd.scan.msk.f32 $0xffff, v4;
	v4 =	vmul.f32 v2, v55  }
0x43b: {  	v3 =	vsel vm2, v3, v9;
	v6 =	vsel vm1, v6, v10;
	(erf) = vpow2.f32 v53  }
0x43c: {  	v7 =	vsel vm1, v7, v12;
	v10 =	vnsel vm0, $0x0, v11;
	v6 =	vsel vm2, v6, v16;
	v11 =	vld [tilespmem:s4+$0xA0];
	[tilespmem:s2+$0xFFFFFF70] =	vst v61  }
0x43d: {  	v5 =	vsel vm3, v5, v13;
	v13 =	vnsel vm0, $0x0, v14;
	v7 =	vsel vm2, v7, v17;
	v63 =	vld [tilespmem:s26+$0xFFFFFF10];
	v14, _, _ =	vpop (xrf2)  }
0x43e: {  	s6 =	simm.s32 $0x5680;
	v3 =	vsel vm3, v3, v15;
	v9 =	vld [tilespmem:s28+$0xFFFFFF90];
	[tilespmem:s29+$0xFFFFFFB0] =	vst v4;
	v8 =	vmul.f32 v8, v62;
	v4 =	vpop (erf)  }
0x43f: {  	v16 =	vsel vm3, v6, v23;
	v3 =	vsel vm4, v3, v24;
	v24 =	vld [tilespmem:s6+$0x0];
	v14 =	vperm.xlane v14, v1;
	v6 =	vpop (erf)  }
0x440: {  	v10 =	vsel vm1, v10, v18;
	v18 =	vsel vm3, v7, v25;
	v15 =	vld [tilespmem:s7+$0xD0];
	(xrf2) =	vadd.scan.msk.f32 $0xffff, v8;
	v7 =	vpop (erf)  }
0x441: {  	v12 =	vld [tilespmem:s7+$0xFFFFFF50];
	v8 =	vmax.f32 v14, $-5.000000000e+00;
	v11 =	vmul.f32 v7, v11  }
0x442: {  	s9 =	simm.s32 $0x2D00;
	v17 =	vld [tilespmem:s1+$0xFFFFFFD0];
	v23 =	vmin.f32 v8, $5.000000000e+00  }
0x443: {  	v13 =	vsel vm1, v13, v22;
	v9 =	vmul.f32 v9, v63;
	v14 =	vld [tilespmem:s9+$0x0];
	v22, _, _ =	vpop (xrf2);
	[tilespmem:s21+$0x20] =	vst v11;
	v11 =	vmul.f32 $1.442695020e+00, v23  }
0x444: {  	v22 =	vperm.xlane v22, v1;
	v8 =	vpop (erf);
	v23 =	vld [tilespmem:s4+$0x30]  }
0x445: {  	(xrf2) =	vadd.scan.msk.f32 $0xffff, v9;
	v15 =	vmul.f32 v8, v15;
	(erf) = vpow2.f32 v11;
	v11 =	vld [tilespmem:s24+$0x30]  }
0x446: {  	v60 =	vld [tilespmem:s8+$0xFFFFFFD0];
	v22 =	vmax.f32 v22, $-5.000000000e+00  }
0x447: {  	v9 =	vld [tilespmem:s30+$0xFFFFFFB0];
	[tilespmem:s29+$0x50] =	vst v15;
	v15 =	vmin.f32 v22, $5.000000000e+00  }
0x448: {  	v5 =	vsel vm4, v5, v20;
	v12 =	vmul.f32 v17, v12;
	v17, _, _ =	vpop (xrf2);
	v15 =	vmul.f32 $1.442695020e+00, v15  }
0x449: {  	v10 =	vsel vm2, v10, v26;
	v20 =	vld [tilespmem:s17+$0xF0];
	v14 =	vmul.f32 v24, v14;
	v17 =	vperm.xlane v17, v1  }
0x44a: {  	v25 =	vsel vm3, v10, v35;
	(xrf2) =	vadd.scan.msk.f32 $0xffff, v12;
	v12 =	vld [tilespmem:s4+$0xFFFFFFA0];
	(erf) = vpow2.f32 v15;
	v11 =	vmul.f32 v11, v23;
	v23, _, _ =	vpop (xrf2)  }
0x44b: {  	v22 =	vmul.f32 v45, v60;
	v24 =	vld [tilespmem:s7+$0x60];
	v17 =	vmax.f32 v17, $-5.000000000e+00;
	v10 =	vperm.xlane v23, v1  }
0x44c: {  	(xrf2) =	vadd.scan.msk.f32 $0xffff, v14;
	v9 =	vmul.f32 v6, v9;
	v17 =	vmin.f32 v17, $5.000000000e+00;
	v15 =	vld [tilespmem:s1+$0x60]  }
0x44d: {  	v19 =	vnsel vm0, $0x0, v19;
	[tilespmem:s10+$0xFFFFFFC0] =	vst v22;
	v22 =	vsel vm5, v3, v34;
	v3 =	vld [tilespmem:s6+$0xFFFFFF80];
	v17 =	vmul.f32 $1.442695020e+00, v17  }
0x44e: {  	v5 =	vsel vm5, v5, v27;
	v19 =	vsel vm1, v19, v28;
	[tilespmem:s31+$0xFFFFFFA0] =	vst v9;
	v9 =	vld [tilespmem:s9+$0xFFFFFF00]  }
0x44f: {  	(erf) = vpow2.f32 v17;
	v17 =	vsel vm6, v5, v36;
	v23 =	vld [tilespmem:s30+$0xFFFFFF40];
	v5 =	vmax.f32 v10, $-5.000000000e+00;
	v10, _, _ =	vpop (xrf2)  }
0x450: {  	(xrf2) =	vadd.scan.msk.f32 $0xffff, v11;
	v11 =	vsel vm2, v19, v39;
	v19 =	vld [tilespmem:s26+$0x90];
	v10 =	vperm.xlane v10, v1  }
0x451: {  	v15 =	vmul.f32 v15, v24;
	v24 =	vld [tilespmem:s20+$0xFFFFFFC0]  }
0x452: {  	v14 =	vld [tilespmem:s8+$0xFFFFFF60];
	v26 =	vpop (erf)  }
0x453: {  	v13 =	vsel vm2, v13, v29;
	v5 =	vmin.f32 v5, $5.000000000e+00;
	v12 =	vmul.f32 v26, v12;
	(xrf2) =	vadd.scan.msk.f32 $0xffff, v15;
	v15 =	vld [tilespmem:s22+$0xFFFFFFE0];
	v29 =	vpop (erf)  }
0x454: {  	v28 =	vld [tilespmem:s30+$0xC0];
	v3 =	vmul.f32 v3, v9;
	v5 =	vmul.f32 $1.442695020e+00, v5;
	v9 =	vmax.f32 v10, $-5.000000000e+00;
	v10, _, _ =	vpop (xrf2)  }
0x455: {  	v21 =	vnsel vm0, $0x0, v21;
	v51 =	vld [tilespmem:s17+$0xFFFFFFE0];
	[tilespmem:s21+$0xFFFFFF90] =	vst v12;
	v19 =	vmul.f32 v29, v19;
	v12 =	vperm.xlane v10, v1  }
0x456: {  	v9 =	vmin.f32 v9, $5.000000000e+00;
	(xrf2) =	vadd.scan.msk.f32 $0xffff, v3;
	v3 =	vld [tilespmem:s4+$0xFFFFFF30];
	v10 =	vmul.f32 v48, v20;
	v20 =	vmul.f32 v24, v23;
	v23, _, _ =	vpop (xrf2)  }
0x457: {  	v16 =	vsel vm4, v16, v30;
	v9 =	vmul.f32 $1.442695020e+00, v9;
	v24 =	vld [tilespmem:s24+$0xFFFFFFB0];
	[tilespmem:s2+$0x10] =	vst v19;
	v23 =	vperm.xlane v23, v1  }
0x458: {  	v21 =	vsel vm1, v21, v33;
	(erf) = vpow2.f32 v5;
	v14 =	vmul.f32 v15, v14;
	v30 =	vld [tilespmem:s26+$0x20]  }
0x459: {  	(erf) = vpow2.f32 v9;
	v12 =	vmax.f32 v12, $-5.000000000e+00;
	v15 =	vmax.f32 v23, $-5.000000000e+00;
	v23 =	vld [tilespmem:s28+$0x20]  }
0x45a: {  	v27 =	vnsel vm0, $0x0, v32;
	v13 =	vsel vm3, v13, v38;
	v19 =	vpop (erf);
	v12 =	vmin.f32 v12, $5.000000000e+00  }
0x45b: {  	(xrf2) =	vadd.scan.msk.f32 $0xffff, v20;
	v28 =	vmul.f32 v19, v28;
	v20 =	vmul.f32 $1.442695020e+00, v12;
	v12 =	vsel vm7, v17, v48;
	v17, _, _ =	vpop (xrf2)  }
0x45c: {  	v21 =	vsel vm2, v21, v42;
	v15 =	vmin.f32 v15, $5.000000000e+00;
	(xrf2) =	vadd.scan.msk.f32 $0xffff, v14;
	v17 =	vperm.xlane v17, v1  }
0x45d: {  	v9 =	vld [tilespmem:s26+$0xFFFFFF90];
	[tilespmem:s31+$0x40] =	vst v28;
	v28 =	vnsel vm0, $0x0, v31;
	v3 =	vmul.f32 v24, v3;
	v24 =	vmul.f32 v4, v51  }
0x45e: {  	v14 =	vmul.f32 $1.442695020e+00, v15;
	v15 =	vsel vm1, v28, v46;
	v28 =	vld [tilespmem:s30+$0x50];
	v46, _, _ =	vpop (xrf2);
	v23 =	vmul.f32 v23, v30  }
0x45f: {  	(erf) = vpow2.f32 v20;
	v48 =	vld [tilespmem:s20+$0x50];
	v17 =	vmax.f32 v17, $-5.000000000e+00;
	(xrf2) =	vadd.scan.msk.f32 $0xffff, v3;
	v3 =	vperm.xlane v46, v1  }
0x460: {  	v27 =	vsel vm1, v27, v43;
	(erf) = vpow2.f32 v14;
	v17 =	vmin.f32 v17, $5.000000000e+00;
	v51, _, _ =	vpop (xrf2)  }
0x461: {  	[tilespmem:s15+$0xFFFFFFD0] =	vst v24;
	v24 =	vpop (erf);
	v17 =	vmul.f32 $1.442695020e+00, v17;
	v3 =	vmax.f32 v3, $-5.000000000e+00;
	v34 =	vperm.xlane v51, v1  }
0x462: {  	v53 =	vsel vm4, v13, v2;
	v11 =	vsel vm3, v11, v49;
	v49 =	vld [tilespmem:s17+$0xFFFFFF70];
	(xrf2) =	vadd.scan.msk.f32 $0xffff, v23;
	v52 =	vmin.f32 v3, $5.000000000e+00;
	v23 =	vpop (erf)  }
0x463: {  	(erf) = vpow2.f32 v17;
	v17 =	vld [tilespmem:s5+$0xFFFFFFF0];
	v2 =	vmax.f32 v34, $-5.000000000e+00;
	v9 =	vmul.f32 v23, v9  }
0x464: {  	v20 =	vld [tilespmem:s7+$0xFFFFFFD0];
	v35 =	vmul.f32 $1.442695020e+00, v52;
	v13 =	vmul.f32 v48, v28;
	v55 =	vmin.f32 v2, $5.000000000e+00  }
0x465: {  	v28, _, _ =	vpop (xrf2);
	v2 =	vsel vm6, v22, v4;
	v22 =	vsel vm3, v21, v6;
	v6 =	vmul.f32 $1.442695020e+00, v55;
	[tilespmem:s2+$0xFFFFFF80] =	vst v9;
	v9 =	vld [tilespmem:s9+$0x80]  }
0x466: {  	v18 =	vsel vm4, v18, v37;
	v54 =	vld [tilespmem:s8+$0xF0];
	v28 =	vperm.xlane v28, v1;
	(erf) = vpow2.f32 v35  }
0x467: {  	v16 =	vsel vm5, v16, v40;
	v25 =	vsel vm4, v25, v44;
	v7 =	vsel vm2, v27, v7;
	v27, _, _ =	vpop (xrf2);
	v21 =	vld [tilespmem:s26+$0xFFFFFF20]  }
0x468: {  	(xrf2) =	vadd.scan.msk.f32 $0xffff, v13;
	v4 =	vpop (erf);
	v27 =	vperm.xlane v27, v1;
	v13 =	vmul.f32 v17, v49;
	v17 =	vmax.f32 v28, $-5.000000000e+00;
	v28 =	vld [tilespmem:s28+$0xFFFFFFA0]  }
0x469: {  	v56 =	vld [tilespmem:s4+$0xB0];
	v25 =	vsel vm5, v25, v8;
	(erf) = vpow2.f32 v6;
	v8 =	vmul.f32 v4, v20;
	v6 =	vpop (erf)  }
0x46a: {  	v31 =	vld [tilespmem:s9+$0xFFFFFF80];
	v14 =	vsel vm5, v18, v45;
	v17 =	vmin.f32 v17, $5.000000000e+00;
	v20, _, _ =	vpop (xrf2);
	v9 =	vmul.f32 v6, v9  }
0x46b: {  	v27 =	vmax.f32 v27, $-5.000000000e+00;
	v17 =	vmul.f32 $1.442695020e+00, v17;
	(xrf2) =	vadd.scan.msk.f32 $0xffff, v13;
	v13 =	vld [tilespmem:s7+$0xE0];
	v58 =	vperm.xlane v20, v1  }
0x46c: {  	v18 =	vld [tilespmem:s30+$0xFFFFFFC0];
	v26 =	vsel vm2, v15, v26;
	v30 =	vnsel vm0, $0x0, v47;
	v15 =	vmin.f32 v27, $5.000000000e+00  }
0x46d: {  	v3 =	vld [tilespmem:s17+$0xFFFFFFF0];
	s17 =	simm.s32 $0x7950;
	[tilespmem:s29+$0xFFFFFFC0] =	vst v8;
	v8 =	vpop (erf);
	(erf) = vpow2.f32 v17;
	v27 =	vmax.f32 v58, $-5.000000000e+00;
	v21 =	vmul.f32 v28, v21  }
0x46e: {  	v15 =	vmul.f32 $1.442695020e+00, v15;
	v17 =	vld [tilespmem:s7+$0xFFFFFF60];
	v32 =	vmul.f32 v8, v56;
	v27 =	vmin.f32 v27, $5.000000000e+00;
	[tilespmem:s17+$0x0] =	vst v9;
	v9, _, _ =	vpop (xrf2)  }
0x46f: {  	v28 =	vld [tilespmem:s9+$0x10];
	(xrf2) =	vadd.scan.msk.f32 $0xffff, v21;
	v21 =	vmul.f32 $1.442695020e+00, v27;
	v59 =	vperm.xlane v9, v1;
	v9 =	vsel vm1, v30, v29;
	v29 =	vpop (erf)  }
0x470: {  	v16 =	vsel vm6, v16, v50;
	(erf) = vpow2.f32 v15;
	v15 =	vld [tilespmem:s6+$0x10];
	v60 =	vmul.f32 v29, v13  }
0x471: {  	v61 =	vmul.f32 v24, v54;
	v16 =	vsel vm7, v16, v24;
	[tilespmem:s21+$0x30] =	vst v32;
	v30 =	vld [tilespmem:s1+$0xFFFFFFE0];
	v34 =	vmax.f32 v59, $-5.000000000e+00  }
0x472: {  	v27 =	vnsel vm0, $0x0, v41;
	v24 =	vld [tilespmem:s24+$0x40];
	v13 =	vsel vm4, v11, v19;
	v62 =	vpop (erf);
	v11 =	vmin.f32 v34, $5.000000000e+00;
	[tilespmem:s29+$0x60] =	vst v60  }
0x473: {  	(erf) = vpow2.f32 v21;
	v21, _, _ =	vpop (xrf2);
	v63 =	vmul.f32 $1.442695020e+00, v11;
	v11 =	vsel vm1, v27, v23;
	v23 =	vld [tilespmem:s7+$0x70]  }
0x474: {  	v21 =	vperm.xlane v21, v1;
	v27 =	vmul.f32 v62, v31;
	v31 =	vld [tilespmem:s1+$0x70]  }
0x475: {  	v19 =	vld [tilespmem:s4+$0x40]  }
0x476: {  	[tilespmem:s15+$0x70] =	vst v10;
	v10 =	vnsel vm0, $0x0, v6;
	v6 =	vmax.f32 v21, $-5.000000000e+00;
	v21 =	vmul.f32 v30, v17;
	v17 =	vpop (erf)  }
0x477: {  	v5 =	vld [tilespmem:s8+$0xFFFFFFE0];
	[tilespmem:s15+$0x80] =	vst v12;
	v28 =	vmul.f32 v15, v28;
	v18 =	vmul.f32 v17, v18  }
0x478: {  	v57 =	vld [tilespmem:s4+$0xFFFFFFB0];
	v8 =	vsel vm3, v7, v8;
	v7, _, _ =	vpop (xrf2);
	(erf) = vpow2.f32 v63;
	[tilespmem:s17+$0xFFFFFF70] =	vst v27;
	v6 =	vmin.f32 v6, $5.000000000e+00  }
0x479: {  	v20 =	vld [tilespmem:s26+$0xFFFFFFA0];
	v27 =	vperm.xlane v7, v1;
	[tilespmem:s31+$0xFFFFFFB0] =	vst v18;
	v18 =	vmul.f32 v31, v23;
	v23, _, _ =	vpop (xrf2);
	(xrf2) =	vadd.scan.msk.f32 $0xffff, v28  }
0x47a: {  	[tilespmem:s10+$0x80] =	vst v16;
	v12 =	vsel vm6, v25, v29;
	v15 =	vld [tilespmem:s7+$0xFFFFFFE0];
	v16 =	vmul.f32 v24, v19;
	v25 =	vmul.f32 $1.442695020e+00, v6  }
0x47b: {  	v30 =	vld [tilespmem:s9+$0xFFFFFF10]  }
0x47c: {  	v29 =	vld [tilespmem:s6+$0xFFFFFF90];
	v24 =	vmax.f32 v27, $-5.000000000e+00;
	(erf) = vpow2.f32 v25;
	(xrf2) =	vadd.scan.msk.f32 $0xffff, v16  }
0x47d: {  	v7 =	vsel vm4, v22, v17;
	v17 =	vld [tilespmem:s26+$0xA0];
	v24 =	vmin.f32 v24, $5.000000000e+00  }
0x47e: {  	v19 =	vpop (erf);
	v22 =	vld [tilespmem:s9+$0xFFFFFF90];
	v16 =	vmul.f32 $1.442695020e+00, v24  }
0x47f: {  	v5 =	vmul.f32 v19, v5;
	v25 =	vperm.xlane v23, v1;
	v27 =	vpop (erf);
	v23 =	vld [tilespmem:s30+$0xFFFFFF50];
	(xrf2) =	vadd.scan.msk.f32 $0xffff, v18  }
0x480: {  	[tilespmem:s10+$0x70] =	vst v61;
	v4 =	vsel vm5, v53, v4;
	v14 =	vsel vm6, v14, v19;
	v24 =	vld [tilespmem:s20+$0xFFFFFFD0];
	v28 =	vmul.f32 v27, v57  }
0x481: {  	[tilespmem:s10+$0xFFFFFFD0] =	vst v5;
	v18 =	vld [tilespmem:s30+$0xD0];
	v19 =	vmax.f32 v25, $-5.000000000e+00;
	v25 =	vmul.f32 v29, v30;
	(erf) = vpow2.f32 v16  }
0x482: {  	s18 =	simm.s32 $0xC;
	s23 =	simm.s32 $0x2F00;
	s5 =	simm.s32 $0x5680;
	v6 =	vnsel vm0, $0x0, v62;
	v31 =	vld [tilespmem:s30+$0xFFFFFFD0];
	v5 =	vsel vm3, v26, v27;
	v19 =	vmin.f32 v19, $5.000000000e+00;
	[tilespmem:s21+$0xFFFFFFA0] =	vst v28;
	v16 =	vpop (erf)  }
.LBB2_13:
0x483: {  	v26 =	vld [tilespmem:s23+$0x0];
	s6 =	sadd.s32 $0x100, s6;
	(xrf2) =	vadd.scan.msk.f32 $0xffff, v25;
	v25, _, _ =	vpop (xrf2);
	v27 =	vmul.f32 $1.442695020e+00, v19;
	v29 =	vmul.f32 v16, v17;
	v19 =	vsel vm2, v9, v16  }
0x484: {  	v9 =	vld [tilespmem:s6+$0x0]  }
0x485: {  	v25 =	vperm.xlane v25, v1;
	v16 =	vld [tilespmem:s6+$0xFFFFFF80];
	[tilespmem:s2+$0x20] =	vst v29;
	(erf) = vpow2.f32 v27;
	v17 =	vpop (erf)  }
0x486: {  	v23 =	vmul.f32 v24, v23;
	v27 =	vld [tilespmem:s26+$0x30];
	v28, _, _ =	vpop (xrf2);
	v29 =	vmul.f32 v17, v18;
	v17 =	vsel vm5, v13, v17  }
0x487: {  	v13 =	vmax.f32 v25, $-5.000000000e+00;
	v24 =	vld [tilespmem:s28+$0x30]  }
0x488: {  	v13 =	vmin.f32 v13, $5.000000000e+00;
	v28 =	vperm.xlane v28, v1;
	v25 =	vld [tilespmem:s23+$0xFFFFFF00];
	[tilespmem:s31+$0x50] =	vst v29;
	(xrf2) =	vadd.scan.msk.f32 $0xffff, v23  }
0x489: {  	v13 =	vmul.f32 $1.442695020e+00, v13;
	v9 =	vmul.f32 v9, v26;
	v26 =	vld [tilespmem:s30+$0x60];
	v18, _, _ =	vpop (xrf2)  }
0x48a: {  	v23 =	vmax.f32 v28, $-5.000000000e+00;
	v28 =	vld [tilespmem:s20+$0x60];
	v29 =	vperm.xlane v18, v1;
	v30 =	vpop (erf)  }
0x48b: {  	v18 =	vld [tilespmem:s23+$0xFFFFFF80];
	(xrf2) =	vadd.scan.msk.f32 $0xffff, v9;
	(erf) = vpow2.f32 v13;
	v9 =	vmin.f32 v23, $5.000000000e+00;
	v32 =	vmul.f32 v30, v3  }
0x48c: {  	v13 =	vmul.f32 v24, v27;
	v24 =	vld [tilespmem:s4+$0xFFFFFF40];
	v9 =	vmul.f32 $1.442695020e+00, v9;
	v23 =	vmax.f32 v29, $-5.000000000e+00  }
0x48d: {  	s18 =	sadd.s32 $0x2, s18;
	v30 =	vsel vm7, v2, v30;
	v25 =	vmul.f32 v16, v25;
	v16, _, _ =	vpop (xrf2);
	v27 =	vld [tilespmem:s24+$0xFFFFFFC0];
	v29 =	vmin.f32 v23, $5.000000000e+00;
	[tilespmem:s15+$0xFFFFFFE0] =	vst v32  }
0x48e: {  	p0 =	slt.u32 s18, $0x1E;
	v3 =	vpop (erf);
	(xrf2) =	vadd.scan.msk.f32 $0xffff, v13;
	v23 =	vld [tilespmem:s4+$0xFFFFFFC0];
	(erf) = vpow2.f32 v9;
	v9 =	vmul.f32 $1.442695020e+00, v29;
	[tilespmem:s15+$0xFFFFFFF0] =	vst v30;
	s15 =	smov.u32 s10;
	s10 =	smov.u32 s29  }
0x48f: {  	v2 =	vmovc v14;
	v13 =	vperm.xlane v16, v1;
	s29 =	smov.u32 s31;
	s31 =	smov.u32 s21;
	s21 =	smov.u32 s2;
	v16 =	vsel vm2, v11, v3;
	v11 =	vmul.f32 v28, v26;
	v26 =	vld [tilespmem:s8+$0xFFFFFF70]  }
0x490: {  	s2 =	smov.u32 s17;
	v3 =	vmul.f32 v3, v20;
	v14 =	vld [tilespmem:s9+$0x90];
	(erf) = vpow2.f32 v9  }
0x491: {  	v9 =	vmax.f32 v13, $-5.000000000e+00;
	(xrf2) =	vadd.scan.msk.f32 $0xffff, v11;
	v11 =	vld [tilespmem:s22+$0xFFFFFFF0];
	s22 =	smov.u32 s1;
	s1 =	smov.u32 s20;
	s20 =	smov.u32 s24  }
0x492: {  	v28 =	vmin.f32 v9, $5.000000000e+00;
	s24 =	smov.u32 s28;
	s28 =	smov.u32 s5;
	s5 =	smov.u32 s6;
	[tilespmem:s21+$0xFFFFFF90] =	vst v3;
	v13 =	vmul.f32 v27, v24;
	v20, _, _ =	vpop (xrf2);
	v3 =	vld [tilespmem:s8+$0xFFFFFFF0]  }
0x493: {  	v24 =	vmul.f32 $1.442695020e+00, v28;
	s8 =	smov.u32 s7;
	s7 =	smov.u32 s30;
	s30 =	smov.u32 s4;
	v27 =	vld [tilespmem:s4+$0xC0];
	v20 =	vperm.xlane v20, v1  }
0x494: {  	s4 =	smov.u32 s26;
	(xrf2) =	vadd.scan.msk.f32 $0xffff, v25;
	v9 =	vpop (erf);
	v25 =	vld [tilespmem:s26+$0xFFFFFF30];
	s26 =	smov.u32 s9;
	s9 =	smov.u32 s23  }
0x495: {  	v28, _, _ =	vpop (xrf2);
	v14 =	vmul.f32 v9, v14;
	v9 =	vsel vm1, v10, v9;
	v10 =	vmax.f32 v20, $-5.000000000e+00;
	v20 =	vld [tilespmem:s8+$0xF0]  }
0x496: {  	v30 =	vperm.xlane v28, v1;
	(erf) = vpow2.f32 v24;
	v29 =	vld [tilespmem:s24+$0xFFFFFFB0];
	v10 =	vmin.f32 v10, $5.000000000e+00  }
0x497: {  	[tilespmem:s17+$0x10] =	vst v14;
	v24 =	vld [tilespmem:s4+$0xFFFFFFB0];
	(xrf2) =	vadd.scan.msk.f32 $0xffff, v13;
	v13 =	vpop (erf);
	v32 =	vmul.f32 $1.442695020e+00, v10;
	v14 =	vmul.f32 v11, v26  }
0x498: {  	v11 =	vmax.f32 v30, $-5.000000000e+00;
	v26 =	vld [tilespmem:s26+$0x20];
	v28, _, _ =	vpop (xrf2);
	v27 =	vmul.f32 v13, v27;
	v13 =	vsel vm4, v8, v13  }
0x499: {  	v8 =	vmin.f32 v11, $5.000000000e+00;
	v11 =	vld [tilespmem:s28+$0x20];
	v30 =	vperm.xlane v28, v1;
	(erf) = vpow2.f32 v32;
	v10 =	vpop (erf)  }
0x49a: {  	v8 =	vmul.f32 $1.442695020e+00, v8;
	[tilespmem:s31+$0x40] =	vst v27;
	v20 =	vmul.f32 v10, v20;
	(xrf2) =	vadd.scan.msk.f32 $0xffff, v21  }
0x49b: {  	v10 =	vsel vm7, v12, v10;
	v21 =	vmul.f32 v29, v25;
	v25 =	vmax.f32 v30, $-5.000000000e+00;
	v27 =	vld [tilespmem:s30+$0x50];
	v28, _, _ =	vpop (xrf2)  }
0x49c: {  	(erf) = vpow2.f32 v8;
	v8 =	vmin.f32 v25, $5.000000000e+00;
	v12 =	vld [tilespmem:s20+$0x50];
	v25 =	vperm.xlane v28, v1;
	[tilespmem:s10+$0x70] =	vst v20  }
0x49d: {  	v8 =	vmul.f32 $1.442695020e+00, v8;
	(xrf2) =	vadd.scan.msk.f32 $0xffff, v21;
	[tilespmem:s10+$0x80] =	vst v10  }
0x49e: {  	v10, _, _ =	vpop (xrf2);
	v26 =	vmul.f32 v11, v26;
	v11 =	vmax.f32 v25, $-5.000000000e+00  }
0x49f: {  	v10 =	vperm.xlane v10, v1;
	v21 =	vpop (erf);
	(erf) = vpow2.f32 v8;
	v8 =	vmin.f32 v11, $5.000000000e+00  }
0x4a0: {  	v22 =	vmul.f32 v21, v22;
	v11 =	vsel vm1, v6, v21;
	(xrf2) =	vadd.scan.msk.f32 $0xffff, v26;
	v6 =	vmul.f32 $1.442695020e+00, v8  }
0x4a1: {  	v8 =	vmax.f32 v10, $-5.000000000e+00;
	v10 =	vld [tilespmem:s23+$0x80];
	v12 =	vmul.f32 v12, v27;
	v20, _, _ =	vpop (xrf2)  }
0x4a2: {  	v8 =	vmin.f32 v8, $5.000000000e+00;
	[tilespmem:s17+$0xFFFFFF80] =	vst v22;
	v26 =	vperm.xlane v20, v1;
	v21 =	vpop (erf);
	(erf) = vpow2.f32 v6  }
0x4a3: {  	v27 =	vmul.f32 $1.442695020e+00, v8;
	v22 =	vld [tilespmem:s26+$0xFFFFFF20];
	(xrf2) =	vadd.scan.msk.f32 $0xffff, v12;
	v8 =	vmul.f32 v21, v31;
	v25 =	vsel vm5, v7, v21  }
0x4a4: {  	v7 =	vld [tilespmem:s4+$0xB0];
	v12 =	vmax.f32 v26, $-5.000000000e+00;
	v20, _, _ =	vpop (xrf2)  }
0x4a5: {  	(erf) = vpow2.f32 v27;
	v6 =	vpop (erf);
	v21 =	vld [tilespmem:s28+$0xFFFFFFA0];
	v27 =	vmin.f32 v12, $5.000000000e+00;
	[tilespmem:s29+$0xFFFFFFC0] =	vst v8;
	v8 =	vperm.xlane v20, v1  }
0x4a6: {  	v28 =	vmul.f32 v6, v10;
	v10 =	vnsel vm0, $0x0, v6;
	v20 =	vld [tilespmem:s26+$0xFFFFFFA0];
	v6 =	vmul.f32 $1.442695020e+00, v27;
	(xrf2) =	vadd.scan.msk.f32 $0xffff, v14  }
0x4a7: {  	s17 =	sadd.s32 $0x120, s17;
	v12, _, _ =	vpop (xrf2);
	v14 =	vld [tilespmem:s7+$0xE0];
	v8 =	vmax.f32 v8, $-5.000000000e+00  }
0x4a8: {  	[tilespmem:s17+$0x0] =	vst v28;
	v12 =	vperm.xlane v12, v1;
	v26 =	vpop (erf);
	(erf) = vpow2.f32 v6;
	v27 =	vld [tilespmem:s7+$0xFFFFFF60];
	v6 =	vmin.f32 v8, $5.000000000e+00  }
0x4a9: {  	v28 =	vld [tilespmem:s23+$0x10];
	v7 =	vmul.f32 v26, v7;
	v8 =	vsel vm3, v19, v26;
	v6 =	vmul.f32 $1.442695020e+00, v6  }
0x4aa: {  	v19 =	vld [tilespmem:s6+$0x10];
	v30 =	vmul.f32 v21, v22;
	v22, _, _ =	vpop (xrf2);
	v12 =	vmax.f32 v12, $-5.000000000e+00  }
0x4ab: {  	v22 =	vperm.xlane v22, v1;
	v12 =	vmin.f32 v12, $5.000000000e+00;
	[tilespmem:s21+$0x30] =	vst v7;
	v7 =	vld [tilespmem:s1+$0xFFFFFFE0];
	v26 =	vpop (erf);
	(erf) = vpow2.f32 v6  }
0x4ac: {  	(xrf2) =	vadd.scan.msk.f32 $0xffff, v30;
	v6 =	vmul.f32 $1.442695020e+00, v12;
	v29 =	vld [tilespmem:s4+$0x40];
	v14 =	vmul.f32 v26, v14;
	v12 =	vsel vm6, v17, v26  }
0x4ad: {  	v17 =	vmax.f32 v22, $-5.000000000e+00;
	v22 =	vld [tilespmem:s24+$0x40];
	v21, _, _ =	vpop (xrf2)  }
0x4ae: {  	v26 =	vpop (erf);
	v17 =	vmin.f32 v17, $5.000000000e+00;
	(erf) = vpow2.f32 v6;
	v21 =	vperm.xlane v21, v1;
	v30 =	vld [tilespmem:s7+$0xFFFFFFE0];
	[tilespmem:s29+$0x60] =	vst v14  }
0x4af: {  	v6 =	vnsel vm0, $0x0, v26;
	v14 =	vmul.f32 v19, v28;
	v28 =	vmul.f32 $1.442695020e+00, v17;
	v19 =	vld [tilespmem:s7+$0x70]  }
0x4b0: {  	v18 =	vmul.f32 v26, v18;
	v26 =	vmax.f32 v21, $-5.000000000e+00;
	v21 =	vmul.f32 v7, v27;
	v27 =	vld [tilespmem:s1+$0x70];
	v7, _, _ =	vpop (xrf2)  }
0x4b1: {  	(xrf2) =	vadd.scan.msk.f32 $0xffff, v14;
	(erf) = vpow2.f32 v28;
	v14 =	vmin.f32 v26, $5.000000000e+00;
	v17 =	vpop (erf);
	v26 =	vperm.xlane v7, v1  }
0x4b2: {  	[tilespmem:s17+$0xFFFFFF70] =	vst v18;
	v18 =	vmul.f32 v22, v29;
	v7 =	vsel vm4, v5, v17;
	v22 =	vmul.f32 $1.442695020e+00, v14  }
0x4b3: {  	v14 =	vmul.f32 v17, v23;
	v28 =	vld [tilespmem:s23+$0xFFFFFF10];
	v17 =	vmax.f32 v26, $-5.000000000e+00  }
0x4b4: {  	v26 =	vld [tilespmem:s6+$0xFFFFFF90];
	(xrf2) =	vadd.scan.msk.f32 $0xffff, v18;
	(erf) = vpow2.f32 v22;
	v5 =	vpop (erf);
	v18 =	vmin.f32 v17, $5.000000000e+00  }
0x4b5: {  	v22 =	vld [tilespmem:s23+$0xFFFFFF90];
	[tilespmem:s31+$0xFFFFFFB0] =	vst v14;
	v19 =	vmul.f32 v27, v19;
	v27 =	vmul.f32 v5, v15;
	v14 =	vsel vm6, v4, v5  }
.Ltmp4:
0x4b6: {  	v29 =	vmul.f32 $1.442695020e+00, v18;
	v4 =	vmov v25;
	v15 =	vmov v30;
	v17 =	vld [tilespmem:s26+$0xA0];
	v5, _, _ =	vpop (xrf2);
	(pc) =	sbr.rel @p0 .LBB2_13-.Ltmp4, $4  }
0x4b7: {  	v18 =	vperm.xlane v5, v1;
	v5 =	vpop (erf);
	v23 =	vld [tilespmem:s30+$0xFFFFFF50];
	(xrf2) =	vadd.scan.msk.f32 $0xffff, v19;
	[tilespmem:s10+$0xFFFFFFD0] =	vst v27  }
0x4b8: {  	v27 =	vmul.f32 v5, v24;
	v5 =	vsel vm3, v16, v5;
	v24 =	vld [tilespmem:s20+$0xFFFFFFD0]  }
0x4b9: {  	v25 =	vmul.f32 v26, v28;
	v26 =	vmax.f32 v18, $-5.000000000e+00;
	v18 =	vld [tilespmem:s30+$0xD0];
	(erf) = vpow2.f32 v29  }
0x4ba: {  	s23 =	sadd.s32 $0x200, s23;
	v19 =	vmin.f32 v26, $5.000000000e+00;
	v16 =	vpop (erf);
	[tilespmem:s21+$0xFFFFFFA0] =	vst v27;
	v31 =	vld [tilespmem:s30+$0xFFFFFFD0]  }
0x4bb: {  	v26, _, _ =	vpop (xrf2)  }
0x4bc: {  	v26 =	vperm.xlane v26, v1;
	_ =	sdelay $0x1  }
0x4bd: {  	v19 =	vmul.f32 $1.442695020e+00, v19;
	v26 =	vmax.f32 v26, $-5.000000000e+00  }
0x4be: {  	v17 =	vmul.f32 v16, v17;
	v26 =	vmin.f32 v26, $5.000000000e+00  }
0x4bf: {  	(erf) = vpow2.f32 v19;
	v60 =	vmul.f32 $1.442695020e+00, v26;
	_ =	sdelay $0x1  }
0x4c0: {  	(erf) = vpow2.f32 v60;
	_ =	sdelay $0x1  }
0x4c1: {  	[tilespmem:s2+$0x20] =	vst v17;
	v17 =	vpop (erf)  }
0x4c2: {  	v18 =	vmul.f32 v17, v18  }
0x4c3: {  	v28 =	vld [tilespmem:s9+$0x90]  }
0x4c4: {  	v61 =	vld [tilespmem:s26+$0x30]  }
0x4c5: {  	v27 =	vld [tilespmem:s28+$0x30];
	[tilespmem:s31+$0x50] =	vst v18;
	v19 =	vpop (erf)  }
0x4c6: {  	v29 =	vld [tilespmem:s30+$0x60];
	v18 =	vpop (erf)  }
0x4c7: {  	v30 =	vld [tilespmem:s20+$0x60];
	v32 =	vmul.f32 v18, v20  }
0x4c8: {  	v62 =	vld [tilespmem:s4+$0xFFFFFF40];
	v23 =	vmul.f32 v24, v23;
	v20 =	vpop (erf)  }
0x4c9: {  	(xrf2) =	vadd.scan.msk.f32 $0xffff, v25;
	v33 =	vld [tilespmem:s24+$0xFFFFFFC0];
	[tilespmem:s2+$0xFFFFFF90] =	vst v32;
	v28 =	vmul.f32 v20, v28  }
0x4ca: {  	v63, _, _ =	vpop (xrf2);
	(xrf2) =	vadd.scan.msk.f32 $0xffff, v23;
	v34 =	vmul.f32 v27, v61;
	v35 =	vld [tilespmem:s26+$0xFFFFFF30]  }
0x4cb: {  	v25 =	vperm.xlane v63, v1;
	v37 =	vld [tilespmem:s28+$0xFFFFFFB0];
	[tilespmem:s17+$0x10] =	vst v28  }
0x4cc: {  	(xrf2) =	vadd.scan.msk.f32 $0xffff, v34;
	v36 =	vmul.f32 v30, v29;
	v38 =	vld [tilespmem:s9+$0x20]  }
0x4cd: {  	v25 =	vmax.f32 v25, $-5.000000000e+00;
	v39 =	vld [tilespmem:s5+$0x20]  }
0x4ce: {  	v24 =	vmul.f32 v33, v62;
	v25 =	vmin.f32 v25, $5.000000000e+00;
	(xrf2) =	vadd.scan.msk.f32 $0xffff, v36  }
0x4cf: {  	v25 =	vmul.f32 $1.442695020e+00, v25  }
0x4d0: {  	v40, _, _ =	vpop (xrf2);
	(xrf2) =	vadd.scan.msk.f32 $0xffff, v24  }
0x4d1: {  	(erf) = vpow2.f32 v25;
	(xrf2) =	vadd.scan.msk.f32 $0xffff, v21;
	v41 =	vmul.f32 v37, v35  }
0x4d2: {  	v25 =	vperm.xlane v40, v1;
	v43 =	vmul.f32 v39, v38  }
0x4d3: {  	v42, _, _ =	vpop (xrf2);
	(xrf2) =	vadd.scan.msk.f32 $0xffff, v41  }
0x4d4: {  	v44 =	vperm.xlane v42, v1;
	v46, _, _ =	vpop (xrf2);
	v45 =	vmax.f32 v25, $-5.000000000e+00;
	(xrf2) =	vadd.scan.msk.f32 $0xffff, v43  }
0x4d5: {  	v25 =	vperm.xlane v46, v1;
	v47 =	vmin.f32 v45, $5.000000000e+00  }
0x4d6: {  	v23 =	vmax.f32 v44, $-5.000000000e+00;
	v21 =	vmul.f32 $1.442695020e+00, v47;
	v49, _, _ =	vpop (xrf2)  }
0x4d7: {  	v23 =	vmin.f32 v23, $5.000000000e+00;
	v25 =	vmax.f32 v25, $-5.000000000e+00;
	v26 =	vperm.xlane v49, v1  }
0x4d8: {  	v23 =	vmul.f32 $1.442695020e+00, v23;
	v25 =	vmin.f32 v25, $5.000000000e+00;
	(erf) = vpow2.f32 v21;
	v50, _, _ =	vpop (xrf2)  }
0x4d9: {  	v51 =	vmul.f32 $1.442695020e+00, v25;
	v52 =	vmax.f32 v26, $-5.000000000e+00;
	v27 =	vperm.xlane v50, v1  }
0x4da: {  	(erf) = vpow2.f32 v23;
	v25 =	vmin.f32 v52, $5.000000000e+00;
	v56, _, _ =	vpop (xrf2)  }
0x4db: {  	(erf) = vpow2.f32 v51;
	v54 =	vmul.f32 $1.442695020e+00, v25;
	v57, _, _ =	vpop (xrf2);
	v53 =	vmax.f32 v27, $-5.000000000e+00  }
0x4dc: {  	v21 =	vpop (erf);
	v26 =	vperm.xlane v56, v1;
	v58 =	vperm.xlane v57, v1;
	v55 =	vmin.f32 v53, $5.000000000e+00  }
0x4dd: {  	(erf) = vpow2.f32 v54;
	v25 =	vmul.f32 $1.442695020e+00, v55;
	v59, _, _ =	vpop (xrf2)  }
0x4de: {  	v60 =	vmax.f32 v26, $-5.000000000e+00;
	v23 =	vmax.f32 v58, $-5.000000000e+00;
	v61 =	vperm.xlane v59, v1;
	v62, _, _ =	vpop (xrf2)  }
0x4df: {  	v48 =	vld [tilespmem:s4+$0xC0];
	(erf) = vpow2.f32 v25;
	v25 =	vmin.f32 v60, $5.000000000e+00;
	v27 =	vperm.xlane v62, v1  }
0x4e0: {  	v23 =	vmin.f32 v23, $5.000000000e+00;
	v25 =	vmul.f32 $1.442695020e+00, v25;
	v26 =	vmax.f32 v61, $-5.000000000e+00  }
0x4e1: {  	v23 =	vmul.f32 $1.442695020e+00, v23;
	v26 =	vmin.f32 v26, $5.000000000e+00;
	v27 =	vmax.f32 v27, $-5.000000000e+00  }
0x4e2: {  	v63 =	vld [tilespmem:s22+$0xFFFFFFF0];
	(erf) = vpow2.f32 v25;
	v38 =	vmul.f32 $1.442695020e+00, v26;
	v39 =	vmin.f32 v27, $5.000000000e+00  }
0x4e3: {  	v34 =	vld [tilespmem:s8+$0xFFFFFF70];
	(erf) = vpow2.f32 v23;
	v41 =	vmul.f32 $1.442695020e+00, v39  }
0x4e4: {  	v42 =	vld [tilespmem:s26+$0xB0];
	v24 =	vmul.f32 v21, v48;
	v29 =	vpop (erf);
	(erf) = vpow2.f32 v38  }
0x4e5: {  	v44 =	vld [tilespmem:s30+$0xE0];
	v25 =	vpop (erf);
	(erf) = vpow2.f32 v41  }
0x4e6: {  	v45 =	vld [tilespmem:s4+$0xFFFFFFC0];
	[tilespmem:s21+$0x40] =	vst v24  }
0x4e7: {  	v40 =	vld [tilespmem:s4+$0x50];
	v22 =	vmul.f32 v25, v22;
	v28 =	vpop (erf)  }
0x4e8: {  	v43 =	vld [tilespmem:s24+$0x50];
	v24 =	vpop (erf)  }
0x4e9: {  	v36 =	vld [tilespmem:s9+$0xA0];
	[tilespmem:s17+$0xFFFFFF80] =	vst v22;
	v46 =	vmul.f32 v24, v42  }
0x4ea: {  	v35 =	vld [tilespmem:s9+$0xFFFFFF20];
	v26 =	vpop (erf)  }
0x4eb: {  	v38 =	vld [tilespmem:s5+$0xFFFFFFA0];
	[tilespmem:s2+$0x30] =	vst v46;
	v47 =	vmul.f32 v26, v44;
	v27 =	vpop (erf)  }
0x4ec: {  	v39 =	vld [tilespmem:s26+$0x40];
	v30 =	vpop (erf)  }
0x4ed: {  	v37 =	vmul.f32 v43, v40;
	v48 =	vld [tilespmem:s28+$0x40];
	[tilespmem:s31+$0x60] =	vst v47;
	v33 =	vmul.f32 v27, v45;
	v22 =	vpop (erf)  }
0x4ee: {  	v40 =	vld [tilespmem:s30+$0x70];
	v23 =	vpop (erf)  }
0x4ef: {  	v32 =	vmul.f32 v63, v34;
	(xrf2) =	vadd.scan.msk.f32 $0xffff, v37;
	v49 =	vld [tilespmem:s20+$0x70];
	[tilespmem:s21+$0xFFFFFFB0] =	vst v33;
	v50 =	vmul.f32 v23, v36  }
0x4f0: {  	v35 =	vmul.f32 v38, v35;
	v51 =	vld [tilespmem:s4+$0xFFFFFF50]  }
0x4f1: {  	(xrf2) =	vadd.scan.msk.f32 $0xffff, v32;
	v52 =	vld [tilespmem:s24+$0xFFFFFFD0];
	[tilespmem:s17+$0x20] =	vst v50  }
0x4f2: {  	(xrf2) =	vadd.scan.msk.f32 $0xffff, v35;
	v53 =	vmul.f32 v48, v39;
	v33 =	vld [tilespmem:s9+$0x30]  }
0x4f3: {  	v54 =	vld [tilespmem:s5+$0x30]  }
0x4f4: {  	(xrf2) =	vadd.scan.msk.f32 $0xffff, v53  }
0x4f5: {  	v34 =	vmul.f32 v49, v40;
	_ =	sdelay $0x1  }
0x4f6: {  	(xrf2) =	vadd.scan.msk.f32 $0xffff, v34;
	v32 =	vmul.f32 v52, v51  }
0x4f7: {  	v33 =	vmul.f32 v54, v33  }
0x4f8: {  	v55, _, _ =	vpop (xrf2);
	(xrf2) =	vadd.scan.msk.f32 $0xffff, v32  }
0x4f9: {  	v35 =	vperm.xlane v55, v1;
	(xrf2) =	vadd.scan.msk.f32 $0xffff, v33  }
0x4fa: {  	v57, _, _ =	vpop (xrf2)  }
0x4fb: {  	v56 =	vmax.f32 v35, $-5.000000000e+00;
	v58, _, _ =	vpop (xrf2);
	v33 =	vperm.xlane v57, v1  }
0x4fc: {  	v32 =	vmin.f32 v56, $5.000000000e+00;
	v34 =	vperm.xlane v58, v1  }
0x4fd: {  	v32 =	vmul.f32 $1.442695020e+00, v32;
	v61, _, _ =	vpop (xrf2);
	v33 =	vmax.f32 v33, $-5.000000000e+00  }
0x4fe: {  	v60 =	vmax.f32 v34, $-5.000000000e+00;
	v34 =	vperm.xlane v61, v1;
	v59 =	vmin.f32 v33, $5.000000000e+00  }
0x4ff: {  	(erf) = vpow2.f32 v32;
	v33 =	vmin.f32 v60, $5.000000000e+00;
	v32 =	vmul.f32 $1.442695020e+00, v59  }
0x500: {  	v62, _, _ =	vpop (xrf2);
	v34 =	vmax.f32 v34, $-5.000000000e+00;
	v33 =	vmul.f32 $1.442695020e+00, v33  }
0x501: {  	v38 =	vmin.f32 v34, $5.000000000e+00;
	(erf) = vpow2.f32 v32;
	v32 =	vperm.xlane v62, v1  }
0x502: {  	v44 =	vld [tilespmem:s26+$0xFFFFFFB0];
	v39, _, _ =	vpop (xrf2);
	(erf) = vpow2.f32 v33;
	v33 =	vmul.f32 $1.442695020e+00, v38  }
0x503: {  	v34 =	vperm.xlane v39, v1;
	v40, _, _ =	vpop (xrf2)  }
0x504: {  	v63 =	vld [tilespmem:s4+$0xD0];
	v42 =	vmax.f32 v32, $-5.000000000e+00;
	(erf) = vpow2.f32 v33;
	v43 =	vperm.xlane v40, v1  }
0x505: {  	v41 =	vmul.f32 v28, v31;
	v46 =	vmax.f32 v34, $-5.000000000e+00;
	v45 =	vmin.f32 v42, $5.000000000e+00  }
0x506: {  	v33 =	vmin.f32 v46, $5.000000000e+00;
	v47 =	vmul.f32 $1.442695020e+00, v45;
	v32 =	vmax.f32 v43, $-5.000000000e+00  }
0x507: {  	[tilespmem:s31+$0xFFFFFFC0] =	vst v41;
	v48 =	vld [tilespmem:s9+$0xFFFFFFA0];
	v51 =	vmul.f32 v22, v44;
	v33 =	vmul.f32 $1.442695020e+00, v33;
	v32 =	vmin.f32 v32, $5.000000000e+00  }
0x508: {  	v49 =	vld [tilespmem:s30+$0xFFFFFF60];
	v31 =	vpop (erf);
	(erf) = vpow2.f32 v47;
	v32 =	vmul.f32 $1.442695020e+00, v32  }
0x509: {  	v52 =	vld [tilespmem:s26+$0xC0];
	v35 =	vmul.f32 v31, v63;
	(erf) = vpow2.f32 v33  }
0x50a: {  	[tilespmem:s2+$0xFFFFFFA0] =	vst v51;
	v50 =	vld [tilespmem:s20+$0xFFFFFFE0];
	(erf) = vpow2.f32 v32  }
0x50b: {  	v55 =	vld [tilespmem:s28+$0xFFFFFFC0];
	[tilespmem:s21+$0x50] =	vst v35;
	v36 =	vpop (erf)  }
0x50c: {  	v53 =	vld [tilespmem:s4+$0x60];
	v32 =	vpop (erf)  }
0x50d: {  	v41 =	vld [tilespmem:s24+$0x60];
	v54 =	vmul.f32 v32, v48;
	v33 =	vpop (erf)  }
0x50e: {  	v42 =	vld [tilespmem:s26+$0xFFFFFF40];
	v34 =	vmul.f32 v33, v52  }
0x50f: {  	v43 =	vld [tilespmem:s9+$0xB0];
	[tilespmem:s17+$0xFFFFFF90] =	vst v54  }
0x510: {  	v44 =	vld [tilespmem:s9+$0xFFFFFF30]  }
0x511: {  	v35 =	vpop (erf);
	v45 =	vld [tilespmem:s5+$0xFFFFFFB0];
	[tilespmem:s2+$0x40] =	vst v34  }
0x512: {  	v46 =	vmul.f32 v30, v15;
	v40 =	vmul.f32 v41, v53;
	v56 =	vld [tilespmem:s26+$0x50];
	v34 =	vpop (erf)  }
0x513: {  	v47 =	vld [tilespmem:s28+$0x50];
	v15 =	vpop (erf)  }
0x514: {  	[tilespmem:s29+$0xFFFFFFD0] =	vst v46;
	(xrf2) =	vadd.scan.msk.f32 $0xffff, v40;
	v37 =	vmul.f32 v55, v42;
	v57 =	vmul.f32 v15, v43  }
0x515: {  	v38 =	vmul.f32 v50, v49;
	v58 =	vld [tilespmem:s1+$0xFFFFFFF0]  }
0x516: {  	v59 =	vld [tilespmem:s7+$0xFFFFFF70];
	(xrf2) =	vadd.scan.msk.f32 $0xffff, v37;
	[tilespmem:s17+$0x30] =	vst v57  }
0x517: {  	(xrf2) =	vadd.scan.msk.f32 $0xffff, v38;
	v60 =	vmul.f32 v45, v44;
	v61 =	vld [tilespmem:s9+$0x40]  }
0x518: {  	v62 =	vmul.f32 v47, v56;
	v63 =	vld [tilespmem:s5+$0x40]  }
0x519: {  	(xrf2) =	vadd.scan.msk.f32 $0xffff, v60  }
0x51a: {  	(xrf2) =	vadd.scan.msk.f32 $0xffff, v62  }
0x51b: {  	v43 =	vmul.f32 v58, v59;
	_ =	sdelay $0x1  }
0x51c: {  	(xrf2) =	vadd.scan.msk.f32 $0xffff, v43;
	v38 =	vmul.f32 v63, v61  }
0x51d: {  	v44, _, _ =	vpop (xrf2)  }
0x51e: {  	v45 =	vperm.xlane v44, v1;
	(xrf2) =	vadd.scan.msk.f32 $0xffff, v38  }
0x51f: {  	v46, _, _ =	vpop (xrf2)  }
0x520: {  	v47, _, _ =	vpop (xrf2);
	v37 =	vmax.f32 v45, $-5.000000000e+00;
	v38 =	vperm.xlane v46, v1  }
0x521: {  	v39 =	vperm.xlane v47, v1;
	v37 =	vmin.f32 v37, $5.000000000e+00  }
0x522: {  	v37 =	vmul.f32 $1.442695020e+00, v37;
	v38 =	vmax.f32 v38, $-5.000000000e+00;
	v48, _, _ =	vpop (xrf2)  }
0x523: {  	v39 =	vmax.f32 v39, $-5.000000000e+00;
	v38 =	vmin.f32 v38, $5.000000000e+00;
	v40 =	vperm.xlane v48, v1;
	v49, _, _ =	vpop (xrf2)  }
0x524: {  	v39 =	vmin.f32 v39, $5.000000000e+00;
	v38 =	vmul.f32 $1.442695020e+00, v38;
	v41 =	vperm.xlane v49, v1  }
0x525: {  	(erf) = vpow2.f32 v37;
	v50 =	vmul.f32 $1.442695020e+00, v39;
	v51 =	vmax.f32 v40, $-5.000000000e+00  }
0x526: {  	v55, _, _ =	vpop (xrf2);
	(erf) = vpow2.f32 v38;
	v52 =	vmin.f32 v51, $5.000000000e+00;
	v53 =	vmax.f32 v41, $-5.000000000e+00  }
0x527: {  	v38 =	vperm.xlane v55, v1;
	v54 =	vmul.f32 $1.442695020e+00, v52;
	v39 =	vmin.f32 v53, $5.000000000e+00  }
0x528: {  	(erf) = vpow2.f32 v50;
	v39 =	vmul.f32 $1.442695020e+00, v39;
	v56, _, _ =	vpop (xrf2)  }
0x529: {  	v57 =	vld [tilespmem:s4+$0xFFFFFFD0];
	(erf) = vpow2.f32 v54;
	v58 =	vperm.xlane v56, v1  }
0x52a: {  	v38 =	vmax.f32 v38, $-5.000000000e+00;
	(erf) = vpow2.f32 v39  }
0x52b: {  	v59 =	vld [tilespmem:s4+$0xE0];
	v38 =	vmin.f32 v38, $5.000000000e+00;
	v37 =	vmax.f32 v58, $-5.000000000e+00  }
0x52c: {  	v38 =	vmul.f32 $1.442695020e+00, v38;
	v37 =	vmin.f32 v37, $5.000000000e+00  }
0x52d: {  	v60 =	vld [tilespmem:s26+$0xFFFFFFC0];
	v37 =	vmul.f32 $1.442695020e+00, v37  }
0x52e: {  	v41 =	vmul.f32 v34, v57;
	(erf) = vpow2.f32 v38  }
0x52f: {  	v61 =	vld [tilespmem:s26+$0xD0];
	v39 =	vpop (erf);
	(erf) = vpow2.f32 v37  }
0x530: {  	v62 =	vld [tilespmem:s9+$0xFFFFFFB0];
	[tilespmem:s21+$0xFFFFFFC0] =	vst v41;
	v40 =	vmul.f32 v39, v59;
	v38 =	vpop (erf)  }
0x531: {  	v46 =	vld [tilespmem:s4+$0xFFFFFF60];
	v42 =	vpop (erf)  }
0x532: {  	v58 =	vld [tilespmem:s9+$0xC0];
	[tilespmem:s21+$0x60] =	vst v40;
	v56 =	vmul.f32 v38, v60;
	v37 =	vpop (erf)  }
0x533: {  	v63 =	vld [tilespmem:s4+$0x70];
	v41 =	vpop (erf)  }
0x534: {  	v48 =	vld [tilespmem:s24+$0x70];
	[tilespmem:s2+$0xFFFFFFB0] =	vst v56;
	v57 =	vmul.f32 v41, v61  }
0x535: {  	v49 =	vld [tilespmem:s26+$0xFFFFFF50]  }
0x536: {  	v50 =	vld [tilespmem:s28+$0xFFFFFFD0];
	[tilespmem:s2+$0x50] =	vst v57  }
0x537: {  	v45 =	vmul.f32 v37, v62;
	v43 =	vpop (erf);
	v51 =	vld [tilespmem:s26+$0x60]  }
0x538: {  	v52 =	vld [tilespmem:s28+$0x60];
	v40 =	vpop (erf)  }
0x539: {  	v53 =	vld [tilespmem:s24+$0xFFFFFFE0];
	v47 =	vmul.f32 v48, v63;
	[tilespmem:s17+$0xFFFFFFA0] =	vst v45;
	v44 =	vmul.f32 v40, v58  }
0x53a: {  	v45 =	vld [tilespmem:s9+$0xFFFFFF40]  }
0x53b: {  	v59 =	vld [tilespmem:s5+$0xFFFFFFC0];
	(xrf2) =	vadd.scan.msk.f32 $0xffff, v47;
	[tilespmem:s17+$0x40] =	vst v44  }
0x53c: {  	v60 =	vmul.f32 v50, v49;
	v61 =	vld [tilespmem:s9+$0x50]  }
0x53d: {  	v62 =	vmul.f32 v52, v51;
	v63 =	vld [tilespmem:s5+$0x50]  }
0x53e: {  	(xrf2) =	vadd.scan.msk.f32 $0xffff, v60  }
0x53f: {  	(xrf2) =	vadd.scan.msk.f32 $0xffff, v62  }
0x540: {  	v52 =	vmul.f32 v59, v45  }
0x541: {  	v54 =	vmul.f32 v53, v46  }
0x542: {  	(xrf2) =	vadd.scan.msk.f32 $0xffff, v52;
	v55 =	vmul.f32 v63, v61  }
0x543: {  	(xrf2) =	vadd.scan.msk.f32 $0xffff, v54  }
0x544: {  	(xrf2) =	vadd.scan.msk.f32 $0xffff, v55  }
0x545: {  	v56, _, _ =	vpop (xrf2)  }
0x546: {  	v44 =	vperm.xlane v56, v1;
	_ =	sdelay $0x1  }
0x547: {  	v57, _, _ =	vpop (xrf2);
	v44 =	vmax.f32 v44, $-5.000000000e+00  }
0x548: {  	v45 =	vperm.xlane v57, v1;
	v44 =	vmin.f32 v44, $5.000000000e+00;
	v58, _, _ =	vpop (xrf2)  }
0x549: {  	v44 =	vmul.f32 $1.442695020e+00, v44;
	v46 =	vperm.xlane v58, v1  }
0x54a: {  	v45 =	vmax.f32 v45, $-5.000000000e+00  }
0x54b: {  	v59 =	vmin.f32 v45, $5.000000000e+00;
	(erf) = vpow2.f32 v44;
	v61, _, _ =	vpop (xrf2);
	v60 =	vmax.f32 v46, $-5.000000000e+00  }
0x54c: {  	v44 =	vmul.f32 $1.442695020e+00, v59;
	v62, _, _ =	vpop (xrf2);
	v46 =	vperm.xlane v61, v1;
	v45 =	vmin.f32 v60, $5.000000000e+00  }
0x54d: {  	v47 =	vperm.xlane v62, v1;
	v45 =	vmul.f32 $1.442695020e+00, v45;
	v63, _, _ =	vpop (xrf2)  }
0x54e: {  	(erf) = vpow2.f32 v44;
	v52 =	vmax.f32 v46, $-5.000000000e+00;
	v53 =	vperm.xlane v63, v1  }
0x54f: {  	v54 =	vmax.f32 v47, $-5.000000000e+00;
	v44 =	vmin.f32 v52, $5.000000000e+00;
	(erf) = vpow2.f32 v45  }
0x550: {  	v44 =	vmul.f32 $1.442695020e+00, v44;
	v45 =	vmin.f32 v54, $5.000000000e+00;
	v46 =	vmax.f32 v53, $-5.000000000e+00  }
0x551: {  	v45 =	vmul.f32 $1.442695020e+00, v45;
	v46 =	vmin.f32 v46, $5.000000000e+00  }
0x552: {  	(erf) = vpow2.f32 v44;
	v55 =	vmul.f32 $1.442695020e+00, v46  }
0x553: {  	v56 =	vld [tilespmem:s30+$0xFFFFFFE0];
	(erf) = vpow2.f32 v45  }
0x554: {  	(erf) = vpow2.f32 v55  }
0x555: {  	v57 =	vld [tilespmem:s26+$0xE0];
	_ =	sdelay $0x1  }
0x556: {  	v58 =	vld [tilespmem:s9+$0xFFFFFFC0];
	v48 =	vpop (erf)  }
0x557: {  	v59 =	vmul.f32 v42, v56;
	v45 =	vpop (erf)  }
0x558: {  	v60 =	vld [tilespmem:s9+$0xD0];
	v46 =	vpop (erf)  }
0x559: {  	[tilespmem:s31+$0xFFFFFFD0] =	vst v59;
	v61 =	vmul.f32 v46, v57  }
0x55a: {  	v62 =	vld [tilespmem:s20+$0xFFFFFFF0];
	v44 =	vpop (erf)  }
0x55b: {  	v63 =	vld [tilespmem:s30+$0xFFFFFF70];
	[tilespmem:s2+$0x60] =	vst v61;
	v57 =	vmul.f32 v44, v58;
	v49 =	vpop (erf)  }
0x55c: {  	v54 =	vld [tilespmem:s26+$0x70];
	v47 =	vpop (erf)  }
0x55d: {  	v55 =	vld [tilespmem:s28+$0x70];
	[tilespmem:s17+$0xFFFFFFB0] =	vst v57;
	v50 =	vmul.f32 v47, v60  }
0x55e: {  	v53 =	vld [tilespmem:s9+$0xFFFFFF50]  }
0x55f: {  	v56 =	vld [tilespmem:s5+$0xFFFFFFD0];
	[tilespmem:s17+$0x50] =	vst v50  }
0x560: {  	v50 =	vld [tilespmem:s9+$0x60]  }
0x561: {  	v57 =	vld [tilespmem:s5+$0x60];
	_ =	sdelay $0x1  }
0x562: {  	v51 =	vmul.f32 v62, v63  }
0x563: {  	v58 =	vmul.f32 v55, v54  }
0x564: {  	(xrf2) =	vadd.scan.msk.f32 $0xffff, v51;
	v59 =	vmul.f32 v56, v53  }
0x565: {  	(xrf2) =	vadd.scan.msk.f32 $0xffff, v58;
	v50 =	vmul.f32 v57, v50  }
0x566: {  	(xrf2) =	vadd.scan.msk.f32 $0xffff, v59  }
0x567: {  	(xrf2) =	vadd.scan.msk.f32 $0xffff, v50;
	_ =	sdelay $0x6  }
0x568: {  	v60, _, _ =	vpop (xrf2)  }
0x569: {  	v50 =	vperm.xlane v60, v1;
	v61, _, _ =	vpop (xrf2)  }
0x56a: {  	v51 =	vperm.xlane v61, v1;
	v62, _, _ =	vpop (xrf2)  }
0x56b: {  	v50 =	vmax.f32 v50, $-5.000000000e+00;
	v52 =	vperm.xlane v62, v1;
	v63, _, _ =	vpop (xrf2)  }
0x56c: {  	v50 =	vmin.f32 v50, $5.000000000e+00;
	v51 =	vmax.f32 v51, $-5.000000000e+00;
	v53 =	vperm.xlane v63, v1  }
0x56d: {  	v50 =	vmul.f32 $1.442695020e+00, v50;
	v51 =	vmin.f32 v51, $5.000000000e+00;
	v52 =	vmax.f32 v52, $-5.000000000e+00  }
0x56e: {  	v51 =	vmul.f32 $1.442695020e+00, v51;
	v52 =	vmin.f32 v52, $5.000000000e+00;
	v53 =	vmax.f32 v53, $-5.000000000e+00  }
0x56f: {  	(erf) = vpow2.f32 v50;
	v56 =	vmul.f32 $1.442695020e+00, v52;
	v57 =	vmin.f32 v53, $5.000000000e+00  }
0x570: {  	(erf) = vpow2.f32 v51;
	v58 =	vmul.f32 $1.442695020e+00, v57  }
0x571: {  	v59 =	vld [tilespmem:s4+$0xFFFFFFE0];
	(erf) = vpow2.f32 v56  }
0x572: {  	v60 =	vld [tilespmem:s26+$0xFFFFFFD0];
	(erf) = vpow2.f32 v58;
	_ =	sdelay $0x3  }
0x573: {  	v61 =	vld [tilespmem:s9+$0xFFFFFFD0];
	v50 =	vmul.f32 v49, v59  }
0x574: {  	v62 =	vld [tilespmem:s9+$0xE0];
	v51 =	vmul.f32 v45, v60  }
0x575: {  	v55 =	vpop (erf)  }
0x576: {  	[tilespmem:s2+$0xFFFFFFC0] =	vst v51;
	v52 =	vpop (erf)  }
0x577: {  	[tilespmem:s21+$0xFFFFFFD0] =	vst v50;
	v57 =	vld [tilespmem:s26+$0xFFFFFF60];
	v50 =	vpop (erf)  }
0x578: {  	v58 =	vld [tilespmem:s28+$0xFFFFFFE0];
	v53 =	vmul.f32 v50, v61;
	v51 =	vpop (erf)  }
0x579: {  	v59 =	vld [tilespmem:s4+$0xFFFFFF70];
	v54 =	vmul.f32 v51, v62  }
0x57a: {  	v56 =	vld [tilespmem:s24+$0xFFFFFFF0];
	[tilespmem:s17+$0xFFFFFFC0] =	vst v53  }
0x57b: {  	v53 =	vld [tilespmem:s9+$0xFFFFFF60];
	[tilespmem:s17+$0x60] =	vst v54  }
0x57c: {  	v54 =	vld [tilespmem:s9+$0x70]  }
0x57d: {  	v57 =	vmul.f32 v58, v57;
	v60 =	vld [tilespmem:s5+$0x70]  }
0x57e: {  	v63 =	vld [tilespmem:s5+$0xFFFFFFE0]  }
0x57f: {  	(xrf2) =	vadd.scan.msk.f32 $0xffff, v57;
	_ =	sdelay $0x1  }
0x580: {  	v56 =	vmul.f32 v56, v59  }
0x581: {  	v54 =	vmul.f32 v60, v54  }
0x582: {  	(xrf2) =	vadd.scan.msk.f32 $0xffff, v56;
	v53 =	vmul.f32 v63, v53  }
0x583: {  	(xrf2) =	vadd.scan.msk.f32 $0xffff, v54  }
0x584: {  	(xrf2) =	vadd.scan.msk.f32 $0xffff, v53;
	_ =	sdelay $0x3  }
0x585: {  	v60, _, _ =	vpop (xrf2)  }
0x586: {  	v53 =	vperm.xlane v60, v1;
	_ =	sdelay $0x1  }
0x587: {  	v53 =	vmax.f32 v53, $-5.000000000e+00  }
0x588: {  	v61, _, _ =	vpop (xrf2);
	v53 =	vmin.f32 v53, $5.000000000e+00  }
0x589: {  	v54 =	vperm.xlane v61, v1;
	v53 =	vmul.f32 $1.442695020e+00, v53;
	v62, _, _ =	vpop (xrf2)  }
0x58a: {  	v56 =	vperm.xlane v62, v1;
	v63, _, _ =	vpop (xrf2)  }
0x58b: {  	v54 =	vmax.f32 v54, $-5.000000000e+00;
	(erf) = vpow2.f32 v53;
	v57 =	vperm.xlane v63, v1  }
0x58c: {  	v58 =	vmin.f32 v54, $5.000000000e+00;
	v59 =	vmax.f32 v56, $-5.000000000e+00  }
0x58d: {  	v53 =	vmul.f32 $1.442695020e+00, v58;
	v54 =	vmin.f32 v59, $5.000000000e+00;
	v60 =	vmax.f32 v57, $-5.000000000e+00  }
0x58e: {  	v54 =	vmul.f32 $1.442695020e+00, v54;
	v56 =	vmin.f32 v60, $5.000000000e+00  }
0x58f: {  	(erf) = vpow2.f32 v53;
	v61 =	vmul.f32 $1.442695020e+00, v56  }
0x590: {  	v62 =	vld [tilespmem:s26+$0xFFFFFFE0];
	(erf) = vpow2.f32 v54  }
0x591: {  	(erf) = vpow2.f32 v61;
	_ =	sdelay $0x2  }
0x592: {  	v56 =	vpop (erf)  }
0x593: {  	v53 =	vmul.f32 v56, v62  }
0x594: {  	v54 =	vld [tilespmem:s9+$0xFFFFFFE0];
	_ =	sdelay $0x1  }
0x595: {  	v57 =	vpop (erf)  }
0x596: {  	[tilespmem:s2+$0xFFFFFFD0] =	vst v53;
	v53 =	vpop (erf)  }
0x597: {  	v58 =	vld [tilespmem:s28+$0xFFFFFFF0];
	v59 =	vpop (erf)  }
0x598: {  	v60 =	vld [tilespmem:s26+$0xFFFFFF70];
	v54 =	vmul.f32 v59, v54;
	_ =	sdelay $0x1  }
0x599: {  	[tilespmem:s17+$0xFFFFFFD0] =	vst v54  }
0x59a: {  	v54 =	vld [tilespmem:s5+$0xFFFFFFF0]  }
0x59b: {  	v61 =	vld [tilespmem:s9+$0xFFFFFF70]  }
0x59c: {  	v58 =	vmul.f32 v58, v60;
	_ =	sdelay $0x1  }
0x59d: {  	(xrf2) =	vadd.scan.msk.f32 $0xffff, v58;
	_ =	sdelay $0x1  }
0x59e: {  	v54 =	vmul.f32 v54, v61;
	_ =	sdelay $0x1  }
0x59f: {  	(xrf2) =	vadd.scan.msk.f32 $0xffff, v54;
	_ =	sdelay $0x1  }
0x5a0: {  	v54 =	vld [tilespmem:s8+$0xFFFFFFF0];
	_ =	sdelay $0x1  }
0x5a1: {  	v9 =	vsel vm2, v9, v16;
	v3 =	vmul.f32 v19, v3  }
0x5a2: {  	v2 =	vsel vm7, v2, v19;
	v8 =	vsel vm4, v8, v21;
	v4 =	vsel vm6, v4, v30;
	v30 =	vld [tilespmem:s4+$0xFFFFFFF0]  }
0x5a3: {  	[tilespmem:s15+$0xFFFFFFF0] =	vst v2;
	v10 =	vsel vm1, v10, v20;
	v5 =	vsel vm4, v5, v27;
	v8 =	vsel vm5, v8, v31;
	v63, _, _ =	vpop (xrf2)  }
0x5a4: {  	[tilespmem:s15+$0xFFFFFFE0] =	vst v3;
	v4 =	vsel vm7, v4, v43;
	v60 =	vld [tilespmem:s7+$0xFFFFFFF0];
	v16 =	vperm.xlane v63, v1;
	v3 =	vmul.f32 v36, v54  }
0x5a5: {  	v7 =	vsel vm5, v7, v28;
	v5 =	vsel vm5, v5, v34;
	v8 =	vsel vm6, v8, v39;
	[tilespmem:s29+$0xFFFFFFF0] =	vst v4;
	v58 =	vld [tilespmem:s7+$0xF0]  }
0x5a6: {  	v28 =	vld [tilespmem:s4+$0xF0];
	v8 =	vsel vm7, v8, v48;
	v16 =	vmax.f32 v16, $-5.000000000e+00;
	[tilespmem:s10+$0xFFFFFFE0] =	vst v3;
	v3 =	vsel vm7, v14, v36  }
0x5a7: {  	v5 =	vsel vm6, v5, v49;
	v4 =	vmul.f32 v57, v30;
	v16 =	vmin.f32 v16, $5.000000000e+00;
	[tilespmem:s10+$0xFFFFFFF0] =	vst v3;
	v3 =	vld [tilespmem:s30+$0xFFFFFFF0];
	v63, _, _ =	vpop (xrf2)  }
0x5a8: {  	[tilespmem:s21+$0x80] =	vst v8;
	v57 =	vsel vm7, v5, v57;
	v54 =	vld [tilespmem:s30+$0xF0];
	v20 =	vmul.f32 $1.442695020e+00, v16;
	v21 =	vperm.xlane v63, v1  }
0x5a9: {  	v12 =	vsel vm7, v12, v29;
	[tilespmem:s21+$0xFFFFFFF0] =	vst v57;
	v62 =	vmul.f32 v43, v60  }
0x5aa: {  	[tilespmem:s29+$0x80] =	vst v12;
	v61 =	vmul.f32 v29, v58;
	(erf) = vpow2.f32 v20;
	v29 =	vmax.f32 v21, $-5.000000000e+00  }
0x5ab: {  	[tilespmem:s21+$0xFFFFFFE0] =	vst v4;
	v43 =	vmul.f32 v48, v28;
	v14 =	vmin.f32 v29, $5.000000000e+00  }
0x5ac: {  	v7 =	vsel vm6, v7, v42;
	v42 =	vld [tilespmem:s26+$0xF0];
	[tilespmem:s29+$0xFFFFFFE0] =	vst v62;
	v3 =	vmul.f32 v55, v3;
	v36 =	vmul.f32 $1.442695020e+00, v14  }
0x5ad: {  	v13 =	vsel vm5, v13, v17;
	v2 =	vsel vm2, v11, v18;
	[tilespmem:s21+$0x70] =	vst v43;
	v11 =	vmul.f32 v35, v54;
	v54 =	vld [tilespmem:s9+$0xF0]  }
0x5ae: {  	v6 =	vsel vm1, v6, v25;
	[tilespmem:s31+$0xFFFFFFE0] =	vst v3;
	v3 =	vsel vm7, v7, v55;
	(erf) = vpow2.f32 v36  }
0x5af: {  	v9 =	vsel vm3, v9, v24;
	v13 =	vsel vm6, v13, v26;
	v2 =	vsel vm3, v2, v22;
	[tilespmem:s31+$0xFFFFFFF0] =	vst v3;
	v3 =	vld [tilespmem:s26+$0xFFFFFFF0]  }
0x5b0: {  	v10 =	vsel vm2, v10, v23;
	v6 =	vsel vm2, v6, v32;
	v13 =	vsel vm7, v13, v35;
	[tilespmem:s29+$0x70] =	vst v61  }
0x5b1: {  	v2 =	vsel vm4, v2, v38;
	v6 =	vsel vm3, v6, v37;
	[tilespmem:s31+$0x80] =	vst v13;
	v55 =	vmul.f32 v52, v42  }
0x5b2: {  	v2 =	vsel vm5, v2, v45;
	v60 =	vsel vm3, v10, v15;
	[tilespmem:s31+$0x70] =	vst v11;
	v62 =	vmul.f32 v53, v54  }
0x5b3: {  	v2 =	vsel vm6, v2, v56;
	v48 =	vsel vm4, v9, v33;
	v5 =	vsel vm4, v60, v40;
	v58 =	vld [tilespmem:s9+$0xFFFFFFF0];
	v61 =	vpop (erf);
	[tilespmem:s2+$0x70] =	vst v55  }
0x5b4: {  	v7 =	vsel vm5, v48, v41;
	[tilespmem:s17+$0x70] =	vst v62;
	v2 =	vsel vm7, v2, v61;
	v3 =	vmul.f32 v61, v3  }
0x5b5: {  	v5 =	vsel vm5, v5, v47;
	v7 =	vsel vm6, v7, v46;
	[tilespmem:s2+$0xFFFFFFF0] =	vst v2;
	v2 =	vsel vm4, v6, v44  }
0x5b6: {  	v7 =	vsel vm7, v7, v52;
	v2 =	vsel vm5, v2, v50;
	[tilespmem:s2+$0xFFFFFFE0] =	vst v3;
	v3 =	vsel vm6, v5, v51  }
0x5b7: {  	[tilespmem:s2+$0x80] =	vst v7;
	v2 =	vsel vm6, v2, v59;
	v3 =	vsel vm7, v3, v53;
	v63 =	vpop (erf)  }
0x5b8: {  	[tilespmem:s17+$0x80] =	vst v3;
	v4 =	vmul.f32 v63, v58;
	v2 =	vsel vm7, v2, v63  }
0x5b9: {  	[tilespmem:s17+$0xFFFFFFF0] =	vst v2  }
0x5ba: {  	[tilespmem:s17+$0xFFFFFFE0] =	vst v4  }
0x5bb: {  	v2 =	vld [tilespmem:s16+$0x60];
	_ =	sdelay $0x4  }
0x5bc: {  	p0 =	sgt.u32 s0, $0x96;
	[tilespmem:$0x8C20] =	vst v2  }
0x5bd: {  	p1 =	sne.s32 @!p0 s3, $0x0;
	v2 =	vld [tilespmem:s16+$0x70]  }
0x5be: {  	p0 =	por p1, p0  }
0x5bf: {  	s0 =	sadd.s32 $0x1, s0;
	s3 =	rddreg [dreg:$0x1];
	s1 =	sshll.u32 @!p0 s19, $0x6  }
0x5c0: {  	s1 =	sadd.s32 @!p0 $0x400, s1;
	s5 =	simm.s32 $0x20;
	s2 =	rddreg [dreg:$0x8]  }
0x5c1: {  	s29 =	rddreg [dreg:$0x2];
	s30 =	simm.s32 $0x8C20;
	s2 =	sadd.s32 @!p0 s2, s1  }
0x5c2: {  	s31 =	simm.s32 $0x7200;
	s1 =	sand.u32 @!p0 $0x400, s1;
	s2 =	sshrl.u32 @!p0 s2, $0x3;
	[tilespmem:$0x8C30] =	vst v2  }
0x5c3: {  	[spmem:s29] =	stream.indirect.scatter.add.f32 [tilespmem:s31], [sflag:$0x5], $0x90, s30, s5, $0xb8;
	[tilespmem:$0x1F440] =	vst v63  }
0x5c4: {  	s1 =	sadd.s32 @!p0 $0x8400, s1;
	s2 =	sadd.s32 @!p0 s3, s2;
	s3 =	simm.s32 @!p0 $0x0  }
0x5c5: {  	[tilespmem:s1], [sflag:$0x1] =	stream.linear.gather @!p0 [hbm4b:s2+s3], $0x400, $0x38;
	[tilespmem:$0x1F440] =	vst v63  }
0x5c6: {  	p0 =	sne.s32 s0, $0xA0  }
.Ltmp5:
0x5c7: {  	_ = 	snop;
	(pc) =	sbr.rel @p0 .LBB2_6-.Ltmp5, $4  }
.Ltmp6:
0x5c8: {  	_ = 	snop;
	(pc) =	sbr.rel @!p0 .LBB2_15-.Ltmp6, $4  }
0x5c9: {  	_ = 	snop  }
0x5ca: {  	_ = 	snop  }
0x5cb: {  	_ = 	snop  }
0x5cc: {  	_ = 	snop  }
.LBB2_10:
.Ltmp7:
0x5cd: {  	(pc) =	sbr.rel @p1 .LBB2_12-.Ltmp7, $4  }
.Ltmp8:
0x5ce: {  	(pc) =	sbr.rel @!p1 .LBB2_11-.Ltmp8, $4  }
0x5cf: {  	_ = 	snop  }
0x5d0: {  	_ = 	snop  }
0x5d1: {  	_ = 	snop  }
0x5d2: {  	_ = 	snop  }
.LBB2_15:
0x5d3: {  	s0 =	simm.s32 $0x4  }
0x5d4: {  	_ =	swait.ge [sflag:s0], $0x1200  }
0x5d5: {  	[sflag:s0] =	ssyncset.done $0x0  }
0x5d6: {  	s30 =	simm.s32 $0x5;
	[sflag:s0] =	ssyncadd.s32 $0xFFFFEE00  }
0x5d7: {  	_ =	swait.ge [sflag:s30], $0x1200  }
0x5d8: {  	s31 =	stileid.u32;
	[sflag:s30] =	ssyncset.done $0x0  }
0x5d9: {  	s1 =	sadd.s32 $0x0, s12;
	s0 =	sshll.u32 s31, $0x6;
	[sflag:s30] =	ssyncadd.s32 $0xFFFFEE00  }
0x5da: {  	s2 =	sshrl.u32 s11, $0x3;
	s0 =	sor.u32 $0x1C06, s0;
	[bflag:$0x0] =	sbarrier.arrive $0xFFFF  }
0x5db: {  	[hbm:s1], [sflag:s0] =	dma.local [spmem:s2], $0x240  }
0x5dc: {  	s1 =	simm.s32 $0x240;
	s2 =	sadd.s32 $0x1200, s11;
	_ =	swait.ge [sflag:s14], $0x240  }
.LBB2_16:
0x5dd: {  	s3 =	sadd.s32 s1, s12;
	[sflag:s14] =	ssyncset.done $0x0;
	p0 =	sne.s32 s1, $0x2AC0  }
.Ltmp9:
0x5de: {  	s4 =	sshrl.u32 s2, $0x3;
	[sflag:s14] =	ssyncadd.s32 $0xFFFFFDC0;
	(pc) =	sbr.rel @p0 .LBB2_16-.Ltmp9, $3  }
0x5df: {  	[hbm:s3], [sflag:s0] =	dma.local [spmem:s4], $0x240  }
0x5e0: {  	s1 =	sadd.s32 $0x240, s1;
	_ =	sdelay $0x1  }
0x5e1: {  	s2 =	sadd.s32 $0x1200, s2;
	_ =	swait.ge [sflag:s14], $0x240  }
0x5e2: {  	s1 =	rddreg [dreg:$0xa]  }
0x5e3: {  	s0 =	rddreg [dreg:$0x9];
	s1 =	sadd.s32 $0x1, s1  }
0x5e4: {  	p0 =	sne.s32 s1, s0  }
.Ltmp10:
0x5e5: {  	_ = 	snop;
	(pc) =	sbr.rel @p0 .LBB2_1-.Ltmp10, $3  }
0x5e6: {  	_ =	sdelay $0x1  }
0x5e7: {  	[sflag:s14] =	ssyncset.done $0x0  }
0x5e8: {  	[sflag:s14] =	ssyncadd.s32 $0xFFFFFDC0  }
0x5e9: {  	_ =	sfence.sel $0x180000  }
0x5ea: {  	[bflag:$0x0] =	sbarrier.arrive $0xFFFF  }
0x5eb: {  	_ =	strace $0x90000047  }
0x5ec: {  	s0 =	stileid.u32;
	[bflag:$0x2] =	sbarrier.arrive $0xFFFF  }
0x5ed: {  	p0 =	sne.s32 s0, $0x0;
	s0 =	rddreg [dreg:$0x3]  }
0x5ee: {  	s0 =	sadd.s32 @!p0 $0x100000, s0  }
0x5ef: {  	[sflag:s0] =	ssyncadd.tile.s32 @!p0 $0x1;
	_ =	shalt  }
.Lfunc_end2:
_tile_overlayer_lowered:
.L_overlay_start_2:
0x5f0: {  	(tag) =	ssettag $0x2  }
0x5f1: {  	s0 =	rddreg [dreg:$0x0];
	s2 =	stileid.u32  }
0x5f2: {  	s1 =	rddreg [dreg:$0x1];
	p0 =	sne.s32 s2, $0x0  }
0x5f3: {  	s3 =	rddreg [dreg:$0x2];
	[bflag:$0x3] =	sbarrier.arrive $0xFFFF;
	s2 =	simm.s32 @!p0 $0x1C06  }
0x5f4: {  	[timem:s3], [sflag:s2] =	dma.local @!p0 [hbm:s0], s1  }
0x5f5: {  	s0 =	simm.s32 @!p0 $0x6  }
0x5f6: {  	_ =	swait.ge @!p0 [sflag:s0], s1  }
0x5f7: {  	s1 =	ssub.s32 @!p0 $0x0, s1;
	[sflag:s0] =	ssyncset.done @!p0 $0x0  }
0x5f8: {  	[sflag:s0] =	ssyncadd.s32 @!p0 s1  }
0x5f9: {  	[bflag:$0x3] =	sbarrier.arrive $0xFFFF  }
0x5fa: {  	_ =	shalt  }

</sc_bundles>
